<compile_context>
chip_gen: v7x
topology: tpu7x:2x2x1
jax: 0.10.2.dev20260603
libtpu: 0.0.44.dev20260713+nightly
codegen_flags: <defaults>
</compile_context>

<pallas_src>
import functools

import jax
import jax.numpy as jnp
from jax import lax
from jax.experimental import pallas as pl
from jax.experimental.pallas import tpu as pltpu
from jax.experimental.pallas import tpu_sc as plsc

_EPS = 1e-08
_N = 200
_NPAD = 256
_NV = _NPAD // 16
_NREAL = 13
_ROWS = 16384
_NC = 2
_NS = 16
_NW = _NC * _NS
_ROWS_PER_W = _ROWS // _NW
_CHUNK = 32
_NEG_INF = float("-inf")

_TC_BLOCK = 1024


def _make_schedule():
    allinf = [False] * 12 + [False] + [True] * 3
    ops = []

    def sort(i, desc):
        if not allinf[i]:
            ops.append(("sort", i, desc))

    def cmpex(a, b, desc):
        if allinf[a] and allinf[b]:
            return
        if allinf[a] or allinf[b]:
            moves = (desc and allinf[a]) or (not desc and allinf[b])
            if moves:
                ops.append(("swap", a, b))
                allinf[a], allinf[b] = allinf[b], allinf[a]
            return
        ops.append(("cmpex", a, b, desc))

    for i in range(_NV):
        sort(i, (i & 1) == 0)
    for kk in (2, 4, 8, 16):
        sv = kk // 2
        while sv >= 1:
            for r0 in range(_NV):
                if r0 & sv:
                    continue
                cmpex(r0, r0 + sv, (r0 & kk) == 0)
            sv //= 2
        for i in range(_NV):
            sort(i, (i & kk) == 0)
    return ops


_SCHEDULE = _make_schedule()


def _run_schedule(k, v, sort_fn, where_fn):
    for op in _SCHEDULE:
        if op[0] == "swap":
            _, a, b = op
            k[a], k[b] = k[b], k[a]
            v[a], v[b] = v[b], v[a]
        elif op[0] == "sort":
            _, i, desc = op
            k[i], v[i] = sort_fn(k[i], v[i], desc)
        else:
            _, a, b, desc = op
            ka, kb, va, vb = k[a], k[b], v[a], v[b]
            swap = (kb > ka) if desc else (kb < ka)
            k[a] = where_fn(swap, kb, ka)
            v[a] = where_fn(swap, vb, va)
            k[b] = where_fn(swap, ka, kb)
            v[b] = where_fn(swap, va, vb)
    return k, v


def _sc_sort_body(t_hbm, s_hbm, out_hbm,
                  tb0, sb0, ob0, tb1, sb1, ob1, si0, si1, so0, so1):
    wid = lax.axis_index("s") * _NC + lax.axis_index("c")
    base = wid * _ROWS_PER_W
    nch = _ROWS_PER_W // _CHUNK

    tbufs = (tb0, tb1)
    sbufs = (sb0, sb1)
    obufs = (ob0, ob1)
    sin = (si0, si1)
    sout = (so0, so1)

    ninf = jnp.full((16,), _NEG_INF, jnp.float32)
    zero = jnp.zeros((16,), jnp.float32)
    lane = lax.iota(jnp.int32, 16)
    head8 = lane < 8
    lane0 = lane == 0

    for b in (0, 1):
        for r in range(_CHUNK):
            for off in (224, 240):
                obufs[b][r, pl.ds(off, 16)] = zero

    def in_copies(ci, b):
        row0 = base + ci * _CHUNK
        return (
            pltpu.make_async_copy(t_hbm.at[pl.ds(row0, _CHUNK), :], tbufs[b], sin[b]),
            pltpu.make_async_copy(s_hbm.at[pl.ds(row0, _CHUNK), :], sbufs[b], sin[b]),
        )

    def out_copy(ci, b):
        row0 = base + ci * _CHUNK
        return pltpu.make_async_copy(
            obufs[b], out_hbm.at[pl.ds(row0, _CHUNK), :], sout[b])

    ca, cb = in_copies(0, 0)
    ca.start()
    cb.start()

    def outer(g, _):
        for b in (0, 1):
            ci = 2 * g + b

            @pl.when(ci + 1 < nch)
            def _start_next():
                na, nb = in_copies(ci + 1, 1 - b)
                na.start()
                nb.start()

            wa, wb = in_copies(ci, b)
            wa.wait()
            wb.wait()

            @pl.when(ci >= 2)
            def _wait_prev_out():
                out_copy(ci - 2, b).wait()

            tbuf, sbuf, obuf = tbufs[b], sbufs[b], obufs[b]

            @plsc.parallel_loop(0, _CHUNK, unroll=4)
            def row_body(r):
                k = [tbuf[r, pl.ds(16 * i, 16)] for i in range(12)]
                v = [sbuf[r, pl.ds(16 * i, 16)] for i in range(12)]
                tail_t = tbuf[r, pl.ds(184, 16)]
                tail_s = sbuf[r, pl.ds(184, 16)]
                k.append(jnp.where(head8, ninf, tail_t))
                v.append(jnp.where(head8, ninf, tail_s))
                ssum_vec = jnp.where(head8, zero, tail_s)
                for i in range(12):
                    ssum_vec = ssum_vec + v[i]
                ssum = jnp.sum(ssum_vec)
                for _i in range(_NV - _NREAL):
                    k.append(ninf)
                    v.append(ninf)

                def sort_fn(kk, vv, desc):
                    return plsc.sort_key_val(kk, vv, descending=desc)

                k, v = _run_schedule(k, v, sort_fn, jnp.where)
                for i in range(_NREAL):
                    obuf[r, pl.ds(16 * i, 16)] = jnp.exp(v[i])
                obuf[r, pl.ds(208, 16)] = jnp.where(lane0, ssum, zero)

            out_copy(ci, b).start()
        return 0

    lax.fori_loop(0, nch // 2, outer, 0)
    out_copy(nch - 2, 0).wait()
    out_copy(nch - 1, 1).wait()


def _make_sc_sort():
    mesh = plsc.VectorSubcoreMesh(core_axis_name="c", subcore_axis_name="s")
    return pl.kernel(
        _sc_sort_body,
        out_type=jax.ShapeDtypeStruct((_ROWS, _NPAD), jnp.float32),
        mesh=mesh,
        compiler_params=pltpu.CompilerParams(
            needs_layout_passes=False, use_tc_tiling_on_sc=True),
        scratch_types=[
            pltpu.VMEM((_CHUNK, _N), jnp.float32),
            pltpu.VMEM((_CHUNK, _N), jnp.float32),
            pltpu.VMEM((_CHUNK, _NPAD), jnp.float32),
            pltpu.VMEM((_CHUNK, _N), jnp.float32),
            pltpu.VMEM((_CHUNK, _N), jnp.float32),
            pltpu.VMEM((_CHUNK, _NPAD), jnp.float32),
            pltpu.SemaphoreType.DMA,
            pltpu.SemaphoreType.DMA,
            pltpu.SemaphoreType.DMA,
            pltpu.SemaphoreType.DMA,
        ],
    )


def _finish_kernel(srt_ref, out_ref):
    x = srt_ref[...]
    jj = lax.broadcasted_iota(jnp.int32, (_NPAD, _NPAD), 0)
    kcol = lax.broadcasted_iota(jnp.int32, (_NPAD, _NPAD), 1)
    tri = ((jj >= kcol) & (jj < _N)).astype(jnp.bfloat16)
    tail = jnp.dot(x.astype(jnp.bfloat16), tri,
                   preferred_element_type=jnp.float32)
    obs = jnp.log(tail + _EPS)
    valid = lax.broadcasted_iota(jnp.int32, x.shape, 1) < _N
    ssum = x[:, 208:209]
    block_sum = (jnp.sum(jnp.where(valid, obs, 0.0)) - jnp.sum(ssum)) * (
        1.0 / _ROWS)

    @pl.when(pl.program_id(0) == 0)
    def _init():
        out_ref[...] = jnp.zeros_like(out_ref)

    out_ref[...] += block_sum.reshape(1, 1)


@jax.jit
def kernel(y_pred, y_true):
    n_rows, n = y_pred.shape
    srt = _make_sc_sort()(y_true, y_pred)

    grid = n_rows // _TC_BLOCK
    total = pl.pallas_call(
        _finish_kernel,
        grid=(grid,),
        in_specs=[pl.BlockSpec((_TC_BLOCK, _NPAD), lambda i: (i, 0))],
        out_specs=pl.BlockSpec((1, 1), lambda i: (0, 0)),
        out_shape=jax.ShapeDtypeStruct((1, 1), jnp.float32),
    )(srt)
    return total.reshape(())

# --- scband reference (transcript-rebuilt; emitter-appended) ---
"""Pipeline reference for scband-relaxed-list-mle-19859928777133 (READ-ONLY COPY).

The authoritative reference and input builder live on the scoring server;
editing this copy changes nothing except your own understanding.
"""

import jax, jax.numpy as jnp
import numpy as np

EPS = 1e-08
PAD = -1.0


def setup_inputs(seed: int = 0) -> dict:
    key = jax.random.key(seed)
    k1, k2 = jax.random.split(key)
    y_pred = jax.random.normal(k1, (16384, 200), dtype=jnp.float32)
    y_true = jax.random.uniform(k2, (16384, 200), dtype=jnp.float32)
    return {"y_pred": y_pred, "y_true": y_true}


def reference(y_pred, y_true):
    # random column shuffle (torch.randperm) with a fixed key for reproducibility
    perm = jax.random.permutation(jax.random.key(42), y_pred.shape[-1])
    y_pred_shuffled = y_pred[:, perm]
    y_true_shuffled = y_true[:, perm]
    # sort y_true descending, gather preds by that order
    order = jnp.argsort(-y_true_shuffled, axis=-1)
    y_true_sorted = jnp.take_along_axis(y_true_shuffled, order, axis=1)
    mask = y_true_sorted == PAD
    preds_sorted_by_true = jnp.take_along_axis(y_pred_shuffled, order, axis=1)
    preds_sorted_by_true = jnp.where(mask, -jnp.inf, preds_sorted_by_true)
    max_pred_values = jnp.max(preds_sorted_by_true, axis=1, keepdims=True)
    preds_minus_max = preds_sorted_by_true - max_pred_values
    cumsums = jnp.flip(jnp.cumsum(jnp.flip(jnp.exp(preds_minus_max), axis=1), axis=1), axis=1)
    observation_loss = jnp.log(cumsums + EPS) - preds_minus_max
    observation_loss = jnp.where(mask, 0.0, observation_loss)
    return jnp.mean(jnp.sum(observation_loss, axis=1))

if __name__ == "__main__":
    import jax
    _d = setup_inputs()
    print(jax.jit(kernel)(*tuple(_d.values())))

</pallas_src>

<mosaic_0001>
#map = affine_map<(d0, d1) -> (0, 0)>
module attributes {stable_mosaic.version = 14 : i64} {
  func.func @_sc_sort_body(%arg0: i32, %arg1: i32, %arg2: memref<16384x200xf32, #tpu.memory_space<hbm>>, %arg3: memref<16384x200xf32, #tpu.memory_space<hbm>>, %arg4: memref<16384x256xf32, #tpu.memory_space<hbm>>, %arg5: memref<32x200xf32, #tpu.memory_space<vmem>>, %arg6: memref<32x200xf32, #tpu.memory_space<vmem>>, %arg7: memref<32x256xf32, #tpu.memory_space<vmem>>, %arg8: memref<32x200xf32, #tpu.memory_space<vmem>>, %arg9: memref<32x200xf32, #tpu.memory_space<vmem>>, %arg10: memref<32x256xf32, #tpu.memory_space<vmem>>, %arg11: memref<!tpu.dma_semaphore, #tpu.memory_space<semaphore_mem>>, %arg12: memref<!tpu.dma_semaphore, #tpu.memory_space<semaphore_mem>>, %arg13: memref<!tpu.dma_semaphore, #tpu.memory_space<semaphore_mem>>, %arg14: memref<!tpu.dma_semaphore, #tpu.memory_space<semaphore_mem>>) attributes {dimension_semantics = [#tpu.dimension_semantics<core_parallel>, #tpu.dimension_semantics<subcore_parallel>], iteration_bounds = array<i64: 2, 16>, scalar_prefetch = 0 : i64, scratch_operands = 10 : i64, tpu.core_type = #tpu.core_type<sc_vector_subcore>, window_params = [{transform_indices = #map}, {transform_indices = #map}, {transform_indices = #map}]} {
    %mul3A = arith.constant 2 : i32
    %mul3A_0 = arith.muli %arg1, %mul3A : i32
    %add3A = arith.addi %mul3A_0, %arg0 : i32
    %mul3A_1 = arith.constant 512 : i32
    %mul3A_2 = arith.muli %add3A, %mul3A_1 : i32
    %broadcast_in_dim3A = arith.constant 0xFF800000 : f32
    %broadcast_in_dim3A_3 = vector.broadcast %broadcast_in_dim3A : f32 to vector<16xf32>
    %broadcast_in_dim3A_4 = arith.constant 0.000000e+00 : f32
    %broadcast_in_dim3A_5 = vector.broadcast %broadcast_in_dim3A_4 : f32 to vector<16xf32>
    %iota3A = tpu.iota {dimensions = array<i32: 0>} : vector<16xi32>
    %lt3A = arith.constant 8 : i32
    %lt3A_6 = vector.broadcast %lt3A : i32 to vector<16xi32>
    %lt3A_7 = arith.cmpi slt, %iota3A, %lt3A_6 : vector<16xi32>
    %eq3A = arith.constant 0 : i32
    %eq3A_8 = vector.broadcast %eq3A : i32 to vector<16xi32>
    %eq3A_9 = arith.cmpi eq, %iota3A, %eq3A_8 : vector<16xi32>
    %swap3A = arith.constant 0 : i32
    %swap3A_10 = arith.index_cast %swap3A : i32 to index
    %swap3A_11 = arith.constant 224 : index
    %swap3A_12 = tpu.vector_load %arg7[%swap3A_10, %swap3A_11] {strides = array<i32>} : memref<32x256xf32, #tpu.memory_space<vmem>>, vector<16xf32>,
    tpu.vector_store %arg7[%swap3A_10, %swap3A_11], %broadcast_in_dim3A_5 {strides = array<i32>} : memref<32x256xf32, #tpu.memory_space<vmem>>, vector<16xf32>,
    %swap3A_13 = arith.constant 0 : i32
    %swap3A_14 = arith.index_cast %swap3A_13 : i32 to index
    %swap3A_15 = arith.constant 240 : index
    %swap3A_16 = tpu.vector_load %arg7[%swap3A_14, %swap3A_15] {strides = array<i32>} : memref<32x256xf32, #tpu.memory_space<vmem>>, vector<16xf32>,
    tpu.vector_store %arg7[%swap3A_14, %swap3A_15], %broadcast_in_dim3A_5 {strides = array<i32>} : memref<32x256xf32, #tpu.memory_space<vmem>>, vector<16xf32>,
    %swap3A_17 = arith.constant 1 : i32
    %swap3A_18 = arith.index_cast %swap3A_17 : i32 to index
    %swap3A_19 = arith.constant 224 : index
    %swap3A_20 = tpu.vector_load %arg7[%swap3A_18, %swap3A_19] {strides = array<i32>} : memref<32x256xf32, #tpu.memory_space<vmem>>, vector<16xf32>,
    tpu.vector_store %arg7[%swap3A_18, %swap3A_19], %broadcast_in_dim3A_5 {strides = array<i32>} : memref<32x256xf32, #tpu.memory_space<vmem>>, vector<16xf32>,
    %swap3A_21 = arith.constant 1 : i32
    %swap3A_22 = arith.index_cast %swap3A_21 : i32 to index
    %swap3A_23 = arith.constant 240 : index
    %swap3A_24 = tpu.vector_load %arg7[%swap3A_22, %swap3A_23] {strides = array<i32>} : memref<32x256xf32, #tpu.memory_space<vmem>>, vector<16xf32>,
    tpu.vector_store %arg7[%swap3A_22, %swap3A_23], %broadcast_in_dim3A_5 {strides = array<i32>} : memref<32x256xf32, #tpu.memory_space<vmem>>, vector<16xf32>,
    %swap3A_25 = arith.constant 2 : i32
    %swap3A_26 = arith.index_cast %swap3A_25 : i32 to index
    %swap3A_27 = arith.constant 224 : index
    %swap3A_28 = tpu.vector_load %arg7[%swap3A_26, %swap3A_27] {strides = array<i32>} : memref<32x256xf32, #tpu.memory_space<vmem>>, vector<16xf32>,
    tpu.vector_store %arg7[%swap3A_26, %swap3A_27], %broadcast_in_dim3A_5 {strides = array<i32>} : memref<32x256xf32, #tpu.memory_space<vmem>>, vector<16xf32>,
    %swap3A_29 = arith.constant 2 : i32
    %swap3A_30 = arith.index_cast %swap3A_29 : i32 to index
    %swap3A_31 = arith.constant 240 : index
    %swap3A_32 = tpu.vector_load %arg7[%swap3A_30, %swap3A_31] {strides = array<i32>} : memref<32x256xf32, #tpu.memory_space<vmem>>, vector<16xf32>,
    tpu.vector_store %arg7[%swap3A_30, %swap3A_31], %broadcast_in_dim3A_5 {strides = array<i32>} : memref<32x256xf32, #tpu.memory_space<vmem>>, vector<16xf32>,
    %swap3A_33 = arith.constant 3 : i32
    %swap3A_34 = arith.index_cast %swap3A_33 : i32 to index
    %swap3A_35 = arith.constant 224 : index
    %swap3A_36 = tpu.vector_load %arg7[%swap3A_34, %swap3A_35] {strides = array<i32>} : memref<32x256xf32, #tpu.memory_space<vmem>>, vector<16xf32>,
    tpu.vector_store %arg7[%swap3A_34, %swap3A_35], %broadcast_in_dim3A_5 {strides = array<i32>} : memref<32x256xf32, #tpu.memory_space<vmem>>, vector<16xf32>,
    %swap3A_37 = arith.constant 3 : i32
    %swap3A_38 = arith.index_cast %swap3A_37 : i32 to index
    %swap3A_39 = arith.constant 240 : index
    %swap3A_40 = tpu.vector_load %arg7[%swap3A_38, %swap3A_39] {strides = array<i32>} : memref<32x256xf32, #tpu.memory_space<vmem>>, vector<16xf32>,
    tpu.vector_store %arg7[%swap3A_38, %swap3A_39], %broadcast_in_dim3A_5 {strides = array<i32>} : memref<32x256xf32, #tpu.memory_space<vmem>>, vector<16xf32>,
    %swap3A_41 = arith.constant 4 : i32
    %swap3A_42 = arith.index_cast %swap3A_41 : i32 to index
    %swap3A_43 = arith.constant 224 : index
    %swap3A_44 = tpu.vector_load %arg7[%swap3A_42, %swap3A_43] {strides = array<i32>} : memref<32x256xf32, #tpu.memory_space<vmem>>, vector<16xf32>,
    tpu.vector_store %arg7[%swap3A_42, %swap3A_43], %broadcast_in_dim3A_5 {strides = array<i32>} : memref<32x256xf32, #tpu.memory_space<vmem>>, vector<16xf32>,
    %swap3A_45 = arith.constant 4 : i32
    %swap3A_46 = arith.index_cast %swap3A_45 : i32 to index
    %swap3A_47 = arith.constant 240 : index
    %swap3A_48 = tpu.vector_load %arg7[%swap3A_46, %swap3A_47] {strides = array<i32>} : memref<32x256xf32, #tpu.memory_space<vmem>>, vector<16xf32>,
    tpu.vector_store %arg7[%swap3A_46, %swap3A_47], %broadcast_in_dim3A_5 {strides = array<i32>} : memref<32x256xf32, #tpu.memory_space<vmem>>, vector<16xf32>,
    %swap3A_49 = arith.constant 5 : i32
    %swap3A_50 = arith.index_cast %swap3A_49 : i32 to index
    %swap3A_51 = arith.constant 224 : index
    %swap3A_52 = tpu.vector_load %arg7[%swap3A_50, %swap3A_51] {strides = array<i32>} : memref<32x256xf32, #tpu.memory_space<vmem>>, vector<16xf32>,
    tpu.vector_store %arg7[%swap3A_50, %swap3A_51], %broadcast_in_dim3A_5 {strides = array<i32>} : memref<32x256xf32, #tpu.memory_space<vmem>>, vector<16xf32>,
    %swap3A_53 = arith.constant 5 : i32
    %swap3A_54 = arith.index_cast %swap3A_53 : i32 to index
    %swap3A_55 = arith.constant 240 : index
    %swap3A_56 = tpu.vector_load %arg7[%swap3A_54, %swap3A_55] {strides = array<i32>} : memref<32x256xf32, #tpu.memory_space<vmem>>, vector<16xf32>,
    tpu.vector_store %arg7[%swap3A_54, %swap3A_55], %broadcast_in_dim3A_5 {strides = array<i32>} : memref<32x256xf32, #tpu.memory_space<vmem>>, vector<16xf32>,
    %swap3A_57 = arith.constant 6 : i32
    %swap3A_58 = arith.index_cast %swap3A_57 : i32 to index
    %swap3A_59 = arith.constant 224 : index
    %swap3A_60 = tpu.vector_load %arg7[%swap3A_58, %swap3A_59] {strides = array<i32>} : memref<32x256xf32, #tpu.memory_space<vmem>>, vector<16xf32>,
    tpu.vector_store %arg7[%swap3A_58, %swap3A_59], %broadcast_in_dim3A_5 {strides = array<i32>} : memref<32x256xf32, #tpu.memory_space<vmem>>, vector<16xf32>,
    %swap3A_61 = arith.constant 6 : i32
    %swap3A_62 = arith.index_cast %swap3A_61 : i32 to index
    %swap3A_63 = arith.constant 240 : index
    %swap3A_64 = tpu.vector_load %arg7[%swap3A_62, %swap3A_63] {strides = array<i32>} : memref<32x256xf32, #tpu.memory_space<vmem>>, vector<16xf32>,
    tpu.vector_store %arg7[%swap3A_62, %swap3A_63], %broadcast_in_dim3A_5 {strides = array<i32>} : memref<32x256xf32, #tpu.memory_space<vmem>>, vector<16xf32>,
    %swap3A_65 = arith.constant 7 : i32
    %swap3A_66 = arith.index_cast %swap3A_65 : i32 to index
    %swap3A_67 = arith.constant 224 : index
    %swap3A_68 = tpu.vector_load %arg7[%swap3A_66, %swap3A_67] {strides = array<i32>} : memref<32x256xf32, #tpu.memory_space<vmem>>, vector<16xf32>,
    tpu.vector_store %arg7[%swap3A_66, %swap3A_67], %broadcast_in_dim3A_5 {strides = array<i32>} : memref<32x256xf32, #tpu.memory_space<vmem>>, vector<16xf32>,
    %swap3A_69 = arith.constant 7 : i32
    %swap3A_70 = arith.index_cast %swap3A_69 : i32 to index
    %swap3A_71 = arith.constant 240 : index
    %swap3A_72 = tpu.vector_load %arg7[%swap3A_70, %swap3A_71] {strides = array<i32>} : memref<32x256xf32, #tpu.memory_space<vmem>>, vector<16xf32>,
    tpu.vector_store %arg7[%swap3A_70, %swap3A_71], %broadcast_in_dim3A_5 {strides = array<i32>} : memref<32x256xf32, #tpu.memory_space<vmem>>, vector<16xf32>,
    %swap3A_73 = arith.constant 8 : i32
    %swap3A_74 = arith.index_cast %swap3A_73 : i32 to index
    %swap3A_75 = arith.constant 224 : index
    %swap3A_76 = tpu.vector_load %arg7[%swap3A_74, %swap3A_75] {strides = array<i32>} : memref<32x256xf32, #tpu.memory_space<vmem>>, vector<16xf32>,
    tpu.vector_store %arg7[%swap3A_74, %swap3A_75], %broadcast_in_dim3A_5 {strides = array<i32>} : memref<32x256xf32, #tpu.memory_space<vmem>>, vector<16xf32>,
    %swap3A_77 = arith.constant 8 : i32
    %swap3A_78 = arith.index_cast %swap3A_77 : i32 to index
    %swap3A_79 = arith.constant 240 : index
    %swap3A_80 = tpu.vector_load %arg7[%swap3A_78, %swap3A_79] {strides = array<i32>} : memref<32x256xf32, #tpu.memory_space<vmem>>, vector<16xf32>,
    tpu.vector_store %arg7[%swap3A_78, %swap3A_79], %broadcast_in_dim3A_5 {strides = array<i32>} : memref<32x256xf32, #tpu.memory_space<vmem>>, vector<16xf32>,
    %swap3A_81 = arith.constant 9 : i32
    %swap3A_82 = arith.index_cast %swap3A_81 : i32 to index
    %swap3A_83 = arith.constant 224 : index
    %swap3A_84 = tpu.vector_load %arg7[%swap3A_82, %swap3A_83] {strides = array<i32>} : memref<32x256xf32, #tpu.memory_space<vmem>>, vector<16xf32>,
    tpu.vector_store %arg7[%swap3A_82, %swap3A_83], %broadcast_in_dim3A_5 {strides = array<i32>} : memref<32x256xf32, #tpu.memory_space<vmem>>, vector<16xf32>,
    %swap3A_85 = arith.constant 9 : i32
    %swap3A_86 = arith.index_cast %swap3A_85 : i32 to index
    %swap3A_87 = arith.constant 240 : index
    %swap3A_88 = tpu.vector_load %arg7[%swap3A_86, %swap3A_87] {strides = array<i32>} : memref<32x256xf32, #tpu.memory_space<vmem>>, vector<16xf32>,
    tpu.vector_store %arg7[%swap3A_86, %swap3A_87], %broadcast_in_dim3A_5 {strides = array<i32>} : memref<32x256xf32, #tpu.memory_space<vmem>>, vector<16xf32>,
    %swap3A_89 = arith.constant 10 : i32
    %swap3A_90 = arith.index_cast %swap3A_89 : i32 to index
    %swap3A_91 = arith.constant 224 : index
    %swap3A_92 = tpu.vector_load %arg7[%swap3A_90, %swap3A_91] {strides = array<i32>} : memref<32x256xf32, #tpu.memory_space<vmem>>, vector<16xf32>,
    tpu.vector_store %arg7[%swap3A_90, %swap3A_91], %broadcast_in_dim3A_5 {strides = array<i32>} : memref<32x256xf32, #tpu.memory_space<vmem>>, vector<16xf32>,
    %swap3A_93 = arith.constant 10 : i32
    %swap3A_94 = arith.index_cast %swap3A_93 : i32 to index
    %swap3A_95 = arith.constant 240 : index
    %swap3A_96 = tpu.vector_load %arg7[%swap3A_94, %swap3A_95] {strides = array<i32>} : memref<32x256xf32, #tpu.memory_space<vmem>>, vector<16xf32>,
    tpu.vector_store %arg7[%swap3A_94, %swap3A_95], %broadcast_in_dim3A_5 {strides = array<i32>} : memref<32x256xf32, #tpu.memory_space<vmem>>, vector<16xf32>,
    %swap3A_97 = arith.constant 11 : i32
    %swap3A_98 = arith.index_cast %swap3A_97 : i32 to index
    %swap3A_99 = arith.constant 224 : index
    %swap3A_100 = tpu.vector_load %arg7[%swap3A_98, %swap3A_99] {strides = array<i32>} : memref<32x256xf32, #tpu.memory_space<vmem>>, vector<16xf32>,
    tpu.vector_store %arg7[%swap3A_98, %swap3A_99], %broadcast_in_dim3A_5 {strides = array<i32>} : memref<32x256xf32, #tpu.memory_space<vmem>>, vector<16xf32>,
    %swap3A_101 = arith.constant 11 : i32
    %swap3A_102 = arith.index_cast %swap3A_101 : i32 to index
    %swap3A_103 = arith.constant 240 : index
    %swap3A_104 = tpu.vector_load %arg7[%swap3A_102, %swap3A_103] {strides = array<i32>} : memref<32x256xf32, #tpu.memory_space<vmem>>, vector<16xf32>,
    tpu.vector_store %arg7[%swap3A_102, %swap3A_103], %broadcast_in_dim3A_5 {strides = array<i32>} : memref<32x256xf32, #tpu.memory_space<vmem>>, vector<16xf32>,
    %swap3A_105 = arith.constant 12 : i32
    %swap3A_106 = arith.index_cast %swap3A_105 : i32 to index
    %swap3A_107 = arith.constant 224 : index
    %swap3A_108 = tpu.vector_load %arg7[%swap3A_106, %swap3A_107] {strides = array<i32>} : memref<32x256xf32, #tpu.memory_space<vmem>>, vector<16xf32>,
    tpu.vector_store %arg7[%swap3A_106, %swap3A_107], %broadcast_in_dim3A_5 {strides = array<i32>} : memref<32x256xf32, #tpu.memory_space<vmem>>, vector<16xf32>,
    %swap3A_109 = arith.constant 12 : i32
    %swap3A_110 = arith.index_cast %swap3A_109 : i32 to index
    %swap3A_111 = arith.constant 240 : index
    %swap3A_112 = tpu.vector_load %arg7[%swap3A_110, %swap3A_111] {strides = array<i32>} : memref<32x256xf32, #tpu.memory_space<vmem>>, vector<16xf32>,
    tpu.vector_store %arg7[%swap3A_110, %swap3A_111], %broadcast_in_dim3A_5 {strides = array<i32>} : memref<32x256xf32, #tpu.memory_space<vmem>>, vector<16xf32>,
    %swap3A_113 = arith.constant 13 : i32
    %swap3A_114 = arith.index_cast %swap3A_113 : i32 to index
    %swap3A_115 = arith.constant 224 : index
    %swap3A_116 = tpu.vector_load %arg7[%swap3A_114, %swap3A_115] {strides = array<i32>} : memref<32x256xf32, #tpu.memory_space<vmem>>, vector<16xf32>,
    tpu.vector_store %arg7[%swap3A_114, %swap3A_115], %broadcast_in_dim3A_5 {strides = array<i32>} : memref<32x256xf32, #tpu.memory_space<vmem>>, vector<16xf32>,
    %swap3A_117 = arith.constant 13 : i32
    %swap3A_118 = arith.index_cast %swap3A_117 : i32 to index
    %swap3A_119 = arith.constant 240 : index
    %swap3A_120 = tpu.vector_load %arg7[%swap3A_118, %swap3A_119] {strides = array<i32>} : memref<32x256xf32, #tpu.memory_space<vmem>>, vector<16xf32>,
    tpu.vector_store %arg7[%swap3A_118, %swap3A_119], %broadcast_in_dim3A_5 {strides = array<i32>} : memref<32x256xf32, #tpu.memory_space<vmem>>, vector<16xf32>,
    %swap3A_121 = arith.constant 14 : i32
    %swap3A_122 = arith.index_cast %swap3A_121 : i32 to index
    %swap3A_123 = arith.constant 224 : index
    %swap3A_124 = tpu.vector_load %arg7[%swap3A_122, %swap3A_123] {strides = array<i32>} : memref<32x256xf32, #tpu.memory_space<vmem>>, vector<16xf32>,
    tpu.vector_store %arg7[%swap3A_122, %swap3A_123], %broadcast_in_dim3A_5 {strides = array<i32>} : memref<32x256xf32, #tpu.memory_space<vmem>>, vector<16xf32>,
    %swap3A_125 = arith.constant 14 : i32
    %swap3A_126 = arith.index_cast %swap3A_125 : i32 to index
    %swap3A_127 = arith.constant 240 : index
    %swap3A_128 = tpu.vector_load %arg7[%swap3A_126, %swap3A_127] {strides = array<i32>} : memref<32x256xf32, #tpu.memory_space<vmem>>, vector<16xf32>,
    tpu.vector_store %arg7[%swap3A_126, %swap3A_127], %broadcast_in_dim3A_5 {strides = array<i32>} : memref<32x256xf32, #tpu.memory_space<vmem>>, vector<16xf32>,
    %swap3A_129 = arith.constant 15 : i32
    %swap3A_130 = arith.index_cast %swap3A_129 : i32 to index
    %swap3A_131 = arith.constant 224 : index
    %swap3A_132 = tpu.vector_load %arg7[%swap3A_130, %swap3A_131] {strides = array<i32>} : memref<32x256xf32, #tpu.memory_space<vmem>>, vector<16xf32>,
    tpu.vector_store %arg7[%swap3A_130, %swap3A_131], %broadcast_in_dim3A_5 {strides = array<i32>} : memref<32x256xf32, #tpu.memory_space<vmem>>, vector<16xf32>,
    %swap3A_133 = arith.constant 15 : i32
    %swap3A_134 = arith.index_cast %swap3A_133 : i32 to index
    %swap3A_135 = arith.constant 240 : index
    %swap3A_136 = tpu.vector_load %arg7[%swap3A_134, %swap3A_135] {strides = array<i32>} : memref<32x256xf32, #tpu.memory_space<vmem>>, vector<16xf32>,
    tpu.vector_store %arg7[%swap3A_134, %swap3A_135], %broadcast_in_dim3A_5 {strides = array<i32>} : memref<32x256xf32, #tpu.memory_space<vmem>>, vector<16xf32>,
    %swap3A_137 = arith.constant 16 : i32
    %swap3A_138 = arith.index_cast %swap3A_137 : i32 to index
    %swap3A_139 = arith.constant 224 : index
    %swap3A_140 = tpu.vector_load %arg7[%swap3A_138, %swap3A_139] {strides = array<i32>} : memref<32x256xf32, #tpu.memory_space<vmem>>, vector<16xf32>,
    tpu.vector_store %arg7[%swap3A_138, %swap3A_139], %broadcast_in_dim3A_5 {strides = array<i32>} : memref<32x256xf32, #tpu.memory_space<vmem>>, vector<16xf32>,
    %swap3A_141 = arith.constant 16 : i32
    %swap3A_142 = arith.index_cast %swap3A_141 : i32 to index
    %swap3A_143 = arith.constant 240 : index
    %swap3A_144 = tpu.vector_load %arg7[%swap3A_142, %swap3A_143] {strides = array<i32>} : memref<32x256xf32, #tpu.memory_space<vmem>>, vector<16xf32>,
    tpu.vector_store %arg7[%swap3A_142, %swap3A_143], %broadcast_in_dim3A_5 {strides = array<i32>} : memref<32x256xf32, #tpu.memory_space<vmem>>, vector<16xf32>,
    %swap3A_145 = arith.constant 17 : i32
    %swap3A_146 = arith.index_cast %swap3A_145 : i32 to index
    %swap3A_147 = arith.constant 224 : index
    %swap3A_148 = tpu.vector_load %arg7[%swap3A_146, %swap3A_147] {strides = array<i32>} : memref<32x256xf32, #tpu.memory_space<vmem>>, vector<16xf32>,
    tpu.vector_store %arg7[%swap3A_146, %swap3A_147], %broadcast_in_dim3A_5 {strides = array<i32>} : memref<32x256xf32, #tpu.memory_space<vmem>>, vector<16xf32>,
    %swap3A_149 = arith.constant 17 : i32
    %swap3A_150 = arith.index_cast %swap3A_149 : i32 to index
    %swap3A_151 = arith.constant 240 : index
    %swap3A_152 = tpu.vector_load %arg7[%swap3A_150, %swap3A_151] {strides = array<i32>} : memref<32x256xf32, #tpu.memory_space<vmem>>, vector<16xf32>,
    tpu.vector_store %arg7[%swap3A_150, %swap3A_151], %broadcast_in_dim3A_5 {strides = array<i32>} : memref<32x256xf32, #tpu.memory_space<vmem>>, vector<16xf32>,
    %swap3A_153 = arith.constant 18 : i32
    %swap3A_154 = arith.index_cast %swap3A_153 : i32 to index
    %swap3A_155 = arith.constant 224 : index
    %swap3A_156 = tpu.vector_load %arg7[%swap3A_154, %swap3A_155] {strides = array<i32>} : memref<32x256xf32, #tpu.memory_space<vmem>>, vector<16xf32>,
    tpu.vector_store %arg7[%swap3A_154, %swap3A_155], %broadcast_in_dim3A_5 {strides = array<i32>} : memref<32x256xf32, #tpu.memory_space<vmem>>, vector<16xf32>,
    %swap3A_157 = arith.constant 18 : i32
    %swap3A_158 = arith.index_cast %swap3A_157 : i32 to index
    %swap3A_159 = arith.constant 240 : index
    %swap3A_160 = tpu.vector_load %arg7[%swap3A_158, %swap3A_159] {strides = array<i32>} : memref<32x256xf32, #tpu.memory_space<vmem>>, vector<16xf32>,
    tpu.vector_store %arg7[%swap3A_158, %swap3A_159], %broadcast_in_dim3A_5 {strides = array<i32>} : memref<32x256xf32, #tpu.memory_space<vmem>>, vector<16xf32>,
    %swap3A_161 = arith.constant 19 : i32
    %swap3A_162 = arith.index_cast %swap3A_161 : i32 to index
    %swap3A_163 = arith.constant 224 : index
    %swap3A_164 = tpu.vector_load %arg7[%swap3A_162, %swap3A_163] {strides = array<i32>} : memref<32x256xf32, #tpu.memory_space<vmem>>, vector<16xf32>,
    tpu.vector_store %arg7[%swap3A_162, %swap3A_163], %broadcast_in_dim3A_5 {strides = array<i32>} : memref<32x256xf32, #tpu.memory_space<vmem>>, vector<16xf32>,
    %swap3A_165 = arith.constant 19 : i32
    %swap3A_166 = arith.index_cast %swap3A_165 : i32 to index
    %swap3A_167 = arith.constant 240 : index
    %swap3A_168 = tpu.vector_load %arg7[%swap3A_166, %swap3A_167] {strides = array<i32>} : memref<32x256xf32, #tpu.memory_space<vmem>>, vector<16xf32>,
    tpu.vector_store %arg7[%swap3A_166, %swap3A_167], %broadcast_in_dim3A_5 {strides = array<i32>} : memref<32x256xf32, #tpu.memory_space<vmem>>, vector<16xf32>,
    %swap3A_169 = arith.constant 20 : i32
    %swap3A_170 = arith.index_cast %swap3A_169 : i32 to index
    %swap3A_171 = arith.constant 224 : index
    %swap3A_172 = tpu.vector_load %arg7[%swap3A_170, %swap3A_171] {strides = array<i32>} : memref<32x256xf32, #tpu.memory_space<vmem>>, vector<16xf32>,
    tpu.vector_store %arg7[%swap3A_170, %swap3A_171], %broadcast_in_dim3A_5 {strides = array<i32>} : memref<32x256xf32, #tpu.memory_space<vmem>>, vector<16xf32>,
    %swap3A_173 = arith.constant 20 : i32
    %swap3A_174 = arith.index_cast %swap3A_173 : i32 to index
    %swap3A_175 = arith.constant 240 : index
    %swap3A_176 = tpu.vector_load %arg7[%swap3A_174, %swap3A_175] {strides = array<i32>} : memref<32x256xf32, #tpu.memory_space<vmem>>, vector<16xf32>,
    tpu.vector_store %arg7[%swap3A_174, %swap3A_175], %broadcast_in_dim3A_5 {strides = array<i32>} : memref<32x256xf32, #tpu.memory_space<vmem>>, vector<16xf32>,
    %swap3A_177 = arith.constant 21 : i32
    %swap3A_178 = arith.index_cast %swap3A_177 : i32 to index
    %swap3A_179 = arith.constant 224 : index
    %swap3A_180 = tpu.vector_load %arg7[%swap3A_178, %swap3A_179] {strides = array<i32>} : memref<32x256xf32, #tpu.memory_space<vmem>>, vector<16xf32>,
    tpu.vector_store %arg7[%swap3A_178, %swap3A_179], %broadcast_in_dim3A_5 {strides = array<i32>} : memref<32x256xf32, #tpu.memory_space<vmem>>, vector<16xf32>,
    %swap3A_181 = arith.constant 21 : i32
    %swap3A_182 = arith.index_cast %swap3A_181 : i32 to index
    %swap3A_183 = arith.constant 240 : index
    %swap3A_184 = tpu.vector_load %arg7[%swap3A_182, %swap3A_183] {strides = array<i32>} : memref<32x256xf32, #tpu.memory_space<vmem>>, vector<16xf32>,
    tpu.vector_store %arg7[%swap3A_182, %swap3A_183], %broadcast_in_dim3A_5 {strides = array<i32>} : memref<32x256xf32, #tpu.memory_space<vmem>>, vector<16xf32>,
    %swap3A_185 = arith.constant 22 : i32
    %swap3A_186 = arith.index_cast %swap3A_185 : i32 to index
    %swap3A_187 = arith.constant 224 : index
    %swap3A_188 = tpu.vector_load %arg7[%swap3A_186, %swap3A_187] {strides = array<i32>} : memref<32x256xf32, #tpu.memory_space<vmem>>, vector<16xf32>,
    tpu.vector_store %arg7[%swap3A_186, %swap3A_187], %broadcast_in_dim3A_5 {strides = array<i32>} : memref<32x256xf32, #tpu.memory_space<vmem>>, vector<16xf32>,
    %swap3A_189 = arith.constant 22 : i32
    %swap3A_190 = arith.index_cast %swap3A_189 : i32 to index
    %swap3A_191 = arith.constant 240 : index
    %swap3A_192 = tpu.vector_load %arg7[%swap3A_190, %swap3A_191] {strides = array<i32>} : memref<32x256xf32, #tpu.memory_space<vmem>>, vector<16xf32>,
    tpu.vector_store %arg7[%swap3A_190, %swap3A_191], %broadcast_in_dim3A_5 {strides = array<i32>} : memref<32x256xf32, #tpu.memory_space<vmem>>, vector<16xf32>,
    %swap3A_193 = arith.constant 23 : i32
    %swap3A_194 = arith.index_cast %swap3A_193 : i32 to index
    %swap3A_195 = arith.constant 224 : index
    %swap3A_196 = tpu.vector_load %arg7[%swap3A_194, %swap3A_195] {strides = array<i32>} : memref<32x256xf32, #tpu.memory_space<vmem>>, vector<16xf32>,
    tpu.vector_store %arg7[%swap3A_194, %swap3A_195], %broadcast_in_dim3A_5 {strides = array<i32>} : memref<32x256xf32, #tpu.memory_space<vmem>>, vector<16xf32>,
    %swap3A_197 = arith.constant 23 : i32
    %swap3A_198 = arith.index_cast %swap3A_197 : i32 to index
    %swap3A_199 = arith.constant 240 : index
    %swap3A_200 = tpu.vector_load %arg7[%swap3A_198, %swap3A_199] {strides = array<i32>} : memref<32x256xf32, #tpu.memory_space<vmem>>, vector<16xf32>,
    tpu.vector_store %arg7[%swap3A_198, %swap3A_199], %broadcast_in_dim3A_5 {strides = array<i32>} : memref<32x256xf32, #tpu.memory_space<vmem>>, vector<16xf32>,
    %swap3A_201 = arith.constant 24 : i32
    %swap3A_202 = arith.index_cast %swap3A_201 : i32 to index
    %swap3A_203 = arith.constant 224 : index
    %swap3A_204 = tpu.vector_load %arg7[%swap3A_202, %swap3A_203] {strides = array<i32>} : memref<32x256xf32, #tpu.memory_space<vmem>>, vector<16xf32>,
    tpu.vector_store %arg7[%swap3A_202, %swap3A_203], %broadcast_in_dim3A_5 {strides = array<i32>} : memref<32x256xf32, #tpu.memory_space<vmem>>, vector<16xf32>,
    %swap3A_205 = arith.constant 24 : i32
    %swap3A_206 = arith.index_cast %swap3A_205 : i32 to index
    %swap3A_207 = arith.constant 240 : index
    %swap3A_208 = tpu.vector_load %arg7[%swap3A_206, %swap3A_207] {strides = array<i32>} : memref<32x256xf32, #tpu.memory_space<vmem>>, vector<16xf32>,
    tpu.vector_store %arg7[%swap3A_206, %swap3A_207], %broadcast_in_dim3A_5 {strides = array<i32>} : memref<32x256xf32, #tpu.memory_space<vmem>>, vector<16xf32>,
    %swap3A_209 = arith.constant 25 : i32
    %swap3A_210 = arith.index_cast %swap3A_209 : i32 to index
    %swap3A_211 = arith.constant 224 : index
    %swap3A_212 = tpu.vector_load %arg7[%swap3A_210, %swap3A_211] {strides = array<i32>} : memref<32x256xf32, #tpu.memory_space<vmem>>, vector<16xf32>,
    tpu.vector_store %arg7[%swap3A_210, %swap3A_211], %broadcast_in_dim3A_5 {strides = array<i32>} : memref<32x256xf32, #tpu.memory_space<vmem>>, vector<16xf32>,
    %swap3A_213 = arith.constant 25 : i32
    %swap3A_214 = arith.index_cast %swap3A_213 : i32 to index
    %swap3A_215 = arith.constant 240 : index
    %swap3A_216 = tpu.vector_load %arg7[%swap3A_214, %swap3A_215] {strides = array<i32>} : memref<32x256xf32, #tpu.memory_space<vmem>>, vector<16xf32>,
    tpu.vector_store %arg7[%swap3A_214, %swap3A_215], %broadcast_in_dim3A_5 {strides = array<i32>} : memref<32x256xf32, #tpu.memory_space<vmem>>, vector<16xf32>,
    %swap3A_217 = arith.constant 26 : i32
    %swap3A_218 = arith.index_cast %swap3A_217 : i32 to index
    %swap3A_219 = arith.constant 224 : index
    %swap3A_220 = tpu.vector_load %arg7[%swap3A_218, %swap3A_219] {strides = array<i32>} : memref<32x256xf32, #tpu.memory_space<vmem>>, vector<16xf32>,
    tpu.vector_store %arg7[%swap3A_218, %swap3A_219], %broadcast_in_dim3A_5 {strides = array<i32>} : memref<32x256xf32, #tpu.memory_space<vmem>>, vector<16xf32>,
    %swap3A_221 = arith.constant 26 : i32
    %swap3A_222 = arith.index_cast %swap3A_221 : i32 to index
    %swap3A_223 = arith.constant 240 : index
    %swap3A_224 = tpu.vector_load %arg7[%swap3A_222, %swap3A_223] {strides = array<i32>} : memref<32x256xf32, #tpu.memory_space<vmem>>, vector<16xf32>,
    tpu.vector_store %arg7[%swap3A_222, %swap3A_223], %broadcast_in_dim3A_5 {strides = array<i32>} : memref<32x256xf32, #tpu.memory_space<vmem>>, vector<16xf32>,
    %swap3A_225 = arith.constant 27 : i32
    %swap3A_226 = arith.index_cast %swap3A_225 : i32 to index
    %swap3A_227 = arith.constant 224 : index
    %swap3A_228 = tpu.vector_load %arg7[%swap3A_226, %swap3A_227] {strides = array<i32>} : memref<32x256xf32, #tpu.memory_space<vmem>>, vector<16xf32>,
    tpu.vector_store %arg7[%swap3A_226, %swap3A_227], %broadcast_in_dim3A_5 {strides = array<i32>} : memref<32x256xf32, #tpu.memory_space<vmem>>, vector<16xf32>,
    %swap3A_229 = arith.constant 27 : i32
    %swap3A_230 = arith.index_cast %swap3A_229 : i32 to index
    %swap3A_231 = arith.constant 240 : index
    %swap3A_232 = tpu.vector_load %arg7[%swap3A_230, %swap3A_231] {strides = array<i32>} : memref<32x256xf32, #tpu.memory_space<vmem>>, vector<16xf32>,
    tpu.vector_store %arg7[%swap3A_230, %swap3A_231], %broadcast_in_dim3A_5 {strides = array<i32>} : memref<32x256xf32, #tpu.memory_space<vmem>>, vector<16xf32>,
    %swap3A_233 = arith.constant 28 : i32
    %swap3A_234 = arith.index_cast %swap3A_233 : i32 to index
    %swap3A_235 = arith.constant 224 : index
    %swap3A_236 = tpu.vector_load %arg7[%swap3A_234, %swap3A_235] {strides = array<i32>} : memref<32x256xf32, #tpu.memory_space<vmem>>, vector<16xf32>,
    tpu.vector_store %arg7[%swap3A_234, %swap3A_235], %broadcast_in_dim3A_5 {strides = array<i32>} : memref<32x256xf32, #tpu.memory_space<vmem>>, vector<16xf32>,
    %swap3A_237 = arith.constant 28 : i32
    %swap3A_238 = arith.index_cast %swap3A_237 : i32 to index
    %swap3A_239 = arith.constant 240 : index
    %swap3A_240 = tpu.vector_load %arg7[%swap3A_238, %swap3A_239] {strides = array<i32>} : memref<32x256xf32, #tpu.memory_space<vmem>>, vector<16xf32>,
    tpu.vector_store %arg7[%swap3A_238, %swap3A_239], %broadcast_in_dim3A_5 {strides = array<i32>} : memref<32x256xf32, #tpu.memory_space<vmem>>, vector<16xf32>,
    %swap3A_241 = arith.constant 29 : i32
    %swap3A_242 = arith.index_cast %swap3A_241 : i32 to index
    %swap3A_243 = arith.constant 224 : index
    %swap3A_244 = tpu.vector_load %arg7[%swap3A_242, %swap3A_243] {strides = array<i32>} : memref<32x256xf32, #tpu.memory_space<vmem>>, vector<16xf32>,
    tpu.vector_store %arg7[%swap3A_242, %swap3A_243], %broadcast_in_dim3A_5 {strides = array<i32>} : memref<32x256xf32, #tpu.memory_space<vmem>>, vector<16xf32>,
    %swap3A_245 = arith.constant 29 : i32
    %swap3A_246 = arith.index_cast %swap3A_245 : i32 to index
    %swap3A_247 = arith.constant 240 : index
    %swap3A_248 = tpu.vector_load %arg7[%swap3A_246, %swap3A_247] {strides = array<i32>} : memref<32x256xf32, #tpu.memory_space<vmem>>, vector<16xf32>,
    tpu.vector_store %arg7[%swap3A_246, %swap3A_247], %broadcast_in_dim3A_5 {strides = array<i32>} : memref<32x256xf32, #tpu.memory_space<vmem>>, vector<16xf32>,
    %swap3A_249 = arith.constant 30 : i32
    %swap3A_250 = arith.index_cast %swap3A_249 : i32 to index
    %swap3A_251 = arith.constant 224 : index
    %swap3A_252 = tpu.vector_load %arg7[%swap3A_250, %swap3A_251] {strides = array<i32>} : memref<32x256xf32, #tpu.memory_space<vmem>>, vector<16xf32>,
    tpu.vector_store %arg7[%swap3A_250, %swap3A_251], %broadcast_in_dim3A_5 {strides = array<i32>} : memref<32x256xf32, #tpu.memory_space<vmem>>, vector<16xf32>,
    %swap3A_253 = arith.constant 30 : i32
    %swap3A_254 = arith.index_cast %swap3A_253 : i32 to index
    %swap3A_255 = arith.constant 240 : index
    %swap3A_256 = tpu.vector_load %arg7[%swap3A_254, %swap3A_255] {strides = array<i32>} : memref<32x256xf32, #tpu.memory_space<vmem>>, vector<16xf32>,
    tpu.vector_store %arg7[%swap3A_254, %swap3A_255], %broadcast_in_dim3A_5 {strides = array<i32>} : memref<32x256xf32, #tpu.memory_space<vmem>>, vector<16xf32>,
    %swap3A_257 = arith.constant 31 : i32
    %swap3A_258 = arith.index_cast %swap3A_257 : i32 to index
    %swap3A_259 = arith.constant 224 : index
    %swap3A_260 = tpu.vector_load %arg7[%swap3A_258, %swap3A_259] {strides = array<i32>} : memref<32x256xf32, #tpu.memory_space<vmem>>, vector<16xf32>,
    tpu.vector_store %arg7[%swap3A_258, %swap3A_259], %broadcast_in_dim3A_5 {strides = array<i32>} : memref<32x256xf32, #tpu.memory_space<vmem>>, vector<16xf32>,
    %swap3A_261 = arith.constant 31 : i32
    %swap3A_262 = arith.index_cast %swap3A_261 : i32 to index
    %swap3A_263 = arith.constant 240 : index
    %swap3A_264 = tpu.vector_load %arg7[%swap3A_262, %swap3A_263] {strides = array<i32>} : memref<32x256xf32, #tpu.memory_space<vmem>>, vector<16xf32>,
    tpu.vector_store %arg7[%swap3A_262, %swap3A_263], %broadcast_in_dim3A_5 {strides = array<i32>} : memref<32x256xf32, #tpu.memory_space<vmem>>, vector<16xf32>,
    %swap3A_265 = arith.constant 0 : i32
    %swap3A_266 = arith.index_cast %swap3A_265 : i32 to index
    %swap3A_267 = arith.constant 224 : index
    %swap3A_268 = tpu.vector_load %arg10[%swap3A_266, %swap3A_267] {strides = array<i32>} : memref<32x256xf32, #tpu.memory_space<vmem>>, vector<16xf32>,
    tpu.vector_store %arg10[%swap3A_266, %swap3A_267], %broadcast_in_dim3A_5 {strides = array<i32>} : memref<32x256xf32, #tpu.memory_space<vmem>>, vector<16xf32>,
    %swap3A_269 = arith.constant 0 : i32
    %swap3A_270 = arith.index_cast %swap3A_269 : i32 to index
    %swap3A_271 = arith.constant 240 : index
    %swap3A_272 = tpu.vector_load %arg10[%swap3A_270, %swap3A_271] {strides = array<i32>} : memref<32x256xf32, #tpu.memory_space<vmem>>, vector<16xf32>,
    tpu.vector_store %arg10[%swap3A_270, %swap3A_271], %broadcast_in_dim3A_5 {strides = array<i32>} : memref<32x256xf32, #tpu.memory_space<vmem>>, vector<16xf32>,
    %swap3A_273 = arith.constant 1 : i32
    %swap3A_274 = arith.index_cast %swap3A_273 : i32 to index
    %swap3A_275 = arith.constant 224 : index
    %swap3A_276 = tpu.vector_load %arg10[%swap3A_274, %swap3A_275] {strides = array<i32>} : memref<32x256xf32, #tpu.memory_space<vmem>>, vector<16xf32>,
    tpu.vector_store %arg10[%swap3A_274, %swap3A_275], %broadcast_in_dim3A_5 {strides = array<i32>} : memref<32x256xf32, #tpu.memory_space<vmem>>, vector<16xf32>,
    %swap3A_277 = arith.constant 1 : i32
    %swap3A_278 = arith.index_cast %swap3A_277 : i32 to index
    %swap3A_279 = arith.constant 240 : index
    %swap3A_280 = tpu.vector_load %arg10[%swap3A_278, %swap3A_279] {strides = array<i32>} : memref<32x256xf32, #tpu.memory_space<vmem>>, vector<16xf32>,
    tpu.vector_store %arg10[%swap3A_278, %swap3A_279], %broadcast_in_dim3A_5 {strides = array<i32>} : memref<32x256xf32, #tpu.memory_space<vmem>>, vector<16xf32>,
    %swap3A_281 = arith.constant 2 : i32
    %swap3A_282 = arith.index_cast %swap3A_281 : i32 to index
    %swap3A_283 = arith.constant 224 : index
    %swap3A_284 = tpu.vector_load %arg10[%swap3A_282, %swap3A_283] {strides = array<i32>} : memref<32x256xf32, #tpu.memory_space<vmem>>, vector<16xf32>,
    tpu.vector_store %arg10[%swap3A_282, %swap3A_283], %broadcast_in_dim3A_5 {strides = array<i32>} : memref<32x256xf32, #tpu.memory_space<vmem>>, vector<16xf32>,
    %swap3A_285 = arith.constant 2 : i32
    %swap3A_286 = arith.index_cast %swap3A_285 : i32 to index
    %swap3A_287 = arith.constant 240 : index
    %swap3A_288 = tpu.vector_load %arg10[%swap3A_286, %swap3A_287] {strides = array<i32>} : memref<32x256xf32, #tpu.memory_space<vmem>>, vector<16xf32>,
    tpu.vector_store %arg10[%swap3A_286, %swap3A_287], %broadcast_in_dim3A_5 {strides = array<i32>} : memref<32x256xf32, #tpu.memory_space<vmem>>, vector<16xf32>,
    %swap3A_289 = arith.constant 3 : i32
    %swap3A_290 = arith.index_cast %swap3A_289 : i32 to index
    %swap3A_291 = arith.constant 224 : index
    %swap3A_292 = tpu.vector_load %arg10[%swap3A_290, %swap3A_291] {strides = array<i32>} : memref<32x256xf32, #tpu.memory_space<vmem>>, vector<16xf32>,
    tpu.vector_store %arg10[%swap3A_290, %swap3A_291], %broadcast_in_dim3A_5 {strides = array<i32>} : memref<32x256xf32, #tpu.memory_space<vmem>>, vector<16xf32>,
    %swap3A_293 = arith.constant 3 : i32
    %swap3A_294 = arith.index_cast %swap3A_293 : i32 to index
    %swap3A_295 = arith.constant 240 : index
    %swap3A_296 = tpu.vector_load %arg10[%swap3A_294, %swap3A_295] {strides = array<i32>} : memref<32x256xf32, #tpu.memory_space<vmem>>, vector<16xf32>,
    tpu.vector_store %arg10[%swap3A_294, %swap3A_295], %broadcast_in_dim3A_5 {strides = array<i32>} : memref<32x256xf32, #tpu.memory_space<vmem>>, vector<16xf32>,
    %swap3A_297 = arith.constant 4 : i32
    %swap3A_298 = arith.index_cast %swap3A_297 : i32 to index
    %swap3A_299 = arith.constant 224 : index
    %swap3A_300 = tpu.vector_load %arg10[%swap3A_298, %swap3A_299] {strides = array<i32>} : memref<32x256xf32, #tpu.memory_space<vmem>>, vector<16xf32>,
    tpu.vector_store %arg10[%swap3A_298, %swap3A_299], %broadcast_in_dim3A_5 {strides = array<i32>} : memref<32x256xf32, #tpu.memory_space<vmem>>, vector<16xf32>,
    %swap3A_301 = arith.constant 4 : i32
    %swap3A_302 = arith.index_cast %swap3A_301 : i32 to index
    %swap3A_303 = arith.constant 240 : index
    %swap3A_304 = tpu.vector_load %arg10[%swap3A_302, %swap3A_303] {strides = array<i32>} : memref<32x256xf32, #tpu.memory_space<vmem>>, vector<16xf32>,
    tpu.vector_store %arg10[%swap3A_302, %swap3A_303], %broadcast_in_dim3A_5 {strides = array<i32>} : memref<32x256xf32, #tpu.memory_space<vmem>>, vector<16xf32>,
    %swap3A_305 = arith.constant 5 : i32
    %swap3A_306 = arith.index_cast %swap3A_305 : i32 to index
    %swap3A_307 = arith.constant 224 : index
    %swap3A_308 = tpu.vector_load %arg10[%swap3A_306, %swap3A_307] {strides = array<i32>} : memref<32x256xf32, #tpu.memory_space<vmem>>, vector<16xf32>,
    tpu.vector_store %arg10[%swap3A_306, %swap3A_307], %broadcast_in_dim3A_5 {strides = array<i32>} : memref<32x256xf32, #tpu.memory_space<vmem>>, vector<16xf32>,
    %swap3A_309 = arith.constant 5 : i32
    %swap3A_310 = arith.index_cast %swap3A_309 : i32 to index
    %swap3A_311 = arith.constant 240 : index
    %swap3A_312 = tpu.vector_load %arg10[%swap3A_310, %swap3A_311] {strides = array<i32>} : memref<32x256xf32, #tpu.memory_space<vmem>>, vector<16xf32>,
    tpu.vector_store %arg10[%swap3A_310, %swap3A_311], %broadcast_in_dim3A_5 {strides = array<i32>} : memref<32x256xf32, #tpu.memory_space<vmem>>, vector<16xf32>,
    %swap3A_313 = arith.constant 6 : i32
    %swap3A_314 = arith.index_cast %swap3A_313 : i32 to index
    %swap3A_315 = arith.constant 224 : index
    %swap3A_316 = tpu.vector_load %arg10[%swap3A_314, %swap3A_315] {strides = array<i32>} : memref<32x256xf32, #tpu.memory_space<vmem>>, vector<16xf32>,
    tpu.vector_store %arg10[%swap3A_314, %swap3A_315], %broadcast_in_dim3A_5 {strides = array<i32>} : memref<32x256xf32, #tpu.memory_space<vmem>>, vector<16xf32>,
    %swap3A_317 = arith.constant 6 : i32
    %swap3A_318 = arith.index_cast %swap3A_317 : i32 to index
    %swap3A_319 = arith.constant 240 : index
    %swap3A_320 = tpu.vector_load %arg10[%swap3A_318, %swap3A_319] {strides = array<i32>} : memref<32x256xf32, #tpu.memory_space<vmem>>, vector<16xf32>,
    tpu.vector_store %arg10[%swap3A_318, %swap3A_319], %broadcast_in_dim3A_5 {strides = array<i32>} : memref<32x256xf32, #tpu.memory_space<vmem>>, vector<16xf32>,
    %swap3A_321 = arith.constant 7 : i32
    %swap3A_322 = arith.index_cast %swap3A_321 : i32 to index
    %swap3A_323 = arith.constant 224 : index
    %swap3A_324 = tpu.vector_load %arg10[%swap3A_322, %swap3A_323] {strides = array<i32>} : memref<32x256xf32, #tpu.memory_space<vmem>>, vector<16xf32>,
    tpu.vector_store %arg10[%swap3A_322, %swap3A_323], %broadcast_in_dim3A_5 {strides = array<i32>} : memref<32x256xf32, #tpu.memory_space<vmem>>, vector<16xf32>,
    %swap3A_325 = arith.constant 7 : i32
    %swap3A_326 = arith.index_cast %swap3A_325 : i32 to index
    %swap3A_327 = arith.constant 240 : index
    %swap3A_328 = tpu.vector_load %arg10[%swap3A_326, %swap3A_327] {strides = array<i32>} : memref<32x256xf32, #tpu.memory_space<vmem>>, vector<16xf32>,
    tpu.vector_store %arg10[%swap3A_326, %swap3A_327], %broadcast_in_dim3A_5 {strides = array<i32>} : memref<32x256xf32, #tpu.memory_space<vmem>>, vector<16xf32>,
    %swap3A_329 = arith.constant 8 : i32
    %swap3A_330 = arith.index_cast %swap3A_329 : i32 to index
    %swap3A_331 = arith.constant 224 : index
    %swap3A_332 = tpu.vector_load %arg10[%swap3A_330, %swap3A_331] {strides = array<i32>} : memref<32x256xf32, #tpu.memory_space<vmem>>, vector<16xf32>,
    tpu.vector_store %arg10[%swap3A_330, %swap3A_331], %broadcast_in_dim3A_5 {strides = array<i32>} : memref<32x256xf32, #tpu.memory_space<vmem>>, vector<16xf32>,
    %swap3A_333 = arith.constant 8 : i32
    %swap3A_334 = arith.index_cast %swap3A_333 : i32 to index
    %swap3A_335 = arith.constant 240 : index
    %swap3A_336 = tpu.vector_load %arg10[%swap3A_334, %swap3A_335] {strides = array<i32>} : memref<32x256xf32, #tpu.memory_space<vmem>>, vector<16xf32>,
    tpu.vector_store %arg10[%swap3A_334, %swap3A_335], %broadcast_in_dim3A_5 {strides = array<i32>} : memref<32x256xf32, #tpu.memory_space<vmem>>, vector<16xf32>,
    %swap3A_337 = arith.constant 9 : i32
    %swap3A_338 = arith.index_cast %swap3A_337 : i32 to index
    %swap3A_339 = arith.constant 224 : index
    %swap3A_340 = tpu.vector_load %arg10[%swap3A_338, %swap3A_339] {strides = array<i32>} : memref<32x256xf32, #tpu.memory_space<vmem>>, vector<16xf32>,
    tpu.vector_store %arg10[%swap3A_338, %swap3A_339], %broadcast_in_dim3A_5 {strides = array<i32>} : memref<32x256xf32, #tpu.memory_space<vmem>>, vector<16xf32>,
    %swap3A_341 = arith.constant 9 : i32
    %swap3A_342 = arith.index_cast %swap3A_341 : i32 to index
    %swap3A_343 = arith.constant 240 : index
    %swap3A_344 = tpu.vector_load %arg10[%swap3A_342, %swap3A_343] {strides = array<i32>} : memref<32x256xf32, #tpu.memory_space<vmem>>, vector<16xf32>,
    tpu.vector_store %arg10[%swap3A_342, %swap3A_343], %broadcast_in_dim3A_5 {strides = array<i32>} : memref<32x256xf32, #tpu.memory_space<vmem>>, vector<16xf32>,
    %swap3A_345 = arith.constant 10 : i32
    %swap3A_346 = arith.index_cast %swap3A_345 : i32 to index
    %swap3A_347 = arith.constant 224 : index
    %swap3A_348 = tpu.vector_load %arg10[%swap3A_346, %swap3A_347] {strides = array<i32>} : memref<32x256xf32, #tpu.memory_space<vmem>>, vector<16xf32>,
    tpu.vector_store %arg10[%swap3A_346, %swap3A_347], %broadcast_in_dim3A_5 {strides = array<i32>} : memref<32x256xf32, #tpu.memory_space<vmem>>, vector<16xf32>,
    %swap3A_349 = arith.constant 10 : i32
    %swap3A_350 = arith.index_cast %swap3A_349 : i32 to index
    %swap3A_351 = arith.constant 240 : index
    %swap3A_352 = tpu.vector_load %arg10[%swap3A_350, %swap3A_351] {strides = array<i32>} : memref<32x256xf32, #tpu.memory_space<vmem>>, vector<16xf32>,
    tpu.vector_store %arg10[%swap3A_350, %swap3A_351], %broadcast_in_dim3A_5 {strides = array<i32>} : memref<32x256xf32, #tpu.memory_space<vmem>>, vector<16xf32>,
    %swap3A_353 = arith.constant 11 : i32
    %swap3A_354 = arith.index_cast %swap3A_353 : i32 to index
    %swap3A_355 = arith.constant 224 : index
    %swap3A_356 = tpu.vector_load %arg10[%swap3A_354, %swap3A_355] {strides = array<i32>} : memref<32x256xf32, #tpu.memory_space<vmem>>, vector<16xf32>,
    tpu.vector_store %arg10[%swap3A_354, %swap3A_355], %broadcast_in_dim3A_5 {strides = array<i32>} : memref<32x256xf32, #tpu.memory_space<vmem>>, vector<16xf32>,
    %swap3A_357 = arith.constant 11 : i32
    %swap3A_358 = arith.index_cast %swap3A_357 : i32 to index
    %swap3A_359 = arith.constant 240 : index
    %swap3A_360 = tpu.vector_load %arg10[%swap3A_358, %swap3A_359] {strides = array<i32>} : memref<32x256xf32, #tpu.memory_space<vmem>>, vector<16xf32>,
    tpu.vector_store %arg10[%swap3A_358, %swap3A_359], %broadcast_in_dim3A_5 {strides = array<i32>} : memref<32x256xf32, #tpu.memory_space<vmem>>, vector<16xf32>,
    %swap3A_361 = arith.constant 12 : i32
    %swap3A_362 = arith.index_cast %swap3A_361 : i32 to index
    %swap3A_363 = arith.constant 224 : index
    %swap3A_364 = tpu.vector_load %arg10[%swap3A_362, %swap3A_363] {strides = array<i32>} : memref<32x256xf32, #tpu.memory_space<vmem>>, vector<16xf32>,
    tpu.vector_store %arg10[%swap3A_362, %swap3A_363], %broadcast_in_dim3A_5 {strides = array<i32>} : memref<32x256xf32, #tpu.memory_space<vmem>>, vector<16xf32>,
    %swap3A_365 = arith.constant 12 : i32
    %swap3A_366 = arith.index_cast %swap3A_365 : i32 to index
    %swap3A_367 = arith.constant 240 : index
    %swap3A_368 = tpu.vector_load %arg10[%swap3A_366, %swap3A_367] {strides = array<i32>} : memref<32x256xf32, #tpu.memory_space<vmem>>, vector<16xf32>,
    tpu.vector_store %arg10[%swap3A_366, %swap3A_367], %broadcast_in_dim3A_5 {strides = array<i32>} : memref<32x256xf32, #tpu.memory_space<vmem>>, vector<16xf32>,
    %swap3A_369 = arith.constant 13 : i32
    %swap3A_370 = arith.index_cast %swap3A_369 : i32 to index
    %swap3A_371 = arith.constant 224 : index
    %swap3A_372 = tpu.vector_load %arg10[%swap3A_370, %swap3A_371] {strides = array<i32>} : memref<32x256xf32, #tpu.memory_space<vmem>>, vector<16xf32>,
    tpu.vector_store %arg10[%swap3A_370, %swap3A_371], %broadcast_in_dim3A_5 {strides = array<i32>} : memref<32x256xf32, #tpu.memory_space<vmem>>, vector<16xf32>,
    %swap3A_373 = arith.constant 13 : i32
    %swap3A_374 = arith.index_cast %swap3A_373 : i32 to index
    %swap3A_375 = arith.constant 240 : index
    %swap3A_376 = tpu.vector_load %arg10[%swap3A_374, %swap3A_375] {strides = array<i32>} : memref<32x256xf32, #tpu.memory_space<vmem>>, vector<16xf32>,
    tpu.vector_store %arg10[%swap3A_374, %swap3A_375], %broadcast_in_dim3A_5 {strides = array<i32>} : memref<32x256xf32, #tpu.memory_space<vmem>>, vector<16xf32>,
    %swap3A_377 = arith.constant 14 : i32
    %swap3A_378 = arith.index_cast %swap3A_377 : i32 to index
    %swap3A_379 = arith.constant 224 : index
    %swap3A_380 = tpu.vector_load %arg10[%swap3A_378, %swap3A_379] {strides = array<i32>} : memref<32x256xf32, #tpu.memory_space<vmem>>, vector<16xf32>,
    tpu.vector_store %arg10[%swap3A_378, %swap3A_379], %broadcast_in_dim3A_5 {strides = array<i32>} : memref<32x256xf32, #tpu.memory_space<vmem>>, vector<16xf32>,
    %swap3A_381 = arith.constant 14 : i32
    %swap3A_382 = arith.index_cast %swap3A_381 : i32 to index
    %swap3A_383 = arith.constant 240 : index
    %swap3A_384 = tpu.vector_load %arg10[%swap3A_382, %swap3A_383] {strides = array<i32>} : memref<32x256xf32, #tpu.memory_space<vmem>>, vector<16xf32>,
    tpu.vector_store %arg10[%swap3A_382, %swap3A_383], %broadcast_in_dim3A_5 {strides = array<i32>} : memref<32x256xf32, #tpu.memory_space<vmem>>, vector<16xf32>,
    %swap3A_385 = arith.constant 15 : i32
    %swap3A_386 = arith.index_cast %swap3A_385 : i32 to index
    %swap3A_387 = arith.constant 224 : index
    %swap3A_388 = tpu.vector_load %arg10[%swap3A_386, %swap3A_387] {strides = array<i32>} : memref<32x256xf32, #tpu.memory_space<vmem>>, vector<16xf32>,
    tpu.vector_store %arg10[%swap3A_386, %swap3A_387], %broadcast_in_dim3A_5 {strides = array<i32>} : memref<32x256xf32, #tpu.memory_space<vmem>>, vector<16xf32>,
    %swap3A_389 = arith.constant 15 : i32
    %swap3A_390 = arith.index_cast %swap3A_389 : i32 to index
    %swap3A_391 = arith.constant 240 : index
    %swap3A_392 = tpu.vector_load %arg10[%swap3A_390, %swap3A_391] {strides = array<i32>} : memref<32x256xf32, #tpu.memory_space<vmem>>, vector<16xf32>,
    tpu.vector_store %arg10[%swap3A_390, %swap3A_391], %broadcast_in_dim3A_5 {strides = array<i32>} : memref<32x256xf32, #tpu.memory_space<vmem>>, vector<16xf32>,
    %swap3A_393 = arith.constant 16 : i32
    %swap3A_394 = arith.index_cast %swap3A_393 : i32 to index
    %swap3A_395 = arith.constant 224 : index
    %swap3A_396 = tpu.vector_load %arg10[%swap3A_394, %swap3A_395] {strides = array<i32>} : memref<32x256xf32, #tpu.memory_space<vmem>>, vector<16xf32>,
    tpu.vector_store %arg10[%swap3A_394, %swap3A_395], %broadcast_in_dim3A_5 {strides = array<i32>} : memref<32x256xf32, #tpu.memory_space<vmem>>, vector<16xf32>,
    %swap3A_397 = arith.constant 16 : i32
    %swap3A_398 = arith.index_cast %swap3A_397 : i32 to index
    %swap3A_399 = arith.constant 240 : index
    %swap3A_400 = tpu.vector_load %arg10[%swap3A_398, %swap3A_399] {strides = array<i32>} : memref<32x256xf32, #tpu.memory_space<vmem>>, vector<16xf32>,
    tpu.vector_store %arg10[%swap3A_398, %swap3A_399], %broadcast_in_dim3A_5 {strides = array<i32>} : memref<32x256xf32, #tpu.memory_space<vmem>>, vector<16xf32>,
    %swap3A_401 = arith.constant 17 : i32
    %swap3A_402 = arith.index_cast %swap3A_401 : i32 to index
    %swap3A_403 = arith.constant 224 : index
    %swap3A_404 = tpu.vector_load %arg10[%swap3A_402, %swap3A_403] {strides = array<i32>} : memref<32x256xf32, #tpu.memory_space<vmem>>, vector<16xf32>,
    tpu.vector_store %arg10[%swap3A_402, %swap3A_403], %broadcast_in_dim3A_5 {strides = array<i32>} : memref<32x256xf32, #tpu.memory_space<vmem>>, vector<16xf32>,
    %swap3A_405 = arith.constant 17 : i32
    %swap3A_406 = arith.index_cast %swap3A_405 : i32 to index
    %swap3A_407 = arith.constant 240 : index
    %swap3A_408 = tpu.vector_load %arg10[%swap3A_406, %swap3A_407] {strides = array<i32>} : memref<32x256xf32, #tpu.memory_space<vmem>>, vector<16xf32>,
    tpu.vector_store %arg10[%swap3A_406, %swap3A_407], %broadcast_in_dim3A_5 {strides = array<i32>} : memref<32x256xf32, #tpu.memory_space<vmem>>, vector<16xf32>,
    %swap3A_409 = arith.constant 18 : i32
    %swap3A_410 = arith.index_cast %swap3A_409 : i32 to index
    %swap3A_411 = arith.constant 224 : index
    %swap3A_412 = tpu.vector_load %arg10[%swap3A_410, %swap3A_411] {strides = array<i32>} : memref<32x256xf32, #tpu.memory_space<vmem>>, vector<16xf32>,
    tpu.vector_store %arg10[%swap3A_410, %swap3A_411], %broadcast_in_dim3A_5 {strides = array<i32>} : memref<32x256xf32, #tpu.memory_space<vmem>>, vector<16xf32>,
    %swap3A_413 = arith.constant 18 : i32
    %swap3A_414 = arith.index_cast %swap3A_413 : i32 to index
    %swap3A_415 = arith.constant 240 : index
    %swap3A_416 = tpu.vector_load %arg10[%swap3A_414, %swap3A_415] {strides = array<i32>} : memref<32x256xf32, #tpu.memory_space<vmem>>, vector<16xf32>,
    tpu.vector_store %arg10[%swap3A_414, %swap3A_415], %broadcast_in_dim3A_5 {strides = array<i32>} : memref<32x256xf32, #tpu.memory_space<vmem>>, vector<16xf32>,
    %swap3A_417 = arith.constant 19 : i32
    %swap3A_418 = arith.index_cast %swap3A_417 : i32 to index
    %swap3A_419 = arith.constant 224 : index
    %swap3A_420 = tpu.vector_load %arg10[%swap3A_418, %swap3A_419] {strides = array<i32>} : memref<32x256xf32, #tpu.memory_space<vmem>>, vector<16xf32>,
    tpu.vector_store %arg10[%swap3A_418, %swap3A_419], %broadcast_in_dim3A_5 {strides = array<i32>} : memref<32x256xf32, #tpu.memory_space<vmem>>, vector<16xf32>,
    %swap3A_421 = arith.constant 19 : i32
    %swap3A_422 = arith.index_cast %swap3A_421 : i32 to index
    %swap3A_423 = arith.constant 240 : index
    %swap3A_424 = tpu.vector_load %arg10[%swap3A_422, %swap3A_423] {strides = array<i32>} : memref<32x256xf32, #tpu.memory_space<vmem>>, vector<16xf32>,
    tpu.vector_store %arg10[%swap3A_422, %swap3A_423], %broadcast_in_dim3A_5 {strides = array<i32>} : memref<32x256xf32, #tpu.memory_space<vmem>>, vector<16xf32>,
    %swap3A_425 = arith.constant 20 : i32
    %swap3A_426 = arith.index_cast %swap3A_425 : i32 to index
    %swap3A_427 = arith.constant 224 : index
    %swap3A_428 = tpu.vector_load %arg10[%swap3A_426, %swap3A_427] {strides = array<i32>} : memref<32x256xf32, #tpu.memory_space<vmem>>, vector<16xf32>,
    tpu.vector_store %arg10[%swap3A_426, %swap3A_427], %broadcast_in_dim3A_5 {strides = array<i32>} : memref<32x256xf32, #tpu.memory_space<vmem>>, vector<16xf32>,
    %swap3A_429 = arith.constant 20 : i32
    %swap3A_430 = arith.index_cast %swap3A_429 : i32 to index
    %swap3A_431 = arith.constant 240 : index
    %swap3A_432 = tpu.vector_load %arg10[%swap3A_430, %swap3A_431] {strides = array<i32>} : memref<32x256xf32, #tpu.memory_space<vmem>>, vector<16xf32>,
    tpu.vector_store %arg10[%swap3A_430, %swap3A_431], %broadcast_in_dim3A_5 {strides = array<i32>} : memref<32x256xf32, #tpu.memory_space<vmem>>, vector<16xf32>,
    %swap3A_433 = arith.constant 21 : i32
    %swap3A_434 = arith.index_cast %swap3A_433 : i32 to index
    %swap3A_435 = arith.constant 224 : index
    %swap3A_436 = tpu.vector_load %arg10[%swap3A_434, %swap3A_435] {strides = array<i32>} : memref<32x256xf32, #tpu.memory_space<vmem>>, vector<16xf32>,
    tpu.vector_store %arg10[%swap3A_434, %swap3A_435], %broadcast_in_dim3A_5 {strides = array<i32>} : memref<32x256xf32, #tpu.memory_space<vmem>>, vector<16xf32>,
    %swap3A_437 = arith.constant 21 : i32
    %swap3A_438 = arith.index_cast %swap3A_437 : i32 to index
    %swap3A_439 = arith.constant 240 : index
    %swap3A_440 = tpu.vector_load %arg10[%swap3A_438, %swap3A_439] {strides = array<i32>} : memref<32x256xf32, #tpu.memory_space<vmem>>, vector<16xf32>,
    tpu.vector_store %arg10[%swap3A_438, %swap3A_439], %broadcast_in_dim3A_5 {strides = array<i32>} : memref<32x256xf32, #tpu.memory_space<vmem>>, vector<16xf32>,
    %swap3A_441 = arith.constant 22 : i32
    %swap3A_442 = arith.index_cast %swap3A_441 : i32 to index
    %swap3A_443 = arith.constant 224 : index
    %swap3A_444 = tpu.vector_load %arg10[%swap3A_442, %swap3A_443] {strides = array<i32>} : memref<32x256xf32, #tpu.memory_space<vmem>>, vector<16xf32>,
    tpu.vector_store %arg10[%swap3A_442, %swap3A_443], %broadcast_in_dim3A_5 {strides = array<i32>} : memref<32x256xf32, #tpu.memory_space<vmem>>, vector<16xf32>,
    %swap3A_445 = arith.constant 22 : i32
    %swap3A_446 = arith.index_cast %swap3A_445 : i32 to index
    %swap3A_447 = arith.constant 240 : index
    %swap3A_448 = tpu.vector_load %arg10[%swap3A_446, %swap3A_447] {strides = array<i32>} : memref<32x256xf32, #tpu.memory_space<vmem>>, vector<16xf32>,
    tpu.vector_store %arg10[%swap3A_446, %swap3A_447], %broadcast_in_dim3A_5 {strides = array<i32>} : memref<32x256xf32, #tpu.memory_space<vmem>>, vector<16xf32>,
    %swap3A_449 = arith.constant 23 : i32
    %swap3A_450 = arith.index_cast %swap3A_449 : i32 to index
    %swap3A_451 = arith.constant 224 : index
    %swap3A_452 = tpu.vector_load %arg10[%swap3A_450, %swap3A_451] {strides = array<i32>} : memref<32x256xf32, #tpu.memory_space<vmem>>, vector<16xf32>,
    tpu.vector_store %arg10[%swap3A_450, %swap3A_451], %broadcast_in_dim3A_5 {strides = array<i32>} : memref<32x256xf32, #tpu.memory_space<vmem>>, vector<16xf32>,
    %swap3A_453 = arith.constant 23 : i32
    %swap3A_454 = arith.index_cast %swap3A_453 : i32 to index
    %swap3A_455 = arith.constant 240 : index
    %swap3A_456 = tpu.vector_load %arg10[%swap3A_454, %swap3A_455] {strides = array<i32>} : memref<32x256xf32, #tpu.memory_space<vmem>>, vector<16xf32>,
    tpu.vector_store %arg10[%swap3A_454, %swap3A_455], %broadcast_in_dim3A_5 {strides = array<i32>} : memref<32x256xf32, #tpu.memory_space<vmem>>, vector<16xf32>,
    %swap3A_457 = arith.constant 24 : i32
    %swap3A_458 = arith.index_cast %swap3A_457 : i32 to index
    %swap3A_459 = arith.constant 224 : index
    %swap3A_460 = tpu.vector_load %arg10[%swap3A_458, %swap3A_459] {strides = array<i32>} : memref<32x256xf32, #tpu.memory_space<vmem>>, vector<16xf32>,
    tpu.vector_store %arg10[%swap3A_458, %swap3A_459], %broadcast_in_dim3A_5 {strides = array<i32>} : memref<32x256xf32, #tpu.memory_space<vmem>>, vector<16xf32>,
    %swap3A_461 = arith.constant 24 : i32
    %swap3A_462 = arith.index_cast %swap3A_461 : i32 to index
    %swap3A_463 = arith.constant 240 : index
    %swap3A_464 = tpu.vector_load %arg10[%swap3A_462, %swap3A_463] {strides = array<i32>} : memref<32x256xf32, #tpu.memory_space<vmem>>, vector<16xf32>,
    tpu.vector_store %arg10[%swap3A_462, %swap3A_463], %broadcast_in_dim3A_5 {strides = array<i32>} : memref<32x256xf32, #tpu.memory_space<vmem>>, vector<16xf32>,
    %swap3A_465 = arith.constant 25 : i32
    %swap3A_466 = arith.index_cast %swap3A_465 : i32 to index
    %swap3A_467 = arith.constant 224 : index
    %swap3A_468 = tpu.vector_load %arg10[%swap3A_466, %swap3A_467] {strides = array<i32>} : memref<32x256xf32, #tpu.memory_space<vmem>>, vector<16xf32>,
    tpu.vector_store %arg10[%swap3A_466, %swap3A_467], %broadcast_in_dim3A_5 {strides = array<i32>} : memref<32x256xf32, #tpu.memory_space<vmem>>, vector<16xf32>,
    %swap3A_469 = arith.constant 25 : i32
    %swap3A_470 = arith.index_cast %swap3A_469 : i32 to index
    %swap3A_471 = arith.constant 240 : index
    %swap3A_472 = tpu.vector_load %arg10[%swap3A_470, %swap3A_471] {strides = array<i32>} : memref<32x256xf32, #tpu.memory_space<vmem>>, vector<16xf32>,
    tpu.vector_store %arg10[%swap3A_470, %swap3A_471], %broadcast_in_dim3A_5 {strides = array<i32>} : memref<32x256xf32, #tpu.memory_space<vmem>>, vector<16xf32>,
    %swap3A_473 = arith.constant 26 : i32
    %swap3A_474 = arith.index_cast %swap3A_473 : i32 to index
    %swap3A_475 = arith.constant 224 : index
    %swap3A_476 = tpu.vector_load %arg10[%swap3A_474, %swap3A_475] {strides = array<i32>} : memref<32x256xf32, #tpu.memory_space<vmem>>, vector<16xf32>,
    tpu.vector_store %arg10[%swap3A_474, %swap3A_475], %broadcast_in_dim3A_5 {strides = array<i32>} : memref<32x256xf32, #tpu.memory_space<vmem>>, vector<16xf32>,
    %swap3A_477 = arith.constant 26 : i32
    %swap3A_478 = arith.index_cast %swap3A_477 : i32 to index
    %swap3A_479 = arith.constant 240 : index
    %swap3A_480 = tpu.vector_load %arg10[%swap3A_478, %swap3A_479] {strides = array<i32>} : memref<32x256xf32, #tpu.memory_space<vmem>>, vector<16xf32>,
    tpu.vector_store %arg10[%swap3A_478, %swap3A_479], %broadcast_in_dim3A_5 {strides = array<i32>} : memref<32x256xf32, #tpu.memory_space<vmem>>, vector<16xf32>,
    %swap3A_481 = arith.constant 27 : i32
    %swap3A_482 = arith.index_cast %swap3A_481 : i32 to index
    %swap3A_483 = arith.constant 224 : index
    %swap3A_484 = tpu.vector_load %arg10[%swap3A_482, %swap3A_483] {strides = array<i32>} : memref<32x256xf32, #tpu.memory_space<vmem>>, vector<16xf32>,
    tpu.vector_store %arg10[%swap3A_482, %swap3A_483], %broadcast_in_dim3A_5 {strides = array<i32>} : memref<32x256xf32, #tpu.memory_space<vmem>>, vector<16xf32>,
    %swap3A_485 = arith.constant 27 : i32
    %swap3A_486 = arith.index_cast %swap3A_485 : i32 to index
    %swap3A_487 = arith.constant 240 : index
    %swap3A_488 = tpu.vector_load %arg10[%swap3A_486, %swap3A_487] {strides = array<i32>} : memref<32x256xf32, #tpu.memory_space<vmem>>, vector<16xf32>,
    tpu.vector_store %arg10[%swap3A_486, %swap3A_487], %broadcast_in_dim3A_5 {strides = array<i32>} : memref<32x256xf32, #tpu.memory_space<vmem>>, vector<16xf32>,
    %swap3A_489 = arith.constant 28 : i32
    %swap3A_490 = arith.index_cast %swap3A_489 : i32 to index
    %swap3A_491 = arith.constant 224 : index
    %swap3A_492 = tpu.vector_load %arg10[%swap3A_490, %swap3A_491] {strides = array<i32>} : memref<32x256xf32, #tpu.memory_space<vmem>>, vector<16xf32>,
    tpu.vector_store %arg10[%swap3A_490, %swap3A_491], %broadcast_in_dim3A_5 {strides = array<i32>} : memref<32x256xf32, #tpu.memory_space<vmem>>, vector<16xf32>,
    %swap3A_493 = arith.constant 28 : i32
    %swap3A_494 = arith.index_cast %swap3A_493 : i32 to index
    %swap3A_495 = arith.constant 240 : index
    %swap3A_496 = tpu.vector_load %arg10[%swap3A_494, %swap3A_495] {strides = array<i32>} : memref<32x256xf32, #tpu.memory_space<vmem>>, vector<16xf32>,
    tpu.vector_store %arg10[%swap3A_494, %swap3A_495], %broadcast_in_dim3A_5 {strides = array<i32>} : memref<32x256xf32, #tpu.memory_space<vmem>>, vector<16xf32>,
    %swap3A_497 = arith.constant 29 : i32
    %swap3A_498 = arith.index_cast %swap3A_497 : i32 to index
    %swap3A_499 = arith.constant 224 : index
    %swap3A_500 = tpu.vector_load %arg10[%swap3A_498, %swap3A_499] {strides = array<i32>} : memref<32x256xf32, #tpu.memory_space<vmem>>, vector<16xf32>,
    tpu.vector_store %arg10[%swap3A_498, %swap3A_499], %broadcast_in_dim3A_5 {strides = array<i32>} : memref<32x256xf32, #tpu.memory_space<vmem>>, vector<16xf32>,
    %swap3A_501 = arith.constant 29 : i32
    %swap3A_502 = arith.index_cast %swap3A_501 : i32 to index
    %swap3A_503 = arith.constant 240 : index
    %swap3A_504 = tpu.vector_load %arg10[%swap3A_502, %swap3A_503] {strides = array<i32>} : memref<32x256xf32, #tpu.memory_space<vmem>>, vector<16xf32>,
    tpu.vector_store %arg10[%swap3A_502, %swap3A_503], %broadcast_in_dim3A_5 {strides = array<i32>} : memref<32x256xf32, #tpu.memory_space<vmem>>, vector<16xf32>,
    %swap3A_505 = arith.constant 30 : i32
    %swap3A_506 = arith.index_cast %swap3A_505 : i32 to index
    %swap3A_507 = arith.constant 224 : index
    %swap3A_508 = tpu.vector_load %arg10[%swap3A_506, %swap3A_507] {strides = array<i32>} : memref<32x256xf32, #tpu.memory_space<vmem>>, vector<16xf32>,
    tpu.vector_store %arg10[%swap3A_506, %swap3A_507], %broadcast_in_dim3A_5 {strides = array<i32>} : memref<32x256xf32, #tpu.memory_space<vmem>>, vector<16xf32>,
    %swap3A_509 = arith.constant 30 : i32
    %swap3A_510 = arith.index_cast %swap3A_509 : i32 to index
    %swap3A_511 = arith.constant 240 : index
    %swap3A_512 = tpu.vector_load %arg10[%swap3A_510, %swap3A_511] {strides = array<i32>} : memref<32x256xf32, #tpu.memory_space<vmem>>, vector<16xf32>,
    tpu.vector_store %arg10[%swap3A_510, %swap3A_511], %broadcast_in_dim3A_5 {strides = array<i32>} : memref<32x256xf32, #tpu.memory_space<vmem>>, vector<16xf32>,
    %swap3A_513 = arith.constant 31 : i32
    %swap3A_514 = arith.index_cast %swap3A_513 : i32 to index
    %swap3A_515 = arith.constant 224 : index
    %swap3A_516 = tpu.vector_load %arg10[%swap3A_514, %swap3A_515] {strides = array<i32>} : memref<32x256xf32, #tpu.memory_space<vmem>>, vector<16xf32>,
    tpu.vector_store %arg10[%swap3A_514, %swap3A_515], %broadcast_in_dim3A_5 {strides = array<i32>} : memref<32x256xf32, #tpu.memory_space<vmem>>, vector<16xf32>,
    %swap3A_517 = arith.constant 31 : i32
    %swap3A_518 = arith.index_cast %swap3A_517 : i32 to index
    %swap3A_519 = arith.constant 240 : index
    %swap3A_520 = tpu.vector_load %arg10[%swap3A_518, %swap3A_519] {strides = array<i32>} : memref<32x256xf32, #tpu.memory_space<vmem>>, vector<16xf32>,
    tpu.vector_store %arg10[%swap3A_518, %swap3A_519], %broadcast_in_dim3A_5 {strides = array<i32>} : memref<32x256xf32, #tpu.memory_space<vmem>>, vector<16xf32>,
    %add3A_521 = arith.constant 0 : i32
    %add3A_522 = arith.addi %mul3A_2, %add3A_521 : i32
    %dma_start3A = arith.constant 0 : i32
    %dma_start3A_523 = tpu.memref_slice %arg2[%add3A_522, %dma_start3A] : memref<16384x200xf32, #tpu.memory_space<hbm>> -> memref<32x200xf32, #tpu.memory_space<hbm>>
    %dma_start3A_524 = arith.constant 0 : i32
    %dma_start3A_525 = tpu.memref_slice %arg2[%add3A_522, %dma_start3A_524] : memref<16384x200xf32, #tpu.memory_space<hbm>> -> memref<32x200xf32, #tpu.memory_space<hbm>>
    tpu.enqueue_dma source(%dma_start3A_525 : memref<32x200xf32, #tpu.memory_space<hbm>>) target(%arg5 : memref<32x200xf32, #tpu.memory_space<vmem>>) target_semaphore(%arg11 : memref<!tpu.dma_semaphore, #tpu.memory_space<semaphore_mem>>)
    %dma_start3A_526 = arith.constant 0 : i32
    %dma_start3A_527 = tpu.memref_slice %arg3[%add3A_522, %dma_start3A_526] : memref<16384x200xf32, #tpu.memory_space<hbm>> -> memref<32x200xf32, #tpu.memory_space<hbm>>
    %dma_start3A_528 = arith.constant 0 : i32
    %dma_start3A_529 = tpu.memref_slice %arg3[%add3A_522, %dma_start3A_528] : memref<16384x200xf32, #tpu.memory_space<hbm>> -> memref<32x200xf32, #tpu.memory_space<hbm>>
    tpu.enqueue_dma source(%dma_start3A_529 : memref<32x200xf32, #tpu.memory_space<hbm>>) target(%arg6 : memref<32x200xf32, #tpu.memory_space<vmem>>) target_semaphore(%arg11 : memref<!tpu.dma_semaphore, #tpu.memory_space<semaphore_mem>>)
    %scan3A = arith.constant 0 : i32
    %scan3A_530 = arith.constant 0 : i32
    %scan3A_531 = arith.constant 8 : i32
    %scan3A_532 = arith.addi %scan3A_530, %scan3A_531 : i32
    %scan3A_533 = arith.constant 1 : i32
    %scan3A_534 = scf.for %scan3A_547 = %scan3A_530 to %scan3A_532 step %scan3A_533 iter_args(%scan3A_548 = %scan3A) -> (i32)  : i32 {
      %mul3A_549 = arith.constant 2 : i32
      %mul3A_550 = arith.muli %mul3A_549, %scan3A_547 : i32
      %add3A_551 = arith.constant 0 : i32
      %add3A_552 = arith.addi %mul3A_550, %add3A_551 : i32
      %add3A_553 = arith.constant 1 : i32
      %add3A_554 = arith.addi %add3A_552, %add3A_553 : i32
      %lt3A_555 = arith.constant 16 : i32
      %lt3A_556 = arith.cmpi slt, %add3A_554, %lt3A_555 : i32
      %convert_element_type3A = arith.extui %lt3A_556 : i1 to i32
      %cond3A = arith.constant 0 : i32
      %cond3A_557 = arith.cmpi ne, %convert_element_type3A, %cond3A : i32
      scf.if %cond3A_557 {
        %add3A_620 = arith.constant 1 : i32
        %add3A_621 = arith.addi %add3A_552, %add3A_620 : i32
        %mul3A_622 = arith.constant 32 : i32
        %mul3A_623 = arith.muli %add3A_621, %mul3A_622 : i32
        %add3A_624 = arith.addi %mul3A_2, %mul3A_623 : i32
        %dma_start3A_625 = arith.constant 0 : i32
        %dma_start3A_626 = tpu.memref_slice %arg2[%add3A_624, %dma_start3A_625] : memref<16384x200xf32, #tpu.memory_space<hbm>> -> memref<32x200xf32, #tpu.memory_space<hbm>>
        %dma_start3A_627 = arith.constant 0 : i32
        %dma_start3A_628 = tpu.memref_slice %arg2[%add3A_624, %dma_start3A_627] : memref<16384x200xf32, #tpu.memory_space<hbm>> -> memref<32x200xf32, #tpu.memory_space<hbm>>
        tpu.enqueue_dma source(%dma_start3A_628 : memref<32x200xf32, #tpu.memory_space<hbm>>) target(%arg8 : memref<32x200xf32, #tpu.memory_space<vmem>>) target_semaphore(%arg12 : memref<!tpu.dma_semaphore, #tpu.memory_space<semaphore_mem>>)
        %dma_start3A_629 = arith.constant 0 : i32
        %dma_start3A_630 = tpu.memref_slice %arg3[%add3A_624, %dma_start3A_629] : memref<16384x200xf32, #tpu.memory_space<hbm>> -> memref<32x200xf32, #tpu.memory_space<hbm>>
        %dma_start3A_631 = arith.constant 0 : i32
        %dma_start3A_632 = tpu.memref_slice %arg3[%add3A_624, %dma_start3A_631] : memref<16384x200xf32, #tpu.memory_space<hbm>> -> memref<32x200xf32, #tpu.memory_space<hbm>>
        tpu.enqueue_dma source(%dma_start3A_632 : memref<32x200xf32, #tpu.memory_space<hbm>>) target(%arg9 : memref<32x200xf32, #tpu.memory_space<vmem>>) target_semaphore(%arg12 : memref<!tpu.dma_semaphore, #tpu.memory_space<semaphore_mem>>)
      } else {
      }
      %mul3A_558 = arith.constant 32 : i32
      %mul3A_559 = arith.muli %add3A_552, %mul3A_558 : i32
      %add3A_560 = arith.addi %mul3A_2, %mul3A_559 : i32
      %dma_wait3A_561 = arith.constant 0 : i32
      %dma_wait3A_562 = tpu.memref_slice %arg2[%add3A_560, %dma_wait3A_561] : memref<16384x200xf32, #tpu.memory_space<hbm>> -> memref<32x200xf32, #tpu.memory_space<hbm>>
      %dma_wait3A_563 = arith.constant 0 : i32
      %dma_wait3A_564 = tpu.memref_slice %arg2[%add3A_560, %dma_wait3A_563] : memref<16384x200xf32, #tpu.memory_space<hbm>> -> memref<32x200xf32, #tpu.memory_space<hbm>>
      tpu.wait_dma2 semaphore(%arg11 : memref<!tpu.dma_semaphore, #tpu.memory_space<semaphore_mem>>) src(%dma_wait3A_564 : memref<32x200xf32, #tpu.memory_space<hbm>>) dst(%arg5 : memref<32x200xf32, #tpu.memory_space<vmem>>)
      %dma_wait3A_565 = arith.constant 0 : i32
      %dma_wait3A_566 = tpu.memref_slice %arg3[%add3A_560, %dma_wait3A_565] : memref<16384x200xf32, #tpu.memory_space<hbm>> -> memref<32x200xf32, #tpu.memory_space<hbm>>
      %dma_wait3A_567 = arith.constant 0 : i32
      %dma_wait3A_568 = tpu.memref_slice %arg3[%add3A_560, %dma_wait3A_567] : memref<16384x200xf32, #tpu.memory_space<hbm>> -> memref<32x200xf32, #tpu.memory_space<hbm>>
      tpu.wait_dma2 semaphore(%arg11 : memref<!tpu.dma_semaphore, #tpu.memory_space<semaphore_mem>>) src(%dma_wait3A_568 : memref<32x200xf32, #tpu.memory_space<hbm>>) dst(%arg6 : memref<32x200xf32, #tpu.memory_space<vmem>>)
      %ge3A = arith.constant 2 : i32
      %ge3A_569 = arith.cmpi sge, %add3A_552, %ge3A : i32
      %convert_element_type3A_570 = arith.extui %ge3A_569 : i1 to i32
      %cond3A_571 = arith.constant 0 : i32
      %cond3A_572 = arith.cmpi ne, %convert_element_type3A_570, %cond3A_571 : i32
      scf.if %cond3A_572 {
        %sub3A = arith.constant 2 : i32
        %sub3A_620 = arith.subi %add3A_552, %sub3A : i32
        %mul3A_621 = arith.constant 32 : i32
        %mul3A_622 = arith.muli %sub3A_620, %mul3A_621 : i32
        %add3A_623 = arith.addi %mul3A_2, %mul3A_622 : i32
        %dma_wait3A_624 = arith.constant 0 : i32
        %dma_wait3A_625 = tpu.memref_slice %arg4[%add3A_623, %dma_wait3A_624] : memref<16384x256xf32, #tpu.memory_space<hbm>> -> memref<32x256xf32, #tpu.memory_space<hbm>>
        %dma_wait3A_626 = arith.constant 0 : i32
        %dma_wait3A_627 = tpu.memref_slice %arg4[%add3A_623, %dma_wait3A_626] : memref<16384x256xf32, #tpu.memory_space<hbm>> -> memref<32x256xf32, #tpu.memory_space<hbm>>
        tpu.wait_dma2 semaphore(%arg13 : memref<!tpu.dma_semaphore, #tpu.memory_space<semaphore_mem>>) src(%arg7 : memref<32x256xf32, #tpu.memory_space<vmem>>) dst(%dma_wait3A_627 : memref<32x256xf32, #tpu.memory_space<hbm>>)
      } else {
      }
      %parallel_loop3A = arith.constant 0 : i32
      %parallel_loop3A_573 = arith.constant 32 : i32
      %parallel_loop3A_574 = arith.constant 1 : i32
      scf.for %parallel_loop3A_620 = %parallel_loop3A to %parallel_loop3A_573 step %parallel_loop3A_574  : i32 {
        %parallel_loop3A_621 = arith.index_cast %parallel_loop3A_620 : i32 to index
        %parallel_loop3A_622 = arith.constant 0 : index
        %parallel_loop3A_623 = tpu.vector_load %arg5[%parallel_loop3A_621, %parallel_loop3A_622] {strides = array<i32>} : memref<32x200xf32, #tpu.memory_space<vmem>>, vector<16xf32>,
        %parallel_loop3A_624 = arith.index_cast %parallel_loop3A_620 : i32 to index
        %parallel_loop3A_625 = arith.constant 16 : index
        %parallel_loop3A_626 = tpu.vector_load %arg5[%parallel_loop3A_624, %parallel_loop3A_625] {strides = array<i32>} : memref<32x200xf32, #tpu.memory_space<vmem>>, vector<16xf32>,
        %parallel_loop3A_627 = arith.index_cast %parallel_loop3A_620 : i32 to index
        %parallel_loop3A_628 = arith.constant 32 : index
        %parallel_loop3A_629 = tpu.vector_load %arg5[%parallel_loop3A_627, %parallel_loop3A_628] {strides = array<i32>} : memref<32x200xf32, #tpu.memory_space<vmem>>, vector<16xf32>,
        %parallel_loop3A_630 = arith.index_cast %parallel_loop3A_620 : i32 to index
        %parallel_loop3A_631 = arith.constant 48 : index
        %parallel_loop3A_632 = tpu.vector_load %arg5[%parallel_loop3A_630, %parallel_loop3A_631] {strides = array<i32>} : memref<32x200xf32, #tpu.memory_space<vmem>>, vector<16xf32>,
        %parallel_loop3A_633 = arith.index_cast %parallel_loop3A_620 : i32 to index
        %parallel_loop3A_634 = arith.constant 64 : index
        %parallel_loop3A_635 = tpu.vector_load %arg5[%parallel_loop3A_633, %parallel_loop3A_634] {strides = array<i32>} : memref<32x200xf32, #tpu.memory_space<vmem>>, vector<16xf32>,
        %parallel_loop3A_636 = arith.index_cast %parallel_loop3A_620 : i32 to index
        %parallel_loop3A_637 = arith.constant 80 : index
        %parallel_loop3A_638 = tpu.vector_load %arg5[%parallel_loop3A_636, %parallel_loop3A_637] {strides = array<i32>} : memref<32x200xf32, #tpu.memory_space<vmem>>, vector<16xf32>,
        %parallel_loop3A_639 = arith.index_cast %parallel_loop3A_620 : i32 to index
        %parallel_loop3A_640 = arith.constant 96 : index
        %parallel_loop3A_641 = tpu.vector_load %arg5[%parallel_loop3A_639, %parallel_loop3A_640] {strides = array<i32>} : memref<32x200xf32, #tpu.memory_space<vmem>>, vector<16xf32>,
        %parallel_loop3A_642 = arith.index_cast %parallel_loop3A_620 : i32 to index
        %parallel_loop3A_643 = arith.constant 112 : index
        %parallel_loop3A_644 = tpu.vector_load %arg5[%parallel_loop3A_642, %parallel_loop3A_643] {strides = array<i32>} : memref<32x200xf32, #tpu.memory_space<vmem>>, vector<16xf32>,
        %parallel_loop3A_645 = arith.index_cast %parallel_loop3A_620 : i32 to index
        %parallel_loop3A_646 = arith.constant 128 : index
        %parallel_loop3A_647 = tpu.vector_load %arg5[%parallel_loop3A_645, %parallel_loop3A_646] {strides = array<i32>} : memref<32x200xf32, #tpu.memory_space<vmem>>, vector<16xf32>,
        %parallel_loop3A_648 = arith.index_cast %parallel_loop3A_620 : i32 to index
        %parallel_loop3A_649 = arith.constant 144 : index
        %parallel_loop3A_650 = tpu.vector_load %arg5[%parallel_loop3A_648, %parallel_loop3A_649] {strides = array<i32>} : memref<32x200xf32, #tpu.memory_space<vmem>>, vector<16xf32>,
        %parallel_loop3A_651 = arith.index_cast %parallel_loop3A_620 : i32 to index
        %parallel_loop3A_652 = arith.constant 160 : index
        %parallel_loop3A_653 = tpu.vector_load %arg5[%parallel_loop3A_651, %parallel_loop3A_652] {strides = array<i32>} : memref<32x200xf32, #tpu.memory_space<vmem>>, vector<16xf32>,
        %parallel_loop3A_654 = arith.index_cast %parallel_loop3A_620 : i32 to index
        %parallel_loop3A_655 = arith.constant 176 : index
        %parallel_loop3A_656 = tpu.vector_load %arg5[%parallel_loop3A_654, %parallel_loop3A_655] {strides = array<i32>} : memref<32x200xf32, #tpu.memory_space<vmem>>, vector<16xf32>,
        %parallel_loop3A_657 = arith.index_cast %parallel_loop3A_620 : i32 to index
        %parallel_loop3A_658 = arith.constant 0 : index
        %parallel_loop3A_659 = tpu.vector_load %arg6[%parallel_loop3A_657, %parallel_loop3A_658] {strides = array<i32>} : memref<32x200xf32, #tpu.memory_space<vmem>>, vector<16xf32>,
        %parallel_loop3A_660 = arith.index_cast %parallel_loop3A_620 : i32 to index
        %parallel_loop3A_661 = arith.constant 16 : index
        %parallel_loop3A_662 = tpu.vector_load %arg6[%parallel_loop3A_660, %parallel_loop3A_661] {strides = array<i32>} : memref<32x200xf32, #tpu.memory_space<vmem>>, vector<16xf32>,
        %parallel_loop3A_663 = arith.index_cast %parallel_loop3A_620 : i32 to index
        %parallel_loop3A_664 = arith.constant 32 : index
        %parallel_loop3A_665 = tpu.vector_load %arg6[%parallel_loop3A_663, %parallel_loop3A_664] {strides = array<i32>} : memref<32x200xf32, #tpu.memory_space<vmem>>, vector<16xf32>,
        %parallel_loop3A_666 = arith.index_cast %parallel_loop3A_620 : i32 to index
        %parallel_loop3A_667 = arith.constant 48 : index
        %parallel_loop3A_668 = tpu.vector_load %arg6[%parallel_loop3A_666, %parallel_loop3A_667] {strides = array<i32>} : memref<32x200xf32, #tpu.memory_space<vmem>>, vector<16xf32>,
        %parallel_loop3A_669 = arith.index_cast %parallel_loop3A_620 : i32 to index
        %parallel_loop3A_670 = arith.constant 64 : index
        %parallel_loop3A_671 = tpu.vector_load %arg6[%parallel_loop3A_669, %parallel_loop3A_670] {strides = array<i32>} : memref<32x200xf32, #tpu.memory_space<vmem>>, vector<16xf32>,
        %parallel_loop3A_672 = arith.index_cast %parallel_loop3A_620 : i32 to index
        %parallel_loop3A_673 = arith.constant 80 : index
        %parallel_loop3A_674 = tpu.vector_load %arg6[%parallel_loop3A_672, %parallel_loop3A_673] {strides = array<i32>} : memref<32x200xf32, #tpu.memory_space<vmem>>, vector<16xf32>,
        %parallel_loop3A_675 = arith.index_cast %parallel_loop3A_620 : i32 to index
        %parallel_loop3A_676 = arith.constant 96 : index
        %parallel_loop3A_677 = tpu.vector_load %arg6[%parallel_loop3A_675, %parallel_loop3A_676] {strides = array<i32>} : memref<32x200xf32, #tpu.memory_space<vmem>>, vector<16xf32>,
        %parallel_loop3A_678 = arith.index_cast %parallel_loop3A_620 : i32 to index
        %parallel_loop3A_679 = arith.constant 112 : index
        %parallel_loop3A_680 = tpu.vector_load %arg6[%parallel_loop3A_678, %parallel_loop3A_679] {strides = array<i32>} : memref<32x200xf32, #tpu.memory_space<vmem>>, vector<16xf32>,
        %parallel_loop3A_681 = arith.index_cast %parallel_loop3A_620 : i32 to index
        %parallel_loop3A_682 = arith.constant 128 : index
        %parallel_loop3A_683 = tpu.vector_load %arg6[%parallel_loop3A_681, %parallel_loop3A_682] {strides = array<i32>} : memref<32x200xf32, #tpu.memory_space<vmem>>, vector<16xf32>,
        %parallel_loop3A_684 = arith.index_cast %parallel_loop3A_620 : i32 to index
        %parallel_loop3A_685 = arith.constant 144 : index
        %parallel_loop3A_686 = tpu.vector_load %arg6[%parallel_loop3A_684, %parallel_loop3A_685] {strides = array<i32>} : memref<32x200xf32, #tpu.memory_space<vmem>>, vector<16xf32>,
        %parallel_loop3A_687 = arith.index_cast %parallel_loop3A_620 : i32 to index
        %parallel_loop3A_688 = arith.constant 160 : index
        %parallel_loop3A_689 = tpu.vector_load %arg6[%parallel_loop3A_687, %parallel_loop3A_688] {strides = array<i32>} : memref<32x200xf32, #tpu.memory_space<vmem>>, vector<16xf32>,
        %parallel_loop3A_690 = arith.index_cast %parallel_loop3A_620 : i32 to index
        %parallel_loop3A_691 = arith.constant 176 : index
        %parallel_loop3A_692 = tpu.vector_load %arg6[%parallel_loop3A_690, %parallel_loop3A_691] {strides = array<i32>} : memref<32x200xf32, #tpu.memory_space<vmem>>, vector<16xf32>,
        %parallel_loop3A_693 = arith.index_cast %parallel_loop3A_620 : i32 to index
        %parallel_loop3A_694 = arith.constant 184 : index
        %parallel_loop3A_695 = tpu.vector_load %arg5[%parallel_loop3A_693, %parallel_loop3A_694] {strides = array<i32>} : memref<32x200xf32, #tpu.memory_space<vmem>>, vector<16xf32>,
        %parallel_loop3A_696 = arith.index_cast %parallel_loop3A_620 : i32 to index
        %parallel_loop3A_697 = arith.constant 184 : index
        %parallel_loop3A_698 = tpu.vector_load %arg6[%parallel_loop3A_696, %parallel_loop3A_697] {strides = array<i32>} : memref<32x200xf32, #tpu.memory_space<vmem>>, vector<16xf32>,
        %parallel_loop3A_699 = arith.select %lt3A_7, %broadcast_in_dim3A_3, %parallel_loop3A_695 : vector<16xi1>, vector<16xf32>
        %parallel_loop3A_700 = arith.select %lt3A_7, %broadcast_in_dim3A_3, %parallel_loop3A_698 : vector<16xi1>, vector<16xf32>
        %parallel_loop3A_701 = arith.select %lt3A_7, %broadcast_in_dim3A_5, %parallel_loop3A_698 : vector<16xi1>, vector<16xf32>
        %parallel_loop3A_702 = arith.addf %parallel_loop3A_701, %parallel_loop3A_659 : vector<16xf32>
        %parallel_loop3A_703 = arith.addf %parallel_loop3A_702, %parallel_loop3A_662 : vector<16xf32>
        %parallel_loop3A_704 = arith.addf %parallel_loop3A_703, %parallel_loop3A_665 : vector<16xf32>
        %parallel_loop3A_705 = arith.addf %parallel_loop3A_704, %parallel_loop3A_668 : vector<16xf32>
        %parallel_loop3A_706 = arith.addf %parallel_loop3A_705, %parallel_loop3A_671 : vector<16xf32>
        %parallel_loop3A_707 = arith.addf %parallel_loop3A_706, %parallel_loop3A_674 : vector<16xf32>
        %parallel_loop3A_708 = arith.addf %parallel_loop3A_707, %parallel_loop3A_677 : vector<16xf32>
        %parallel_loop3A_709 = arith.addf %parallel_loop3A_708, %parallel_loop3A_680 : vector<16xf32>
        %parallel_loop3A_710 = arith.addf %parallel_loop3A_709, %parallel_loop3A_683 : vector<16xf32>
        %parallel_loop3A_711 = arith.addf %parallel_loop3A_710, %parallel_loop3A_686 : vector<16xf32>
        %parallel_loop3A_712 = arith.addf %parallel_loop3A_711, %parallel_loop3A_689 : vector<16xf32>
        %parallel_loop3A_713 = arith.addf %parallel_loop3A_712, %parallel_loop3A_692 : vector<16xf32>
        %parallel_loop3A_714 = arith.constant true
        %parallel_loop3A_715 = vector.broadcast %parallel_loop3A_714 : i1 to vector<16xi1>
        %parallel_loop3A_716 = tpu.scan <sum>, %parallel_loop3A_713 masked %parallel_loop3A_715 : vector<16xf32>, vector<16xi1> -> vector<16xf32>
        %parallel_loop3A_717 = vector.extract %parallel_loop3A_716[15] : f32 from vector<16xf32>
        %parallel_loop3A_718 = arith.constant dense<true> : vector<16xi1>
        %parallel_loop3A_719, %parallel_loop3A_720, %parallel_loop3A_721 = tpu.sort %parallel_loop3A_623, %parallel_loop3A_659 masked %parallel_loop3A_718 {descending = true} : (vector<16xf32>, vector<16xf32>, vector<16xi1>) -> (vector<16xi1>, vector<16xf32>, vector<16xf32>)
        %parallel_loop3A_722 = arith.constant dense<true> : vector<16xi1>
        %parallel_loop3A_723, %parallel_loop3A_724, %parallel_loop3A_725 = tpu.sort %parallel_loop3A_626, %parallel_loop3A_662 masked %parallel_loop3A_722 : (vector<16xf32>, vector<16xf32>, vector<16xi1>) -> (vector<16xi1>, vector<16xf32>, vector<16xf32>)
        %parallel_loop3A_726 = arith.constant dense<true> : vector<16xi1>
        %parallel_loop3A_727, %parallel_loop3A_728, %parallel_loop3A_729 = tpu.sort %parallel_loop3A_629, %parallel_loop3A_665 masked %parallel_loop3A_726 {descending = true} : (vector<16xf32>, vector<16xf32>, vector<16xi1>) -> (vector<16xi1>, vector<16xf32>, vector<16xf32>)
        %parallel_loop3A_730 = arith.constant dense<true> : vector<16xi1>
        %parallel_loop3A_731, %parallel_loop3A_732, %parallel_loop3A_733 = tpu.sort %parallel_loop3A_632, %parallel_loop3A_668 masked %parallel_loop3A_730 : (vector<16xf32>, vector<16xf32>, vector<16xi1>) -> (vector<16xi1>, vector<16xf32>, vector<16xf32>)
        %parallel_loop3A_734 = arith.constant dense<true> : vector<16xi1>
        %parallel_loop3A_735, %parallel_loop3A_736, %parallel_loop3A_737 = tpu.sort %parallel_loop3A_635, %parallel_loop3A_671 masked %parallel_loop3A_734 {descending = true} : (vector<16xf32>, vector<16xf32>, vector<16xi1>) -> (vector<16xi1>, vector<16xf32>, vector<16xf32>)
        %parallel_loop3A_738 = arith.constant dense<true> : vector<16xi1>
        %parallel_loop3A_739, %parallel_loop3A_740, %parallel_loop3A_741 = tpu.sort %parallel_loop3A_638, %parallel_loop3A_674 masked %parallel_loop3A_738 : (vector<16xf32>, vector<16xf32>, vector<16xi1>) -> (vector<16xi1>, vector<16xf32>, vector<16xf32>)
        %parallel_loop3A_742 = arith.constant dense<true> : vector<16xi1>
        %parallel_loop3A_743, %parallel_loop3A_744, %parallel_loop3A_745 = tpu.sort %parallel_loop3A_641, %parallel_loop3A_677 masked %parallel_loop3A_742 {descending = true} : (vector<16xf32>, vector<16xf32>, vector<16xi1>) -> (vector<16xi1>, vector<16xf32>, vector<16xf32>)
        %parallel_loop3A_746 = arith.constant dense<true> : vector<16xi1>
        %parallel_loop3A_747, %parallel_loop3A_748, %parallel_loop3A_749 = tpu.sort %parallel_loop3A_644, %parallel_loop3A_680 masked %parallel_loop3A_746 : (vector<16xf32>, vector<16xf32>, vector<16xi1>) -> (vector<16xi1>, vector<16xf32>, vector<16xf32>)
        %parallel_loop3A_750 = arith.constant dense<true> : vector<16xi1>
        %parallel_loop3A_751, %parallel_loop3A_752, %parallel_loop3A_753 = tpu.sort %parallel_loop3A_647, %parallel_loop3A_683 masked %parallel_loop3A_750 {descending = true} : (vector<16xf32>, vector<16xf32>, vector<16xi1>) -> (vector<16xi1>, vector<16xf32>, vector<16xf32>)
        %parallel_loop3A_754 = arith.constant dense<true> : vector<16xi1>
        %parallel_loop3A_755, %parallel_loop3A_756, %parallel_loop3A_757 = tpu.sort %parallel_loop3A_650, %parallel_loop3A_686 masked %parallel_loop3A_754 : (vector<16xf32>, vector<16xf32>, vector<16xi1>) -> (vector<16xi1>, vector<16xf32>, vector<16xf32>)
        %parallel_loop3A_758 = arith.constant dense<true> : vector<16xi1>
        %parallel_loop3A_759, %parallel_loop3A_760, %parallel_loop3A_761 = tpu.sort %parallel_loop3A_653, %parallel_loop3A_689 masked %parallel_loop3A_758 {descending = true} : (vector<16xf32>, vector<16xf32>, vector<16xi1>) -> (vector<16xi1>, vector<16xf32>, vector<16xf32>)
        %parallel_loop3A_762 = arith.constant dense<true> : vector<16xi1>
        %parallel_loop3A_763, %parallel_loop3A_764, %parallel_loop3A_765 = tpu.sort %parallel_loop3A_656, %parallel_loop3A_692 masked %parallel_loop3A_762 : (vector<16xf32>, vector<16xf32>, vector<16xi1>) -> (vector<16xi1>, vector<16xf32>, vector<16xf32>)
        %parallel_loop3A_766 = arith.constant dense<true> : vector<16xi1>
        %parallel_loop3A_767, %parallel_loop3A_768, %parallel_loop3A_769 = tpu.sort %parallel_loop3A_699, %parallel_loop3A_700 masked %parallel_loop3A_766 {descending = true} : (vector<16xf32>, vector<16xf32>, vector<16xi1>) -> (vector<16xi1>, vector<16xf32>, vector<16xf32>)
        %parallel_loop3A_770 = arith.cmpf ogt, %parallel_loop3A_724, %parallel_loop3A_720 : vector<16xf32>
        %parallel_loop3A_771 = arith.select %parallel_loop3A_770, %parallel_loop3A_724, %parallel_loop3A_720 : vector<16xi1>, vector<16xf32>
        %parallel_loop3A_772 = arith.select %parallel_loop3A_770, %parallel_loop3A_725, %parallel_loop3A_721 : vector<16xi1>, vector<16xf32>
        %parallel_loop3A_773 = arith.select %parallel_loop3A_770, %parallel_loop3A_720, %parallel_loop3A_724 : vector<16xi1>, vector<16xf32>
        %parallel_loop3A_774 = arith.select %parallel_loop3A_770, %parallel_loop3A_721, %parallel_loop3A_725 : vector<16xi1>, vector<16xf32>
        %parallel_loop3A_775 = arith.cmpf olt, %parallel_loop3A_732, %parallel_loop3A_728 : vector<16xf32>
        %parallel_loop3A_776 = arith.select %parallel_loop3A_775, %parallel_loop3A_732, %parallel_loop3A_728 : vector<16xi1>, vector<16xf32>
        %parallel_loop3A_777 = arith.select %parallel_loop3A_775, %parallel_loop3A_733, %parallel_loop3A_729 : vector<16xi1>, vector<16xf32>
        %parallel_loop3A_778 = arith.select %parallel_loop3A_775, %parallel_loop3A_728, %parallel_loop3A_732 : vector<16xi1>, vector<16xf32>
        %parallel_loop3A_779 = arith.select %parallel_loop3A_775, %parallel_loop3A_729, %parallel_loop3A_733 : vector<16xi1>, vector<16xf32>
        %parallel_loop3A_780 = arith.cmpf ogt, %parallel_loop3A_740, %parallel_loop3A_736 : vector<16xf32>
        %parallel_loop3A_781 = arith.select %parallel_loop3A_780, %parallel_loop3A_740, %parallel_loop3A_736 : vector<16xi1>, vector<16xf32>
        %parallel_loop3A_782 = arith.select %parallel_loop3A_780, %parallel_loop3A_741, %parallel_loop3A_737 : vector<16xi1>, vector<16xf32>
        %parallel_loop3A_783 = arith.select %parallel_loop3A_780, %parallel_loop3A_736, %parallel_loop3A_740 : vector<16xi1>, vector<16xf32>
        %parallel_loop3A_784 = arith.select %parallel_loop3A_780, %parallel_loop3A_737, %parallel_loop3A_741 : vector<16xi1>, vector<16xf32>
        %parallel_loop3A_785 = arith.cmpf olt, %parallel_loop3A_748, %parallel_loop3A_744 : vector<16xf32>
        %parallel_loop3A_786 = arith.select %parallel_loop3A_785, %parallel_loop3A_748, %parallel_loop3A_744 : vector<16xi1>, vector<16xf32>
        %parallel_loop3A_787 = arith.select %parallel_loop3A_785, %parallel_loop3A_749, %parallel_loop3A_745 : vector<16xi1>, vector<16xf32>
        %parallel_loop3A_788 = arith.select %parallel_loop3A_785, %parallel_loop3A_744, %parallel_loop3A_748 : vector<16xi1>, vector<16xf32>
        %parallel_loop3A_789 = arith.select %parallel_loop3A_785, %parallel_loop3A_745, %parallel_loop3A_749 : vector<16xi1>, vector<16xf32>
        %parallel_loop3A_790 = arith.cmpf ogt, %parallel_loop3A_756, %parallel_loop3A_752 : vector<16xf32>
        %parallel_loop3A_791 = arith.select %parallel_loop3A_790, %parallel_loop3A_756, %parallel_loop3A_752 : vector<16xi1>, vector<16xf32>
        %parallel_loop3A_792 = arith.select %parallel_loop3A_790, %parallel_loop3A_757, %parallel_loop3A_753 : vector<16xi1>, vector<16xf32>
        %parallel_loop3A_793 = arith.select %parallel_loop3A_790, %parallel_loop3A_752, %parallel_loop3A_756 : vector<16xi1>, vector<16xf32>
        %parallel_loop3A_794 = arith.select %parallel_loop3A_790, %parallel_loop3A_753, %parallel_loop3A_757 : vector<16xi1>, vector<16xf32>
        %parallel_loop3A_795 = arith.cmpf olt, %parallel_loop3A_764, %parallel_loop3A_760 : vector<16xf32>
        %parallel_loop3A_796 = arith.select %parallel_loop3A_795, %parallel_loop3A_764, %parallel_loop3A_760 : vector<16xi1>, vector<16xf32>
        %parallel_loop3A_797 = arith.select %parallel_loop3A_795, %parallel_loop3A_765, %parallel_loop3A_761 : vector<16xi1>, vector<16xf32>
        %parallel_loop3A_798 = arith.select %parallel_loop3A_795, %parallel_loop3A_760, %parallel_loop3A_764 : vector<16xi1>, vector<16xf32>
        %parallel_loop3A_799 = arith.select %parallel_loop3A_795, %parallel_loop3A_761, %parallel_loop3A_765 : vector<16xi1>, vector<16xf32>
        %parallel_loop3A_800 = arith.constant dense<true> : vector<16xi1>
        %parallel_loop3A_801, %parallel_loop3A_802, %parallel_loop3A_803 = tpu.sort %parallel_loop3A_771, %parallel_loop3A_772 masked %parallel_loop3A_800 {descending = true} : (vector<16xf32>, vector<16xf32>, vector<16xi1>) -> (vector<16xi1>, vector<16xf32>, vector<16xf32>)
        %parallel_loop3A_804 = arith.constant dense<true> : vector<16xi1>
        %parallel_loop3A_805, %parallel_loop3A_806, %parallel_loop3A_807 = tpu.sort %parallel_loop3A_773, %parallel_loop3A_774 masked %parallel_loop3A_804 {descending = true} : (vector<16xf32>, vector<16xf32>, vector<16xi1>) -> (vector<16xi1>, vector<16xf32>, vector<16xf32>)
        %parallel_loop3A_808 = arith.constant dense<true> : vector<16xi1>
        %parallel_loop3A_809, %parallel_loop3A_810, %parallel_loop3A_811 = tpu.sort %parallel_loop3A_776, %parallel_loop3A_777 masked %parallel_loop3A_808 : (vector<16xf32>, vector<16xf32>, vector<16xi1>) -> (vector<16xi1>, vector<16xf32>, vector<16xf32>)
        %parallel_loop3A_812 = arith.constant dense<true> : vector<16xi1>
        %parallel_loop3A_813, %parallel_loop3A_814, %parallel_loop3A_815 = tpu.sort %parallel_loop3A_778, %parallel_loop3A_779 masked %parallel_loop3A_812 : (vector<16xf32>, vector<16xf32>, vector<16xi1>) -> (vector<16xi1>, vector<16xf32>, vector<16xf32>)
        %parallel_loop3A_816 = arith.constant dense<true> : vector<16xi1>
        %parallel_loop3A_817, %parallel_loop3A_818, %parallel_loop3A_819 = tpu.sort %parallel_loop3A_781, %parallel_loop3A_782 masked %parallel_loop3A_816 {descending = true} : (vector<16xf32>, vector<16xf32>, vector<16xi1>) -> (vector<16xi1>, vector<16xf32>, vector<16xf32>)
        %parallel_loop3A_820 = arith.constant dense<true> : vector<16xi1>
        %parallel_loop3A_821, %parallel_loop3A_822, %parallel_loop3A_823 = tpu.sort %parallel_loop3A_783, %parallel_loop3A_784 masked %parallel_loop3A_820 {descending = true} : (vector<16xf32>, vector<16xf32>, vector<16xi1>) -> (vector<16xi1>, vector<16xf32>, vector<16xf32>)
        %parallel_loop3A_824 = arith.constant dense<true> : vector<16xi1>
        %parallel_loop3A_825, %parallel_loop3A_826, %parallel_loop3A_827 = tpu.sort %parallel_loop3A_786, %parallel_loop3A_787 masked %parallel_loop3A_824 : (vector<16xf32>, vector<16xf32>, vector<16xi1>) -> (vector<16xi1>, vector<16xf32>, vector<16xf32>)
        %parallel_loop3A_828 = arith.constant dense<true> : vector<16xi1>
        %parallel_loop3A_829, %parallel_loop3A_830, %parallel_loop3A_831 = tpu.sort %parallel_loop3A_788, %parallel_loop3A_789 masked %parallel_loop3A_828 : (vector<16xf32>, vector<16xf32>, vector<16xi1>) -> (vector<16xi1>, vector<16xf32>, vector<16xf32>)
        %parallel_loop3A_832 = arith.constant dense<true> : vector<16xi1>
        %parallel_loop3A_833, %parallel_loop3A_834, %parallel_loop3A_835 = tpu.sort %parallel_loop3A_791, %parallel_loop3A_792 masked %parallel_loop3A_832 {descending = true} : (vector<16xf32>, vector<16xf32>, vector<16xi1>) -> (vector<16xi1>, vector<16xf32>, vector<16xf32>)
        %parallel_loop3A_836 = arith.constant dense<true> : vector<16xi1>
        %parallel_loop3A_837, %parallel_loop3A_838, %parallel_loop3A_839 = tpu.sort %parallel_loop3A_793, %parallel_loop3A_794 masked %parallel_loop3A_836 {descending = true} : (vector<16xf32>, vector<16xf32>, vector<16xi1>) -> (vector<16xi1>, vector<16xf32>, vector<16xf32>)
        %parallel_loop3A_840 = arith.constant dense<true> : vector<16xi1>
        %parallel_loop3A_841, %parallel_loop3A_842, %parallel_loop3A_843 = tpu.sort %parallel_loop3A_796, %parallel_loop3A_797 masked %parallel_loop3A_840 : (vector<16xf32>, vector<16xf32>, vector<16xi1>) -> (vector<16xi1>, vector<16xf32>, vector<16xf32>)
        %parallel_loop3A_844 = arith.constant dense<true> : vector<16xi1>
        %parallel_loop3A_845, %parallel_loop3A_846, %parallel_loop3A_847 = tpu.sort %parallel_loop3A_798, %parallel_loop3A_799 masked %parallel_loop3A_844 : (vector<16xf32>, vector<16xf32>, vector<16xi1>) -> (vector<16xi1>, vector<16xf32>, vector<16xf32>)
        %parallel_loop3A_848 = arith.constant dense<true> : vector<16xi1>
        %parallel_loop3A_849, %parallel_loop3A_850, %parallel_loop3A_851 = tpu.sort %parallel_loop3A_768, %parallel_loop3A_769 masked %parallel_loop3A_848 {descending = true} : (vector<16xf32>, vector<16xf32>, vector<16xi1>) -> (vector<16xi1>, vector<16xf32>, vector<16xf32>)
        %parallel_loop3A_852 = arith.cmpf ogt, %parallel_loop3A_810, %parallel_loop3A_802 : vector<16xf32>
        %parallel_loop3A_853 = arith.select %parallel_loop3A_852, %parallel_loop3A_810, %parallel_loop3A_802 : vector<16xi1>, vector<16xf32>
        %parallel_loop3A_854 = arith.select %parallel_loop3A_852, %parallel_loop3A_811, %parallel_loop3A_803 : vector<16xi1>, vector<16xf32>
        %parallel_loop3A_855 = arith.select %parallel_loop3A_852, %parallel_loop3A_802, %parallel_loop3A_810 : vector<16xi1>, vector<16xf32>
        %parallel_loop3A_856 = arith.select %parallel_loop3A_852, %parallel_loop3A_803, %parallel_loop3A_811 : vector<16xi1>, vector<16xf32>
        %parallel_loop3A_857 = arith.cmpf ogt, %parallel_loop3A_814, %parallel_loop3A_806 : vector<16xf32>
        %parallel_loop3A_858 = arith.select %parallel_loop3A_857, %parallel_loop3A_814, %parallel_loop3A_806 : vector<16xi1>, vector<16xf32>
        %parallel_loop3A_859 = arith.select %parallel_loop3A_857, %parallel_loop3A_815, %parallel_loop3A_807 : vector<16xi1>, vector<16xf32>
        %parallel_loop3A_860 = arith.select %parallel_loop3A_857, %parallel_loop3A_806, %parallel_loop3A_814 : vector<16xi1>, vector<16xf32>
        %parallel_loop3A_861 = arith.select %parallel_loop3A_857, %parallel_loop3A_807, %parallel_loop3A_815 : vector<16xi1>, vector<16xf32>
        %parallel_loop3A_862 = arith.cmpf olt, %parallel_loop3A_826, %parallel_loop3A_818 : vector<16xf32>
        %parallel_loop3A_863 = arith.select %parallel_loop3A_862, %parallel_loop3A_826, %parallel_loop3A_818 : vector<16xi1>, vector<16xf32>
        %parallel_loop3A_864 = arith.select %parallel_loop3A_862, %parallel_loop3A_827, %parallel_loop3A_819 : vector<16xi1>, vector<16xf32>
        %parallel_loop3A_865 = arith.select %parallel_loop3A_862, %parallel_loop3A_818, %parallel_loop3A_826 : vector<16xi1>, vector<16xf32>
        %parallel_loop3A_866 = arith.select %parallel_loop3A_862, %parallel_loop3A_819, %parallel_loop3A_827 : vector<16xi1>, vector<16xf32>
        %parallel_loop3A_867 = arith.cmpf olt, %parallel_loop3A_830, %parallel_loop3A_822 : vector<16xf32>
        %parallel_loop3A_868 = arith.select %parallel_loop3A_867, %parallel_loop3A_830, %parallel_loop3A_822 : vector<16xi1>, vector<16xf32>
        %parallel_loop3A_869 = arith.select %parallel_loop3A_867, %parallel_loop3A_831, %parallel_loop3A_823 : vector<16xi1>, vector<16xf32>
        %parallel_loop3A_870 = arith.select %parallel_loop3A_867, %parallel_loop3A_822, %parallel_loop3A_830 : vector<16xi1>, vector<16xf32>
        %parallel_loop3A_871 = arith.select %parallel_loop3A_867, %parallel_loop3A_823, %parallel_loop3A_831 : vector<16xi1>, vector<16xf32>
        %parallel_loop3A_872 = arith.cmpf ogt, %parallel_loop3A_842, %parallel_loop3A_834 : vector<16xf32>
        %parallel_loop3A_873 = arith.select %parallel_loop3A_872, %parallel_loop3A_842, %parallel_loop3A_834 : vector<16xi1>, vector<16xf32>
        %parallel_loop3A_874 = arith.select %parallel_loop3A_872, %parallel_loop3A_843, %parallel_loop3A_835 : vector<16xi1>, vector<16xf32>
        %parallel_loop3A_875 = arith.select %parallel_loop3A_872, %parallel_loop3A_834, %parallel_loop3A_842 : vector<16xi1>, vector<16xf32>
        %parallel_loop3A_876 = arith.select %parallel_loop3A_872, %parallel_loop3A_835, %parallel_loop3A_843 : vector<16xi1>, vector<16xf32>
        %parallel_loop3A_877 = arith.cmpf ogt, %parallel_loop3A_846, %parallel_loop3A_838 : vector<16xf32>
        %parallel_loop3A_878 = arith.select %parallel_loop3A_877, %parallel_loop3A_846, %parallel_loop3A_838 : vector<16xi1>, vector<16xf32>
        %parallel_loop3A_879 = arith.select %parallel_loop3A_877, %parallel_loop3A_847, %parallel_loop3A_839 : vector<16xi1>, vector<16xf32>
        %parallel_loop3A_880 = arith.select %parallel_loop3A_877, %parallel_loop3A_838, %parallel_loop3A_846 : vector<16xi1>, vector<16xf32>
        %parallel_loop3A_881 = arith.select %parallel_loop3A_877, %parallel_loop3A_839, %parallel_loop3A_847 : vector<16xi1>, vector<16xf32>
        %parallel_loop3A_882 = arith.cmpf ogt, %parallel_loop3A_858, %parallel_loop3A_853 : vector<16xf32>
        %parallel_loop3A_883 = arith.select %parallel_loop3A_882, %parallel_loop3A_858, %parallel_loop3A_853 : vector<16xi1>, vector<16xf32>
        %parallel_loop3A_884 = arith.select %parallel_loop3A_882, %parallel_loop3A_859, %parallel_loop3A_854 : vector<16xi1>, vector<16xf32>
        %parallel_loop3A_885 = arith.select %parallel_loop3A_882, %parallel_loop3A_853, %parallel_loop3A_858 : vector<16xi1>, vector<16xf32>
        %parallel_loop3A_886 = arith.select %parallel_loop3A_882, %parallel_loop3A_854, %parallel_loop3A_859 : vector<16xi1>, vector<16xf32>
        %parallel_loop3A_887 = arith.cmpf ogt, %parallel_loop3A_860, %parallel_loop3A_855 : vector<16xf32>
        %parallel_loop3A_888 = arith.select %parallel_loop3A_887, %parallel_loop3A_860, %parallel_loop3A_855 : vector<16xi1>, vector<16xf32>
        %parallel_loop3A_889 = arith.select %parallel_loop3A_887, %parallel_loop3A_861, %parallel_loop3A_856 : vector<16xi1>, vector<16xf32>
        %parallel_loop3A_890 = arith.select %parallel_loop3A_887, %parallel_loop3A_855, %parallel_loop3A_860 : vector<16xi1>, vector<16xf32>
        %parallel_loop3A_891 = arith.select %parallel_loop3A_887, %parallel_loop3A_856, %parallel_loop3A_861 : vector<16xi1>, vector<16xf32>
        %parallel_loop3A_892 = arith.cmpf olt, %parallel_loop3A_868, %parallel_loop3A_863 : vector<16xf32>
        %parallel_loop3A_893 = arith.select %parallel_loop3A_892, %parallel_loop3A_868, %parallel_loop3A_863 : vector<16xi1>, vector<16xf32>
        %parallel_loop3A_894 = arith.select %parallel_loop3A_892, %parallel_loop3A_869, %parallel_loop3A_864 : vector<16xi1>, vector<16xf32>
        %parallel_loop3A_895 = arith.select %parallel_loop3A_892, %parallel_loop3A_863, %parallel_loop3A_868 : vector<16xi1>, vector<16xf32>
        %parallel_loop3A_896 = arith.select %parallel_loop3A_892, %parallel_loop3A_864, %parallel_loop3A_869 : vector<16xi1>, vector<16xf32>
        %parallel_loop3A_897 = arith.cmpf olt, %parallel_loop3A_870, %parallel_loop3A_865 : vector<16xf32>
        %parallel_loop3A_898 = arith.select %parallel_loop3A_897, %parallel_loop3A_870, %parallel_loop3A_865 : vector<16xi1>, vector<16xf32>
        %parallel_loop3A_899 = arith.select %parallel_loop3A_897, %parallel_loop3A_871, %parallel_loop3A_866 : vector<16xi1>, vector<16xf32>
        %parallel_loop3A_900 = arith.select %parallel_loop3A_897, %parallel_loop3A_865, %parallel_loop3A_870 : vector<16xi1>, vector<16xf32>
        %parallel_loop3A_901 = arith.select %parallel_loop3A_897, %parallel_loop3A_866, %parallel_loop3A_871 : vector<16xi1>, vector<16xf32>
        %parallel_loop3A_902 = arith.cmpf ogt, %parallel_loop3A_878, %parallel_loop3A_873 : vector<16xf32>
        %parallel_loop3A_903 = arith.select %parallel_loop3A_902, %parallel_loop3A_878, %parallel_loop3A_873 : vector<16xi1>, vector<16xf32>
        %parallel_loop3A_904 = arith.select %parallel_loop3A_902, %parallel_loop3A_879, %parallel_loop3A_874 : vector<16xi1>, vector<16xf32>
        %parallel_loop3A_905 = arith.select %parallel_loop3A_902, %parallel_loop3A_873, %parallel_loop3A_878 : vector<16xi1>, vector<16xf32>
        %parallel_loop3A_906 = arith.select %parallel_loop3A_902, %parallel_loop3A_874, %parallel_loop3A_879 : vector<16xi1>, vector<16xf32>
        %parallel_loop3A_907 = arith.cmpf ogt, %parallel_loop3A_880, %parallel_loop3A_875 : vector<16xf32>
        %parallel_loop3A_908 = arith.select %parallel_loop3A_907, %parallel_loop3A_880, %parallel_loop3A_875 : vector<16xi1>, vector<16xf32>
        %parallel_loop3A_909 = arith.select %parallel_loop3A_907, %parallel_loop3A_881, %parallel_loop3A_876 : vector<16xi1>, vector<16xf32>
        %parallel_loop3A_910 = arith.select %parallel_loop3A_907, %parallel_loop3A_875, %parallel_loop3A_880 : vector<16xi1>, vector<16xf32>
        %parallel_loop3A_911 = arith.select %parallel_loop3A_907, %parallel_loop3A_876, %parallel_loop3A_881 : vector<16xi1>, vector<16xf32>
        %parallel_loop3A_912 = arith.constant dense<true> : vector<16xi1>
        %parallel_loop3A_913, %parallel_loop3A_914, %parallel_loop3A_915 = tpu.sort %parallel_loop3A_883, %parallel_loop3A_884 masked %parallel_loop3A_912 {descending = true} : (vector<16xf32>, vector<16xf32>, vector<16xi1>) -> (vector<16xi1>, vector<16xf32>, vector<16xf32>)
        %parallel_loop3A_916 = arith.constant dense<true> : vector<16xi1>
        %parallel_loop3A_917, %parallel_loop3A_918, %parallel_loop3A_919 = tpu.sort %parallel_loop3A_885, %parallel_loop3A_886 masked %parallel_loop3A_916 {descending = true} : (vector<16xf32>, vector<16xf32>, vector<16xi1>) -> (vector<16xi1>, vector<16xf32>, vector<16xf32>)
        %parallel_loop3A_920 = arith.constant dense<true> : vector<16xi1>
        %parallel_loop3A_921, %parallel_loop3A_922, %parallel_loop3A_923 = tpu.sort %parallel_loop3A_888, %parallel_loop3A_889 masked %parallel_loop3A_920 {descending = true} : (vector<16xf32>, vector<16xf32>, vector<16xi1>) -> (vector<16xi1>, vector<16xf32>, vector<16xf32>)
        %parallel_loop3A_924 = arith.constant dense<true> : vector<16xi1>
        %parallel_loop3A_925, %parallel_loop3A_926, %parallel_loop3A_927 = tpu.sort %parallel_loop3A_890, %parallel_loop3A_891 masked %parallel_loop3A_924 {descending = true} : (vector<16xf32>, vector<16xf32>, vector<16xi1>) -> (vector<16xi1>, vector<16xf32>, vector<16xf32>)
        %parallel_loop3A_928 = arith.constant dense<true> : vector<16xi1>
        %parallel_loop3A_929, %parallel_loop3A_930, %parallel_loop3A_931 = tpu.sort %parallel_loop3A_893, %parallel_loop3A_894 masked %parallel_loop3A_928 : (vector<16xf32>, vector<16xf32>, vector<16xi1>) -> (vector<16xi1>, vector<16xf32>, vector<16xf32>)
        %parallel_loop3A_932 = arith.constant dense<true> : vector<16xi1>
        %parallel_loop3A_933, %parallel_loop3A_934, %parallel_loop3A_935 = tpu.sort %parallel_loop3A_895, %parallel_loop3A_896 masked %parallel_loop3A_932 : (vector<16xf32>, vector<16xf32>, vector<16xi1>) -> (vector<16xi1>, vector<16xf32>, vector<16xf32>)
        %parallel_loop3A_936 = arith.constant dense<true> : vector<16xi1>
        %parallel_loop3A_937, %parallel_loop3A_938, %parallel_loop3A_939 = tpu.sort %parallel_loop3A_898, %parallel_loop3A_899 masked %parallel_loop3A_936 : (vector<16xf32>, vector<16xf32>, vector<16xi1>) -> (vector<16xi1>, vector<16xf32>, vector<16xf32>)
        %parallel_loop3A_940 = arith.constant dense<true> : vector<16xi1>
        %parallel_loop3A_941, %parallel_loop3A_942, %parallel_loop3A_943 = tpu.sort %parallel_loop3A_900, %parallel_loop3A_901 masked %parallel_loop3A_940 : (vector<16xf32>, vector<16xf32>, vector<16xi1>) -> (vector<16xi1>, vector<16xf32>, vector<16xf32>)
        %parallel_loop3A_944 = arith.constant dense<true> : vector<16xi1>
        %parallel_loop3A_945, %parallel_loop3A_946, %parallel_loop3A_947 = tpu.sort %parallel_loop3A_903, %parallel_loop3A_904 masked %parallel_loop3A_944 {descending = true} : (vector<16xf32>, vector<16xf32>, vector<16xi1>) -> (vector<16xi1>, vector<16xf32>, vector<16xf32>)
        %parallel_loop3A_948 = arith.constant dense<true> : vector<16xi1>
        %parallel_loop3A_949, %parallel_loop3A_950, %parallel_loop3A_951 = tpu.sort %parallel_loop3A_905, %parallel_loop3A_906 masked %parallel_loop3A_948 {descending = true} : (vector<16xf32>, vector<16xf32>, vector<16xi1>) -> (vector<16xi1>, vector<16xf32>, vector<16xf32>)
        %parallel_loop3A_952 = arith.constant dense<true> : vector<16xi1>
        %parallel_loop3A_953, %parallel_loop3A_954, %parallel_loop3A_955 = tpu.sort %parallel_loop3A_908, %parallel_loop3A_909 masked %parallel_loop3A_952 {descending = true} : (vector<16xf32>, vector<16xf32>, vector<16xi1>) -> (vector<16xi1>, vector<16xf32>, vector<16xf32>)
        %parallel_loop3A_956 = arith.constant dense<true> : vector<16xi1>
        %parallel_loop3A_957, %parallel_loop3A_958, %parallel_loop3A_959 = tpu.sort %parallel_loop3A_910, %parallel_loop3A_911 masked %parallel_loop3A_956 {descending = true} : (vector<16xf32>, vector<16xf32>, vector<16xi1>) -> (vector<16xi1>, vector<16xf32>, vector<16xf32>)
        %parallel_loop3A_960 = arith.constant dense<true> : vector<16xi1>
        %parallel_loop3A_961, %parallel_loop3A_962, %parallel_loop3A_963 = tpu.sort %parallel_loop3A_850, %parallel_loop3A_851 masked %parallel_loop3A_960 : (vector<16xf32>, vector<16xf32>, vector<16xi1>) -> (vector<16xi1>, vector<16xf32>, vector<16xf32>)
        %parallel_loop3A_964 = arith.cmpf ogt, %parallel_loop3A_930, %parallel_loop3A_914 : vector<16xf32>
        %parallel_loop3A_965 = arith.select %parallel_loop3A_964, %parallel_loop3A_930, %parallel_loop3A_914 : vector<16xi1>, vector<16xf32>
        %parallel_loop3A_966 = arith.select %parallel_loop3A_964, %parallel_loop3A_931, %parallel_loop3A_915 : vector<16xi1>, vector<16xf32>
        %parallel_loop3A_967 = arith.select %parallel_loop3A_964, %parallel_loop3A_914, %parallel_loop3A_930 : vector<16xi1>, vector<16xf32>
        %parallel_loop3A_968 = arith.select %parallel_loop3A_964, %parallel_loop3A_915, %parallel_loop3A_931 : vector<16xi1>, vector<16xf32>
        %parallel_loop3A_969 = arith.cmpf ogt, %parallel_loop3A_934, %parallel_loop3A_918 : vector<16xf32>
        %parallel_loop3A_970 = arith.select %parallel_loop3A_969, %parallel_loop3A_934, %parallel_loop3A_918 : vector<16xi1>, vector<16xf32>
        %parallel_loop3A_971 = arith.select %parallel_loop3A_969, %parallel_loop3A_935, %parallel_loop3A_919 : vector<16xi1>, vector<16xf32>
        %parallel_loop3A_972 = arith.select %parallel_loop3A_969, %parallel_loop3A_918, %parallel_loop3A_934 : vector<16xi1>, vector<16xf32>
        %parallel_loop3A_973 = arith.select %parallel_loop3A_969, %parallel_loop3A_919, %parallel_loop3A_935 : vector<16xi1>, vector<16xf32>
        %parallel_loop3A_974 = arith.cmpf ogt, %parallel_loop3A_938, %parallel_loop3A_922 : vector<16xf32>
        %parallel_loop3A_975 = arith.select %parallel_loop3A_974, %parallel_loop3A_938, %parallel_loop3A_922 : vector<16xi1>, vector<16xf32>
        %parallel_loop3A_976 = arith.select %parallel_loop3A_974, %parallel_loop3A_939, %parallel_loop3A_923 : vector<16xi1>, vector<16xf32>
        %parallel_loop3A_977 = arith.select %parallel_loop3A_974, %parallel_loop3A_922, %parallel_loop3A_938 : vector<16xi1>, vector<16xf32>
        %parallel_loop3A_978 = arith.select %parallel_loop3A_974, %parallel_loop3A_923, %parallel_loop3A_939 : vector<16xi1>, vector<16xf32>
        %parallel_loop3A_979 = arith.cmpf ogt, %parallel_loop3A_942, %parallel_loop3A_926 : vector<16xf32>
        %parallel_loop3A_980 = arith.select %parallel_loop3A_979, %parallel_loop3A_942, %parallel_loop3A_926 : vector<16xi1>, vector<16xf32>
        %parallel_loop3A_981 = arith.select %parallel_loop3A_979, %parallel_loop3A_943, %parallel_loop3A_927 : vector<16xi1>, vector<16xf32>
        %parallel_loop3A_982 = arith.select %parallel_loop3A_979, %parallel_loop3A_926, %parallel_loop3A_942 : vector<16xi1>, vector<16xf32>
        %parallel_loop3A_983 = arith.select %parallel_loop3A_979, %parallel_loop3A_927, %parallel_loop3A_943 : vector<16xi1>, vector<16xf32>
        %parallel_loop3A_984 = arith.cmpf olt, %parallel_loop3A_962, %parallel_loop3A_958 : vector<16xf32>
        %parallel_loop3A_985 = arith.select %parallel_loop3A_984, %parallel_loop3A_962, %parallel_loop3A_958 : vector<16xi1>, vector<16xf32>
        %parallel_loop3A_986 = arith.select %parallel_loop3A_984, %parallel_loop3A_963, %parallel_loop3A_959 : vector<16xi1>, vector<16xf32>
        %parallel_loop3A_987 = arith.select %parallel_loop3A_984, %parallel_loop3A_958, %parallel_loop3A_962 : vector<16xi1>, vector<16xf32>
        %parallel_loop3A_988 = arith.select %parallel_loop3A_984, %parallel_loop3A_959, %parallel_loop3A_963 : vector<16xi1>, vector<16xf32>
        %parallel_loop3A_989 = arith.cmpf ogt, %parallel_loop3A_975, %parallel_loop3A_965 : vector<16xf32>
        %parallel_loop3A_990 = arith.select %parallel_loop3A_989, %parallel_loop3A_975, %parallel_loop3A_965 : vector<16xi1>, vector<16xf32>
        %parallel_loop3A_991 = arith.select %parallel_loop3A_989, %parallel_loop3A_976, %parallel_loop3A_966 : vector<16xi1>, vector<16xf32>
        %parallel_loop3A_992 = arith.select %parallel_loop3A_989, %parallel_loop3A_965, %parallel_loop3A_975 : vector<16xi1>, vector<16xf32>
        %parallel_loop3A_993 = arith.select %parallel_loop3A_989, %parallel_loop3A_966, %parallel_loop3A_976 : vector<16xi1>, vector<16xf32>
        %parallel_loop3A_994 = arith.cmpf ogt, %parallel_loop3A_980, %parallel_loop3A_970 : vector<16xf32>
        %parallel_loop3A_995 = arith.select %parallel_loop3A_994, %parallel_loop3A_980, %parallel_loop3A_970 : vector<16xi1>, vector<16xf32>
        %parallel_loop3A_996 = arith.select %parallel_loop3A_994, %parallel_loop3A_981, %parallel_loop3A_971 : vector<16xi1>, vector<16xf32>
        %parallel_loop3A_997 = arith.select %parallel_loop3A_994, %parallel_loop3A_970, %parallel_loop3A_980 : vector<16xi1>, vector<16xf32>
        %parallel_loop3A_998 = arith.select %parallel_loop3A_994, %parallel_loop3A_971, %parallel_loop3A_981 : vector<16xi1>, vector<16xf32>
        %parallel_loop3A_999 = arith.cmpf ogt, %parallel_loop3A_977, %parallel_loop3A_967 : vector<16xf32>
        %parallel_loop3A_1000 = arith.select %parallel_loop3A_999, %parallel_loop3A_977, %parallel_loop3A_967 : vector<16xi1>, vector<16xf32>
        %parallel_loop3A_1001 = arith.select %parallel_loop3A_999, %parallel_loop3A_978, %parallel_loop3A_968 : vector<16xi1>, vector<16xf32>
        %parallel_loop3A_1002 = arith.select %parallel_loop3A_999, %parallel_loop3A_967, %parallel_loop3A_977 : vector<16xi1>, vector<16xf32>
        %parallel_loop3A_1003 = arith.select %parallel_loop3A_999, %parallel_loop3A_968, %parallel_loop3A_978 : vector<16xi1>, vector<16xf32>
        %parallel_loop3A_1004 = arith.cmpf ogt, %parallel_loop3A_982, %parallel_loop3A_972 : vector<16xf32>
        %parallel_loop3A_1005 = arith.select %parallel_loop3A_1004, %parallel_loop3A_982, %parallel_loop3A_972 : vector<16xi1>, vector<16xf32>
        %parallel_loop3A_1006 = arith.select %parallel_loop3A_1004, %parallel_loop3A_983, %parallel_loop3A_973 : vector<16xi1>, vector<16xf32>
        %parallel_loop3A_1007 = arith.select %parallel_loop3A_1004, %parallel_loop3A_972, %parallel_loop3A_982 : vector<16xi1>, vector<16xf32>
        %parallel_loop3A_1008 = arith.select %parallel_loop3A_1004, %parallel_loop3A_973, %parallel_loop3A_983 : vector<16xi1>, vector<16xf32>
        %parallel_loop3A_1009 = arith.cmpf olt, %parallel_loop3A_954, %parallel_loop3A_946 : vector<16xf32>
        %parallel_loop3A_1010 = arith.select %parallel_loop3A_1009, %parallel_loop3A_954, %parallel_loop3A_946 : vector<16xi1>, vector<16xf32>
        %parallel_loop3A_1011 = arith.select %parallel_loop3A_1009, %parallel_loop3A_955, %parallel_loop3A_947 : vector<16xi1>, vector<16xf32>
        %parallel_loop3A_1012 = arith.select %parallel_loop3A_1009, %parallel_loop3A_946, %parallel_loop3A_954 : vector<16xi1>, vector<16xf32>
        %parallel_loop3A_1013 = arith.select %parallel_loop3A_1009, %parallel_loop3A_947, %parallel_loop3A_955 : vector<16xi1>, vector<16xf32>
        %parallel_loop3A_1014 = arith.cmpf olt, %parallel_loop3A_987, %parallel_loop3A_950 : vector<16xf32>
        %parallel_loop3A_1015 = arith.select %parallel_loop3A_1014, %parallel_loop3A_987, %parallel_loop3A_950 : vector<16xi1>, vector<16xf32>
        %parallel_loop3A_1016 = arith.select %parallel_loop3A_1014, %parallel_loop3A_988, %parallel_loop3A_951 : vector<16xi1>, vector<16xf32>
        %parallel_loop3A_1017 = arith.select %parallel_loop3A_1014, %parallel_loop3A_950, %parallel_loop3A_987 : vector<16xi1>, vector<16xf32>
        %parallel_loop3A_1018 = arith.select %parallel_loop3A_1014, %parallel_loop3A_951, %parallel_loop3A_988 : vector<16xi1>, vector<16xf32>
        %parallel_loop3A_1019 = arith.cmpf ogt, %parallel_loop3A_995, %parallel_loop3A_990 : vector<16xf32>
        %parallel_loop3A_1020 = arith.select %parallel_loop3A_1019, %parallel_loop3A_995, %parallel_loop3A_990 : vector<16xi1>, vector<16xf32>
        %parallel_loop3A_1021 = arith.select %parallel_loop3A_1019, %parallel_loop3A_996, %parallel_loop3A_991 : vector<16xi1>, vector<16xf32>
        %parallel_loop3A_1022 = arith.select %parallel_loop3A_1019, %parallel_loop3A_990, %parallel_loop3A_995 : vector<16xi1>, vector<16xf32>
        %parallel_loop3A_1023 = arith.select %parallel_loop3A_1019, %parallel_loop3A_991, %parallel_loop3A_996 : vector<16xi1>, vector<16xf32>
        %parallel_loop3A_1024 = arith.cmpf ogt, %parallel_loop3A_997, %parallel_loop3A_992 : vector<16xf32>
        %parallel_loop3A_1025 = arith.select %parallel_loop3A_1024, %parallel_loop3A_997, %parallel_loop3A_992 : vector<16xi1>, vector<16xf32>
        %parallel_loop3A_1026 = arith.select %parallel_loop3A_1024, %parallel_loop3A_998, %parallel_loop3A_993 : vector<16xi1>, vector<16xf32>
        %parallel_loop3A_1027 = arith.select %parallel_loop3A_1024, %parallel_loop3A_992, %parallel_loop3A_997 : vector<16xi1>, vector<16xf32>
        %parallel_loop3A_1028 = arith.select %parallel_loop3A_1024, %parallel_loop3A_993, %parallel_loop3A_998 : vector<16xi1>, vector<16xf32>
        %parallel_loop3A_1029 = arith.cmpf ogt, %parallel_loop3A_1005, %parallel_loop3A_1000 : vector<16xf32>
        %parallel_loop3A_1030 = arith.select %parallel_loop3A_1029, %parallel_loop3A_1005, %parallel_loop3A_1000 : vector<16xi1>, vector<16xf32>
        %parallel_loop3A_1031 = arith.select %parallel_loop3A_1029, %parallel_loop3A_1006, %parallel_loop3A_1001 : vector<16xi1>, vector<16xf32>
        %parallel_loop3A_1032 = arith.select %parallel_loop3A_1029, %parallel_loop3A_1000, %parallel_loop3A_1005 : vector<16xi1>, vector<16xf32>
        %parallel_loop3A_1033 = arith.select %parallel_loop3A_1029, %parallel_loop3A_1001, %parallel_loop3A_1006 : vector<16xi1>, vector<16xf32>
        %parallel_loop3A_1034 = arith.cmpf ogt, %parallel_loop3A_1007, %parallel_loop3A_1002 : vector<16xf32>
        %parallel_loop3A_1035 = arith.select %parallel_loop3A_1034, %parallel_loop3A_1007, %parallel_loop3A_1002 : vector<16xi1>, vector<16xf32>
        %parallel_loop3A_1036 = arith.select %parallel_loop3A_1034, %parallel_loop3A_1008, %parallel_loop3A_1003 : vector<16xi1>, vector<16xf32>
        %parallel_loop3A_1037 = arith.select %parallel_loop3A_1034, %parallel_loop3A_1002, %parallel_loop3A_1007 : vector<16xi1>, vector<16xf32>
        %parallel_loop3A_1038 = arith.select %parallel_loop3A_1034, %parallel_loop3A_1003, %parallel_loop3A_1008 : vector<16xi1>, vector<16xf32>
        %parallel_loop3A_1039 = arith.cmpf olt, %parallel_loop3A_1015, %parallel_loop3A_1010 : vector<16xf32>
        %parallel_loop3A_1040 = arith.select %parallel_loop3A_1039, %parallel_loop3A_1015, %parallel_loop3A_1010 : vector<16xi1>, vector<16xf32>
        %parallel_loop3A_1041 = arith.select %parallel_loop3A_1039, %parallel_loop3A_1016, %parallel_loop3A_1011 : vector<16xi1>, vector<16xf32>
        %parallel_loop3A_1042 = arith.select %parallel_loop3A_1039, %parallel_loop3A_1010, %parallel_loop3A_1015 : vector<16xi1>, vector<16xf32>
        %parallel_loop3A_1043 = arith.select %parallel_loop3A_1039, %parallel_loop3A_1011, %parallel_loop3A_1016 : vector<16xi1>, vector<16xf32>
        %parallel_loop3A_1044 = arith.cmpf olt, %parallel_loop3A_1017, %parallel_loop3A_1012 : vector<16xf32>
        %parallel_loop3A_1045 = arith.select %parallel_loop3A_1044, %parallel_loop3A_1017, %parallel_loop3A_1012 : vector<16xi1>, vector<16xf32>
        %parallel_loop3A_1046 = arith.select %parallel_loop3A_1044, %parallel_loop3A_1018, %parallel_loop3A_1013 : vector<16xi1>, vector<16xf32>
        %parallel_loop3A_1047 = arith.select %parallel_loop3A_1044, %parallel_loop3A_1012, %parallel_loop3A_1017 : vector<16xi1>, vector<16xf32>
        %parallel_loop3A_1048 = arith.select %parallel_loop3A_1044, %parallel_loop3A_1013, %parallel_loop3A_1018 : vector<16xi1>, vector<16xf32>
        %parallel_loop3A_1049 = arith.constant dense<true> : vector<16xi1>
        %parallel_loop3A_1050, %parallel_loop3A_1051, %parallel_loop3A_1052 = tpu.sort %parallel_loop3A_1020, %parallel_loop3A_1021 masked %parallel_loop3A_1049 {descending = true} : (vector<16xf32>, vector<16xf32>, vector<16xi1>) -> (vector<16xi1>, vector<16xf32>, vector<16xf32>)
        %parallel_loop3A_1053 = arith.constant dense<true> : vector<16xi1>
        %parallel_loop3A_1054, %parallel_loop3A_1055, %parallel_loop3A_1056 = tpu.sort %parallel_loop3A_1022, %parallel_loop3A_1023 masked %parallel_loop3A_1053 {descending = true} : (vector<16xf32>, vector<16xf32>, vector<16xi1>) -> (vector<16xi1>, vector<16xf32>, vector<16xf32>)
        %parallel_loop3A_1057 = arith.constant dense<true> : vector<16xi1>
        %parallel_loop3A_1058, %parallel_loop3A_1059, %parallel_loop3A_1060 = tpu.sort %parallel_loop3A_1025, %parallel_loop3A_1026 masked %parallel_loop3A_1057 {descending = true} : (vector<16xf32>, vector<16xf32>, vector<16xi1>) -> (vector<16xi1>, vector<16xf32>, vector<16xf32>)
        %parallel_loop3A_1061 = arith.constant dense<true> : vector<16xi1>
        %parallel_loop3A_1062, %parallel_loop3A_1063, %parallel_loop3A_1064 = tpu.sort %parallel_loop3A_1027, %parallel_loop3A_1028 masked %parallel_loop3A_1061 {descending = true} : (vector<16xf32>, vector<16xf32>, vector<16xi1>) -> (vector<16xi1>, vector<16xf32>, vector<16xf32>)
        %parallel_loop3A_1065 = arith.constant dense<true> : vector<16xi1>
        %parallel_loop3A_1066, %parallel_loop3A_1067, %parallel_loop3A_1068 = tpu.sort %parallel_loop3A_1030, %parallel_loop3A_1031 masked %parallel_loop3A_1065 {descending = true} : (vector<16xf32>, vector<16xf32>, vector<16xi1>) -> (vector<16xi1>, vector<16xf32>, vector<16xf32>)
        %parallel_loop3A_1069 = arith.constant dense<true> : vector<16xi1>
        %parallel_loop3A_1070, %parallel_loop3A_1071, %parallel_loop3A_1072 = tpu.sort %parallel_loop3A_1032, %parallel_loop3A_1033 masked %parallel_loop3A_1069 {descending = true} : (vector<16xf32>, vector<16xf32>, vector<16xi1>) -> (vector<16xi1>, vector<16xf32>, vector<16xf32>)
        %parallel_loop3A_1073 = arith.constant dense<true> : vector<16xi1>
        %parallel_loop3A_1074, %parallel_loop3A_1075, %parallel_loop3A_1076 = tpu.sort %parallel_loop3A_1035, %parallel_loop3A_1036 masked %parallel_loop3A_1073 {descending = true} : (vector<16xf32>, vector<16xf32>, vector<16xi1>) -> (vector<16xi1>, vector<16xf32>, vector<16xf32>)
        %parallel_loop3A_1077 = arith.constant dense<true> : vector<16xi1>
        %parallel_loop3A_1078, %parallel_loop3A_1079, %parallel_loop3A_1080 = tpu.sort %parallel_loop3A_1037, %parallel_loop3A_1038 masked %parallel_loop3A_1077 {descending = true} : (vector<16xf32>, vector<16xf32>, vector<16xi1>) -> (vector<16xi1>, vector<16xf32>, vector<16xf32>)
        %parallel_loop3A_1081 = arith.constant dense<true> : vector<16xi1>
        %parallel_loop3A_1082, %parallel_loop3A_1083, %parallel_loop3A_1084 = tpu.sort %parallel_loop3A_985, %parallel_loop3A_986 masked %parallel_loop3A_1081 : (vector<16xf32>, vector<16xf32>, vector<16xi1>) -> (vector<16xi1>, vector<16xf32>, vector<16xf32>)
        %parallel_loop3A_1085 = arith.constant dense<true> : vector<16xi1>
        %parallel_loop3A_1086, %parallel_loop3A_1087, %parallel_loop3A_1088 = tpu.sort %parallel_loop3A_1040, %parallel_loop3A_1041 masked %parallel_loop3A_1085 : (vector<16xf32>, vector<16xf32>, vector<16xi1>) -> (vector<16xi1>, vector<16xf32>, vector<16xf32>)
        %parallel_loop3A_1089 = arith.constant dense<true> : vector<16xi1>
        %parallel_loop3A_1090, %parallel_loop3A_1091, %parallel_loop3A_1092 = tpu.sort %parallel_loop3A_1042, %parallel_loop3A_1043 masked %parallel_loop3A_1089 : (vector<16xf32>, vector<16xf32>, vector<16xi1>) -> (vector<16xi1>, vector<16xf32>, vector<16xf32>)
        %parallel_loop3A_1093 = arith.constant dense<true> : vector<16xi1>
        %parallel_loop3A_1094, %parallel_loop3A_1095, %parallel_loop3A_1096 = tpu.sort %parallel_loop3A_1045, %parallel_loop3A_1046 masked %parallel_loop3A_1093 : (vector<16xf32>, vector<16xf32>, vector<16xi1>) -> (vector<16xi1>, vector<16xf32>, vector<16xf32>)
        %parallel_loop3A_1097 = arith.constant dense<true> : vector<16xi1>
        %parallel_loop3A_1098, %parallel_loop3A_1099, %parallel_loop3A_1100 = tpu.sort %parallel_loop3A_1047, %parallel_loop3A_1048 masked %parallel_loop3A_1097 : (vector<16xf32>, vector<16xf32>, vector<16xi1>) -> (vector<16xi1>, vector<16xf32>, vector<16xf32>)
        %parallel_loop3A_1101 = arith.cmpf ogt, %parallel_loop3A_1083, %parallel_loop3A_1063 : vector<16xf32>
        %parallel_loop3A_1102 = arith.select %parallel_loop3A_1101, %parallel_loop3A_1083, %parallel_loop3A_1063 : vector<16xi1>, vector<16xf32>
        %parallel_loop3A_1103 = arith.select %parallel_loop3A_1101, %parallel_loop3A_1084, %parallel_loop3A_1064 : vector<16xi1>, vector<16xf32>
        %parallel_loop3A_1104 = arith.select %parallel_loop3A_1101, %parallel_loop3A_1063, %parallel_loop3A_1083 : vector<16xi1>, vector<16xf32>
        %parallel_loop3A_1105 = arith.select %parallel_loop3A_1101, %parallel_loop3A_1064, %parallel_loop3A_1084 : vector<16xi1>, vector<16xf32>
        %parallel_loop3A_1106 = arith.cmpf ogt, %parallel_loop3A_1087, %parallel_loop3A_1067 : vector<16xf32>
        %parallel_loop3A_1107 = arith.select %parallel_loop3A_1106, %parallel_loop3A_1087, %parallel_loop3A_1067 : vector<16xi1>, vector<16xf32>
        %parallel_loop3A_1108 = arith.select %parallel_loop3A_1106, %parallel_loop3A_1088, %parallel_loop3A_1068 : vector<16xi1>, vector<16xf32>
        %parallel_loop3A_1109 = arith.select %parallel_loop3A_1106, %parallel_loop3A_1067, %parallel_loop3A_1087 : vector<16xi1>, vector<16xf32>
        %parallel_loop3A_1110 = arith.select %parallel_loop3A_1106, %parallel_loop3A_1068, %parallel_loop3A_1088 : vector<16xi1>, vector<16xf32>
        %parallel_loop3A_1111 = arith.cmpf ogt, %parallel_loop3A_1091, %parallel_loop3A_1071 : vector<16xf32>
        %parallel_loop3A_1112 = arith.select %parallel_loop3A_1111, %parallel_loop3A_1091, %parallel_loop3A_1071 : vector<16xi1>, vector<16xf32>
        %parallel_loop3A_1113 = arith.select %parallel_loop3A_1111, %parallel_loop3A_1092, %parallel_loop3A_1072 : vector<16xi1>, vector<16xf32>
        %parallel_loop3A_1114 = arith.select %parallel_loop3A_1111, %parallel_loop3A_1071, %parallel_loop3A_1091 : vector<16xi1>, vector<16xf32>
        %parallel_loop3A_1115 = arith.select %parallel_loop3A_1111, %parallel_loop3A_1072, %parallel_loop3A_1092 : vector<16xi1>, vector<16xf32>
        %parallel_loop3A_1116 = arith.cmpf ogt, %parallel_loop3A_1095, %parallel_loop3A_1075 : vector<16xf32>
        %parallel_loop3A_1117 = arith.select %parallel_loop3A_1116, %parallel_loop3A_1095, %parallel_loop3A_1075 : vector<16xi1>, vector<16xf32>
        %parallel_loop3A_1118 = arith.select %parallel_loop3A_1116, %parallel_loop3A_1096, %parallel_loop3A_1076 : vector<16xi1>, vector<16xf32>
        %parallel_loop3A_1119 = arith.select %parallel_loop3A_1116, %parallel_loop3A_1075, %parallel_loop3A_1095 : vector<16xi1>, vector<16xf32>
        %parallel_loop3A_1120 = arith.select %parallel_loop3A_1116, %parallel_loop3A_1076, %parallel_loop3A_1096 : vector<16xi1>, vector<16xf32>
        %parallel_loop3A_1121 = arith.cmpf ogt, %parallel_loop3A_1099, %parallel_loop3A_1079 : vector<16xf32>
        %parallel_loop3A_1122 = arith.select %parallel_loop3A_1121, %parallel_loop3A_1099, %parallel_loop3A_1079 : vector<16xi1>, vector<16xf32>
        %parallel_loop3A_1123 = arith.select %parallel_loop3A_1121, %parallel_loop3A_1100, %parallel_loop3A_1080 : vector<16xi1>, vector<16xf32>
        %parallel_loop3A_1124 = arith.select %parallel_loop3A_1121, %parallel_loop3A_1079, %parallel_loop3A_1099 : vector<16xi1>, vector<16xf32>
        %parallel_loop3A_1125 = arith.select %parallel_loop3A_1121, %parallel_loop3A_1080, %parallel_loop3A_1100 : vector<16xi1>, vector<16xf32>
        %parallel_loop3A_1126 = arith.cmpf ogt, %parallel_loop3A_1107, %parallel_loop3A_1051 : vector<16xf32>
        %parallel_loop3A_1127 = arith.select %parallel_loop3A_1126, %parallel_loop3A_1107, %parallel_loop3A_1051 : vector<16xi1>, vector<16xf32>
        %parallel_loop3A_1128 = arith.select %parallel_loop3A_1126, %parallel_loop3A_1108, %parallel_loop3A_1052 : vector<16xi1>, vector<16xf32>
        %parallel_loop3A_1129 = arith.select %parallel_loop3A_1126, %parallel_loop3A_1051, %parallel_loop3A_1107 : vector<16xi1>, vector<16xf32>
        %parallel_loop3A_1130 = arith.select %parallel_loop3A_1126, %parallel_loop3A_1052, %parallel_loop3A_1108 : vector<16xi1>, vector<16xf32>
        %parallel_loop3A_1131 = arith.cmpf ogt, %parallel_loop3A_1112, %parallel_loop3A_1055 : vector<16xf32>
        %parallel_loop3A_1132 = arith.select %parallel_loop3A_1131, %parallel_loop3A_1112, %parallel_loop3A_1055 : vector<16xi1>, vector<16xf32>
        %parallel_loop3A_1133 = arith.select %parallel_loop3A_1131, %parallel_loop3A_1113, %parallel_loop3A_1056 : vector<16xi1>, vector<16xf32>
        %parallel_loop3A_1134 = arith.select %parallel_loop3A_1131, %parallel_loop3A_1055, %parallel_loop3A_1112 : vector<16xi1>, vector<16xf32>
        %parallel_loop3A_1135 = arith.select %parallel_loop3A_1131, %parallel_loop3A_1056, %parallel_loop3A_1113 : vector<16xi1>, vector<16xf32>
        %parallel_loop3A_1136 = arith.cmpf ogt, %parallel_loop3A_1117, %parallel_loop3A_1059 : vector<16xf32>
        %parallel_loop3A_1137 = arith.select %parallel_loop3A_1136, %parallel_loop3A_1117, %parallel_loop3A_1059 : vector<16xi1>, vector<16xf32>
        %parallel_loop3A_1138 = arith.select %parallel_loop3A_1136, %parallel_loop3A_1118, %parallel_loop3A_1060 : vector<16xi1>, vector<16xf32>
        %parallel_loop3A_1139 = arith.select %parallel_loop3A_1136, %parallel_loop3A_1059, %parallel_loop3A_1117 : vector<16xi1>, vector<16xf32>
        %parallel_loop3A_1140 = arith.select %parallel_loop3A_1136, %parallel_loop3A_1060, %parallel_loop3A_1118 : vector<16xi1>, vector<16xf32>
        %parallel_loop3A_1141 = arith.cmpf ogt, %parallel_loop3A_1122, %parallel_loop3A_1102 : vector<16xf32>
        %parallel_loop3A_1142 = arith.select %parallel_loop3A_1141, %parallel_loop3A_1122, %parallel_loop3A_1102 : vector<16xi1>, vector<16xf32>
        %parallel_loop3A_1143 = arith.select %parallel_loop3A_1141, %parallel_loop3A_1123, %parallel_loop3A_1103 : vector<16xi1>, vector<16xf32>
        %parallel_loop3A_1144 = arith.select %parallel_loop3A_1141, %parallel_loop3A_1102, %parallel_loop3A_1122 : vector<16xi1>, vector<16xf32>
        %parallel_loop3A_1145 = arith.select %parallel_loop3A_1141, %parallel_loop3A_1103, %parallel_loop3A_1123 : vector<16xi1>, vector<16xf32>
        %parallel_loop3A_1146 = arith.cmpf ogt, %parallel_loop3A_1124, %parallel_loop3A_1104 : vector<16xf32>
        %parallel_loop3A_1147 = arith.select %parallel_loop3A_1146, %parallel_loop3A_1124, %parallel_loop3A_1104 : vector<16xi1>, vector<16xf32>
        %parallel_loop3A_1148 = arith.select %parallel_loop3A_1146, %parallel_loop3A_1125, %parallel_loop3A_1105 : vector<16xi1>, vector<16xf32>
        %parallel_loop3A_1149 = arith.select %parallel_loop3A_1146, %parallel_loop3A_1104, %parallel_loop3A_1124 : vector<16xi1>, vector<16xf32>
        %parallel_loop3A_1150 = arith.select %parallel_loop3A_1146, %parallel_loop3A_1105, %parallel_loop3A_1125 : vector<16xi1>, vector<16xf32>
        %parallel_loop3A_1151 = arith.cmpf ogt, %parallel_loop3A_1137, %parallel_loop3A_1127 : vector<16xf32>
        %parallel_loop3A_1152 = arith.select %parallel_loop3A_1151, %parallel_loop3A_1137, %parallel_loop3A_1127 : vector<16xi1>, vector<16xf32>
        %parallel_loop3A_1153 = arith.select %parallel_loop3A_1151, %parallel_loop3A_1138, %parallel_loop3A_1128 : vector<16xi1>, vector<16xf32>
        %parallel_loop3A_1154 = arith.select %parallel_loop3A_1151, %parallel_loop3A_1127, %parallel_loop3A_1137 : vector<16xi1>, vector<16xf32>
        %parallel_loop3A_1155 = arith.select %parallel_loop3A_1151, %parallel_loop3A_1128, %parallel_loop3A_1138 : vector<16xi1>, vector<16xf32>
        %parallel_loop3A_1156 = arith.cmpf ogt, %parallel_loop3A_1142, %parallel_loop3A_1132 : vector<16xf32>
        %parallel_loop3A_1157 = arith.select %parallel_loop3A_1156, %parallel_loop3A_1142, %parallel_loop3A_1132 : vector<16xi1>, vector<16xf32>
        %parallel_loop3A_1158 = arith.select %parallel_loop3A_1156, %parallel_loop3A_1143, %parallel_loop3A_1133 : vector<16xi1>, vector<16xf32>
        %parallel_loop3A_1159 = arith.select %parallel_loop3A_1156, %parallel_loop3A_1132, %parallel_loop3A_1142 : vector<16xi1>, vector<16xf32>
        %parallel_loop3A_1160 = arith.select %parallel_loop3A_1156, %parallel_loop3A_1133, %parallel_loop3A_1143 : vector<16xi1>, vector<16xf32>
        %parallel_loop3A_1161 = arith.cmpf ogt, %parallel_loop3A_1139, %parallel_loop3A_1129 : vector<16xf32>
        %parallel_loop3A_1162 = arith.select %parallel_loop3A_1161, %parallel_loop3A_1139, %parallel_loop3A_1129 : vector<16xi1>, vector<16xf32>
        %parallel_loop3A_1163 = arith.select %parallel_loop3A_1161, %parallel_loop3A_1140, %parallel_loop3A_1130 : vector<16xi1>, vector<16xf32>
        %parallel_loop3A_1164 = arith.select %parallel_loop3A_1161, %parallel_loop3A_1129, %parallel_loop3A_1139 : vector<16xi1>, vector<16xf32>
        %parallel_loop3A_1165 = arith.select %parallel_loop3A_1161, %parallel_loop3A_1130, %parallel_loop3A_1140 : vector<16xi1>, vector<16xf32>
        %parallel_loop3A_1166 = arith.cmpf ogt, %parallel_loop3A_1144, %parallel_loop3A_1134 : vector<16xf32>
        %parallel_loop3A_1167 = arith.select %parallel_loop3A_1166, %parallel_loop3A_1144, %parallel_loop3A_1134 : vector<16xi1>, vector<16xf32>
        %parallel_loop3A_1168 = arith.select %parallel_loop3A_1166, %parallel_loop3A_1145, %parallel_loop3A_1135 : vector<16xi1>, vector<16xf32>
        %parallel_loop3A_1169 = arith.select %parallel_loop3A_1166, %parallel_loop3A_1134, %parallel_loop3A_1144 : vector<16xi1>, vector<16xf32>
        %parallel_loop3A_1170 = arith.select %parallel_loop3A_1166, %parallel_loop3A_1135, %parallel_loop3A_1145 : vector<16xi1>, vector<16xf32>
        %parallel_loop3A_1171 = arith.cmpf ogt, %parallel_loop3A_1119, %parallel_loop3A_1109 : vector<16xf32>
        %parallel_loop3A_1172 = arith.select %parallel_loop3A_1171, %parallel_loop3A_1119, %parallel_loop3A_1109 : vector<16xi1>, vector<16xf32>
        %parallel_loop3A_1173 = arith.select %parallel_loop3A_1171, %parallel_loop3A_1120, %parallel_loop3A_1110 : vector<16xi1>, vector<16xf32>
        %parallel_loop3A_1174 = arith.select %parallel_loop3A_1171, %parallel_loop3A_1109, %parallel_loop3A_1119 : vector<16xi1>, vector<16xf32>
        %parallel_loop3A_1175 = arith.select %parallel_loop3A_1171, %parallel_loop3A_1110, %parallel_loop3A_1120 : vector<16xi1>, vector<16xf32>
        %parallel_loop3A_1176 = arith.cmpf ogt, %parallel_loop3A_1147, %parallel_loop3A_1114 : vector<16xf32>
        %parallel_loop3A_1177 = arith.select %parallel_loop3A_1176, %parallel_loop3A_1147, %parallel_loop3A_1114 : vector<16xi1>, vector<16xf32>
        %parallel_loop3A_1178 = arith.select %parallel_loop3A_1176, %parallel_loop3A_1148, %parallel_loop3A_1115 : vector<16xi1>, vector<16xf32>
        %parallel_loop3A_1179 = arith.select %parallel_loop3A_1176, %parallel_loop3A_1114, %parallel_loop3A_1147 : vector<16xi1>, vector<16xf32>
        %parallel_loop3A_1180 = arith.select %parallel_loop3A_1176, %parallel_loop3A_1115, %parallel_loop3A_1148 : vector<16xi1>, vector<16xf32>
        %parallel_loop3A_1181 = arith.cmpf ogt, %parallel_loop3A_1157, %parallel_loop3A_1152 : vector<16xf32>
        %parallel_loop3A_1182 = arith.select %parallel_loop3A_1181, %parallel_loop3A_1157, %parallel_loop3A_1152 : vector<16xi1>, vector<16xf32>
        %parallel_loop3A_1183 = arith.select %parallel_loop3A_1181, %parallel_loop3A_1158, %parallel_loop3A_1153 : vector<16xi1>, vector<16xf32>
        %parallel_loop3A_1184 = arith.select %parallel_loop3A_1181, %parallel_loop3A_1152, %parallel_loop3A_1157 : vector<16xi1>, vector<16xf32>
        %parallel_loop3A_1185 = arith.select %parallel_loop3A_1181, %parallel_loop3A_1153, %parallel_loop3A_1158 : vector<16xi1>, vector<16xf32>
        %parallel_loop3A_1186 = arith.cmpf ogt, %parallel_loop3A_1159, %parallel_loop3A_1154 : vector<16xf32>
        %parallel_loop3A_1187 = arith.select %parallel_loop3A_1186, %parallel_loop3A_1159, %parallel_loop3A_1154 : vector<16xi1>, vector<16xf32>
        %parallel_loop3A_1188 = arith.select %parallel_loop3A_1186, %parallel_loop3A_1160, %parallel_loop3A_1155 : vector<16xi1>, vector<16xf32>
        %parallel_loop3A_1189 = arith.select %parallel_loop3A_1186, %parallel_loop3A_1154, %parallel_loop3A_1159 : vector<16xi1>, vector<16xf32>
        %parallel_loop3A_1190 = arith.select %parallel_loop3A_1186, %parallel_loop3A_1155, %parallel_loop3A_1160 : vector<16xi1>, vector<16xf32>
        %parallel_loop3A_1191 = arith.cmpf ogt, %parallel_loop3A_1167, %parallel_loop3A_1162 : vector<16xf32>
        %parallel_loop3A_1192 = arith.select %parallel_loop3A_1191, %parallel_loop3A_1167, %parallel_loop3A_1162 : vector<16xi1>, vector<16xf32>
        %parallel_loop3A_1193 = arith.select %parallel_loop3A_1191, %parallel_loop3A_1168, %parallel_loop3A_1163 : vector<16xi1>, vector<16xf32>
        %parallel_loop3A_1194 = arith.select %parallel_loop3A_1191, %parallel_loop3A_1162, %parallel_loop3A_1167 : vector<16xi1>, vector<16xf32>
        %parallel_loop3A_1195 = arith.select %parallel_loop3A_1191, %parallel_loop3A_1163, %parallel_loop3A_1168 : vector<16xi1>, vector<16xf32>
        %parallel_loop3A_1196 = arith.cmpf ogt, %parallel_loop3A_1169, %parallel_loop3A_1164 : vector<16xf32>
        %parallel_loop3A_1197 = arith.select %parallel_loop3A_1196, %parallel_loop3A_1169, %parallel_loop3A_1164 : vector<16xi1>, vector<16xf32>
        %parallel_loop3A_1198 = arith.select %parallel_loop3A_1196, %parallel_loop3A_1170, %parallel_loop3A_1165 : vector<16xi1>, vector<16xf32>
        %parallel_loop3A_1199 = arith.select %parallel_loop3A_1196, %parallel_loop3A_1164, %parallel_loop3A_1169 : vector<16xi1>, vector<16xf32>
        %parallel_loop3A_1200 = arith.select %parallel_loop3A_1196, %parallel_loop3A_1165, %parallel_loop3A_1170 : vector<16xi1>, vector<16xf32>
        %parallel_loop3A_1201 = arith.cmpf ogt, %parallel_loop3A_1177, %parallel_loop3A_1172 : vector<16xf32>
        %parallel_loop3A_1202 = arith.select %parallel_loop3A_1201, %parallel_loop3A_1177, %parallel_loop3A_1172 : vector<16xi1>, vector<16xf32>
        %parallel_loop3A_1203 = arith.select %parallel_loop3A_1201, %parallel_loop3A_1178, %parallel_loop3A_1173 : vector<16xi1>, vector<16xf32>
        %parallel_loop3A_1204 = arith.select %parallel_loop3A_1201, %parallel_loop3A_1172, %parallel_loop3A_1177 : vector<16xi1>, vector<16xf32>
        %parallel_loop3A_1205 = arith.select %parallel_loop3A_1201, %parallel_loop3A_1173, %parallel_loop3A_1178 : vector<16xi1>, vector<16xf32>
        %parallel_loop3A_1206 = arith.cmpf ogt, %parallel_loop3A_1179, %parallel_loop3A_1174 : vector<16xf32>
        %parallel_loop3A_1207 = arith.select %parallel_loop3A_1206, %parallel_loop3A_1179, %parallel_loop3A_1174 : vector<16xi1>, vector<16xf32>
        %parallel_loop3A_1208 = arith.select %parallel_loop3A_1206, %parallel_loop3A_1180, %parallel_loop3A_1175 : vector<16xi1>, vector<16xf32>
        %parallel_loop3A_1209 = arith.select %parallel_loop3A_1206, %parallel_loop3A_1174, %parallel_loop3A_1179 : vector<16xi1>, vector<16xf32>
        %parallel_loop3A_1210 = arith.select %parallel_loop3A_1206, %parallel_loop3A_1175, %parallel_loop3A_1180 : vector<16xi1>, vector<16xf32>
        %parallel_loop3A_1211 = arith.constant dense<true> : vector<16xi1>
        %parallel_loop3A_1212, %parallel_loop3A_1213, %parallel_loop3A_1214 = tpu.sort %parallel_loop3A_1182, %parallel_loop3A_1183 masked %parallel_loop3A_1211 {descending = true} : (vector<16xf32>, vector<16xf32>, vector<16xi1>) -> (vector<16xi1>, vector<16xf32>, vector<16xf32>)
        %parallel_loop3A_1215 = arith.constant dense<true> : vector<16xi1>
        %parallel_loop3A_1216, %parallel_loop3A_1217, %parallel_loop3A_1218 = tpu.sort %parallel_loop3A_1184, %parallel_loop3A_1185 masked %parallel_loop3A_1215 {descending = true} : (vector<16xf32>, vector<16xf32>, vector<16xi1>) -> (vector<16xi1>, vector<16xf32>, vector<16xf32>)
        %parallel_loop3A_1219 = arith.constant dense<true> : vector<16xi1>
        %parallel_loop3A_1220, %parallel_loop3A_1221, %parallel_loop3A_1222 = tpu.sort %parallel_loop3A_1187, %parallel_loop3A_1188 masked %parallel_loop3A_1219 {descending = true} : (vector<16xf32>, vector<16xf32>, vector<16xi1>) -> (vector<16xi1>, vector<16xf32>, vector<16xf32>)
        %parallel_loop3A_1223 = arith.constant dense<true> : vector<16xi1>
        %parallel_loop3A_1224, %parallel_loop3A_1225, %parallel_loop3A_1226 = tpu.sort %parallel_loop3A_1189, %parallel_loop3A_1190 masked %parallel_loop3A_1223 {descending = true} : (vector<16xf32>, vector<16xf32>, vector<16xi1>) -> (vector<16xi1>, vector<16xf32>, vector<16xf32>)
        %parallel_loop3A_1227 = arith.constant dense<true> : vector<16xi1>
        %parallel_loop3A_1228, %parallel_loop3A_1229, %parallel_loop3A_1230 = tpu.sort %parallel_loop3A_1192, %parallel_loop3A_1193 masked %parallel_loop3A_1227 {descending = true} : (vector<16xf32>, vector<16xf32>, vector<16xi1>) -> (vector<16xi1>, vector<16xf32>, vector<16xf32>)
        %parallel_loop3A_1231 = arith.constant dense<true> : vector<16xi1>
        %parallel_loop3A_1232, %parallel_loop3A_1233, %parallel_loop3A_1234 = tpu.sort %parallel_loop3A_1194, %parallel_loop3A_1195 masked %parallel_loop3A_1231 {descending = true} : (vector<16xf32>, vector<16xf32>, vector<16xi1>) -> (vector<16xi1>, vector<16xf32>, vector<16xf32>)
        %parallel_loop3A_1235 = arith.constant dense<true> : vector<16xi1>
        %parallel_loop3A_1236, %parallel_loop3A_1237, %parallel_loop3A_1238 = tpu.sort %parallel_loop3A_1197, %parallel_loop3A_1198 masked %parallel_loop3A_1235 {descending = true} : (vector<16xf32>, vector<16xf32>, vector<16xi1>) -> (vector<16xi1>, vector<16xf32>, vector<16xf32>)
        %parallel_loop3A_1239 = arith.constant dense<true> : vector<16xi1>
        %parallel_loop3A_1240, %parallel_loop3A_1241, %parallel_loop3A_1242 = tpu.sort %parallel_loop3A_1199, %parallel_loop3A_1200 masked %parallel_loop3A_1239 {descending = true} : (vector<16xf32>, vector<16xf32>, vector<16xi1>) -> (vector<16xi1>, vector<16xf32>, vector<16xf32>)
        %parallel_loop3A_1243 = arith.constant dense<true> : vector<16xi1>
        %parallel_loop3A_1244, %parallel_loop3A_1245, %parallel_loop3A_1246 = tpu.sort %parallel_loop3A_1202, %parallel_loop3A_1203 masked %parallel_loop3A_1243 {descending = true} : (vector<16xf32>, vector<16xf32>, vector<16xi1>) -> (vector<16xi1>, vector<16xf32>, vector<16xf32>)
        %parallel_loop3A_1247 = arith.constant dense<true> : vector<16xi1>
        %parallel_loop3A_1248, %parallel_loop3A_1249, %parallel_loop3A_1250 = tpu.sort %parallel_loop3A_1204, %parallel_loop3A_1205 masked %parallel_loop3A_1247 {descending = true} : (vector<16xf32>, vector<16xf32>, vector<16xi1>) -> (vector<16xi1>, vector<16xf32>, vector<16xf32>)
        %parallel_loop3A_1251 = arith.constant dense<true> : vector<16xi1>
        %parallel_loop3A_1252, %parallel_loop3A_1253, %parallel_loop3A_1254 = tpu.sort %parallel_loop3A_1207, %parallel_loop3A_1208 masked %parallel_loop3A_1251 {descending = true} : (vector<16xf32>, vector<16xf32>, vector<16xi1>) -> (vector<16xi1>, vector<16xf32>, vector<16xf32>)
        %parallel_loop3A_1255 = arith.constant dense<true> : vector<16xi1>
        %parallel_loop3A_1256, %parallel_loop3A_1257, %parallel_loop3A_1258 = tpu.sort %parallel_loop3A_1209, %parallel_loop3A_1210 masked %parallel_loop3A_1255 {descending = true} : (vector<16xf32>, vector<16xf32>, vector<16xi1>) -> (vector<16xi1>, vector<16xf32>, vector<16xf32>)
        %parallel_loop3A_1259 = arith.constant dense<true> : vector<16xi1>
        %parallel_loop3A_1260, %parallel_loop3A_1261, %parallel_loop3A_1262 = tpu.sort %parallel_loop3A_1149, %parallel_loop3A_1150 masked %parallel_loop3A_1259 {descending = true} : (vector<16xf32>, vector<16xf32>, vector<16xi1>) -> (vector<16xi1>, vector<16xf32>, vector<16xf32>)
        %parallel_loop3A_1263 = math.exp %parallel_loop3A_1214 : vector<16xf32>
        %parallel_loop3A_1264 = arith.index_cast %parallel_loop3A_620 : i32 to index
        %parallel_loop3A_1265 = arith.constant 0 : index
        %parallel_loop3A_1266 = tpu.vector_load %arg7[%parallel_loop3A_1264, %parallel_loop3A_1265] {strides = array<i32>} : memref<32x256xf32, #tpu.memory_space<vmem>>, vector<16xf32>,
        tpu.vector_store %arg7[%parallel_loop3A_1264, %parallel_loop3A_1265], %parallel_loop3A_1263 {strides = array<i32>} : memref<32x256xf32, #tpu.memory_space<vmem>>, vector<16xf32>,
        %parallel_loop3A_1267 = math.exp %parallel_loop3A_1218 : vector<16xf32>
        %parallel_loop3A_1268 = arith.index_cast %parallel_loop3A_620 : i32 to index
        %parallel_loop3A_1269 = arith.constant 16 : index
        %parallel_loop3A_1270 = tpu.vector_load %arg7[%parallel_loop3A_1268, %parallel_loop3A_1269] {strides = array<i32>} : memref<32x256xf32, #tpu.memory_space<vmem>>, vector<16xf32>,
        tpu.vector_store %arg7[%parallel_loop3A_1268, %parallel_loop3A_1269], %parallel_loop3A_1267 {strides = array<i32>} : memref<32x256xf32, #tpu.memory_space<vmem>>, vector<16xf32>,
        %parallel_loop3A_1271 = math.exp %parallel_loop3A_1222 : vector<16xf32>
        %parallel_loop3A_1272 = arith.index_cast %parallel_loop3A_620 : i32 to index
        %parallel_loop3A_1273 = arith.constant 32 : index
        %parallel_loop3A_1274 = tpu.vector_load %arg7[%parallel_loop3A_1272, %parallel_loop3A_1273] {strides = array<i32>} : memref<32x256xf32, #tpu.memory_space<vmem>>, vector<16xf32>,
        tpu.vector_store %arg7[%parallel_loop3A_1272, %parallel_loop3A_1273], %parallel_loop3A_1271 {strides = array<i32>} : memref<32x256xf32, #tpu.memory_space<vmem>>, vector<16xf32>,
        %parallel_loop3A_1275 = math.exp %parallel_loop3A_1226 : vector<16xf32>
        %parallel_loop3A_1276 = arith.index_cast %parallel_loop3A_620 : i32 to index
        %parallel_loop3A_1277 = arith.constant 48 : index
        %parallel_loop3A_1278 = tpu.vector_load %arg7[%parallel_loop3A_1276, %parallel_loop3A_1277] {strides = array<i32>} : memref<32x256xf32, #tpu.memory_space<vmem>>, vector<16xf32>,
        tpu.vector_store %arg7[%parallel_loop3A_1276, %parallel_loop3A_1277], %parallel_loop3A_1275 {strides = array<i32>} : memref<32x256xf32, #tpu.memory_space<vmem>>, vector<16xf32>,
        %parallel_loop3A_1279 = math.exp %parallel_loop3A_1230 : vector<16xf32>
        %parallel_loop3A_1280 = arith.index_cast %parallel_loop3A_620 : i32 to index
        %parallel_loop3A_1281 = arith.constant 64 : index
        %parallel_loop3A_1282 = tpu.vector_load %arg7[%parallel_loop3A_1280, %parallel_loop3A_1281] {strides = array<i32>} : memref<32x256xf32, #tpu.memory_space<vmem>>, vector<16xf32>,
        tpu.vector_store %arg7[%parallel_loop3A_1280, %parallel_loop3A_1281], %parallel_loop3A_1279 {strides = array<i32>} : memref<32x256xf32, #tpu.memory_space<vmem>>, vector<16xf32>,
        %parallel_loop3A_1283 = math.exp %parallel_loop3A_1234 : vector<16xf32>
        %parallel_loop3A_1284 = arith.index_cast %parallel_loop3A_620 : i32 to index
        %parallel_loop3A_1285 = arith.constant 80 : index
        %parallel_loop3A_1286 = tpu.vector_load %arg7[%parallel_loop3A_1284, %parallel_loop3A_1285] {strides = array<i32>} : memref<32x256xf32, #tpu.memory_space<vmem>>, vector<16xf32>,
        tpu.vector_store %arg7[%parallel_loop3A_1284, %parallel_loop3A_1285], %parallel_loop3A_1283 {strides = array<i32>} : memref<32x256xf32, #tpu.memory_space<vmem>>, vector<16xf32>,
        %parallel_loop3A_1287 = math.exp %parallel_loop3A_1238 : vector<16xf32>
        %parallel_loop3A_1288 = arith.index_cast %parallel_loop3A_620 : i32 to index
        %parallel_loop3A_1289 = arith.constant 96 : index
        %parallel_loop3A_1290 = tpu.vector_load %arg7[%parallel_loop3A_1288, %parallel_loop3A_1289] {strides = array<i32>} : memref<32x256xf32, #tpu.memory_space<vmem>>, vector<16xf32>,
        tpu.vector_store %arg7[%parallel_loop3A_1288, %parallel_loop3A_1289], %parallel_loop3A_1287 {strides = array<i32>} : memref<32x256xf32, #tpu.memory_space<vmem>>, vector<16xf32>,
        %parallel_loop3A_1291 = math.exp %parallel_loop3A_1242 : vector<16xf32>
        %parallel_loop3A_1292 = arith.index_cast %parallel_loop3A_620 : i32 to index
        %parallel_loop3A_1293 = arith.constant 112 : index
        %parallel_loop3A_1294 = tpu.vector_load %arg7[%parallel_loop3A_1292, %parallel_loop3A_1293] {strides = array<i32>} : memref<32x256xf32, #tpu.memory_space<vmem>>, vector<16xf32>,
        tpu.vector_store %arg7[%parallel_loop3A_1292, %parallel_loop3A_1293], %parallel_loop3A_1291 {strides = array<i32>} : memref<32x256xf32, #tpu.memory_space<vmem>>, vector<16xf32>,
        %parallel_loop3A_1295 = math.exp %parallel_loop3A_1246 : vector<16xf32>
        %parallel_loop3A_1296 = arith.index_cast %parallel_loop3A_620 : i32 to index
        %parallel_loop3A_1297 = arith.constant 128 : index
        %parallel_loop3A_1298 = tpu.vector_load %arg7[%parallel_loop3A_1296, %parallel_loop3A_1297] {strides = array<i32>} : memref<32x256xf32, #tpu.memory_space<vmem>>, vector<16xf32>,
        tpu.vector_store %arg7[%parallel_loop3A_1296, %parallel_loop3A_1297], %parallel_loop3A_1295 {strides = array<i32>} : memref<32x256xf32, #tpu.memory_space<vmem>>, vector<16xf32>,
        %parallel_loop3A_1299 = math.exp %parallel_loop3A_1250 : vector<16xf32>
        %parallel_loop3A_1300 = arith.index_cast %parallel_loop3A_620 : i32 to index
        %parallel_loop3A_1301 = arith.constant 144 : index
        %parallel_loop3A_1302 = tpu.vector_load %arg7[%parallel_loop3A_1300, %parallel_loop3A_1301] {strides = array<i32>} : memref<32x256xf32, #tpu.memory_space<vmem>>, vector<16xf32>,
        tpu.vector_store %arg7[%parallel_loop3A_1300, %parallel_loop3A_1301], %parallel_loop3A_1299 {strides = array<i32>} : memref<32x256xf32, #tpu.memory_space<vmem>>, vector<16xf32>,
        %parallel_loop3A_1303 = math.exp %parallel_loop3A_1254 : vector<16xf32>
        %parallel_loop3A_1304 = arith.index_cast %parallel_loop3A_620 : i32 to index
        %parallel_loop3A_1305 = arith.constant 160 : index
        %parallel_loop3A_1306 = tpu.vector_load %arg7[%parallel_loop3A_1304, %parallel_loop3A_1305] {strides = array<i32>} : memref<32x256xf32, #tpu.memory_space<vmem>>, vector<16xf32>,
        tpu.vector_store %arg7[%parallel_loop3A_1304, %parallel_loop3A_1305], %parallel_loop3A_1303 {strides = array<i32>} : memref<32x256xf32, #tpu.memory_space<vmem>>, vector<16xf32>,
        %parallel_loop3A_1307 = math.exp %parallel_loop3A_1258 : vector<16xf32>
        %parallel_loop3A_1308 = arith.index_cast %parallel_loop3A_620 : i32 to index
        %parallel_loop3A_1309 = arith.constant 176 : index
        %parallel_loop3A_1310 = tpu.vector_load %arg7[%parallel_loop3A_1308, %parallel_loop3A_1309] {strides = array<i32>} : memref<32x256xf32, #tpu.memory_space<vmem>>, vector<16xf32>,
        tpu.vector_store %arg7[%parallel_loop3A_1308, %parallel_loop3A_1309], %parallel_loop3A_1307 {strides = array<i32>} : memref<32x256xf32, #tpu.memory_space<vmem>>, vector<16xf32>,
        %parallel_loop3A_1311 = math.exp %parallel_loop3A_1262 : vector<16xf32>
        %parallel_loop3A_1312 = arith.index_cast %parallel_loop3A_620 : i32 to index
        %parallel_loop3A_1313 = arith.constant 192 : index
        %parallel_loop3A_1314 = tpu.vector_load %arg7[%parallel_loop3A_1312, %parallel_loop3A_1313] {strides = array<i32>} : memref<32x256xf32, #tpu.memory_space<vmem>>, vector<16xf32>,
        tpu.vector_store %arg7[%parallel_loop3A_1312, %parallel_loop3A_1313], %parallel_loop3A_1311 {strides = array<i32>} : memref<32x256xf32, #tpu.memory_space<vmem>>, vector<16xf32>,
        %parallel_loop3A_1315 = vector.broadcast %parallel_loop3A_717 : f32 to vector<16xf32>
        %parallel_loop3A_1316 = arith.select %eq3A_9, %parallel_loop3A_1315, %broadcast_in_dim3A_5 : vector<16xi1>, vector<16xf32>
        %parallel_loop3A_1317 = arith.index_cast %parallel_loop3A_620 : i32 to index
        %parallel_loop3A_1318 = arith.constant 208 : index
        %parallel_loop3A_1319 = tpu.vector_load %arg7[%parallel_loop3A_1317, %parallel_loop3A_1318] {strides = array<i32>} : memref<32x256xf32, #tpu.memory_space<vmem>>, vector<16xf32>,
        tpu.vector_store %arg7[%parallel_loop3A_1317, %parallel_loop3A_1318], %parallel_loop3A_1316 {strides = array<i32>} : memref<32x256xf32, #tpu.memory_space<vmem>>, vector<16xf32>,
      } {sc.loop_unroll_factor = 4 : i64, sc.parallel_access}
      %mul3A_575 = arith.constant 32 : i32
      %mul3A_576 = arith.muli %add3A_552, %mul3A_575 : i32
      %add3A_577 = arith.addi %mul3A_2, %mul3A_576 : i32
      %dma_start3A_578 = arith.constant 0 : i32
      %dma_start3A_579 = tpu.memref_slice %arg4[%add3A_577, %dma_start3A_578] : memref<16384x256xf32, #tpu.memory_space<hbm>> -> memref<32x256xf32, #tpu.memory_space<hbm>>
      %dma_start3A_580 = arith.constant 0 : i32
      %dma_start3A_581 = tpu.memref_slice %arg4[%add3A_577, %dma_start3A_580] : memref<16384x256xf32, #tpu.memory_space<hbm>> -> memref<32x256xf32, #tpu.memory_space<hbm>>
      tpu.enqueue_dma source(%arg7 : memref<32x256xf32, #tpu.memory_space<vmem>>) target(%dma_start3A_581 : memref<32x256xf32, #tpu.memory_space<hbm>>) target_semaphore(%arg13 : memref<!tpu.dma_semaphore, #tpu.memory_space<semaphore_mem>>)
      %mul3A_582 = arith.constant 2 : i32
      %mul3A_583 = arith.muli %mul3A_582, %scan3A_547 : i32
      %add3A_584 = arith.constant 1 : i32
      %add3A_585 = arith.addi %mul3A_583, %add3A_584 : i32
      %add3A_586 = arith.constant 1 : i32
      %add3A_587 = arith.addi %add3A_585, %add3A_586 : i32
      %lt3A_588 = arith.constant 16 : i32
      %lt3A_589 = arith.cmpi slt, %add3A_587, %lt3A_588 : i32
      %convert_element_type3A_590 = arith.extui %lt3A_589 : i1 to i32
      %cond3A_591 = arith.constant 0 : i32
      %cond3A_592 = arith.cmpi ne, %convert_element_type3A_590, %cond3A_591 : i32
      scf.if %cond3A_592 {
        %add3A_620 = arith.constant 1 : i32
        %add3A_621 = arith.addi %add3A_585, %add3A_620 : i32
        %mul3A_622 = arith.constant 32 : i32
        %mul3A_623 = arith.muli %add3A_621, %mul3A_622 : i32
        %add3A_624 = arith.addi %mul3A_2, %mul3A_623 : i32
        %dma_start3A_625 = arith.constant 0 : i32
        %dma_start3A_626 = tpu.memref_slice %arg2[%add3A_624, %dma_start3A_625] : memref<16384x200xf32, #tpu.memory_space<hbm>> -> memref<32x200xf32, #tpu.memory_space<hbm>>
        %dma_start3A_627 = arith.constant 0 : i32
        %dma_start3A_628 = tpu.memref_slice %arg2[%add3A_624, %dma_start3A_627] : memref<16384x200xf32, #tpu.memory_space<hbm>> -> memref<32x200xf32, #tpu.memory_space<hbm>>
        tpu.enqueue_dma source(%dma_start3A_628 : memref<32x200xf32, #tpu.memory_space<hbm>>) target(%arg5 : memref<32x200xf32, #tpu.memory_space<vmem>>) target_semaphore(%arg11 : memref<!tpu.dma_semaphore, #tpu.memory_space<semaphore_mem>>)
        %dma_start3A_629 = arith.constant 0 : i32
        %dma_start3A_630 = tpu.memref_slice %arg3[%add3A_624, %dma_start3A_629] : memref<16384x200xf32, #tpu.memory_space<hbm>> -> memref<32x200xf32, #tpu.memory_space<hbm>>
        %dma_start3A_631 = arith.constant 0 : i32
        %dma_start3A_632 = tpu.memref_slice %arg3[%add3A_624, %dma_start3A_631] : memref<16384x200xf32, #tpu.memory_space<hbm>> -> memref<32x200xf32, #tpu.memory_space<hbm>>
        tpu.enqueue_dma source(%dma_start3A_632 : memref<32x200xf32, #tpu.memory_space<hbm>>) target(%arg6 : memref<32x200xf32, #tpu.memory_space<vmem>>) target_semaphore(%arg11 : memref<!tpu.dma_semaphore, #tpu.memory_space<semaphore_mem>>)
      } else {
      }
      %mul3A_593 = arith.constant 32 : i32
      %mul3A_594 = arith.muli %add3A_585, %mul3A_593 : i32
      %add3A_595 = arith.addi %mul3A_2, %mul3A_594 : i32
      %dma_wait3A_596 = arith.constant 0 : i32
      %dma_wait3A_597 = tpu.memref_slice %arg2[%add3A_595, %dma_wait3A_596] : memref<16384x200xf32, #tpu.memory_space<hbm>> -> memref<32x200xf32, #tpu.memory_space<hbm>>
      %dma_wait3A_598 = arith.constant 0 : i32
      %dma_wait3A_599 = tpu.memref_slice %arg2[%add3A_595, %dma_wait3A_598] : memref<16384x200xf32, #tpu.memory_space<hbm>> -> memref<32x200xf32, #tpu.memory_space<hbm>>
      tpu.wait_dma2 semaphore(%arg12 : memref<!tpu.dma_semaphore, #tpu.memory_space<semaphore_mem>>) src(%dma_wait3A_599 : memref<32x200xf32, #tpu.memory_space<hbm>>) dst(%arg8 : memref<32x200xf32, #tpu.memory_space<vmem>>)
      %dma_wait3A_600 = arith.constant 0 : i32
      %dma_wait3A_601 = tpu.memref_slice %arg3[%add3A_595, %dma_wait3A_600] : memref<16384x200xf32, #tpu.memory_space<hbm>> -> memref<32x200xf32, #tpu.memory_space<hbm>>
      %dma_wait3A_602 = arith.constant 0 : i32
      %dma_wait3A_603 = tpu.memref_slice %arg3[%add3A_595, %dma_wait3A_602] : memref<16384x200xf32, #tpu.memory_space<hbm>> -> memref<32x200xf32, #tpu.memory_space<hbm>>
      tpu.wait_dma2 semaphore(%arg12 : memref<!tpu.dma_semaphore, #tpu.memory_space<semaphore_mem>>) src(%dma_wait3A_603 : memref<32x200xf32, #tpu.memory_space<hbm>>) dst(%arg9 : memref<32x200xf32, #tpu.memory_space<vmem>>)
      %ge3A_604 = arith.constant 2 : i32
      %ge3A_605 = arith.cmpi sge, %add3A_585, %ge3A_604 : i32
      %convert_element_type3A_606 = arith.extui %ge3A_605 : i1 to i32
      %cond3A_607 = arith.constant 0 : i32
      %cond3A_608 = arith.cmpi ne, %convert_element_type3A_606, %cond3A_607 : i32
      scf.if %cond3A_608 {
        %sub3A = arith.constant 2 : i32
        %sub3A_620 = arith.subi %add3A_585, %sub3A : i32
        %mul3A_621 = arith.constant 32 : i32
        %mul3A_622 = arith.muli %sub3A_620, %mul3A_621 : i32
        %add3A_623 = arith.addi %mul3A_2, %mul3A_622 : i32
        %dma_wait3A_624 = arith.constant 0 : i32
        %dma_wait3A_625 = tpu.memref_slice %arg4[%add3A_623, %dma_wait3A_624] : memref<16384x256xf32, #tpu.memory_space<hbm>> -> memref<32x256xf32, #tpu.memory_space<hbm>>
        %dma_wait3A_626 = arith.constant 0 : i32
        %dma_wait3A_627 = tpu.memref_slice %arg4[%add3A_623, %dma_wait3A_626] : memref<16384x256xf32, #tpu.memory_space<hbm>> -> memref<32x256xf32, #tpu.memory_space<hbm>>
        tpu.wait_dma2 semaphore(%arg14 : memref<!tpu.dma_semaphore, #tpu.memory_space<semaphore_mem>>) src(%arg10 : memref<32x256xf32, #tpu.memory_space<vmem>>) dst(%dma_wait3A_627 : memref<32x256xf32, #tpu.memory_space<hbm>>)
      } else {
      }
      %parallel_loop3A_609 = arith.constant 0 : i32
      %parallel_loop3A_610 = arith.constant 32 : i32
      %parallel_loop3A_611 = arith.constant 1 : i32
      scf.for %parallel_loop3A_620 = %parallel_loop3A_609 to %parallel_loop3A_610 step %parallel_loop3A_611  : i32 {
        %parallel_loop3A_621 = arith.index_cast %parallel_loop3A_620 : i32 to index
        %parallel_loop3A_622 = arith.constant 0 : index
        %parallel_loop3A_623 = tpu.vector_load %arg8[%parallel_loop3A_621, %parallel_loop3A_622] {strides = array<i32>} : memref<32x200xf32, #tpu.memory_space<vmem>>, vector<16xf32>,
        %parallel_loop3A_624 = arith.index_cast %parallel_loop3A_620 : i32 to index
        %parallel_loop3A_625 = arith.constant 16 : index
        %parallel_loop3A_626 = tpu.vector_load %arg8[%parallel_loop3A_624, %parallel_loop3A_625] {strides = array<i32>} : memref<32x200xf32, #tpu.memory_space<vmem>>, vector<16xf32>,
        %parallel_loop3A_627 = arith.index_cast %parallel_loop3A_620 : i32 to index
        %parallel_loop3A_628 = arith.constant 32 : index
        %parallel_loop3A_629 = tpu.vector_load %arg8[%parallel_loop3A_627, %parallel_loop3A_628] {strides = array<i32>} : memref<32x200xf32, #tpu.memory_space<vmem>>, vector<16xf32>,
        %parallel_loop3A_630 = arith.index_cast %parallel_loop3A_620 : i32 to index
        %parallel_loop3A_631 = arith.constant 48 : index
        %parallel_loop3A_632 = tpu.vector_load %arg8[%parallel_loop3A_630, %parallel_loop3A_631] {strides = array<i32>} : memref<32x200xf32, #tpu.memory_space<vmem>>, vector<16xf32>,
        %parallel_loop3A_633 = arith.index_cast %parallel_loop3A_620 : i32 to index
        %parallel_loop3A_634 = arith.constant 64 : index
        %parallel_loop3A_635 = tpu.vector_load %arg8[%parallel_loop3A_633, %parallel_loop3A_634] {strides = array<i32>} : memref<32x200xf32, #tpu.memory_space<vmem>>, vector<16xf32>,
        %parallel_loop3A_636 = arith.index_cast %parallel_loop3A_620 : i32 to index
        %parallel_loop3A_637 = arith.constant 80 : index
        %parallel_loop3A_638 = tpu.vector_load %arg8[%parallel_loop3A_636, %parallel_loop3A_637] {strides = array<i32>} : memref<32x200xf32, #tpu.memory_space<vmem>>, vector<16xf32>,
        %parallel_loop3A_639 = arith.index_cast %parallel_loop3A_620 : i32 to index
        %parallel_loop3A_640 = arith.constant 96 : index
        %parallel_loop3A_641 = tpu.vector_load %arg8[%parallel_loop3A_639, %parallel_loop3A_640] {strides = array<i32>} : memref<32x200xf32, #tpu.memory_space<vmem>>, vector<16xf32>,
        %parallel_loop3A_642 = arith.index_cast %parallel_loop3A_620 : i32 to index
        %parallel_loop3A_643 = arith.constant 112 : index
        %parallel_loop3A_644 = tpu.vector_load %arg8[%parallel_loop3A_642, %parallel_loop3A_643] {strides = array<i32>} : memref<32x200xf32, #tpu.memory_space<vmem>>, vector<16xf32>,
        %parallel_loop3A_645 = arith.index_cast %parallel_loop3A_620 : i32 to index
        %parallel_loop3A_646 = arith.constant 128 : index
        %parallel_loop3A_647 = tpu.vector_load %arg8[%parallel_loop3A_645, %parallel_loop3A_646] {strides = array<i32>} : memref<32x200xf32, #tpu.memory_space<vmem>>, vector<16xf32>,
        %parallel_loop3A_648 = arith.index_cast %parallel_loop3A_620 : i32 to index
        %parallel_loop3A_649 = arith.constant 144 : index
        %parallel_loop3A_650 = tpu.vector_load %arg8[%parallel_loop3A_648, %parallel_loop3A_649] {strides = array<i32>} : memref<32x200xf32, #tpu.memory_space<vmem>>, vector<16xf32>,
        %parallel_loop3A_651 = arith.index_cast %parallel_loop3A_620 : i32 to index
        %parallel_loop3A_652 = arith.constant 160 : index
        %parallel_loop3A_653 = tpu.vector_load %arg8[%parallel_loop3A_651, %parallel_loop3A_652] {strides = array<i32>} : memref<32x200xf32, #tpu.memory_space<vmem>>, vector<16xf32>,
        %parallel_loop3A_654 = arith.index_cast %parallel_loop3A_620 : i32 to index
        %parallel_loop3A_655 = arith.constant 176 : index
        %parallel_loop3A_656 = tpu.vector_load %arg8[%parallel_loop3A_654, %parallel_loop3A_655] {strides = array<i32>} : memref<32x200xf32, #tpu.memory_space<vmem>>, vector<16xf32>,
        %parallel_loop3A_657 = arith.index_cast %parallel_loop3A_620 : i32 to index
        %parallel_loop3A_658 = arith.constant 0 : index
        %parallel_loop3A_659 = tpu.vector_load %arg9[%parallel_loop3A_657, %parallel_loop3A_658] {strides = array<i32>} : memref<32x200xf32, #tpu.memory_space<vmem>>, vector<16xf32>,
        %parallel_loop3A_660 = arith.index_cast %parallel_loop3A_620 : i32 to index
        %parallel_loop3A_661 = arith.constant 16 : index
        %parallel_loop3A_662 = tpu.vector_load %arg9[%parallel_loop3A_660, %parallel_loop3A_661] {strides = array<i32>} : memref<32x200xf32, #tpu.memory_space<vmem>>, vector<16xf32>,
        %parallel_loop3A_663 = arith.index_cast %parallel_loop3A_620 : i32 to index
        %parallel_loop3A_664 = arith.constant 32 : index
        %parallel_loop3A_665 = tpu.vector_load %arg9[%parallel_loop3A_663, %parallel_loop3A_664] {strides = array<i32>} : memref<32x200xf32, #tpu.memory_space<vmem>>, vector<16xf32>,
        %parallel_loop3A_666 = arith.index_cast %parallel_loop3A_620 : i32 to index
        %parallel_loop3A_667 = arith.constant 48 : index
        %parallel_loop3A_668 = tpu.vector_load %arg9[%parallel_loop3A_666, %parallel_loop3A_667] {strides = array<i32>} : memref<32x200xf32, #tpu.memory_space<vmem>>, vector<16xf32>,
        %parallel_loop3A_669 = arith.index_cast %parallel_loop3A_620 : i32 to index
        %parallel_loop3A_670 = arith.constant 64 : index
        %parallel_loop3A_671 = tpu.vector_load %arg9[%parallel_loop3A_669, %parallel_loop3A_670] {strides = array<i32>} : memref<32x200xf32, #tpu.memory_space<vmem>>, vector<16xf32>,
        %parallel_loop3A_672 = arith.index_cast %parallel_loop3A_620 : i32 to index
        %parallel_loop3A_673 = arith.constant 80 : index
        %parallel_loop3A_674 = tpu.vector_load %arg9[%parallel_loop3A_672, %parallel_loop3A_673] {strides = array<i32>} : memref<32x200xf32, #tpu.memory_space<vmem>>, vector<16xf32>,
        %parallel_loop3A_675 = arith.index_cast %parallel_loop3A_620 : i32 to index
        %parallel_loop3A_676 = arith.constant 96 : index
        %parallel_loop3A_677 = tpu.vector_load %arg9[%parallel_loop3A_675, %parallel_loop3A_676] {strides = array<i32>} : memref<32x200xf32, #tpu.memory_space<vmem>>, vector<16xf32>,
        %parallel_loop3A_678 = arith.index_cast %parallel_loop3A_620 : i32 to index
        %parallel_loop3A_679 = arith.constant 112 : index
        %parallel_loop3A_680 = tpu.vector_load %arg9[%parallel_loop3A_678, %parallel_loop3A_679] {strides = array<i32>} : memref<32x200xf32, #tpu.memory_space<vmem>>, vector<16xf32>,
        %parallel_loop3A_681 = arith.index_cast %parallel_loop3A_620 : i32 to index
        %parallel_loop3A_682 = arith.constant 128 : index
        %parallel_loop3A_683 = tpu.vector_load %arg9[%parallel_loop3A_681, %parallel_loop3A_682] {strides = array<i32>} : memref<32x200xf32, #tpu.memory_space<vmem>>, vector<16xf32>,
        %parallel_loop3A_684 = arith.index_cast %parallel_loop3A_620 : i32 to index
        %parallel_loop3A_685 = arith.constant 144 : index
        %parallel_loop3A_686 = tpu.vector_load %arg9[%parallel_loop3A_684, %parallel_loop3A_685] {strides = array<i32>} : memref<32x200xf32, #tpu.memory_space<vmem>>, vector<16xf32>,
        %parallel_loop3A_687 = arith.index_cast %parallel_loop3A_620 : i32 to index
        %parallel_loop3A_688 = arith.constant 160 : index
        %parallel_loop3A_689 = tpu.vector_load %arg9[%parallel_loop3A_687, %parallel_loop3A_688] {strides = array<i32>} : memref<32x200xf32, #tpu.memory_space<vmem>>, vector<16xf32>,
        %parallel_loop3A_690 = arith.index_cast %parallel_loop3A_620 : i32 to index
        %parallel_loop3A_691 = arith.constant 176 : index
        %parallel_loop3A_692 = tpu.vector_load %arg9[%parallel_loop3A_690, %parallel_loop3A_691] {strides = array<i32>} : memref<32x200xf32, #tpu.memory_space<vmem>>, vector<16xf32>,
        %parallel_loop3A_693 = arith.index_cast %parallel_loop3A_620 : i32 to index
        %parallel_loop3A_694 = arith.constant 184 : index
        %parallel_loop3A_695 = tpu.vector_load %arg8[%parallel_loop3A_693, %parallel_loop3A_694] {strides = array<i32>} : memref<32x200xf32, #tpu.memory_space<vmem>>, vector<16xf32>,
        %parallel_loop3A_696 = arith.index_cast %parallel_loop3A_620 : i32 to index
        %parallel_loop3A_697 = arith.constant 184 : index
        %parallel_loop3A_698 = tpu.vector_load %arg9[%parallel_loop3A_696, %parallel_loop3A_697] {strides = array<i32>} : memref<32x200xf32, #tpu.memory_space<vmem>>, vector<16xf32>,
        %parallel_loop3A_699 = arith.select %lt3A_7, %broadcast_in_dim3A_3, %parallel_loop3A_695 : vector<16xi1>, vector<16xf32>
        %parallel_loop3A_700 = arith.select %lt3A_7, %broadcast_in_dim3A_3, %parallel_loop3A_698 : vector<16xi1>, vector<16xf32>
        %parallel_loop3A_701 = arith.select %lt3A_7, %broadcast_in_dim3A_5, %parallel_loop3A_698 : vector<16xi1>, vector<16xf32>
        %parallel_loop3A_702 = arith.addf %parallel_loop3A_701, %parallel_loop3A_659 : vector<16xf32>
        %parallel_loop3A_703 = arith.addf %parallel_loop3A_702, %parallel_loop3A_662 : vector<16xf32>
        %parallel_loop3A_704 = arith.addf %parallel_loop3A_703, %parallel_loop3A_665 : vector<16xf32>
        %parallel_loop3A_705 = arith.addf %parallel_loop3A_704, %parallel_loop3A_668 : vector<16xf32>
        %parallel_loop3A_706 = arith.addf %parallel_loop3A_705, %parallel_loop3A_671 : vector<16xf32>
        %parallel_loop3A_707 = arith.addf %parallel_loop3A_706, %parallel_loop3A_674 : vector<16xf32>
        %parallel_loop3A_708 = arith.addf %parallel_loop3A_707, %parallel_loop3A_677 : vector<16xf32>
        %parallel_loop3A_709 = arith.addf %parallel_loop3A_708, %parallel_loop3A_680 : vector<16xf32>
        %parallel_loop3A_710 = arith.addf %parallel_loop3A_709, %parallel_loop3A_683 : vector<16xf32>
        %parallel_loop3A_711 = arith.addf %parallel_loop3A_710, %parallel_loop3A_686 : vector<16xf32>
        %parallel_loop3A_712 = arith.addf %parallel_loop3A_711, %parallel_loop3A_689 : vector<16xf32>
        %parallel_loop3A_713 = arith.addf %parallel_loop3A_712, %parallel_loop3A_692 : vector<16xf32>
        %parallel_loop3A_714 = arith.constant true
        %parallel_loop3A_715 = vector.broadcast %parallel_loop3A_714 : i1 to vector<16xi1>
        %parallel_loop3A_716 = tpu.scan <sum>, %parallel_loop3A_713 masked %parallel_loop3A_715 : vector<16xf32>, vector<16xi1> -> vector<16xf32>
        %parallel_loop3A_717 = vector.extract %parallel_loop3A_716[15] : f32 from vector<16xf32>
        %parallel_loop3A_718 = arith.constant dense<true> : vector<16xi1>
        %parallel_loop3A_719, %parallel_loop3A_720, %parallel_loop3A_721 = tpu.sort %parallel_loop3A_623, %parallel_loop3A_659 masked %parallel_loop3A_718 {descending = true} : (vector<16xf32>, vector<16xf32>, vector<16xi1>) -> (vector<16xi1>, vector<16xf32>, vector<16xf32>)
        %parallel_loop3A_722 = arith.constant dense<true> : vector<16xi1>
        %parallel_loop3A_723, %parallel_loop3A_724, %parallel_loop3A_725 = tpu.sort %parallel_loop3A_626, %parallel_loop3A_662 masked %parallel_loop3A_722 : (vector<16xf32>, vector<16xf32>, vector<16xi1>) -> (vector<16xi1>, vector<16xf32>, vector<16xf32>)
        %parallel_loop3A_726 = arith.constant dense<true> : vector<16xi1>
        %parallel_loop3A_727, %parallel_loop3A_728, %parallel_loop3A_729 = tpu.sort %parallel_loop3A_629, %parallel_loop3A_665 masked %parallel_loop3A_726 {descending = true} : (vector<16xf32>, vector<16xf32>, vector<16xi1>) -> (vector<16xi1>, vector<16xf32>, vector<16xf32>)
        %parallel_loop3A_730 = arith.constant dense<true> : vector<16xi1>
        %parallel_loop3A_731, %parallel_loop3A_732, %parallel_loop3A_733 = tpu.sort %parallel_loop3A_632, %parallel_loop3A_668 masked %parallel_loop3A_730 : (vector<16xf32>, vector<16xf32>, vector<16xi1>) -> (vector<16xi1>, vector<16xf32>, vector<16xf32>)
        %parallel_loop3A_734 = arith.constant dense<true> : vector<16xi1>
        %parallel_loop3A_735, %parallel_loop3A_736, %parallel_loop3A_737 = tpu.sort %parallel_loop3A_635, %parallel_loop3A_671 masked %parallel_loop3A_734 {descending = true} : (vector<16xf32>, vector<16xf32>, vector<16xi1>) -> (vector<16xi1>, vector<16xf32>, vector<16xf32>)
        %parallel_loop3A_738 = arith.constant dense<true> : vector<16xi1>
        %parallel_loop3A_739, %parallel_loop3A_740, %parallel_loop3A_741 = tpu.sort %parallel_loop3A_638, %parallel_loop3A_674 masked %parallel_loop3A_738 : (vector<16xf32>, vector<16xf32>, vector<16xi1>) -> (vector<16xi1>, vector<16xf32>, vector<16xf32>)
        %parallel_loop3A_742 = arith.constant dense<true> : vector<16xi1>
        %parallel_loop3A_743, %parallel_loop3A_744, %parallel_loop3A_745 = tpu.sort %parallel_loop3A_641, %parallel_loop3A_677 masked %parallel_loop3A_742 {descending = true} : (vector<16xf32>, vector<16xf32>, vector<16xi1>) -> (vector<16xi1>, vector<16xf32>, vector<16xf32>)
        %parallel_loop3A_746 = arith.constant dense<true> : vector<16xi1>
        %parallel_loop3A_747, %parallel_loop3A_748, %parallel_loop3A_749 = tpu.sort %parallel_loop3A_644, %parallel_loop3A_680 masked %parallel_loop3A_746 : (vector<16xf32>, vector<16xf32>, vector<16xi1>) -> (vector<16xi1>, vector<16xf32>, vector<16xf32>)
        %parallel_loop3A_750 = arith.constant dense<true> : vector<16xi1>
        %parallel_loop3A_751, %parallel_loop3A_752, %parallel_loop3A_753 = tpu.sort %parallel_loop3A_647, %parallel_loop3A_683 masked %parallel_loop3A_750 {descending = true} : (vector<16xf32>, vector<16xf32>, vector<16xi1>) -> (vector<16xi1>, vector<16xf32>, vector<16xf32>)
        %parallel_loop3A_754 = arith.constant dense<true> : vector<16xi1>
        %parallel_loop3A_755, %parallel_loop3A_756, %parallel_loop3A_757 = tpu.sort %parallel_loop3A_650, %parallel_loop3A_686 masked %parallel_loop3A_754 : (vector<16xf32>, vector<16xf32>, vector<16xi1>) -> (vector<16xi1>, vector<16xf32>, vector<16xf32>)
        %parallel_loop3A_758 = arith.constant dense<true> : vector<16xi1>
        %parallel_loop3A_759, %parallel_loop3A_760, %parallel_loop3A_761 = tpu.sort %parallel_loop3A_653, %parallel_loop3A_689 masked %parallel_loop3A_758 {descending = true} : (vector<16xf32>, vector<16xf32>, vector<16xi1>) -> (vector<16xi1>, vector<16xf32>, vector<16xf32>)
        %parallel_loop3A_762 = arith.constant dense<true> : vector<16xi1>
        %parallel_loop3A_763, %parallel_loop3A_764, %parallel_loop3A_765 = tpu.sort %parallel_loop3A_656, %parallel_loop3A_692 masked %parallel_loop3A_762 : (vector<16xf32>, vector<16xf32>, vector<16xi1>) -> (vector<16xi1>, vector<16xf32>, vector<16xf32>)
        %parallel_loop3A_766 = arith.constant dense<true> : vector<16xi1>
        %parallel_loop3A_767, %parallel_loop3A_768, %parallel_loop3A_769 = tpu.sort %parallel_loop3A_699, %parallel_loop3A_700 masked %parallel_loop3A_766 {descending = true} : (vector<16xf32>, vector<16xf32>, vector<16xi1>) -> (vector<16xi1>, vector<16xf32>, vector<16xf32>)
        %parallel_loop3A_770 = arith.cmpf ogt, %parallel_loop3A_724, %parallel_loop3A_720 : vector<16xf32>
        %parallel_loop3A_771 = arith.select %parallel_loop3A_770, %parallel_loop3A_724, %parallel_loop3A_720 : vector<16xi1>, vector<16xf32>
        %parallel_loop3A_772 = arith.select %parallel_loop3A_770, %parallel_loop3A_725, %parallel_loop3A_721 : vector<16xi1>, vector<16xf32>
        %parallel_loop3A_773 = arith.select %parallel_loop3A_770, %parallel_loop3A_720, %parallel_loop3A_724 : vector<16xi1>, vector<16xf32>
        %parallel_loop3A_774 = arith.select %parallel_loop3A_770, %parallel_loop3A_721, %parallel_loop3A_725 : vector<16xi1>, vector<16xf32>
        %parallel_loop3A_775 = arith.cmpf olt, %parallel_loop3A_732, %parallel_loop3A_728 : vector<16xf32>
        %parallel_loop3A_776 = arith.select %parallel_loop3A_775, %parallel_loop3A_732, %parallel_loop3A_728 : vector<16xi1>, vector<16xf32>
        %parallel_loop3A_777 = arith.select %parallel_loop3A_775, %parallel_loop3A_733, %parallel_loop3A_729 : vector<16xi1>, vector<16xf32>
        %parallel_loop3A_778 = arith.select %parallel_loop3A_775, %parallel_loop3A_728, %parallel_loop3A_732 : vector<16xi1>, vector<16xf32>
        %parallel_loop3A_779 = arith.select %parallel_loop3A_775, %parallel_loop3A_729, %parallel_loop3A_733 : vector<16xi1>, vector<16xf32>
        %parallel_loop3A_780 = arith.cmpf ogt, %parallel_loop3A_740, %parallel_loop3A_736 : vector<16xf32>
        %parallel_loop3A_781 = arith.select %parallel_loop3A_780, %parallel_loop3A_740, %parallel_loop3A_736 : vector<16xi1>, vector<16xf32>
        %parallel_loop3A_782 = arith.select %parallel_loop3A_780, %parallel_loop3A_741, %parallel_loop3A_737 : vector<16xi1>, vector<16xf32>
        %parallel_loop3A_783 = arith.select %parallel_loop3A_780, %parallel_loop3A_736, %parallel_loop3A_740 : vector<16xi1>, vector<16xf32>
        %parallel_loop3A_784 = arith.select %parallel_loop3A_780, %parallel_loop3A_737, %parallel_loop3A_741 : vector<16xi1>, vector<16xf32>
        %parallel_loop3A_785 = arith.cmpf olt, %parallel_loop3A_748, %parallel_loop3A_744 : vector<16xf32>
        %parallel_loop3A_786 = arith.select %parallel_loop3A_785, %parallel_loop3A_748, %parallel_loop3A_744 : vector<16xi1>, vector<16xf32>
        %parallel_loop3A_787 = arith.select %parallel_loop3A_785, %parallel_loop3A_749, %parallel_loop3A_745 : vector<16xi1>, vector<16xf32>
        %parallel_loop3A_788 = arith.select %parallel_loop3A_785, %parallel_loop3A_744, %parallel_loop3A_748 : vector<16xi1>, vector<16xf32>
        %parallel_loop3A_789 = arith.select %parallel_loop3A_785, %parallel_loop3A_745, %parallel_loop3A_749 : vector<16xi1>, vector<16xf32>
        %parallel_loop3A_790 = arith.cmpf ogt, %parallel_loop3A_756, %parallel_loop3A_752 : vector<16xf32>
        %parallel_loop3A_791 = arith.select %parallel_loop3A_790, %parallel_loop3A_756, %parallel_loop3A_752 : vector<16xi1>, vector<16xf32>
        %parallel_loop3A_792 = arith.select %parallel_loop3A_790, %parallel_loop3A_757, %parallel_loop3A_753 : vector<16xi1>, vector<16xf32>
        %parallel_loop3A_793 = arith.select %parallel_loop3A_790, %parallel_loop3A_752, %parallel_loop3A_756 : vector<16xi1>, vector<16xf32>
        %parallel_loop3A_794 = arith.select %parallel_loop3A_790, %parallel_loop3A_753, %parallel_loop3A_757 : vector<16xi1>, vector<16xf32>
        %parallel_loop3A_795 = arith.cmpf olt, %parallel_loop3A_764, %parallel_loop3A_760 : vector<16xf32>
        %parallel_loop3A_796 = arith.select %parallel_loop3A_795, %parallel_loop3A_764, %parallel_loop3A_760 : vector<16xi1>, vector<16xf32>
        %parallel_loop3A_797 = arith.select %parallel_loop3A_795, %parallel_loop3A_765, %parallel_loop3A_761 : vector<16xi1>, vector<16xf32>
        %parallel_loop3A_798 = arith.select %parallel_loop3A_795, %parallel_loop3A_760, %parallel_loop3A_764 : vector<16xi1>, vector<16xf32>
        %parallel_loop3A_799 = arith.select %parallel_loop3A_795, %parallel_loop3A_761, %parallel_loop3A_765 : vector<16xi1>, vector<16xf32>
        %parallel_loop3A_800 = arith.constant dense<true> : vector<16xi1>
        %parallel_loop3A_801, %parallel_loop3A_802, %parallel_loop3A_803 = tpu.sort %parallel_loop3A_771, %parallel_loop3A_772 masked %parallel_loop3A_800 {descending = true} : (vector<16xf32>, vector<16xf32>, vector<16xi1>) -> (vector<16xi1>, vector<16xf32>, vector<16xf32>)
        %parallel_loop3A_804 = arith.constant dense<true> : vector<16xi1>
        %parallel_loop3A_805, %parallel_loop3A_806, %parallel_loop3A_807 = tpu.sort %parallel_loop3A_773, %parallel_loop3A_774 masked %parallel_loop3A_804 {descending = true} : (vector<16xf32>, vector<16xf32>, vector<16xi1>) -> (vector<16xi1>, vector<16xf32>, vector<16xf32>)
        %parallel_loop3A_808 = arith.constant dense<true> : vector<16xi1>
        %parallel_loop3A_809, %parallel_loop3A_810, %parallel_loop3A_811 = tpu.sort %parallel_loop3A_776, %parallel_loop3A_777 masked %parallel_loop3A_808 : (vector<16xf32>, vector<16xf32>, vector<16xi1>) -> (vector<16xi1>, vector<16xf32>, vector<16xf32>)
        %parallel_loop3A_812 = arith.constant dense<true> : vector<16xi1>
        %parallel_loop3A_813, %parallel_loop3A_814, %parallel_loop3A_815 = tpu.sort %parallel_loop3A_778, %parallel_loop3A_779 masked %parallel_loop3A_812 : (vector<16xf32>, vector<16xf32>, vector<16xi1>) -> (vector<16xi1>, vector<16xf32>, vector<16xf32>)
        %parallel_loop3A_816 = arith.constant dense<true> : vector<16xi1>
        %parallel_loop3A_817, %parallel_loop3A_818, %parallel_loop3A_819 = tpu.sort %parallel_loop3A_781, %parallel_loop3A_782 masked %parallel_loop3A_816 {descending = true} : (vector<16xf32>, vector<16xf32>, vector<16xi1>) -> (vector<16xi1>, vector<16xf32>, vector<16xf32>)
        %parallel_loop3A_820 = arith.constant dense<true> : vector<16xi1>
        %parallel_loop3A_821, %parallel_loop3A_822, %parallel_loop3A_823 = tpu.sort %parallel_loop3A_783, %parallel_loop3A_784 masked %parallel_loop3A_820 {descending = true} : (vector<16xf32>, vector<16xf32>, vector<16xi1>) -> (vector<16xi1>, vector<16xf32>, vector<16xf32>)
        %parallel_loop3A_824 = arith.constant dense<true> : vector<16xi1>
        %parallel_loop3A_825, %parallel_loop3A_826, %parallel_loop3A_827 = tpu.sort %parallel_loop3A_786, %parallel_loop3A_787 masked %parallel_loop3A_824 : (vector<16xf32>, vector<16xf32>, vector<16xi1>) -> (vector<16xi1>, vector<16xf32>, vector<16xf32>)
        %parallel_loop3A_828 = arith.constant dense<true> : vector<16xi1>
        %parallel_loop3A_829, %parallel_loop3A_830, %parallel_loop3A_831 = tpu.sort %parallel_loop3A_788, %parallel_loop3A_789 masked %parallel_loop3A_828 : (vector<16xf32>, vector<16xf32>, vector<16xi1>) -> (vector<16xi1>, vector<16xf32>, vector<16xf32>)
        %parallel_loop3A_832 = arith.constant dense<true> : vector<16xi1>
        %parallel_loop3A_833, %parallel_loop3A_834, %parallel_loop3A_835 = tpu.sort %parallel_loop3A_791, %parallel_loop3A_792 masked %parallel_loop3A_832 {descending = true} : (vector<16xf32>, vector<16xf32>, vector<16xi1>) -> (vector<16xi1>, vector<16xf32>, vector<16xf32>)
        %parallel_loop3A_836 = arith.constant dense<true> : vector<16xi1>
        %parallel_loop3A_837, %parallel_loop3A_838, %parallel_loop3A_839 = tpu.sort %parallel_loop3A_793, %parallel_loop3A_794 masked %parallel_loop3A_836 {descending = true} : (vector<16xf32>, vector<16xf32>, vector<16xi1>) -> (vector<16xi1>, vector<16xf32>, vector<16xf32>)
        %parallel_loop3A_840 = arith.constant dense<true> : vector<16xi1>
        %parallel_loop3A_841, %parallel_loop3A_842, %parallel_loop3A_843 = tpu.sort %parallel_loop3A_796, %parallel_loop3A_797 masked %parallel_loop3A_840 : (vector<16xf32>, vector<16xf32>, vector<16xi1>) -> (vector<16xi1>, vector<16xf32>, vector<16xf32>)
        %parallel_loop3A_844 = arith.constant dense<true> : vector<16xi1>
        %parallel_loop3A_845, %parallel_loop3A_846, %parallel_loop3A_847 = tpu.sort %parallel_loop3A_798, %parallel_loop3A_799 masked %parallel_loop3A_844 : (vector<16xf32>, vector<16xf32>, vector<16xi1>) -> (vector<16xi1>, vector<16xf32>, vector<16xf32>)
        %parallel_loop3A_848 = arith.constant dense<true> : vector<16xi1>
        %parallel_loop3A_849, %parallel_loop3A_850, %parallel_loop3A_851 = tpu.sort %parallel_loop3A_768, %parallel_loop3A_769 masked %parallel_loop3A_848 {descending = true} : (vector<16xf32>, vector<16xf32>, vector<16xi1>) -> (vector<16xi1>, vector<16xf32>, vector<16xf32>)
        %parallel_loop3A_852 = arith.cmpf ogt, %parallel_loop3A_810, %parallel_loop3A_802 : vector<16xf32>
        %parallel_loop3A_853 = arith.select %parallel_loop3A_852, %parallel_loop3A_810, %parallel_loop3A_802 : vector<16xi1>, vector<16xf32>
        %parallel_loop3A_854 = arith.select %parallel_loop3A_852, %parallel_loop3A_811, %parallel_loop3A_803 : vector<16xi1>, vector<16xf32>
        %parallel_loop3A_855 = arith.select %parallel_loop3A_852, %parallel_loop3A_802, %parallel_loop3A_810 : vector<16xi1>, vector<16xf32>
        %parallel_loop3A_856 = arith.select %parallel_loop3A_852, %parallel_loop3A_803, %parallel_loop3A_811 : vector<16xi1>, vector<16xf32>
        %parallel_loop3A_857 = arith.cmpf ogt, %parallel_loop3A_814, %parallel_loop3A_806 : vector<16xf32>
        %parallel_loop3A_858 = arith.select %parallel_loop3A_857, %parallel_loop3A_814, %parallel_loop3A_806 : vector<16xi1>, vector<16xf32>
        %parallel_loop3A_859 = arith.select %parallel_loop3A_857, %parallel_loop3A_815, %parallel_loop3A_807 : vector<16xi1>, vector<16xf32>
        %parallel_loop3A_860 = arith.select %parallel_loop3A_857, %parallel_loop3A_806, %parallel_loop3A_814 : vector<16xi1>, vector<16xf32>
        %parallel_loop3A_861 = arith.select %parallel_loop3A_857, %parallel_loop3A_807, %parallel_loop3A_815 : vector<16xi1>, vector<16xf32>
        %parallel_loop3A_862 = arith.cmpf olt, %parallel_loop3A_826, %parallel_loop3A_818 : vector<16xf32>
        %parallel_loop3A_863 = arith.select %parallel_loop3A_862, %parallel_loop3A_826, %parallel_loop3A_818 : vector<16xi1>, vector<16xf32>
        %parallel_loop3A_864 = arith.select %parallel_loop3A_862, %parallel_loop3A_827, %parallel_loop3A_819 : vector<16xi1>, vector<16xf32>
        %parallel_loop3A_865 = arith.select %parallel_loop3A_862, %parallel_loop3A_818, %parallel_loop3A_826 : vector<16xi1>, vector<16xf32>
        %parallel_loop3A_866 = arith.select %parallel_loop3A_862, %parallel_loop3A_819, %parallel_loop3A_827 : vector<16xi1>, vector<16xf32>
        %parallel_loop3A_867 = arith.cmpf olt, %parallel_loop3A_830, %parallel_loop3A_822 : vector<16xf32>
        %parallel_loop3A_868 = arith.select %parallel_loop3A_867, %parallel_loop3A_830, %parallel_loop3A_822 : vector<16xi1>, vector<16xf32>
        %parallel_loop3A_869 = arith.select %parallel_loop3A_867, %parallel_loop3A_831, %parallel_loop3A_823 : vector<16xi1>, vector<16xf32>
        %parallel_loop3A_870 = arith.select %parallel_loop3A_867, %parallel_loop3A_822, %parallel_loop3A_830 : vector<16xi1>, vector<16xf32>
        %parallel_loop3A_871 = arith.select %parallel_loop3A_867, %parallel_loop3A_823, %parallel_loop3A_831 : vector<16xi1>, vector<16xf32>
        %parallel_loop3A_872 = arith.cmpf ogt, %parallel_loop3A_842, %parallel_loop3A_834 : vector<16xf32>
        %parallel_loop3A_873 = arith.select %parallel_loop3A_872, %parallel_loop3A_842, %parallel_loop3A_834 : vector<16xi1>, vector<16xf32>
        %parallel_loop3A_874 = arith.select %parallel_loop3A_872, %parallel_loop3A_843, %parallel_loop3A_835 : vector<16xi1>, vector<16xf32>
        %parallel_loop3A_875 = arith.select %parallel_loop3A_872, %parallel_loop3A_834, %parallel_loop3A_842 : vector<16xi1>, vector<16xf32>
        %parallel_loop3A_876 = arith.select %parallel_loop3A_872, %parallel_loop3A_835, %parallel_loop3A_843 : vector<16xi1>, vector<16xf32>
        %parallel_loop3A_877 = arith.cmpf ogt, %parallel_loop3A_846, %parallel_loop3A_838 : vector<16xf32>
        %parallel_loop3A_878 = arith.select %parallel_loop3A_877, %parallel_loop3A_846, %parallel_loop3A_838 : vector<16xi1>, vector<16xf32>
        %parallel_loop3A_879 = arith.select %parallel_loop3A_877, %parallel_loop3A_847, %parallel_loop3A_839 : vector<16xi1>, vector<16xf32>
        %parallel_loop3A_880 = arith.select %parallel_loop3A_877, %parallel_loop3A_838, %parallel_loop3A_846 : vector<16xi1>, vector<16xf32>
        %parallel_loop3A_881 = arith.select %parallel_loop3A_877, %parallel_loop3A_839, %parallel_loop3A_847 : vector<16xi1>, vector<16xf32>
        %parallel_loop3A_882 = arith.cmpf ogt, %parallel_loop3A_858, %parallel_loop3A_853 : vector<16xf32>
        %parallel_loop3A_883 = arith.select %parallel_loop3A_882, %parallel_loop3A_858, %parallel_loop3A_853 : vector<16xi1>, vector<16xf32>
        %parallel_loop3A_884 = arith.select %parallel_loop3A_882, %parallel_loop3A_859, %parallel_loop3A_854 : vector<16xi1>, vector<16xf32>
        %parallel_loop3A_885 = arith.select %parallel_loop3A_882, %parallel_loop3A_853, %parallel_loop3A_858 : vector<16xi1>, vector<16xf32>
        %parallel_loop3A_886 = arith.select %parallel_loop3A_882, %parallel_loop3A_854, %parallel_loop3A_859 : vector<16xi1>, vector<16xf32>
        %parallel_loop3A_887 = arith.cmpf ogt, %parallel_loop3A_860, %parallel_loop3A_855 : vector<16xf32>
        %parallel_loop3A_888 = arith.select %parallel_loop3A_887, %parallel_loop3A_860, %parallel_loop3A_855 : vector<16xi1>, vector<16xf32>
        %parallel_loop3A_889 = arith.select %parallel_loop3A_887, %parallel_loop3A_861, %parallel_loop3A_856 : vector<16xi1>, vector<16xf32>
        %parallel_loop3A_890 = arith.select %parallel_loop3A_887, %parallel_loop3A_855, %parallel_loop3A_860 : vector<16xi1>, vector<16xf32>
        %parallel_loop3A_891 = arith.select %parallel_loop3A_887, %parallel_loop3A_856, %parallel_loop3A_861 : vector<16xi1>, vector<16xf32>
        %parallel_loop3A_892 = arith.cmpf olt, %parallel_loop3A_868, %parallel_loop3A_863 : vector<16xf32>
        %parallel_loop3A_893 = arith.select %parallel_loop3A_892, %parallel_loop3A_868, %parallel_loop3A_863 : vector<16xi1>, vector<16xf32>
        %parallel_loop3A_894 = arith.select %parallel_loop3A_892, %parallel_loop3A_869, %parallel_loop3A_864 : vector<16xi1>, vector<16xf32>
        %parallel_loop3A_895 = arith.select %parallel_loop3A_892, %parallel_loop3A_863, %parallel_loop3A_868 : vector<16xi1>, vector<16xf32>
        %parallel_loop3A_896 = arith.select %parallel_loop3A_892, %parallel_loop3A_864, %parallel_loop3A_869 : vector<16xi1>, vector<16xf32>
        %parallel_loop3A_897 = arith.cmpf olt, %parallel_loop3A_870, %parallel_loop3A_865 : vector<16xf32>
        %parallel_loop3A_898 = arith.select %parallel_loop3A_897, %parallel_loop3A_870, %parallel_loop3A_865 : vector<16xi1>, vector<16xf32>
        %parallel_loop3A_899 = arith.select %parallel_loop3A_897, %parallel_loop3A_871, %parallel_loop3A_866 : vector<16xi1>, vector<16xf32>
        %parallel_loop3A_900 = arith.select %parallel_loop3A_897, %parallel_loop3A_865, %parallel_loop3A_870 : vector<16xi1>, vector<16xf32>
        %parallel_loop3A_901 = arith.select %parallel_loop3A_897, %parallel_loop3A_866, %parallel_loop3A_871 : vector<16xi1>, vector<16xf32>
        %parallel_loop3A_902 = arith.cmpf ogt, %parallel_loop3A_878, %parallel_loop3A_873 : vector<16xf32>
        %parallel_loop3A_903 = arith.select %parallel_loop3A_902, %parallel_loop3A_878, %parallel_loop3A_873 : vector<16xi1>, vector<16xf32>
        %parallel_loop3A_904 = arith.select %parallel_loop3A_902, %parallel_loop3A_879, %parallel_loop3A_874 : vector<16xi1>, vector<16xf32>
        %parallel_loop3A_905 = arith.select %parallel_loop3A_902, %parallel_loop3A_873, %parallel_loop3A_878 : vector<16xi1>, vector<16xf32>
        %parallel_loop3A_906 = arith.select %parallel_loop3A_902, %parallel_loop3A_874, %parallel_loop3A_879 : vector<16xi1>, vector<16xf32>
        %parallel_loop3A_907 = arith.cmpf ogt, %parallel_loop3A_880, %parallel_loop3A_875 : vector<16xf32>
        %parallel_loop3A_908 = arith.select %parallel_loop3A_907, %parallel_loop3A_880, %parallel_loop3A_875 : vector<16xi1>, vector<16xf32>
        %parallel_loop3A_909 = arith.select %parallel_loop3A_907, %parallel_loop3A_881, %parallel_loop3A_876 : vector<16xi1>, vector<16xf32>
        %parallel_loop3A_910 = arith.select %parallel_loop3A_907, %parallel_loop3A_875, %parallel_loop3A_880 : vector<16xi1>, vector<16xf32>
        %parallel_loop3A_911 = arith.select %parallel_loop3A_907, %parallel_loop3A_876, %parallel_loop3A_881 : vector<16xi1>, vector<16xf32>
        %parallel_loop3A_912 = arith.constant dense<true> : vector<16xi1>
        %parallel_loop3A_913, %parallel_loop3A_914, %parallel_loop3A_915 = tpu.sort %parallel_loop3A_883, %parallel_loop3A_884 masked %parallel_loop3A_912 {descending = true} : (vector<16xf32>, vector<16xf32>, vector<16xi1>) -> (vector<16xi1>, vector<16xf32>, vector<16xf32>)
        %parallel_loop3A_916 = arith.constant dense<true> : vector<16xi1>
        %parallel_loop3A_917, %parallel_loop3A_918, %parallel_loop3A_919 = tpu.sort %parallel_loop3A_885, %parallel_loop3A_886 masked %parallel_loop3A_916 {descending = true} : (vector<16xf32>, vector<16xf32>, vector<16xi1>) -> (vector<16xi1>, vector<16xf32>, vector<16xf32>)
        %parallel_loop3A_920 = arith.constant dense<true> : vector<16xi1>
        %parallel_loop3A_921, %parallel_loop3A_922, %parallel_loop3A_923 = tpu.sort %parallel_loop3A_888, %parallel_loop3A_889 masked %parallel_loop3A_920 {descending = true} : (vector<16xf32>, vector<16xf32>, vector<16xi1>) -> (vector<16xi1>, vector<16xf32>, vector<16xf32>)
        %parallel_loop3A_924 = arith.constant dense<true> : vector<16xi1>
        %parallel_loop3A_925, %parallel_loop3A_926, %parallel_loop3A_927 = tpu.sort %parallel_loop3A_890, %parallel_loop3A_891 masked %parallel_loop3A_924 {descending = true} : (vector<16xf32>, vector<16xf32>, vector<16xi1>) -> (vector<16xi1>, vector<16xf32>, vector<16xf32>)
        %parallel_loop3A_928 = arith.constant dense<true> : vector<16xi1>
        %parallel_loop3A_929, %parallel_loop3A_930, %parallel_loop3A_931 = tpu.sort %parallel_loop3A_893, %parallel_loop3A_894 masked %parallel_loop3A_928 : (vector<16xf32>, vector<16xf32>, vector<16xi1>) -> (vector<16xi1>, vector<16xf32>, vector<16xf32>)
        %parallel_loop3A_932 = arith.constant dense<true> : vector<16xi1>
        %parallel_loop3A_933, %parallel_loop3A_934, %parallel_loop3A_935 = tpu.sort %parallel_loop3A_895, %parallel_loop3A_896 masked %parallel_loop3A_932 : (vector<16xf32>, vector<16xf32>, vector<16xi1>) -> (vector<16xi1>, vector<16xf32>, vector<16xf32>)
        %parallel_loop3A_936 = arith.constant dense<true> : vector<16xi1>
        %parallel_loop3A_937, %parallel_loop3A_938, %parallel_loop3A_939 = tpu.sort %parallel_loop3A_898, %parallel_loop3A_899 masked %parallel_loop3A_936 : (vector<16xf32>, vector<16xf32>, vector<16xi1>) -> (vector<16xi1>, vector<16xf32>, vector<16xf32>)
        %parallel_loop3A_940 = arith.constant dense<true> : vector<16xi1>
        %parallel_loop3A_941, %parallel_loop3A_942, %parallel_loop3A_943 = tpu.sort %parallel_loop3A_900, %parallel_loop3A_901 masked %parallel_loop3A_940 : (vector<16xf32>, vector<16xf32>, vector<16xi1>) -> (vector<16xi1>, vector<16xf32>, vector<16xf32>)
        %parallel_loop3A_944 = arith.constant dense<true> : vector<16xi1>
        %parallel_loop3A_945, %parallel_loop3A_946, %parallel_loop3A_947 = tpu.sort %parallel_loop3A_903, %parallel_loop3A_904 masked %parallel_loop3A_944 {descending = true} : (vector<16xf32>, vector<16xf32>, vector<16xi1>) -> (vector<16xi1>, vector<16xf32>, vector<16xf32>)
        %parallel_loop3A_948 = arith.constant dense<true> : vector<16xi1>
        %parallel_loop3A_949, %parallel_loop3A_950, %parallel_loop3A_951 = tpu.sort %parallel_loop3A_905, %parallel_loop3A_906 masked %parallel_loop3A_948 {descending = true} : (vector<16xf32>, vector<16xf32>, vector<16xi1>) -> (vector<16xi1>, vector<16xf32>, vector<16xf32>)
        %parallel_loop3A_952 = arith.constant dense<true> : vector<16xi1>
        %parallel_loop3A_953, %parallel_loop3A_954, %parallel_loop3A_955 = tpu.sort %parallel_loop3A_908, %parallel_loop3A_909 masked %parallel_loop3A_952 {descending = true} : (vector<16xf32>, vector<16xf32>, vector<16xi1>) -> (vector<16xi1>, vector<16xf32>, vector<16xf32>)
        %parallel_loop3A_956 = arith.constant dense<true> : vector<16xi1>
        %parallel_loop3A_957, %parallel_loop3A_958, %parallel_loop3A_959 = tpu.sort %parallel_loop3A_910, %parallel_loop3A_911 masked %parallel_loop3A_956 {descending = true} : (vector<16xf32>, vector<16xf32>, vector<16xi1>) -> (vector<16xi1>, vector<16xf32>, vector<16xf32>)
        %parallel_loop3A_960 = arith.constant dense<true> : vector<16xi1>
        %parallel_loop3A_961, %parallel_loop3A_962, %parallel_loop3A_963 = tpu.sort %parallel_loop3A_850, %parallel_loop3A_851 masked %parallel_loop3A_960 : (vector<16xf32>, vector<16xf32>, vector<16xi1>) -> (vector<16xi1>, vector<16xf32>, vector<16xf32>)
        %parallel_loop3A_964 = arith.cmpf ogt, %parallel_loop3A_930, %parallel_loop3A_914 : vector<16xf32>
        %parallel_loop3A_965 = arith.select %parallel_loop3A_964, %parallel_loop3A_930, %parallel_loop3A_914 : vector<16xi1>, vector<16xf32>
        %parallel_loop3A_966 = arith.select %parallel_loop3A_964, %parallel_loop3A_931, %parallel_loop3A_915 : vector<16xi1>, vector<16xf32>
        %parallel_loop3A_967 = arith.select %parallel_loop3A_964, %parallel_loop3A_914, %parallel_loop3A_930 : vector<16xi1>, vector<16xf32>
        %parallel_loop3A_968 = arith.select %parallel_loop3A_964, %parallel_loop3A_915, %parallel_loop3A_931 : vector<16xi1>, vector<16xf32>
        %parallel_loop3A_969 = arith.cmpf ogt, %parallel_loop3A_934, %parallel_loop3A_918 : vector<16xf32>
        %parallel_loop3A_970 = arith.select %parallel_loop3A_969, %parallel_loop3A_934, %parallel_loop3A_918 : vector<16xi1>, vector<16xf32>
        %parallel_loop3A_971 = arith.select %parallel_loop3A_969, %parallel_loop3A_935, %parallel_loop3A_919 : vector<16xi1>, vector<16xf32>
        %parallel_loop3A_972 = arith.select %parallel_loop3A_969, %parallel_loop3A_918, %parallel_loop3A_934 : vector<16xi1>, vector<16xf32>
        %parallel_loop3A_973 = arith.select %parallel_loop3A_969, %parallel_loop3A_919, %parallel_loop3A_935 : vector<16xi1>, vector<16xf32>
        %parallel_loop3A_974 = arith.cmpf ogt, %parallel_loop3A_938, %parallel_loop3A_922 : vector<16xf32>
        %parallel_loop3A_975 = arith.select %parallel_loop3A_974, %parallel_loop3A_938, %parallel_loop3A_922 : vector<16xi1>, vector<16xf32>
        %parallel_loop3A_976 = arith.select %parallel_loop3A_974, %parallel_loop3A_939, %parallel_loop3A_923 : vector<16xi1>, vector<16xf32>
        %parallel_loop3A_977 = arith.select %parallel_loop3A_974, %parallel_loop3A_922, %parallel_loop3A_938 : vector<16xi1>, vector<16xf32>
        %parallel_loop3A_978 = arith.select %parallel_loop3A_974, %parallel_loop3A_923, %parallel_loop3A_939 : vector<16xi1>, vector<16xf32>
        %parallel_loop3A_979 = arith.cmpf ogt, %parallel_loop3A_942, %parallel_loop3A_926 : vector<16xf32>
        %parallel_loop3A_980 = arith.select %parallel_loop3A_979, %parallel_loop3A_942, %parallel_loop3A_926 : vector<16xi1>, vector<16xf32>
        %parallel_loop3A_981 = arith.select %parallel_loop3A_979, %parallel_loop3A_943, %parallel_loop3A_927 : vector<16xi1>, vector<16xf32>
        %parallel_loop3A_982 = arith.select %parallel_loop3A_979, %parallel_loop3A_926, %parallel_loop3A_942 : vector<16xi1>, vector<16xf32>
        %parallel_loop3A_983 = arith.select %parallel_loop3A_979, %parallel_loop3A_927, %parallel_loop3A_943 : vector<16xi1>, vector<16xf32>
        %parallel_loop3A_984 = arith.cmpf olt, %parallel_loop3A_962, %parallel_loop3A_958 : vector<16xf32>
        %parallel_loop3A_985 = arith.select %parallel_loop3A_984, %parallel_loop3A_962, %parallel_loop3A_958 : vector<16xi1>, vector<16xf32>
        %parallel_loop3A_986 = arith.select %parallel_loop3A_984, %parallel_loop3A_963, %parallel_loop3A_959 : vector<16xi1>, vector<16xf32>
        %parallel_loop3A_987 = arith.select %parallel_loop3A_984, %parallel_loop3A_958, %parallel_loop3A_962 : vector<16xi1>, vector<16xf32>
        %parallel_loop3A_988 = arith.select %parallel_loop3A_984, %parallel_loop3A_959, %parallel_loop3A_963 : vector<16xi1>, vector<16xf32>
        %parallel_loop3A_989 = arith.cmpf ogt, %parallel_loop3A_975, %parallel_loop3A_965 : vector<16xf32>
        %parallel_loop3A_990 = arith.select %parallel_loop3A_989, %parallel_loop3A_975, %parallel_loop3A_965 : vector<16xi1>, vector<16xf32>
        %parallel_loop3A_991 = arith.select %parallel_loop3A_989, %parallel_loop3A_976, %parallel_loop3A_966 : vector<16xi1>, vector<16xf32>
        %parallel_loop3A_992 = arith.select %parallel_loop3A_989, %parallel_loop3A_965, %parallel_loop3A_975 : vector<16xi1>, vector<16xf32>
        %parallel_loop3A_993 = arith.select %parallel_loop3A_989, %parallel_loop3A_966, %parallel_loop3A_976 : vector<16xi1>, vector<16xf32>
        %parallel_loop3A_994 = arith.cmpf ogt, %parallel_loop3A_980, %parallel_loop3A_970 : vector<16xf32>
        %parallel_loop3A_995 = arith.select %parallel_loop3A_994, %parallel_loop3A_980, %parallel_loop3A_970 : vector<16xi1>, vector<16xf32>
        %parallel_loop3A_996 = arith.select %parallel_loop3A_994, %parallel_loop3A_981, %parallel_loop3A_971 : vector<16xi1>, vector<16xf32>
        %parallel_loop3A_997 = arith.select %parallel_loop3A_994, %parallel_loop3A_970, %parallel_loop3A_980 : vector<16xi1>, vector<16xf32>
        %parallel_loop3A_998 = arith.select %parallel_loop3A_994, %parallel_loop3A_971, %parallel_loop3A_981 : vector<16xi1>, vector<16xf32>
        %parallel_loop3A_999 = arith.cmpf ogt, %parallel_loop3A_977, %parallel_loop3A_967 : vector<16xf32>
        %parallel_loop3A_1000 = arith.select %parallel_loop3A_999, %parallel_loop3A_977, %parallel_loop3A_967 : vector<16xi1>, vector<16xf32>
        %parallel_loop3A_1001 = arith.select %parallel_loop3A_999, %parallel_loop3A_978, %parallel_loop3A_968 : vector<16xi1>, vector<16xf32>
        %parallel_loop3A_1002 = arith.select %parallel_loop3A_999, %parallel_loop3A_967, %parallel_loop3A_977 : vector<16xi1>, vector<16xf32>
        %parallel_loop3A_1003 = arith.select %parallel_loop3A_999, %parallel_loop3A_968, %parallel_loop3A_978 : vector<16xi1>, vector<16xf32>
        %parallel_loop3A_1004 = arith.cmpf ogt, %parallel_loop3A_982, %parallel_loop3A_972 : vector<16xf32>
        %parallel_loop3A_1005 = arith.select %parallel_loop3A_1004, %parallel_loop3A_982, %parallel_loop3A_972 : vector<16xi1>, vector<16xf32>
        %parallel_loop3A_1006 = arith.select %parallel_loop3A_1004, %parallel_loop3A_983, %parallel_loop3A_973 : vector<16xi1>, vector<16xf32>
        %parallel_loop3A_1007 = arith.select %parallel_loop3A_1004, %parallel_loop3A_972, %parallel_loop3A_982 : vector<16xi1>, vector<16xf32>
        %parallel_loop3A_1008 = arith.select %parallel_loop3A_1004, %parallel_loop3A_973, %parallel_loop3A_983 : vector<16xi1>, vector<16xf32>
        %parallel_loop3A_1009 = arith.cmpf olt, %parallel_loop3A_954, %parallel_loop3A_946 : vector<16xf32>
        %parallel_loop3A_1010 = arith.select %parallel_loop3A_1009, %parallel_loop3A_954, %parallel_loop3A_946 : vector<16xi1>, vector<16xf32>
        %parallel_loop3A_1011 = arith.select %parallel_loop3A_1009, %parallel_loop3A_955, %parallel_loop3A_947 : vector<16xi1>, vector<16xf32>
        %parallel_loop3A_1012 = arith.select %parallel_loop3A_1009, %parallel_loop3A_946, %parallel_loop3A_954 : vector<16xi1>, vector<16xf32>
        %parallel_loop3A_1013 = arith.select %parallel_loop3A_1009, %parallel_loop3A_947, %parallel_loop3A_955 : vector<16xi1>, vector<16xf32>
        %parallel_loop3A_1014 = arith.cmpf olt, %parallel_loop3A_987, %parallel_loop3A_950 : vector<16xf32>
        %parallel_loop3A_1015 = arith.select %parallel_loop3A_1014, %parallel_loop3A_987, %parallel_loop3A_950 : vector<16xi1>, vector<16xf32>
        %parallel_loop3A_1016 = arith.select %parallel_loop3A_1014, %parallel_loop3A_988, %parallel_loop3A_951 : vector<16xi1>, vector<16xf32>
        %parallel_loop3A_1017 = arith.select %parallel_loop3A_1014, %parallel_loop3A_950, %parallel_loop3A_987 : vector<16xi1>, vector<16xf32>
        %parallel_loop3A_1018 = arith.select %parallel_loop3A_1014, %parallel_loop3A_951, %parallel_loop3A_988 : vector<16xi1>, vector<16xf32>
        %parallel_loop3A_1019 = arith.cmpf ogt, %parallel_loop3A_995, %parallel_loop3A_990 : vector<16xf32>
        %parallel_loop3A_1020 = arith.select %parallel_loop3A_1019, %parallel_loop3A_995, %parallel_loop3A_990 : vector<16xi1>, vector<16xf32>
        %parallel_loop3A_1021 = arith.select %parallel_loop3A_1019, %parallel_loop3A_996, %parallel_loop3A_991 : vector<16xi1>, vector<16xf32>
        %parallel_loop3A_1022 = arith.select %parallel_loop3A_1019, %parallel_loop3A_990, %parallel_loop3A_995 : vector<16xi1>, vector<16xf32>
        %parallel_loop3A_1023 = arith.select %parallel_loop3A_1019, %parallel_loop3A_991, %parallel_loop3A_996 : vector<16xi1>, vector<16xf32>
        %parallel_loop3A_1024 = arith.cmpf ogt, %parallel_loop3A_997, %parallel_loop3A_992 : vector<16xf32>
        %parallel_loop3A_1025 = arith.select %parallel_loop3A_1024, %parallel_loop3A_997, %parallel_loop3A_992 : vector<16xi1>, vector<16xf32>
        %parallel_loop3A_1026 = arith.select %parallel_loop3A_1024, %parallel_loop3A_998, %parallel_loop3A_993 : vector<16xi1>, vector<16xf32>
        %parallel_loop3A_1027 = arith.select %parallel_loop3A_1024, %parallel_loop3A_992, %parallel_loop3A_997 : vector<16xi1>, vector<16xf32>
        %parallel_loop3A_1028 = arith.select %parallel_loop3A_1024, %parallel_loop3A_993, %parallel_loop3A_998 : vector<16xi1>, vector<16xf32>
        %parallel_loop3A_1029 = arith.cmpf ogt, %parallel_loop3A_1005, %parallel_loop3A_1000 : vector<16xf32>
        %parallel_loop3A_1030 = arith.select %parallel_loop3A_1029, %parallel_loop3A_1005, %parallel_loop3A_1000 : vector<16xi1>, vector<16xf32>
        %parallel_loop3A_1031 = arith.select %parallel_loop3A_1029, %parallel_loop3A_1006, %parallel_loop3A_1001 : vector<16xi1>, vector<16xf32>
        %parallel_loop3A_1032 = arith.select %parallel_loop3A_1029, %parallel_loop3A_1000, %parallel_loop3A_1005 : vector<16xi1>, vector<16xf32>
        %parallel_loop3A_1033 = arith.select %parallel_loop3A_1029, %parallel_loop3A_1001, %parallel_loop3A_1006 : vector<16xi1>, vector<16xf32>
        %parallel_loop3A_1034 = arith.cmpf ogt, %parallel_loop3A_1007, %parallel_loop3A_1002 : vector<16xf32>
        %parallel_loop3A_1035 = arith.select %parallel_loop3A_1034, %parallel_loop3A_1007, %parallel_loop3A_1002 : vector<16xi1>, vector<16xf32>
        %parallel_loop3A_1036 = arith.select %parallel_loop3A_1034, %parallel_loop3A_1008, %parallel_loop3A_1003 : vector<16xi1>, vector<16xf32>
        %parallel_loop3A_1037 = arith.select %parallel_loop3A_1034, %parallel_loop3A_1002, %parallel_loop3A_1007 : vector<16xi1>, vector<16xf32>
        %parallel_loop3A_1038 = arith.select %parallel_loop3A_1034, %parallel_loop3A_1003, %parallel_loop3A_1008 : vector<16xi1>, vector<16xf32>
        %parallel_loop3A_1039 = arith.cmpf olt, %parallel_loop3A_1015, %parallel_loop3A_1010 : vector<16xf32>
        %parallel_loop3A_1040 = arith.select %parallel_loop3A_1039, %parallel_loop3A_1015, %parallel_loop3A_1010 : vector<16xi1>, vector<16xf32>
        %parallel_loop3A_1041 = arith.select %parallel_loop3A_1039, %parallel_loop3A_1016, %parallel_loop3A_1011 : vector<16xi1>, vector<16xf32>
        %parallel_loop3A_1042 = arith.select %parallel_loop3A_1039, %parallel_loop3A_1010, %parallel_loop3A_1015 : vector<16xi1>, vector<16xf32>
        %parallel_loop3A_1043 = arith.select %parallel_loop3A_1039, %parallel_loop3A_1011, %parallel_loop3A_1016 : vector<16xi1>, vector<16xf32>
        %parallel_loop3A_1044 = arith.cmpf olt, %parallel_loop3A_1017, %parallel_loop3A_1012 : vector<16xf32>
        %parallel_loop3A_1045 = arith.select %parallel_loop3A_1044, %parallel_loop3A_1017, %parallel_loop3A_1012 : vector<16xi1>, vector<16xf32>
        %parallel_loop3A_1046 = arith.select %parallel_loop3A_1044, %parallel_loop3A_1018, %parallel_loop3A_1013 : vector<16xi1>, vector<16xf32>
        %parallel_loop3A_1047 = arith.select %parallel_loop3A_1044, %parallel_loop3A_1012, %parallel_loop3A_1017 : vector<16xi1>, vector<16xf32>
        %parallel_loop3A_1048 = arith.select %parallel_loop3A_1044, %parallel_loop3A_1013, %parallel_loop3A_1018 : vector<16xi1>, vector<16xf32>
        %parallel_loop3A_1049 = arith.constant dense<true> : vector<16xi1>
        %parallel_loop3A_1050, %parallel_loop3A_1051, %parallel_loop3A_1052 = tpu.sort %parallel_loop3A_1020, %parallel_loop3A_1021 masked %parallel_loop3A_1049 {descending = true} : (vector<16xf32>, vector<16xf32>, vector<16xi1>) -> (vector<16xi1>, vector<16xf32>, vector<16xf32>)
        %parallel_loop3A_1053 = arith.constant dense<true> : vector<16xi1>
        %parallel_loop3A_1054, %parallel_loop3A_1055, %parallel_loop3A_1056 = tpu.sort %parallel_loop3A_1022, %parallel_loop3A_1023 masked %parallel_loop3A_1053 {descending = true} : (vector<16xf32>, vector<16xf32>, vector<16xi1>) -> (vector<16xi1>, vector<16xf32>, vector<16xf32>)
        %parallel_loop3A_1057 = arith.constant dense<true> : vector<16xi1>
        %parallel_loop3A_1058, %parallel_loop3A_1059, %parallel_loop3A_1060 = tpu.sort %parallel_loop3A_1025, %parallel_loop3A_1026 masked %parallel_loop3A_1057 {descending = true} : (vector<16xf32>, vector<16xf32>, vector<16xi1>) -> (vector<16xi1>, vector<16xf32>, vector<16xf32>)
        %parallel_loop3A_1061 = arith.constant dense<true> : vector<16xi1>
        %parallel_loop3A_1062, %parallel_loop3A_1063, %parallel_loop3A_1064 = tpu.sort %parallel_loop3A_1027, %parallel_loop3A_1028 masked %parallel_loop3A_1061 {descending = true} : (vector<16xf32>, vector<16xf32>, vector<16xi1>) -> (vector<16xi1>, vector<16xf32>, vector<16xf32>)
        %parallel_loop3A_1065 = arith.constant dense<true> : vector<16xi1>
        %parallel_loop3A_1066, %parallel_loop3A_1067, %parallel_loop3A_1068 = tpu.sort %parallel_loop3A_1030, %parallel_loop3A_1031 masked %parallel_loop3A_1065 {descending = true} : (vector<16xf32>, vector<16xf32>, vector<16xi1>) -> (vector<16xi1>, vector<16xf32>, vector<16xf32>)
        %parallel_loop3A_1069 = arith.constant dense<true> : vector<16xi1>
        %parallel_loop3A_1070, %parallel_loop3A_1071, %parallel_loop3A_1072 = tpu.sort %parallel_loop3A_1032, %parallel_loop3A_1033 masked %parallel_loop3A_1069 {descending = true} : (vector<16xf32>, vector<16xf32>, vector<16xi1>) -> (vector<16xi1>, vector<16xf32>, vector<16xf32>)
        %parallel_loop3A_1073 = arith.constant dense<true> : vector<16xi1>
        %parallel_loop3A_1074, %parallel_loop3A_1075, %parallel_loop3A_1076 = tpu.sort %parallel_loop3A_1035, %parallel_loop3A_1036 masked %parallel_loop3A_1073 {descending = true} : (vector<16xf32>, vector<16xf32>, vector<16xi1>) -> (vector<16xi1>, vector<16xf32>, vector<16xf32>)
        %parallel_loop3A_1077 = arith.constant dense<true> : vector<16xi1>
        %parallel_loop3A_1078, %parallel_loop3A_1079, %parallel_loop3A_1080 = tpu.sort %parallel_loop3A_1037, %parallel_loop3A_1038 masked %parallel_loop3A_1077 {descending = true} : (vector<16xf32>, vector<16xf32>, vector<16xi1>) -> (vector<16xi1>, vector<16xf32>, vector<16xf32>)
        %parallel_loop3A_1081 = arith.constant dense<true> : vector<16xi1>
        %parallel_loop3A_1082, %parallel_loop3A_1083, %parallel_loop3A_1084 = tpu.sort %parallel_loop3A_985, %parallel_loop3A_986 masked %parallel_loop3A_1081 : (vector<16xf32>, vector<16xf32>, vector<16xi1>) -> (vector<16xi1>, vector<16xf32>, vector<16xf32>)
        %parallel_loop3A_1085 = arith.constant dense<true> : vector<16xi1>
        %parallel_loop3A_1086, %parallel_loop3A_1087, %parallel_loop3A_1088 = tpu.sort %parallel_loop3A_1040, %parallel_loop3A_1041 masked %parallel_loop3A_1085 : (vector<16xf32>, vector<16xf32>, vector<16xi1>) -> (vector<16xi1>, vector<16xf32>, vector<16xf32>)
        %parallel_loop3A_1089 = arith.constant dense<true> : vector<16xi1>
        %parallel_loop3A_1090, %parallel_loop3A_1091, %parallel_loop3A_1092 = tpu.sort %parallel_loop3A_1042, %parallel_loop3A_1043 masked %parallel_loop3A_1089 : (vector<16xf32>, vector<16xf32>, vector<16xi1>) -> (vector<16xi1>, vector<16xf32>, vector<16xf32>)
        %parallel_loop3A_1093 = arith.constant dense<true> : vector<16xi1>
        %parallel_loop3A_1094, %parallel_loop3A_1095, %parallel_loop3A_1096 = tpu.sort %parallel_loop3A_1045, %parallel_loop3A_1046 masked %parallel_loop3A_1093 : (vector<16xf32>, vector<16xf32>, vector<16xi1>) -> (vector<16xi1>, vector<16xf32>, vector<16xf32>)
        %parallel_loop3A_1097 = arith.constant dense<true> : vector<16xi1>
        %parallel_loop3A_1098, %parallel_loop3A_1099, %parallel_loop3A_1100 = tpu.sort %parallel_loop3A_1047, %parallel_loop3A_1048 masked %parallel_loop3A_1097 : (vector<16xf32>, vector<16xf32>, vector<16xi1>) -> (vector<16xi1>, vector<16xf32>, vector<16xf32>)
        %parallel_loop3A_1101 = arith.cmpf ogt, %parallel_loop3A_1083, %parallel_loop3A_1063 : vector<16xf32>
        %parallel_loop3A_1102 = arith.select %parallel_loop3A_1101, %parallel_loop3A_1083, %parallel_loop3A_1063 : vector<16xi1>, vector<16xf32>
        %parallel_loop3A_1103 = arith.select %parallel_loop3A_1101, %parallel_loop3A_1084, %parallel_loop3A_1064 : vector<16xi1>, vector<16xf32>
        %parallel_loop3A_1104 = arith.select %parallel_loop3A_1101, %parallel_loop3A_1063, %parallel_loop3A_1083 : vector<16xi1>, vector<16xf32>
        %parallel_loop3A_1105 = arith.select %parallel_loop3A_1101, %parallel_loop3A_1064, %parallel_loop3A_1084 : vector<16xi1>, vector<16xf32>
        %parallel_loop3A_1106 = arith.cmpf ogt, %parallel_loop3A_1087, %parallel_loop3A_1067 : vector<16xf32>
        %parallel_loop3A_1107 = arith.select %parallel_loop3A_1106, %parallel_loop3A_1087, %parallel_loop3A_1067 : vector<16xi1>, vector<16xf32>
        %parallel_loop3A_1108 = arith.select %parallel_loop3A_1106, %parallel_loop3A_1088, %parallel_loop3A_1068 : vector<16xi1>, vector<16xf32>
        %parallel_loop3A_1109 = arith.select %parallel_loop3A_1106, %parallel_loop3A_1067, %parallel_loop3A_1087 : vector<16xi1>, vector<16xf32>
        %parallel_loop3A_1110 = arith.select %parallel_loop3A_1106, %parallel_loop3A_1068, %parallel_loop3A_1088 : vector<16xi1>, vector<16xf32>
        %parallel_loop3A_1111 = arith.cmpf ogt, %parallel_loop3A_1091, %parallel_loop3A_1071 : vector<16xf32>
        %parallel_loop3A_1112 = arith.select %parallel_loop3A_1111, %parallel_loop3A_1091, %parallel_loop3A_1071 : vector<16xi1>, vector<16xf32>
        %parallel_loop3A_1113 = arith.select %parallel_loop3A_1111, %parallel_loop3A_1092, %parallel_loop3A_1072 : vector<16xi1>, vector<16xf32>
        %parallel_loop3A_1114 = arith.select %parallel_loop3A_1111, %parallel_loop3A_1071, %parallel_loop3A_1091 : vector<16xi1>, vector<16xf32>
        %parallel_loop3A_1115 = arith.select %parallel_loop3A_1111, %parallel_loop3A_1072, %parallel_loop3A_1092 : vector<16xi1>, vector<16xf32>
        %parallel_loop3A_1116 = arith.cmpf ogt, %parallel_loop3A_1095, %parallel_loop3A_1075 : vector<16xf32>
        %parallel_loop3A_1117 = arith.select %parallel_loop3A_1116, %parallel_loop3A_1095, %parallel_loop3A_1075 : vector<16xi1>, vector<16xf32>
        %parallel_loop3A_1118 = arith.select %parallel_loop3A_1116, %parallel_loop3A_1096, %parallel_loop3A_1076 : vector<16xi1>, vector<16xf32>
        %parallel_loop3A_1119 = arith.select %parallel_loop3A_1116, %parallel_loop3A_1075, %parallel_loop3A_1095 : vector<16xi1>, vector<16xf32>
        %parallel_loop3A_1120 = arith.select %parallel_loop3A_1116, %parallel_loop3A_1076, %parallel_loop3A_1096 : vector<16xi1>, vector<16xf32>
        %parallel_loop3A_1121 = arith.cmpf ogt, %parallel_loop3A_1099, %parallel_loop3A_1079 : vector<16xf32>
        %parallel_loop3A_1122 = arith.select %parallel_loop3A_1121, %parallel_loop3A_1099, %parallel_loop3A_1079 : vector<16xi1>, vector<16xf32>
        %parallel_loop3A_1123 = arith.select %parallel_loop3A_1121, %parallel_loop3A_1100, %parallel_loop3A_1080 : vector<16xi1>, vector<16xf32>
        %parallel_loop3A_1124 = arith.select %parallel_loop3A_1121, %parallel_loop3A_1079, %parallel_loop3A_1099 : vector<16xi1>, vector<16xf32>
        %parallel_loop3A_1125 = arith.select %parallel_loop3A_1121, %parallel_loop3A_1080, %parallel_loop3A_1100 : vector<16xi1>, vector<16xf32>
        %parallel_loop3A_1126 = arith.cmpf ogt, %parallel_loop3A_1107, %parallel_loop3A_1051 : vector<16xf32>
        %parallel_loop3A_1127 = arith.select %parallel_loop3A_1126, %parallel_loop3A_1107, %parallel_loop3A_1051 : vector<16xi1>, vector<16xf32>
        %parallel_loop3A_1128 = arith.select %parallel_loop3A_1126, %parallel_loop3A_1108, %parallel_loop3A_1052 : vector<16xi1>, vector<16xf32>
        %parallel_loop3A_1129 = arith.select %parallel_loop3A_1126, %parallel_loop3A_1051, %parallel_loop3A_1107 : vector<16xi1>, vector<16xf32>
        %parallel_loop3A_1130 = arith.select %parallel_loop3A_1126, %parallel_loop3A_1052, %parallel_loop3A_1108 : vector<16xi1>, vector<16xf32>
        %parallel_loop3A_1131 = arith.cmpf ogt, %parallel_loop3A_1112, %parallel_loop3A_1055 : vector<16xf32>
        %parallel_loop3A_1132 = arith.select %parallel_loop3A_1131, %parallel_loop3A_1112, %parallel_loop3A_1055 : vector<16xi1>, vector<16xf32>
        %parallel_loop3A_1133 = arith.select %parallel_loop3A_1131, %parallel_loop3A_1113, %parallel_loop3A_1056 : vector<16xi1>, vector<16xf32>
        %parallel_loop3A_1134 = arith.select %parallel_loop3A_1131, %parallel_loop3A_1055, %parallel_loop3A_1112 : vector<16xi1>, vector<16xf32>
        %parallel_loop3A_1135 = arith.select %parallel_loop3A_1131, %parallel_loop3A_1056, %parallel_loop3A_1113 : vector<16xi1>, vector<16xf32>
        %parallel_loop3A_1136 = arith.cmpf ogt, %parallel_loop3A_1117, %parallel_loop3A_1059 : vector<16xf32>
        %parallel_loop3A_1137 = arith.select %parallel_loop3A_1136, %parallel_loop3A_1117, %parallel_loop3A_1059 : vector<16xi1>, vector<16xf32>
        %parallel_loop3A_1138 = arith.select %parallel_loop3A_1136, %parallel_loop3A_1118, %parallel_loop3A_1060 : vector<16xi1>, vector<16xf32>
        %parallel_loop3A_1139 = arith.select %parallel_loop3A_1136, %parallel_loop3A_1059, %parallel_loop3A_1117 : vector<16xi1>, vector<16xf32>
        %parallel_loop3A_1140 = arith.select %parallel_loop3A_1136, %parallel_loop3A_1060, %parallel_loop3A_1118 : vector<16xi1>, vector<16xf32>
        %parallel_loop3A_1141 = arith.cmpf ogt, %parallel_loop3A_1122, %parallel_loop3A_1102 : vector<16xf32>
        %parallel_loop3A_1142 = arith.select %parallel_loop3A_1141, %parallel_loop3A_1122, %parallel_loop3A_1102 : vector<16xi1>, vector<16xf32>
        %parallel_loop3A_1143 = arith.select %parallel_loop3A_1141, %parallel_loop3A_1123, %parallel_loop3A_1103 : vector<16xi1>, vector<16xf32>
        %parallel_loop3A_1144 = arith.select %parallel_loop3A_1141, %parallel_loop3A_1102, %parallel_loop3A_1122 : vector<16xi1>, vector<16xf32>
        %parallel_loop3A_1145 = arith.select %parallel_loop3A_1141, %parallel_loop3A_1103, %parallel_loop3A_1123 : vector<16xi1>, vector<16xf32>
        %parallel_loop3A_1146 = arith.cmpf ogt, %parallel_loop3A_1124, %parallel_loop3A_1104 : vector<16xf32>
        %parallel_loop3A_1147 = arith.select %parallel_loop3A_1146, %parallel_loop3A_1124, %parallel_loop3A_1104 : vector<16xi1>, vector<16xf32>
        %parallel_loop3A_1148 = arith.select %parallel_loop3A_1146, %parallel_loop3A_1125, %parallel_loop3A_1105 : vector<16xi1>, vector<16xf32>
        %parallel_loop3A_1149 = arith.select %parallel_loop3A_1146, %parallel_loop3A_1104, %parallel_loop3A_1124 : vector<16xi1>, vector<16xf32>
        %parallel_loop3A_1150 = arith.select %parallel_loop3A_1146, %parallel_loop3A_1105, %parallel_loop3A_1125 : vector<16xi1>, vector<16xf32>
        %parallel_loop3A_1151 = arith.cmpf ogt, %parallel_loop3A_1137, %parallel_loop3A_1127 : vector<16xf32>
        %parallel_loop3A_1152 = arith.select %parallel_loop3A_1151, %parallel_loop3A_1137, %parallel_loop3A_1127 : vector<16xi1>, vector<16xf32>
        %parallel_loop3A_1153 = arith.select %parallel_loop3A_1151, %parallel_loop3A_1138, %parallel_loop3A_1128 : vector<16xi1>, vector<16xf32>
        %parallel_loop3A_1154 = arith.select %parallel_loop3A_1151, %parallel_loop3A_1127, %parallel_loop3A_1137 : vector<16xi1>, vector<16xf32>
        %parallel_loop3A_1155 = arith.select %parallel_loop3A_1151, %parallel_loop3A_1128, %parallel_loop3A_1138 : vector<16xi1>, vector<16xf32>
        %parallel_loop3A_1156 = arith.cmpf ogt, %parallel_loop3A_1142, %parallel_loop3A_1132 : vector<16xf32>
        %parallel_loop3A_1157 = arith.select %parallel_loop3A_1156, %parallel_loop3A_1142, %parallel_loop3A_1132 : vector<16xi1>, vector<16xf32>
        %parallel_loop3A_1158 = arith.select %parallel_loop3A_1156, %parallel_loop3A_1143, %parallel_loop3A_1133 : vector<16xi1>, vector<16xf32>
        %parallel_loop3A_1159 = arith.select %parallel_loop3A_1156, %parallel_loop3A_1132, %parallel_loop3A_1142 : vector<16xi1>, vector<16xf32>
        %parallel_loop3A_1160 = arith.select %parallel_loop3A_1156, %parallel_loop3A_1133, %parallel_loop3A_1143 : vector<16xi1>, vector<16xf32>
        %parallel_loop3A_1161 = arith.cmpf ogt, %parallel_loop3A_1139, %parallel_loop3A_1129 : vector<16xf32>
        %parallel_loop3A_1162 = arith.select %parallel_loop3A_1161, %parallel_loop3A_1139, %parallel_loop3A_1129 : vector<16xi1>, vector<16xf32>
        %parallel_loop3A_1163 = arith.select %parallel_loop3A_1161, %parallel_loop3A_1140, %parallel_loop3A_1130 : vector<16xi1>, vector<16xf32>
        %parallel_loop3A_1164 = arith.select %parallel_loop3A_1161, %parallel_loop3A_1129, %parallel_loop3A_1139 : vector<16xi1>, vector<16xf32>
        %parallel_loop3A_1165 = arith.select %parallel_loop3A_1161, %parallel_loop3A_1130, %parallel_loop3A_1140 : vector<16xi1>, vector<16xf32>
        %parallel_loop3A_1166 = arith.cmpf ogt, %parallel_loop3A_1144, %parallel_loop3A_1134 : vector<16xf32>
        %parallel_loop3A_1167 = arith.select %parallel_loop3A_1166, %parallel_loop3A_1144, %parallel_loop3A_1134 : vector<16xi1>, vector<16xf32>
        %parallel_loop3A_1168 = arith.select %parallel_loop3A_1166, %parallel_loop3A_1145, %parallel_loop3A_1135 : vector<16xi1>, vector<16xf32>
        %parallel_loop3A_1169 = arith.select %parallel_loop3A_1166, %parallel_loop3A_1134, %parallel_loop3A_1144 : vector<16xi1>, vector<16xf32>
        %parallel_loop3A_1170 = arith.select %parallel_loop3A_1166, %parallel_loop3A_1135, %parallel_loop3A_1145 : vector<16xi1>, vector<16xf32>
        %parallel_loop3A_1171 = arith.cmpf ogt, %parallel_loop3A_1119, %parallel_loop3A_1109 : vector<16xf32>
        %parallel_loop3A_1172 = arith.select %parallel_loop3A_1171, %parallel_loop3A_1119, %parallel_loop3A_1109 : vector<16xi1>, vector<16xf32>
        %parallel_loop3A_1173 = arith.select %parallel_loop3A_1171, %parallel_loop3A_1120, %parallel_loop3A_1110 : vector<16xi1>, vector<16xf32>
        %parallel_loop3A_1174 = arith.select %parallel_loop3A_1171, %parallel_loop3A_1109, %parallel_loop3A_1119 : vector<16xi1>, vector<16xf32>
        %parallel_loop3A_1175 = arith.select %parallel_loop3A_1171, %parallel_loop3A_1110, %parallel_loop3A_1120 : vector<16xi1>, vector<16xf32>
        %parallel_loop3A_1176 = arith.cmpf ogt, %parallel_loop3A_1147, %parallel_loop3A_1114 : vector<16xf32>
        %parallel_loop3A_1177 = arith.select %parallel_loop3A_1176, %parallel_loop3A_1147, %parallel_loop3A_1114 : vector<16xi1>, vector<16xf32>
        %parallel_loop3A_1178 = arith.select %parallel_loop3A_1176, %parallel_loop3A_1148, %parallel_loop3A_1115 : vector<16xi1>, vector<16xf32>
        %parallel_loop3A_1179 = arith.select %parallel_loop3A_1176, %parallel_loop3A_1114, %parallel_loop3A_1147 : vector<16xi1>, vector<16xf32>
        %parallel_loop3A_1180 = arith.select %parallel_loop3A_1176, %parallel_loop3A_1115, %parallel_loop3A_1148 : vector<16xi1>, vector<16xf32>
        %parallel_loop3A_1181 = arith.cmpf ogt, %parallel_loop3A_1157, %parallel_loop3A_1152 : vector<16xf32>
        %parallel_loop3A_1182 = arith.select %parallel_loop3A_1181, %parallel_loop3A_1157, %parallel_loop3A_1152 : vector<16xi1>, vector<16xf32>
        %parallel_loop3A_1183 = arith.select %parallel_loop3A_1181, %parallel_loop3A_1158, %parallel_loop3A_1153 : vector<16xi1>, vector<16xf32>
        %parallel_loop3A_1184 = arith.select %parallel_loop3A_1181, %parallel_loop3A_1152, %parallel_loop3A_1157 : vector<16xi1>, vector<16xf32>
        %parallel_loop3A_1185 = arith.select %parallel_loop3A_1181, %parallel_loop3A_1153, %parallel_loop3A_1158 : vector<16xi1>, vector<16xf32>
        %parallel_loop3A_1186 = arith.cmpf ogt, %parallel_loop3A_1159, %parallel_loop3A_1154 : vector<16xf32>
        %parallel_loop3A_1187 = arith.select %parallel_loop3A_1186, %parallel_loop3A_1159, %parallel_loop3A_1154 : vector<16xi1>, vector<16xf32>
        %parallel_loop3A_1188 = arith.select %parallel_loop3A_1186, %parallel_loop3A_1160, %parallel_loop3A_1155 : vector<16xi1>, vector<16xf32>
        %parallel_loop3A_1189 = arith.select %parallel_loop3A_1186, %parallel_loop3A_1154, %parallel_loop3A_1159 : vector<16xi1>, vector<16xf32>
        %parallel_loop3A_1190 = arith.select %parallel_loop3A_1186, %parallel_loop3A_1155, %parallel_loop3A_1160 : vector<16xi1>, vector<16xf32>
        %parallel_loop3A_1191 = arith.cmpf ogt, %parallel_loop3A_1167, %parallel_loop3A_1162 : vector<16xf32>
        %parallel_loop3A_1192 = arith.select %parallel_loop3A_1191, %parallel_loop3A_1167, %parallel_loop3A_1162 : vector<16xi1>, vector<16xf32>
        %parallel_loop3A_1193 = arith.select %parallel_loop3A_1191, %parallel_loop3A_1168, %parallel_loop3A_1163 : vector<16xi1>, vector<16xf32>
        %parallel_loop3A_1194 = arith.select %parallel_loop3A_1191, %parallel_loop3A_1162, %parallel_loop3A_1167 : vector<16xi1>, vector<16xf32>
        %parallel_loop3A_1195 = arith.select %parallel_loop3A_1191, %parallel_loop3A_1163, %parallel_loop3A_1168 : vector<16xi1>, vector<16xf32>
        %parallel_loop3A_1196 = arith.cmpf ogt, %parallel_loop3A_1169, %parallel_loop3A_1164 : vector<16xf32>
        %parallel_loop3A_1197 = arith.select %parallel_loop3A_1196, %parallel_loop3A_1169, %parallel_loop3A_1164 : vector<16xi1>, vector<16xf32>
        %parallel_loop3A_1198 = arith.select %parallel_loop3A_1196, %parallel_loop3A_1170, %parallel_loop3A_1165 : vector<16xi1>, vector<16xf32>
        %parallel_loop3A_1199 = arith.select %parallel_loop3A_1196, %parallel_loop3A_1164, %parallel_loop3A_1169 : vector<16xi1>, vector<16xf32>
        %parallel_loop3A_1200 = arith.select %parallel_loop3A_1196, %parallel_loop3A_1165, %parallel_loop3A_1170 : vector<16xi1>, vector<16xf32>
        %parallel_loop3A_1201 = arith.cmpf ogt, %parallel_loop3A_1177, %parallel_loop3A_1172 : vector<16xf32>
        %parallel_loop3A_1202 = arith.select %parallel_loop3A_1201, %parallel_loop3A_1177, %parallel_loop3A_1172 : vector<16xi1>, vector<16xf32>
        %parallel_loop3A_1203 = arith.select %parallel_loop3A_1201, %parallel_loop3A_1178, %parallel_loop3A_1173 : vector<16xi1>, vector<16xf32>
        %parallel_loop3A_1204 = arith.select %parallel_loop3A_1201, %parallel_loop3A_1172, %parallel_loop3A_1177 : vector<16xi1>, vector<16xf32>
        %parallel_loop3A_1205 = arith.select %parallel_loop3A_1201, %parallel_loop3A_1173, %parallel_loop3A_1178 : vector<16xi1>, vector<16xf32>
        %parallel_loop3A_1206 = arith.cmpf ogt, %parallel_loop3A_1179, %parallel_loop3A_1174 : vector<16xf32>
        %parallel_loop3A_1207 = arith.select %parallel_loop3A_1206, %parallel_loop3A_1179, %parallel_loop3A_1174 : vector<16xi1>, vector<16xf32>
        %parallel_loop3A_1208 = arith.select %parallel_loop3A_1206, %parallel_loop3A_1180, %parallel_loop3A_1175 : vector<16xi1>, vector<16xf32>
        %parallel_loop3A_1209 = arith.select %parallel_loop3A_1206, %parallel_loop3A_1174, %parallel_loop3A_1179 : vector<16xi1>, vector<16xf32>
        %parallel_loop3A_1210 = arith.select %parallel_loop3A_1206, %parallel_loop3A_1175, %parallel_loop3A_1180 : vector<16xi1>, vector<16xf32>
        %parallel_loop3A_1211 = arith.constant dense<true> : vector<16xi1>
        %parallel_loop3A_1212, %parallel_loop3A_1213, %parallel_loop3A_1214 = tpu.sort %parallel_loop3A_1182, %parallel_loop3A_1183 masked %parallel_loop3A_1211 {descending = true} : (vector<16xf32>, vector<16xf32>, vector<16xi1>) -> (vector<16xi1>, vector<16xf32>, vector<16xf32>)
        %parallel_loop3A_1215 = arith.constant dense<true> : vector<16xi1>
        %parallel_loop3A_1216, %parallel_loop3A_1217, %parallel_loop3A_1218 = tpu.sort %parallel_loop3A_1184, %parallel_loop3A_1185 masked %parallel_loop3A_1215 {descending = true} : (vector<16xf32>, vector<16xf32>, vector<16xi1>) -> (vector<16xi1>, vector<16xf32>, vector<16xf32>)
        %parallel_loop3A_1219 = arith.constant dense<true> : vector<16xi1>
        %parallel_loop3A_1220, %parallel_loop3A_1221, %parallel_loop3A_1222 = tpu.sort %parallel_loop3A_1187, %parallel_loop3A_1188 masked %parallel_loop3A_1219 {descending = true} : (vector<16xf32>, vector<16xf32>, vector<16xi1>) -> (vector<16xi1>, vector<16xf32>, vector<16xf32>)
        %parallel_loop3A_1223 = arith.constant dense<true> : vector<16xi1>
        %parallel_loop3A_1224, %parallel_loop3A_1225, %parallel_loop3A_1226 = tpu.sort %parallel_loop3A_1189, %parallel_loop3A_1190 masked %parallel_loop3A_1223 {descending = true} : (vector<16xf32>, vector<16xf32>, vector<16xi1>) -> (vector<16xi1>, vector<16xf32>, vector<16xf32>)
        %parallel_loop3A_1227 = arith.constant dense<true> : vector<16xi1>
        %parallel_loop3A_1228, %parallel_loop3A_1229, %parallel_loop3A_1230 = tpu.sort %parallel_loop3A_1192, %parallel_loop3A_1193 masked %parallel_loop3A_1227 {descending = true} : (vector<16xf32>, vector<16xf32>, vector<16xi1>) -> (vector<16xi1>, vector<16xf32>, vector<16xf32>)
        %parallel_loop3A_1231 = arith.constant dense<true> : vector<16xi1>
        %parallel_loop3A_1232, %parallel_loop3A_1233, %parallel_loop3A_1234 = tpu.sort %parallel_loop3A_1194, %parallel_loop3A_1195 masked %parallel_loop3A_1231 {descending = true} : (vector<16xf32>, vector<16xf32>, vector<16xi1>) -> (vector<16xi1>, vector<16xf32>, vector<16xf32>)
        %parallel_loop3A_1235 = arith.constant dense<true> : vector<16xi1>
        %parallel_loop3A_1236, %parallel_loop3A_1237, %parallel_loop3A_1238 = tpu.sort %parallel_loop3A_1197, %parallel_loop3A_1198 masked %parallel_loop3A_1235 {descending = true} : (vector<16xf32>, vector<16xf32>, vector<16xi1>) -> (vector<16xi1>, vector<16xf32>, vector<16xf32>)
        %parallel_loop3A_1239 = arith.constant dense<true> : vector<16xi1>
        %parallel_loop3A_1240, %parallel_loop3A_1241, %parallel_loop3A_1242 = tpu.sort %parallel_loop3A_1199, %parallel_loop3A_1200 masked %parallel_loop3A_1239 {descending = true} : (vector<16xf32>, vector<16xf32>, vector<16xi1>) -> (vector<16xi1>, vector<16xf32>, vector<16xf32>)
        %parallel_loop3A_1243 = arith.constant dense<true> : vector<16xi1>
        %parallel_loop3A_1244, %parallel_loop3A_1245, %parallel_loop3A_1246 = tpu.sort %parallel_loop3A_1202, %parallel_loop3A_1203 masked %parallel_loop3A_1243 {descending = true} : (vector<16xf32>, vector<16xf32>, vector<16xi1>) -> (vector<16xi1>, vector<16xf32>, vector<16xf32>)
        %parallel_loop3A_1247 = arith.constant dense<true> : vector<16xi1>
        %parallel_loop3A_1248, %parallel_loop3A_1249, %parallel_loop3A_1250 = tpu.sort %parallel_loop3A_1204, %parallel_loop3A_1205 masked %parallel_loop3A_1247 {descending = true} : (vector<16xf32>, vector<16xf32>, vector<16xi1>) -> (vector<16xi1>, vector<16xf32>, vector<16xf32>)
        %parallel_loop3A_1251 = arith.constant dense<true> : vector<16xi1>
        %parallel_loop3A_1252, %parallel_loop3A_1253, %parallel_loop3A_1254 = tpu.sort %parallel_loop3A_1207, %parallel_loop3A_1208 masked %parallel_loop3A_1251 {descending = true} : (vector<16xf32>, vector<16xf32>, vector<16xi1>) -> (vector<16xi1>, vector<16xf32>, vector<16xf32>)
        %parallel_loop3A_1255 = arith.constant dense<true> : vector<16xi1>
        %parallel_loop3A_1256, %parallel_loop3A_1257, %parallel_loop3A_1258 = tpu.sort %parallel_loop3A_1209, %parallel_loop3A_1210 masked %parallel_loop3A_1255 {descending = true} : (vector<16xf32>, vector<16xf32>, vector<16xi1>) -> (vector<16xi1>, vector<16xf32>, vector<16xf32>)
        %parallel_loop3A_1259 = arith.constant dense<true> : vector<16xi1>
        %parallel_loop3A_1260, %parallel_loop3A_1261, %parallel_loop3A_1262 = tpu.sort %parallel_loop3A_1149, %parallel_loop3A_1150 masked %parallel_loop3A_1259 {descending = true} : (vector<16xf32>, vector<16xf32>, vector<16xi1>) -> (vector<16xi1>, vector<16xf32>, vector<16xf32>)
        %parallel_loop3A_1263 = math.exp %parallel_loop3A_1214 : vector<16xf32>
        %parallel_loop3A_1264 = arith.index_cast %parallel_loop3A_620 : i32 to index
        %parallel_loop3A_1265 = arith.constant 0 : index
        %parallel_loop3A_1266 = tpu.vector_load %arg10[%parallel_loop3A_1264, %parallel_loop3A_1265] {strides = array<i32>} : memref<32x256xf32, #tpu.memory_space<vmem>>, vector<16xf32>,
        tpu.vector_store %arg10[%parallel_loop3A_1264, %parallel_loop3A_1265], %parallel_loop3A_1263 {strides = array<i32>} : memref<32x256xf32, #tpu.memory_space<vmem>>, vector<16xf32>,
        %parallel_loop3A_1267 = math.exp %parallel_loop3A_1218 : vector<16xf32>
        %parallel_loop3A_1268 = arith.index_cast %parallel_loop3A_620 : i32 to index
        %parallel_loop3A_1269 = arith.constant 16 : index
        %parallel_loop3A_1270 = tpu.vector_load %arg10[%parallel_loop3A_1268, %parallel_loop3A_1269] {strides = array<i32>} : memref<32x256xf32, #tpu.memory_space<vmem>>, vector<16xf32>,
        tpu.vector_store %arg10[%parallel_loop3A_1268, %parallel_loop3A_1269], %parallel_loop3A_1267 {strides = array<i32>} : memref<32x256xf32, #tpu.memory_space<vmem>>, vector<16xf32>,
        %parallel_loop3A_1271 = math.exp %parallel_loop3A_1222 : vector<16xf32>
        %parallel_loop3A_1272 = arith.index_cast %parallel_loop3A_620 : i32 to index
        %parallel_loop3A_1273 = arith.constant 32 : index
        %parallel_loop3A_1274 = tpu.vector_load %arg10[%parallel_loop3A_1272, %parallel_loop3A_1273] {strides = array<i32>} : memref<32x256xf32, #tpu.memory_space<vmem>>, vector<16xf32>,
        tpu.vector_store %arg10[%parallel_loop3A_1272, %parallel_loop3A_1273], %parallel_loop3A_1271 {strides = array<i32>} : memref<32x256xf32, #tpu.memory_space<vmem>>, vector<16xf32>,
        %parallel_loop3A_1275 = math.exp %parallel_loop3A_1226 : vector<16xf32>
        %parallel_loop3A_1276 = arith.index_cast %parallel_loop3A_620 : i32 to index
        %parallel_loop3A_1277 = arith.constant 48 : index
        %parallel_loop3A_1278 = tpu.vector_load %arg10[%parallel_loop3A_1276, %parallel_loop3A_1277] {strides = array<i32>} : memref<32x256xf32, #tpu.memory_space<vmem>>, vector<16xf32>,
        tpu.vector_store %arg10[%parallel_loop3A_1276, %parallel_loop3A_1277], %parallel_loop3A_1275 {strides = array<i32>} : memref<32x256xf32, #tpu.memory_space<vmem>>, vector<16xf32>,
        %parallel_loop3A_1279 = math.exp %parallel_loop3A_1230 : vector<16xf32>
        %parallel_loop3A_1280 = arith.index_cast %parallel_loop3A_620 : i32 to index
        %parallel_loop3A_1281 = arith.constant 64 : index
        %parallel_loop3A_1282 = tpu.vector_load %arg10[%parallel_loop3A_1280, %parallel_loop3A_1281] {strides = array<i32>} : memref<32x256xf32, #tpu.memory_space<vmem>>, vector<16xf32>,
        tpu.vector_store %arg10[%parallel_loop3A_1280, %parallel_loop3A_1281], %parallel_loop3A_1279 {strides = array<i32>} : memref<32x256xf32, #tpu.memory_space<vmem>>, vector<16xf32>,
        %parallel_loop3A_1283 = math.exp %parallel_loop3A_1234 : vector<16xf32>
        %parallel_loop3A_1284 = arith.index_cast %parallel_loop3A_620 : i32 to index
        %parallel_loop3A_1285 = arith.constant 80 : index
        %parallel_loop3A_1286 = tpu.vector_load %arg10[%parallel_loop3A_1284, %parallel_loop3A_1285] {strides = array<i32>} : memref<32x256xf32, #tpu.memory_space<vmem>>, vector<16xf32>,
        tpu.vector_store %arg10[%parallel_loop3A_1284, %parallel_loop3A_1285], %parallel_loop3A_1283 {strides = array<i32>} : memref<32x256xf32, #tpu.memory_space<vmem>>, vector<16xf32>,
        %parallel_loop3A_1287 = math.exp %parallel_loop3A_1238 : vector<16xf32>
        %parallel_loop3A_1288 = arith.index_cast %parallel_loop3A_620 : i32 to index
        %parallel_loop3A_1289 = arith.constant 96 : index
        %parallel_loop3A_1290 = tpu.vector_load %arg10[%parallel_loop3A_1288, %parallel_loop3A_1289] {strides = array<i32>} : memref<32x256xf32, #tpu.memory_space<vmem>>, vector<16xf32>,
        tpu.vector_store %arg10[%parallel_loop3A_1288, %parallel_loop3A_1289], %parallel_loop3A_1287 {strides = array<i32>} : memref<32x256xf32, #tpu.memory_space<vmem>>, vector<16xf32>,
        %parallel_loop3A_1291 = math.exp %parallel_loop3A_1242 : vector<16xf32>
        %parallel_loop3A_1292 = arith.index_cast %parallel_loop3A_620 : i32 to index
        %parallel_loop3A_1293 = arith.constant 112 : index
        %parallel_loop3A_1294 = tpu.vector_load %arg10[%parallel_loop3A_1292, %parallel_loop3A_1293] {strides = array<i32>} : memref<32x256xf32, #tpu.memory_space<vmem>>, vector<16xf32>,
        tpu.vector_store %arg10[%parallel_loop3A_1292, %parallel_loop3A_1293], %parallel_loop3A_1291 {strides = array<i32>} : memref<32x256xf32, #tpu.memory_space<vmem>>, vector<16xf32>,
        %parallel_loop3A_1295 = math.exp %parallel_loop3A_1246 : vector<16xf32>
        %parallel_loop3A_1296 = arith.index_cast %parallel_loop3A_620 : i32 to index
        %parallel_loop3A_1297 = arith.constant 128 : index
        %parallel_loop3A_1298 = tpu.vector_load %arg10[%parallel_loop3A_1296, %parallel_loop3A_1297] {strides = array<i32>} : memref<32x256xf32, #tpu.memory_space<vmem>>, vector<16xf32>,
        tpu.vector_store %arg10[%parallel_loop3A_1296, %parallel_loop3A_1297], %parallel_loop3A_1295 {strides = array<i32>} : memref<32x256xf32, #tpu.memory_space<vmem>>, vector<16xf32>,
        %parallel_loop3A_1299 = math.exp %parallel_loop3A_1250 : vector<16xf32>
        %parallel_loop3A_1300 = arith.index_cast %parallel_loop3A_620 : i32 to index
        %parallel_loop3A_1301 = arith.constant 144 : index
        %parallel_loop3A_1302 = tpu.vector_load %arg10[%parallel_loop3A_1300, %parallel_loop3A_1301] {strides = array<i32>} : memref<32x256xf32, #tpu.memory_space<vmem>>, vector<16xf32>,
        tpu.vector_store %arg10[%parallel_loop3A_1300, %parallel_loop3A_1301], %parallel_loop3A_1299 {strides = array<i32>} : memref<32x256xf32, #tpu.memory_space<vmem>>, vector<16xf32>,
        %parallel_loop3A_1303 = math.exp %parallel_loop3A_1254 : vector<16xf32>
        %parallel_loop3A_1304 = arith.index_cast %parallel_loop3A_620 : i32 to index
        %parallel_loop3A_1305 = arith.constant 160 : index
        %parallel_loop3A_1306 = tpu.vector_load %arg10[%parallel_loop3A_1304, %parallel_loop3A_1305] {strides = array<i32>} : memref<32x256xf32, #tpu.memory_space<vmem>>, vector<16xf32>,
        tpu.vector_store %arg10[%parallel_loop3A_1304, %parallel_loop3A_1305], %parallel_loop3A_1303 {strides = array<i32>} : memref<32x256xf32, #tpu.memory_space<vmem>>, vector<16xf32>,
        %parallel_loop3A_1307 = math.exp %parallel_loop3A_1258 : vector<16xf32>
        %parallel_loop3A_1308 = arith.index_cast %parallel_loop3A_620 : i32 to index
        %parallel_loop3A_1309 = arith.constant 176 : index
        %parallel_loop3A_1310 = tpu.vector_load %arg10[%parallel_loop3A_1308, %parallel_loop3A_1309] {strides = array<i32>} : memref<32x256xf32, #tpu.memory_space<vmem>>, vector<16xf32>,
        tpu.vector_store %arg10[%parallel_loop3A_1308, %parallel_loop3A_1309], %parallel_loop3A_1307 {strides = array<i32>} : memref<32x256xf32, #tpu.memory_space<vmem>>, vector<16xf32>,
        %parallel_loop3A_1311 = math.exp %parallel_loop3A_1262 : vector<16xf32>
        %parallel_loop3A_1312 = arith.index_cast %parallel_loop3A_620 : i32 to index
        %parallel_loop3A_1313 = arith.constant 192 : index
        %parallel_loop3A_1314 = tpu.vector_load %arg10[%parallel_loop3A_1312, %parallel_loop3A_1313] {strides = array<i32>} : memref<32x256xf32, #tpu.memory_space<vmem>>, vector<16xf32>,
        tpu.vector_store %arg10[%parallel_loop3A_1312, %parallel_loop3A_1313], %parallel_loop3A_1311 {strides = array<i32>} : memref<32x256xf32, #tpu.memory_space<vmem>>, vector<16xf32>,
        %parallel_loop3A_1315 = vector.broadcast %parallel_loop3A_717 : f32 to vector<16xf32>
        %parallel_loop3A_1316 = arith.select %eq3A_9, %parallel_loop3A_1315, %broadcast_in_dim3A_5 : vector<16xi1>, vector<16xf32>
        %parallel_loop3A_1317 = arith.index_cast %parallel_loop3A_620 : i32 to index
        %parallel_loop3A_1318 = arith.constant 208 : index
        %parallel_loop3A_1319 = tpu.vector_load %arg10[%parallel_loop3A_1317, %parallel_loop3A_1318] {strides = array<i32>} : memref<32x256xf32, #tpu.memory_space<vmem>>, vector<16xf32>,
        tpu.vector_store %arg10[%parallel_loop3A_1317, %parallel_loop3A_1318], %parallel_loop3A_1316 {strides = array<i32>} : memref<32x256xf32, #tpu.memory_space<vmem>>, vector<16xf32>,
      } {sc.loop_unroll_factor = 4 : i64, sc.parallel_access}
      %mul3A_612 = arith.constant 32 : i32
      %mul3A_613 = arith.muli %add3A_585, %mul3A_612 : i32
      %add3A_614 = arith.addi %mul3A_2, %mul3A_613 : i32
      %dma_start3A_615 = arith.constant 0 : i32
      %dma_start3A_616 = tpu.memref_slice %arg4[%add3A_614, %dma_start3A_615] : memref<16384x256xf32, #tpu.memory_space<hbm>> -> memref<32x256xf32, #tpu.memory_space<hbm>>
      %dma_start3A_617 = arith.constant 0 : i32
      %dma_start3A_618 = tpu.memref_slice %arg4[%add3A_614, %dma_start3A_617] : memref<16384x256xf32, #tpu.memory_space<hbm>> -> memref<32x256xf32, #tpu.memory_space<hbm>>
      tpu.enqueue_dma source(%arg10 : memref<32x256xf32, #tpu.memory_space<vmem>>) target(%dma_start3A_618 : memref<32x256xf32, #tpu.memory_space<hbm>>) target_semaphore(%arg14 : memref<!tpu.dma_semaphore, #tpu.memory_space<semaphore_mem>>)
      %scan3A_619 = arith.constant 0 : i32
      scf.yield %scan3A_619 : i32
    }
    %scan3A_535 = arith.constant 8 : i32
    %add3A_536 = arith.constant 448 : i32
    %add3A_537 = arith.addi %mul3A_2, %add3A_536 : i32
    %dma_wait3A = arith.constant 0 : i32
    %dma_wait3A_538 = tpu.memref_slice %arg4[%add3A_537, %dma_wait3A] : memref<16384x256xf32, #tpu.memory_space<hbm>> -> memref<32x256xf32, #tpu.memory_space<hbm>>
    %dma_wait3A_539 = arith.constant 0 : i32
    %dma_wait3A_540 = tpu.memref_slice %arg4[%add3A_537, %dma_wait3A_539] : memref<16384x256xf32, #tpu.memory_space<hbm>> -> memref<32x256xf32, #tpu.memory_space<hbm>>
    tpu.wait_dma2 semaphore(%arg13 : memref<!tpu.dma_semaphore, #tpu.memory_space<semaphore_mem>>) src(%arg7 : memref<32x256xf32, #tpu.memory_space<vmem>>) dst(%dma_wait3A_540 : memref<32x256xf32, #tpu.memory_space<hbm>>)
    %add3A_541 = arith.constant 480 : i32
    %add3A_542 = arith.addi %mul3A_2, %add3A_541 : i32
    %dma_wait3A_543 = arith.constant 0 : i32
    %dma_wait3A_544 = tpu.memref_slice %arg4[%add3A_542, %dma_wait3A_543] : memref<16384x256xf32, #tpu.memory_space<hbm>> -> memref<32x256xf32, #tpu.memory_space<hbm>>
    %dma_wait3A_545 = arith.constant 0 : i32
    %dma_wait3A_546 = tpu.memref_slice %arg4[%add3A_542, %dma_wait3A_545] : memref<16384x256xf32, #tpu.memory_space<hbm>> -> memref<32x256xf32, #tpu.memory_space<hbm>>
    tpu.wait_dma2 semaphore(%arg14 : memref<!tpu.dma_semaphore, #tpu.memory_space<semaphore_mem>>) src(%arg10 : memref<32x256xf32, #tpu.memory_space<vmem>>) dst(%dma_wait3A_546 : memref<32x256xf32, #tpu.memory_space<hbm>>)
    return
  }
}

module attributes {stable_mosaic.version = 14 : i64} {
  func.func @_finish_kernel(%arg0: i32, %arg1: memref<1024x256xf32, #tpu.memory_space<vmem>>, %arg2: memref<1x1xf32, #tpu.memory_space<vmem>>) attributes {dimension_semantics = [#tpu.dimension_semantics<arbitrary>], iteration_bounds = array<i64: 16>, scalar_prefetch = 0 : i64, scratch_operands = 0 : i64, tpu.core_type = #tpu.core_type<tc>, window_params = [{transform_indices = @transform_0, window_bounds = array<i64: 1024, 256>}, {pipeline_mode = #tpu.pipeline_mode<synchronous>, transform_indices = @transform_1, window_bounds = array<i64: 1, 1>}]} {
    %get3A = arith.constant 0 : index
    %get3A_0 = arith.constant 0 : index
    %get3A_1 = vector.load %arg1[%get3A, %get3A_0] : memref<1024x256xf32, #tpu.memory_space<vmem>>, vector<1024x256xf32>
    %iota3A = tpu.iota {dimensions = array<i32: 0>} : vector<256x256xi32>
    %iota3A_2 = tpu.iota {dimensions = array<i32: 1>} : vector<256x256xi32>
    %ge3A = arith.cmpi sge, %iota3A, %iota3A_2 : vector<256x256xi32>
    %lt3A = arith.constant 200 : i32
    %lt3A_3 = vector.broadcast %lt3A : i32 to vector<256x256xi32>
    %lt3A_4 = arith.cmpi slt, %iota3A, %lt3A_3 : vector<256x256xi32>
    %and3A = arith.andi %ge3A, %lt3A_4 : vector<256x256xi1>
    %convert_element_type3A = arith.extui %and3A : vector<256x256xi1> to vector<256x256xi32>
    %convert_element_type3A_5 = arith.sitofp %convert_element_type3A : vector<256x256xi32> to vector<256x256xf32>
    %convert_element_type3A_6 = arith.truncf %convert_element_type3A_5 : vector<256x256xf32> to vector<256x256xbf16>
    %convert_element_type3A_7 = arith.truncf %get3A_1 : vector<1024x256xf32> to vector<1024x256xbf16>
    %dot_general3A = arith.constant dense<0.000000e+00> : vector<1024x256xf32>
    %dot_general3A_8 = tpu.matmul %convert_element_type3A_7, %convert_element_type3A_6, %dot_general3A {dimension_numbers = #tpu.dot_dimension_numbers<[1], [0], [0], [1], [0, 0, 1, 1], [], []>, transpose_lhs_hint = false} : vector<1024x256xbf16>, vector<256x256xbf16>, vector<1024x256xf32> -> vector<1024x256xf32>
    %add3A = arith.constant 9.99999993E-9 : f32
    %add3A_9 = vector.broadcast %add3A : f32 to vector<1024x256xf32>
    %add3A_10 = arith.addf %dot_general3A_8, %add3A_9 : vector<1024x256xf32>
    %log3A = math.log %add3A_10 : vector<1024x256xf32>
    %iota3A_11 = tpu.iota {dimensions = array<i32: 1>} : vector<1024x256xi32>
    %lt3A_12 = arith.constant 200 : i32
    %lt3A_13 = vector.broadcast %lt3A_12 : i32 to vector<1024x256xi32>
    %lt3A_14 = arith.cmpi slt, %iota3A_11, %lt3A_13 : vector<1024x256xi32>
    %slice3A = vector.extract_strided_slice %get3A_1 {offsets = [0, 208], sizes = [1024, 1], strides = [1, 1]} : vector<1024x256xf32> to vector<1024x1xf32>
    %jit3A = arith.constant 0.000000e+00 : f32
    %broadcast_in_dim3A = vector.broadcast %jit3A : f32 to vector<1024x256xf32>
    %select_n3A = arith.select %lt3A_14, %log3A, %broadcast_in_dim3A : vector<1024x256xi1>, vector<1024x256xf32>
    %reduce_sum3A = vector.shape_cast %select_n3A : vector<1024x256xf32> to vector<1x1024x256xf32>
    %reduce_sum3A_15 = arith.constant dense<0.000000e+00> : vector<1xf32>
    %reduce_sum3A_16 = vector.multi_reduction <add>, %reduce_sum3A, %reduce_sum3A_15 [1, 2] : vector<1x1024x256xf32> to vector<1xf32>
    %reduce_sum3A_17 = vector.shape_cast %reduce_sum3A_16 : vector<1xf32> to vector<1x1x1xf32>
    %reduce_sum3A_18 = vector.extract %reduce_sum3A_17[0, 0, 0] : f32 from vector<1x1x1xf32>
    %reduce_sum3A_19 = vector.shape_cast %slice3A : vector<1024x1xf32> to vector<1x1024x1xf32>
    %reduce_sum3A_20 = arith.constant dense<0.000000e+00> : vector<1xf32>
    %reduce_sum3A_21 = vector.multi_reduction <add>, %reduce_sum3A_19, %reduce_sum3A_20 [1, 2] : vector<1x1024x1xf32> to vector<1xf32>
    %reduce_sum3A_22 = vector.shape_cast %reduce_sum3A_21 : vector<1xf32> to vector<1x1x1xf32>
    %reduce_sum3A_23 = vector.extract %reduce_sum3A_22[0, 0, 0] : f32 from vector<1x1x1xf32>
    %sub3A = arith.subf %reduce_sum3A_18, %reduce_sum3A_23 : f32
    %mul3A = arith.constant 6.10351563E-5 : f32
    %mul3A_24 = arith.mulf %sub3A, %mul3A : f32
    %eq3A = arith.constant 0 : i32
    %eq3A_25 = arith.cmpi eq, %arg0, %eq3A : i32
    %convert_element_type3A_26 = arith.extui %eq3A_25 : i1 to i32
    %cond3A = arith.constant 0 : i32
    %cond3A_27 = arith.cmpi ne, %convert_element_type3A_26, %cond3A : i32
    scf.if %cond3A_27 {
      %broadcast_in_dim3A_34 = arith.constant 0.000000e+00 : f32
      %broadcast_in_dim3A_35 = vector.broadcast %broadcast_in_dim3A_34 : f32 to vector<1x1xf32>
      %swap3A_36 = arith.constant 0 : index
      %swap3A_37 = arith.constant 0 : index
      %swap3A_38 = vector.load %arg2[%swap3A_36, %swap3A_37] : memref<1x1xf32, #tpu.memory_space<vmem>>, vector<1x1xf32>
      tpu.vector_store %arg2[%swap3A_36, %swap3A_37], %broadcast_in_dim3A_35 {strides = array<i32>} : memref<1x1xf32, #tpu.memory_space<vmem>>, vector<1x1xf32>,
    } else {
    }
    %get3A_28 = arith.constant 0 : index
    %get3A_29 = arith.constant 0 : index
    %get3A_30 = vector.load %arg2[%get3A_28, %get3A_29] : memref<1x1xf32, #tpu.memory_space<vmem>>, vector<1x1xf32>
    %reshape3A = vector.broadcast %mul3A_24 : f32 to vector<1x1xf32>
    %add3A_31 = arith.addf %get3A_30, %reshape3A : vector<1x1xf32>
    %swap3A = arith.constant 0 : index
    %swap3A_32 = arith.constant 0 : index
    %swap3A_33 = vector.load %arg2[%swap3A, %swap3A_32] : memref<1x1xf32, #tpu.memory_space<vmem>>, vector<1x1xf32>
    tpu.vector_store %arg2[%swap3A, %swap3A_32], %add3A_31 {strides = array<i32>} : memref<1x1xf32, #tpu.memory_space<vmem>>, vector<1x1xf32>,
    return
  }
  func.func @transform_0(%arg0: i32) -> (i32, i32) {
    %c0_i32 = arith.constant 0 : i32
    %c0_i32_0 = arith.constant 0 : i32
    return %arg0, %c0_i32 : i32, i32
  }
  func.func @transform_1(%arg0: i32) -> (i32, i32) {
    %c0_i32 = arith.constant 0 : i32
    %c0_i32_0 = arith.constant 0 : i32
    %c0_i32_1 = arith.constant 0 : i32
    return %c0_i32, %c0_i32_0 : i32, i32
  }
}

</mosaic_0001>

<sc_bundles>
// kernel: kernel.4.cloned.1.call-start
scs
__scs_entry_jumppad:
0x0: {  	(pc) =	sbr.rel $0x88, $3  }
0x1: {  	(tag) =	ssettag $0x0;
	lr =	simm.s32 $0x1  }
0x2: {  	[smem:$0x3F9F] =	sst lr;
	_ =	strace $0xD0000000  }
0x3: {  	_ = 	snop  }
0x4: {  	_ = 	snop  }
0x5: {  	_ = 	snop  }
0x6: {  	_ = 	snop  }
0x7: {  	_ = 	snop  }
__scs_overlays_trampoline_lowered:
0x8: {  	[smem:$0x3FAE] =	sst s0  }
0x9: {  	[smem:$0x3FAF] =	sst s1  }
0xa: {  	[smem:$0x3FB0] =	sst s2  }
0xb: {  	[smem:$0x3FB1] =	sst s3  }
0xc: {  	[smem:$0x3FB2] =	sst s4  }
0xd: {  	[smem:$0x3FB3] =	sst s5  }
0xe: {  	[smem:$0x3FB4] =	sst s6  }
0xf: {  	[smem:$0x3FB5] =	sst s7  }
0x10: {  	[smem:$0x3FB6] =	sst s8  }
0x11: {  	[smem:$0x3FB7] =	sst s9;
	s0 =	simm.s32 @!p0 $0x0  }
0x12: {  	s1 =	sld [smem:$0x3F9D];
	s0 =	simm.s32 @p0 $0x1  }
0x13: {  	[smem:$0x3FB8] =	sst s0;
	s0 =	simm.s32 @!p1 $0x0  }
0x14: {  	s2 =	sld [smem:$0x3F9C];
	s0 =	simm.s32 @p1 $0x1  }
0x15: {  	[smem:$0x3FB9] =	sst s0;
	s0 =	simm.s32 @!p2 $0x0  }
0x16: {  	s3 =	sld [smem:$0x3FDB];
	s0 =	simm.s32 @p2 $0x1  }
0x17: {  	s4 =	simm.s32 $0x1BF5;
	[smem:$0x3FBB] =	sst s0  }
0x18: {  	s0 =	sld [smem:$0x3F9E];
	_ =	swait.ge [sflag:s4], $0x0  }
0x19: {  	s7 =	sld [smem:$0x3F9F]  }
0x1a: {  	s8 =	sadd.s32 $0xFFFFE003, lr  }
0x1b: {  	s9 =	sadd.s32 $0xFFFFFEF7, lr;
	s5 =	simm.s32 $0xFFFFFFFF;
	p2 =	slt.u32 s8, $0xFFFFF086  }
0x1c: {  	p1 =	slt.u32 s9, $0xF7A;
	s5 =	simm.s32 @!p2 $0x0  }
0x1d: {  	s5 =	simm.s32 @p1 $0x1;
	p0 =	seq.s32 s7, s2  }
0x1e: {  	s7 =	smul.u32 @!p0 $0xF7A, s2;
	p2 =	seq.s32 @!p0 s5, $0x0  }
0x1f: {  	s9 =	smul.u32 $0xF7A, s1;
	s8 =	simm.s32 @!p0 $0x1BF5;
	p2 =	por !p2, p0  }
0x20: {  	[sflag:s8] =	ssyncset.s32 @!p0 $0xFFFFF086;
	s6 =	sadd.s32 @!p0 s3, s7;
	s7 =	simm.s32 @!p0 $0x108  }
0x21: {  	s3 =	sadd.s32 s3, s9;
	s6 =	sadd.s32 @!p0 $0x88, s6;
	s7 =	simm.s32 @p2 $0x1082  }
0x22: {  	[simem:s7], [sflag:s8] =	dma.local @!p0 [hbm:s6], $0xF7A  }
0x23: {  	s9 =	sor.u32 $0xD0000000, s2;
	s6 =	simm.s32 $0x108;
	_ =	swait.ge @!p0 [sflag:s8], $0x0  }
0x24: {  	s3 =	sadd.s32 $0x88, s3;
	s6 =	simm.s32 @!p1 $0x1082;
	[sflag:s4] =	ssyncset.s32 $0xFFFFF086  }
0x25: {  	[simem:s6], [sflag:s4] =	dma.local [hbm:s3], $0xF7A  }
0x26: {  	[smem:$0x3F9F] =	sst s1;
	(tag) =	ssettag s2;
	_ =	strace s9  }
0x27: {  	s1 =	sld [smem:$0x3FAF]  }
0x28: {  	s2 =	sld [smem:$0x3FB0]  }
0x29: {  	s4 =	sld [smem:$0x3FB2]  }
0x2a: {  	p0 =	seq.s32 s5, $0x0;
	s5 =	sld [smem:$0x3FB3]  }
0x2b: {  	s6 =	sld [smem:$0x3FB4]  }
0x2c: {  	s7 =	sld [smem:$0x3FB5]  }
0x2d: {  	s3 =	simm.s32 $0x108;
	s8 =	sld [smem:$0x3FB6]  }
0x2e: {  	s3 =	simm.s32 @!p0 $0x1082;
	s9 =	sld [smem:$0x3FB7]  }
0x2f: {  	lr =	sadd.s32 s0, s3;
	s0 =	sld [smem:$0x3FAE]  }
0x30: {  	s3 =	sld [smem:$0x3FB1]  }
0x31: {  	[smem:$0x3FBA] =	sst s10  }
0x32: {  	s10 =	sld [smem:$0x3FB8];
	_ =	sdelay $0x3  }
0x33: {  	p0 =	seq.s32 s10, $0x1;
	s10 =	sld [smem:$0x3FBA];
	_ =	sdelay $0x3  }
0x34: {  	[smem:$0x3FBA] =	sst s10  }
0x35: {  	s10 =	sld [smem:$0x3FB9];
	_ =	sdelay $0x3  }
0x36: {  	p1 =	seq.s32 s10, $0x1;
	s10 =	sld [smem:$0x3FBA];
	_ =	sdelay $0x3  }
0x37: {  	[smem:$0x3FBA] =	sst s10  }
0x38: {  	s10 =	sld [smem:$0x3FBB]  }
0x39: {  	_ = 	snop;
	(pc) =	sbr.ind lr, $3  }
0x3a: {  	_ = 	snop  }
0x3b: {  	_ = 	snop  }
0x3c: {  	p2 =	seq.s32 s10, $0x1;
	s10 =	sld [smem:$0x3FBA]  }
0x3d: {  	_ =	shalt  }
0x3e: {  	_ =	shalt  }
0x3f: {  	_ =	shalt  }
0x40: {  	_ =	shalt  }
0x41: {  	_ =	shalt  }
0x42: {  	_ =	shalt  }
0x43: {  	_ =	shalt  }
0x44: {  	_ =	shalt  }
0x45: {  	_ =	shalt  }
0x46: {  	_ =	shalt  }
0x47: {  	_ =	shalt  }
0x48: {  	_ =	shalt  }
0x49: {  	_ =	shalt  }
0x4a: {  	_ =	shalt  }
0x4b: {  	_ =	shalt  }
0x4c: {  	_ =	shalt  }
0x4d: {  	_ =	shalt  }
0x4e: {  	_ =	shalt  }
0x4f: {  	_ =	shalt  }
0x50: {  	_ =	shalt  }
0x51: {  	_ =	shalt  }
0x52: {  	_ =	shalt  }
0x53: {  	_ =	shalt  }
0x54: {  	_ =	shalt  }
0x55: {  	_ =	shalt  }
0x56: {  	_ =	shalt  }
0x57: {  	_ =	shalt  }
0x58: {  	_ =	shalt  }
0x59: {  	_ =	shalt  }
0x5a: {  	_ =	shalt  }
0x5b: {  	_ =	shalt  }
0x5c: {  	_ =	shalt  }
0x5d: {  	_ =	shalt  }
0x5e: {  	_ =	shalt  }
0x5f: {  	_ =	shalt  }
0x60: {  	_ =	shalt  }
0x61: {  	_ =	shalt  }
0x62: {  	_ =	shalt  }
0x63: {  	_ =	shalt  }
0x64: {  	_ =	shalt  }
0x65: {  	_ =	shalt  }
0x66: {  	_ =	shalt  }
0x67: {  	_ =	shalt  }
0x68: {  	_ =	shalt  }
0x69: {  	_ =	shalt  }
0x6a: {  	_ =	shalt  }
0x6b: {  	_ =	shalt  }
0x6c: {  	_ =	shalt  }
0x6d: {  	_ =	shalt  }
0x6e: {  	_ =	shalt  }
0x6f: {  	_ =	shalt  }
0x70: {  	_ =	shalt  }
0x71: {  	_ =	shalt  }
0x72: {  	_ =	shalt  }
0x73: {  	_ =	shalt  }
0x74: {  	_ =	shalt  }
0x75: {  	_ =	shalt  }
0x76: {  	_ =	shalt  }
0x77: {  	_ =	shalt  }
0x78: {  	_ =	shalt  }
0x79: {  	_ =	shalt  }
0x7a: {  	_ =	shalt  }
0x7b: {  	_ =	shalt  }
0x7c: {  	_ =	shalt  }
0x7d: {  	_ =	shalt  }
0x7e: {  	_ =	shalt  }
0x7f: {  	_ =	shalt  }
0x80: {  	_ =	shalt  }
0x81: {  	_ =	shalt  }
0x82: {  	_ =	shalt  }
0x83: {  	_ =	shalt  }
0x84: {  	_ =	shalt  }
0x85: {  	_ =	shalt  }
0x86: {  	_ =	shalt  }
0x87: {  	_ =	shalt  }
.Lfunc_end0:
.L_simem_size_0:
called_computation_lowered:
.L_overlay_start_0:
0x88: {  	s2 =	sld [smem:$0x3FD9]  }
0x89: {  	s3 =	sld [smem:$0x3FFE];
	_ =	sdelay $0x1  }
0x8a: {  	s1 =	srdreg.scid  }
0x8b: {  	s0 =	sand.u32 $0x1, s1  }
0x8c: {  	s16 =	sshll.u32 s0, $0xA;
	s2 =	sadd.s32 s3, s2  }
0x8d: {  	s2 =	sadd.s32 s2, s16  }
0x8e: {  	[smem:$0x3FC6] =	sst s2  }
0x8f: {  	_ = 	snop  }
0x90: {  	(tm) =	ssettm $0x1  }
0x91: {  	s17 =	sld [smem:$0x3FFB];
	_ =	sdelay $0x3  }
0x92: {  	_ =	strace s17  }
0x93: {  	s2 =	sld [smem:$0x3FFC];
	_ =	sdelay $0x3  }
0x94: {  	_ =	strace s2  }
0x95: {  	s2 =	sld [smem:$0x3FFD];
	_ =	sdelay $0x3  }
0x96: {  	_ =	strace s2  }
0x97: {  	_ =	strace $0x8FFFFFFF  }
0x98: {  	s18 =	sld [smem:$0x3FDB];
	_ =	sdelay $0x1  }
0x99: {  	s19 =	simm.s32 $_scs_section_size  }
0x9a: {  	s4 =	simm.s32 $_size__tile_overlayer_lowered;
	s5 =	simm.s32 $_tile_overlayer_lowered  }
0x9b: {  	s22 =	simm.s32 $0x1BFF;
	s21 =	sshll.u32 s5, $0x1;
	s2 =	sadd.s32 s19, s18  }
0x9c: {  	s6 =	simm.s32 $0x0;
	s20 =	sshll.u32 s4, $0x1;
	s4 =	sadd.s32 s21, s2  }
0x9d: {  	[timem:s6], [sflag:s22] =	dma.local [hbm:s4], s20  }
0x9e: {  	_ =	swait.ge [sflag:s22], s20  }
0x9f: {  	s3 =	ssub.s32 $0x0, s20;
	[sflag:s22] =	ssyncset.done $0x0  }
0xa0: {  	[sflag:s22] =	ssyncadd.s32 s3;
	_ =	sdelay $0x1  }
0xa1: {  	s23 =	simm.s32 $0x1B8B  }
0xa2: {  	_ =	swait.ge [sflag:s23], $0x1  }
0xa3: {  	[sflag:s23] =	ssyncset.done $0x0  }
0xa4: {  	s25 =	simm.s32 $0x1B8E;
	s24 =	sld [smem:$0x3FFE];
	[sflag:s23] =	ssyncadd.s32 $0xFFFFFFFF  }
0xa5: {  	s26 =	simm.s32 $execute0_lowered;
	[smem:$0x3FD2] =	sst s25  }
0xa6: {  	s4 =	sshll.u32 s26, $0x1;
	_ =	strace $0x80000046;
	[dreg:$0x1] =	wrdreg $0xFFFFFFFF  }
0xa7: {  	s28 =	simm.s32 $_size_execute0_lowered;
	s2 =	sadd.s32 s2, s4;
	[dreg:$0x0] =	wrdreg $0x0  }
0xa8: {  	s4 =	sshll.u32 s28, $0x1;
	[dreg:$0x2] =	wrdreg s2  }
0xa9: {  	[dreg:$0x3] =	wrdreg s4  }
0xaa: {  	[dreg:$0x4] =	wrdreg $0xC0  }
0xab: {  	_ =	task [dreg:s6], $0x5FFFF  }
0xac: {  	[dreg:$0x1] =	wrdreg $0xFFFFFFFF  }
0xad: {  	[dreg:$0x0] =	wrdreg $0x60  }
0xae: {  	[dreg:$0x2] =	wrdreg s24  }
0xaf: {  	[dreg:$0x3] =	wrdreg $0x9  }
0xb0: {  	_ =	task.clear_ibuf [dreg:s6], $0x4FFFF;
	_ =	strace $0x90000046  }
0xb1: {  	s29 =	simm.s32 $0x9;
	_ =	strace $0x80000048  }
0xb2: {  	_ =	swait.ge [sflag:s29], $0x1  }
0xb3: {  	[sflag:s29] =	ssyncadd.s32 $0xFFFFFFFF  }
0xb4: {  	_ =	strace $0x90000048  }
0xb5: {  	_ =	sfence  }
0xb6: {  	s30 =	sld [smem:$0x0];
	_ =	sdelay $0x2  }
0xb7: {  	s31 =	sshll.u32 s1, $0xD;
	s1 =	sshrl.u32 s1, $0x2  }
0xb8: {  	s3 =	sand.u32 $0x4000, s31;
	s1 =	sadd.s32 s1, s30  }
0xb9: {  	s0 =	sor.u32 s3, s0;
	s1 =	sshll.u32 s1, $0x11  }
0xba: {  	s0 =	sor.u32 s1, s0  }
0xbb: {  	s0 =	sadd.s32 $0x8F2B, s0  }
0xbc: {  	[sflag:s0] =	ssyncadd.remote.s32 $0x1  }
0xbd: {  	_ =	sfence.sel $0xFFFF  }
0xbe: {  	[dreg:$0x0] =	wrdreg $0xFFFFFFFF;
	(pc) =	sbr.abs _section_cstart, $3  }
0xbf: {  	[dreg:$0x1] =	wrdreg $0xFFFFFFFF  }
0xc0: {  	_ =	task.clear_ibuf [dreg:s6], $0x2FFFF;
	_ =	strace $0x9FFFFFFF  }
0xc1: {  	(tm) =	ssettm $0x7FFFFFFF  }
tec
execute0_lowered:
.L_overlay_start_1:
0x0: {  	(tag) =	ssettag $0x1  }
0x1: {  	s0 =	rddreg [dreg:$0x0]  }
0x2: {  	s1 =	simm.s32 $0x0;
	s2 =	srdreg.scid;
	s4 =	stileid.u32  }
0x3: {  	s15 =	simm.s32 $0x1;
	s17 =	simm.s32 $0x2;
	[smem:$0x7FF] =	sst s1  }
0x4: {  	s3 =	sadd.s32 $0x81600, s0;
	s2 =	sand.u32 $0x1, s2;
	s5 =	sshll.u32 s4, $0xF  }
0x5: {  	s4 =	sadd.s32 $0x1600, s0;
	s6 =	ssub.s32 $0x2, s2;
	s2 =	sshll.u32 s2, $0xE  }
0x6: {  	_ =	strace $0x80000047;
	s7 =	sshrl.u32 s6, $0x1;
	s2 =	sor.u32 s2, s5  }
0x7: {  	s5 =	sadd.s32 $0x101600, s0;
	s29 =	ssub.s32 s6, s7;
	s30 =	sadd.s32 s3, s2  }
0x8: {  	s31 =	sadd.s32 s4, s2;
	s8 =	sor.u32 $0x400, s2;
	[dreg:$0x2] =	wrdreg s30  }
0x9: {  	s9 =	sadd.s32 s5, s2;
	[dreg:$0x3] =	wrdreg s31;
	s0 =	smax.u32 s29, $0x1  }
0xa: {  	vm0 =	vmmov $0xff;
	vm1 =	vmmov $0x1;
	s10 =	sor.u32 $0x800, s2;
	s6 =	simm.s32 $0x0;
	[dreg:$0x4] =	wrdreg s0  }
.LBB2_1:
0xb: {  	v0 =	vimm.f32 $0.0e+00  }
0xc: {  	[tilespmem:$0x4460] =	vst v0  }
0xd: {  	[tilespmem:$0x4470] =	vst v0  }
0xe: {  	[tilespmem:$0x44E0] =	vst v0  }
0xf: {  	[tilespmem:$0x44F0] =	vst v0  }
0x10: {  	[tilespmem:$0x4560] =	vst v0  }
0x11: {  	[tilespmem:$0x4570] =	vst v0  }
0x12: {  	[tilespmem:$0x45E0] =	vst v0  }
0x13: {  	[tilespmem:$0x45F0] =	vst v0  }
0x14: {  	[tilespmem:$0x4660] =	vst v0  }
0x15: {  	[tilespmem:$0x4670] =	vst v0  }
0x16: {  	[tilespmem:$0x46E0] =	vst v0  }
0x17: {  	[tilespmem:$0x46F0] =	vst v0  }
0x18: {  	[tilespmem:$0x4760] =	vst v0  }
0x19: {  	[tilespmem:$0x4770] =	vst v0  }
0x1a: {  	[tilespmem:$0x47E0] =	vst v0  }
0x1b: {  	[tilespmem:$0x47F0] =	vst v0  }
0x1c: {  	[tilespmem:$0x4C60] =	vst v0  }
0x1d: {  	[tilespmem:$0x4C70] =	vst v0  }
0x1e: {  	[tilespmem:$0x4CE0] =	vst v0  }
0x1f: {  	[tilespmem:$0x4CF0] =	vst v0  }
0x20: {  	[tilespmem:$0x4D60] =	vst v0  }
0x21: {  	[tilespmem:$0x4D70] =	vst v0  }
0x22: {  	[tilespmem:$0x4DE0] =	vst v0  }
0x23: {  	[tilespmem:$0x4DF0] =	vst v0  }
0x24: {  	[tilespmem:$0x4E60] =	vst v0  }
0x25: {  	[tilespmem:$0x4E70] =	vst v0  }
0x26: {  	[tilespmem:$0x4EE0] =	vst v0  }
0x27: {  	[tilespmem:$0x4EF0] =	vst v0  }
0x28: {  	[tilespmem:$0x4F60] =	vst v0  }
0x29: {  	[tilespmem:$0x4F70] =	vst v0  }
0x2a: {  	[tilespmem:$0x4FE0] =	vst v0  }
0x2b: {  	[tilespmem:$0x4FF0] =	vst v0  }
0x2c: {  	[tilespmem:$0x5460] =	vst v0  }
0x2d: {  	[tilespmem:$0x5470] =	vst v0  }
0x2e: {  	[tilespmem:$0x54E0] =	vst v0  }
0x2f: {  	[tilespmem:$0x54F0] =	vst v0  }
0x30: {  	[tilespmem:$0x5560] =	vst v0  }
0x31: {  	[tilespmem:$0x5570] =	vst v0  }
0x32: {  	[tilespmem:$0x55E0] =	vst v0  }
0x33: {  	[tilespmem:$0x55F0] =	vst v0  }
0x34: {  	[tilespmem:$0x5660] =	vst v0  }
0x35: {  	[tilespmem:$0x5670] =	vst v0  }
0x36: {  	[tilespmem:$0x56E0] =	vst v0  }
0x37: {  	[tilespmem:$0x56F0] =	vst v0  }
0x38: {  	[tilespmem:$0x5760] =	vst v0  }
0x39: {  	[tilespmem:$0x5770] =	vst v0  }
0x3a: {  	[tilespmem:$0x57E0] =	vst v0  }
0x3b: {  	[tilespmem:$0x57F0] =	vst v0  }
0x3c: {  	[tilespmem:$0x5C60] =	vst v0  }
0x3d: {  	[tilespmem:$0x5C70] =	vst v0  }
0x3e: {  	[tilespmem:$0x5CE0] =	vst v0  }
0x3f: {  	[tilespmem:$0x5CF0] =	vst v0  }
0x40: {  	[tilespmem:$0x5D60] =	vst v0  }
0x41: {  	[tilespmem:$0x5D70] =	vst v0  }
0x42: {  	[tilespmem:$0x5DE0] =	vst v0  }
0x43: {  	[tilespmem:$0x5DF0] =	vst v0  }
0x44: {  	[tilespmem:$0x5E60] =	vst v0  }
0x45: {  	[tilespmem:$0x5E70] =	vst v0  }
0x46: {  	[tilespmem:$0x5EE0] =	vst v0  }
0x47: {  	[tilespmem:$0x5EF0] =	vst v0  }
0x48: {  	[tilespmem:$0x5F60] =	vst v0  }
0x49: {  	[tilespmem:$0x5F70] =	vst v0  }
0x4a: {  	[tilespmem:$0x5FE0] =	vst v0  }
0x4b: {  	[tilespmem:$0x5FF0] =	vst v0  }
0x4c: {  	[tilespmem:$0xA460] =	vst v0  }
0x4d: {  	[tilespmem:$0xA470] =	vst v0  }
0x4e: {  	[tilespmem:$0xA4E0] =	vst v0  }
0x4f: {  	[tilespmem:$0xA4F0] =	vst v0  }
0x50: {  	[tilespmem:$0xA560] =	vst v0  }
0x51: {  	[tilespmem:$0xA570] =	vst v0  }
0x52: {  	[tilespmem:$0xA5E0] =	vst v0  }
0x53: {  	[tilespmem:$0xA5F0] =	vst v0  }
0x54: {  	[tilespmem:$0xA660] =	vst v0  }
0x55: {  	[tilespmem:$0xA670] =	vst v0  }
0x56: {  	[tilespmem:$0xA6E0] =	vst v0  }
0x57: {  	[tilespmem:$0xA6F0] =	vst v0  }
0x58: {  	[tilespmem:$0xA760] =	vst v0  }
0x59: {  	[tilespmem:$0xA770] =	vst v0  }
0x5a: {  	[tilespmem:$0xA7E0] =	vst v0  }
0x5b: {  	[tilespmem:$0xA7F0] =	vst v0  }
0x5c: {  	[tilespmem:$0xAC60] =	vst v0  }
0x5d: {  	[tilespmem:$0xAC70] =	vst v0  }
0x5e: {  	[tilespmem:$0xACE0] =	vst v0  }
0x5f: {  	[tilespmem:$0xACF0] =	vst v0  }
0x60: {  	[tilespmem:$0xAD60] =	vst v0  }
0x61: {  	[tilespmem:$0xAD70] =	vst v0  }
0x62: {  	[tilespmem:$0xADE0] =	vst v0  }
0x63: {  	[tilespmem:$0xADF0] =	vst v0  }
0x64: {  	[tilespmem:$0xAE60] =	vst v0  }
0x65: {  	[tilespmem:$0xAE70] =	vst v0  }
0x66: {  	[tilespmem:$0xAEE0] =	vst v0  }
0x67: {  	[tilespmem:$0xAEF0] =	vst v0  }
0x68: {  	[tilespmem:$0xAF60] =	vst v0  }
0x69: {  	[tilespmem:$0xAF70] =	vst v0  }
0x6a: {  	[tilespmem:$0xAFE0] =	vst v0  }
0x6b: {  	[tilespmem:$0xAFF0] =	vst v0  }
0x6c: {  	[tilespmem:$0xB460] =	vst v0  }
0x6d: {  	[tilespmem:$0xB470] =	vst v0  }
0x6e: {  	[tilespmem:$0xB4E0] =	vst v0  }
0x6f: {  	[tilespmem:$0xB4F0] =	vst v0  }
0x70: {  	[tilespmem:$0xB560] =	vst v0  }
0x71: {  	[tilespmem:$0xB570] =	vst v0  }
0x72: {  	[tilespmem:$0xB5E0] =	vst v0  }
0x73: {  	[tilespmem:$0xB5F0] =	vst v0  }
0x74: {  	[tilespmem:$0xB660] =	vst v0  }
0x75: {  	[tilespmem:$0xB670] =	vst v0  }
0x76: {  	[tilespmem:$0xB6E0] =	vst v0  }
0x77: {  	[tilespmem:$0xB6F0] =	vst v0  }
0x78: {  	[tilespmem:$0xB760] =	vst v0  }
0x79: {  	[tilespmem:$0xB770] =	vst v0  }
0x7a: {  	[tilespmem:$0xB7E0] =	vst v0  }
0x7b: {  	[tilespmem:$0xB7F0] =	vst v0  }
0x7c: {  	[tilespmem:$0xBC60] =	vst v0  }
0x7d: {  	[tilespmem:$0xBC70] =	vst v0  }
0x7e: {  	[tilespmem:$0xBCE0] =	vst v0  }
0x7f: {  	[tilespmem:$0xBCF0] =	vst v0  }
0x80: {  	[tilespmem:$0xBD60] =	vst v0  }
0x81: {  	[tilespmem:$0xBD70] =	vst v0  }
0x82: {  	[tilespmem:$0xBDE0] =	vst v0  }
0x83: {  	[tilespmem:$0xBDF0] =	vst v0  }
0x84: {  	[tilespmem:$0xBE60] =	vst v0  }
0x85: {  	[tilespmem:$0xBE70] =	vst v0  }
0x86: {  	[tilespmem:$0xBEE0] =	vst v0  }
0x87: {  	[tilespmem:$0xBEF0] =	vst v0  }
0x88: {  	[tilespmem:$0xBF60] =	vst v0  }
0x89: {  	[tilespmem:$0xBF70] =	vst v0  }
0x8a: {  	[dreg:$0x5] =	wrdreg s6;
	[tilespmem:$0xBFE0] =	vst v0  }
0x8b: {  	s0 =	rddreg [dreg:$0x2];
	[tilespmem:$0xBFF0] =	vst v0  }
0x8c: {  	[tilespmem:s1], [sflag:$0x1] =	stream.linear.gather [hbm4b:s0+s1], $0x2000, $0x38;
	[tilespmem:$0xC000] =	vst v63  }
0x8d: {  	s31 =	rddreg [dreg:$0x3];
	s2 =	simm.s32 $0x2000;
	s22 =	simm.s32 $0x0  }
0x8e: {  	[tilespmem:s2], [sflag:$0x1] =	stream.linear.gather [hbm4b:s31+s1], $0x2000, $0x38;
	[tilespmem:$0xC000] =	vst v63  }
.LBB2_2:
0x8f: {  	s24 =	sshll.u32 s22, $0xB  }
0x90: {  	s23 =	sadd.s32 s8, s24  }
0x91: {  	s2 =	simm.s32 $0x6000;
	s0 =	sadd.s32 s3, s23  }
0x92: {  	[tilespmem:s2], [sflag:$0x2] =	stream.linear.gather [hbm4b:s0+s1], $0x2000, $0x38;
	[tilespmem:$0xC000] =	vst v63  }
0x93: {  	s31 =	simm.s32 $0x8000;
	s30 =	sadd.s32 s4, s23  }
0x94: {  	[tilespmem:s31], [sflag:$0x2] =	stream.linear.gather [hbm4b:s30+s1], $0x2000, $0x38;
	[tilespmem:$0xC000] =	vst v63  }
0x95: {  	_ =	swait.ge [sflag:s15], $0x2000  }
0x96: {  	[sflag:s15] =	ssyncset.done $0x0  }
0x97: {  	[sflag:s15] =	ssyncadd.s32 $0xFFFFE000  }
0x98: {  	_ =	swait.ge [sflag:s15], $0x2000  }
0x99: {  	p0 =	seq.s32 s22, $0x0;
	[sflag:s15] =	ssyncset.done $0x0  }
0x9a: {  	s0 =	simm.s32 @!p0 $0x3;
	[sflag:s15] =	ssyncadd.s32 $0xFFFFE000  }
0x9b: {  	_ =	swait.ge @!p0 [sflag:s0], $0x2000  }
0x9c: {  	s25 =	simm.s32 $0xFFFFFFFC;
	s26 =	simm.s32 $0x0;
	[sflag:s0] =	ssyncset.done @!p0 $0x0  }
0x9d: {  	p1 =	por $0x0, $0x0;
	s28 =	simm.s32 $0x0;
	[sflag:s0] =	ssyncadd.s32 @!p0 $0xFFFFE000  }
.LBB2_3:
0x9e: {  	s0 =	sand.u32 $0x1800, s26;
	s2 =	sand.u32 $0x200, s28  }
0x9f: {  	s29 =	sor.u32 s2, s0  }
0xa0: {  	v1 =	vld [tilespmem:s29+$0x0]  }
0xa1: {  	v2 =	vld [tilespmem:s29+$0x10]  }
0xa2: {  	v3 =	vld [tilespmem:s29+$0x20]  }
0xa3: {  	v4 =	vld [tilespmem:s29+$0x30]  }
0xa4: {  	v13 =	vld [tilespmem:s29+$0x40]  }
0xa5: {  	v14 =	vld [tilespmem:s29+$0x50]  }
0xa6: {  	v15 =	vld [tilespmem:s29+$0x60]  }
0xa7: {  	v16 =	vld [tilespmem:s29+$0x70]  }
0xa8: {  	v12 =	vld [tilespmem:s29+$0x2000]  }
0xa9: {  	v11 =	vld [tilespmem:s29+$0x2010]  }
0xaa: {  	v10 =	vld [tilespmem:s29+$0x2020]  }
0xab: {  	s0 =	simm.s32 $0x1;
	v9 =	vld [tilespmem:s29+$0x2030]  }
0xac: {  	s0 =	simm.s32 @!p1 $0x0;
	v8 =	vld [tilespmem:s29+$0x2040]  }
0xad: {  	v7 =	vld [tilespmem:s29+$0x2050];
	s0 =	sshll.u32 s0, $0x9  }
0xae: {  	v6 =	vld [tilespmem:s29+$0x2060];
	s6 =	sadd.s32 s0, s26  }
0xaf: {  	v5 =	vld [tilespmem:s29+$0x2070];
	s11 =	sor.u32 $0x400, s6;
	(xrf1) =	vsort.dscd.msk.f32 $0xffff, v1, v12  }
0xb0: {  	s7 =	sor.u32 $0x410, s6;
	v17 =	vld [tilespmem:s11+$0x0];
	(xrf1) =	vsort.ascd.msk.f32 $0xffff, v2, v11  }
0xb1: {  	s19 =	sor.u32 $0x420, s6;
	v18 =	vld [tilespmem:s7+$0x0];
	(xrf1) =	vsort.dscd.msk.f32 $0xffff, v3, v10  }
0xb2: {  	s20 =	sor.u32 $0x430, s6;
	v19 =	vld [tilespmem:s19+$0x0];
	(xrf1) =	vsort.ascd.msk.f32 $0xffff, v4, v9  }
0xb3: {  	v41 =	vld [tilespmem:s20+$0x0];
	(xrf1) =	vsort.dscd.msk.f32 $0xffff, v13, v8  }
0xb4: {  	v4 =	vld [tilespmem:s11+$0x2000];
	(xrf1) =	vsort.ascd.msk.f32 $0xffff, v14, v7  }
0xb5: {  	v3 =	vld [tilespmem:s7+$0x2000]  }
0xb6: {  	v2 =	vld [tilespmem:s19+$0x2000];
	(xrf1) =	vsort.dscd.msk.f32 $0xffff, v15, v6  }
0xb7: {  	v1 =	vld [tilespmem:s20+$0x2000];
	(xrf1) =	vsort.ascd.msk.f32 $0xffff, v16, v5  }
0xb8: {  	s0 =	sor.u32 $0x438, s6  }
0xb9: {  	v42 =	vld [tilespmem:s0+$0x0];
	(xrf1) =	vsort.dscd.msk.f32 $0xffff, v17, v4  }
0xba: {  	v13 =	vld [tilespmem:s0+$0x2000];
	(xrf1) =	vsort.ascd.msk.f32 $0xffff, v18, v3  }
0xbb: {  	(xrf1) =	vsort.dscd.msk.f32 $0xffff, v19, v2  }
0xbc: {  	(xrf1) =	vsort.ascd.msk.f32 $0xffff, v41, v1  }
0xbd: {  	v44, v43, _ =	vpop (xrf1)  }
0xbe: {  	v45, v46, _ =	vpop (xrf1)  }
0xbf: {  	v15 =	vsel vm0, $0xFF800000, v42;
	v47 =	vsel vm0, $0xFF800000, v13;
	v20, v21, _ =	vpop (xrf1);
	vm2 =	vgt.f32 v45, v44  }
0xc0: {  	(xrf1) =	vsort.dscd.msk.f32 $0xffff, v15, v47;
	v22, v23, _ =	vpop (xrf1);
	v48 =	vsel vm2, v45, v44;
	v25 =	vsel vm2, v46, v43  }
0xc1: {  	v14 =	vsel vm2, v44, v45;
	v16 =	vsel vm2, v43, v46;
	v49, v24, _ =	vpop (xrf1);
	vm3 =	vlt.f32 v22, v20  }
0xc2: {  	(xrf1) =	vsort.dscd.msk.f32 $0xffff, v48, v25;
	v50, v26, _ =	vpop (xrf1);
	v51 =	vsel vm3, v22, v20;
	v27 =	vsel vm3, v23, v21  }
0xc3: {  	v20 =	vsel vm3, v20, v22;
	(xrf1) =	vsort.dscd.msk.f32 $0xffff, v14, v16;
	vm2 =	vgt.f32 v50, v49  }
0xc4: {  	v21 =	vsel vm3, v21, v23;
	v53, v52, _ =	vpop (xrf1);
	(xrf1) =	vsort.ascd.msk.f32 $0xffff, v51, v27;
	v54 =	vsel vm2, v50, v49  }
0xc5: {  	v14, v16, _ =	vpop (xrf1);
	v55 =	vsel vm2, v26, v24;
	v17 =	vsel vm2, v49, v50;
	(xrf1) =	vsort.ascd.msk.f32 $0xffff, v20, v21  }
0xc6: {  	v24 =	vsel vm2, v24, v26;
	vm2 =	vlt.f32 v14, v53;
	(xrf1) =	vsort.dscd.msk.f32 $0xffff, v54, v55  }
0xc7: {  	v57, v56, _ =	vpop (xrf1);
	v58 =	vsel vm2, v14, v53;
	v59 =	vsel vm2, v16, v52;
	(xrf1) =	vsort.dscd.msk.f32 $0xffff, v17, v24  }
0xc8: {  	v20, v21, _ =	vpop (xrf1);
	v14 =	vsel vm2, v53, v14;
	v16 =	vsel vm2, v52, v16;
	(xrf1) =	vsort.ascd.msk.f32 $0xffff, v58, v59  }
0xc9: {  	vm3 =	vgt.f32 v20, v57;
	v60, v61, _ =	vpop (xrf1);
	(xrf1) =	vsort.ascd.msk.f32 $0xffff, v14, v16  }
0xca: {  	v62 =	vsel vm3, v20, v57;
	v63, v0, _ =	vpop (xrf1);
	v28 =	vsel vm3, v21, v56;
	v18 =	vsel vm3, v57, v20  }
0xcb: {  	v29 =	vsel vm3, v56, v21;
	vm2 =	vlt.f32 v63, v60;
	(xrf1) =	vsort.dscd.msk.f32 $0xffff, v62, v28  }
0xcc: {  	v30 =	vsel vm2, v63, v60;
	v31 =	vsel vm2, v0, v61;
	(xrf1) =	vsort.dscd.msk.f32 $0xffff, v18, v29  }
0xcd: {  	(xrf1) =	vsort.ascd.msk.f32 $0xffff, v30, v31  }
0xce: {  	v32 =	vsel vm2, v60, v63;
	v33 =	vsel vm2, v61, v0  }
0xcf: {  	(xrf1) =	vsort.ascd.msk.f32 $0xffff, v32, v33;
	v14, v15, _ =	vpop (xrf1)  }
0xd0: {  	v34, v35, _ =	vpop (xrf1)  }
0xd1: {  	v36, v37, _ =	vpop (xrf1)  }
0xd2: {  	v38, v39, _ =	vpop (xrf1)  }
0xd3: {  	v40, v41, _ =	vpop (xrf1);
	vm2 =	vgt.f32 v38, v34  }
0xd4: {  	(xrf1) =	vsort.dscd.msk.f32 $0xffff, v14, v15;
	v43, v42, _ =	vpop (xrf1);
	v44 =	vsel vm2, v38, v34  }
0xd5: {  	v29 =	vsel vm2, v39, v35;
	v16 =	vsel vm2, v34, v38;
	vm3 =	vgt.f32 v40, v36;
	v26, v27, _ =	vpop (xrf1)  }
0xd6: {  	v17 =	vsel vm2, v35, v39;
	v47 =	vsel vm3, v40, v36;
	v31 =	vsel vm3, v41, v37;
	v45, v28, _ =	vpop (xrf1)  }
0xd7: {  	v18 =	vsel vm3, v36, v40;
	v19 =	vsel vm3, v37, v41;
	v46, v30, _ =	vpop (xrf1);
	vm2 =	vlt.f32 v45, v43  }
0xd8: {  	v34 =	vsel vm2, v45, v43;
	v35 =	vsel vm2, v28, v42;
	vm3 =	vlt.f32 v46, v26  }
0xd9: {  	v32, v33, _ =	vpop (xrf1);
	v15 =	vsel vm2, v43, v45;
	v51 =	vsel vm3, v46, v26;
	v52 =	vsel vm3, v30, v27  }
0xda: {  	v48, v49, _ =	vpop (xrf1);
	v20 =	vsel vm3, v26, v46;
	v27 =	vsel vm3, v27, v30;
	vm3 =	vgt.f32 v47, v44  }
0xdb: {  	v50 =	vsel vm2, v42, v28;
	v36, v37, _ =	vpop (xrf1);
	v57 =	vsel vm3, v47, v44;
	v58 =	vsel vm3, v31, v29  }
0xdc: {  	v14 =	vsel vm3, v44, v47;
	v59 =	vsel vm3, v29, v31;
	vm2 =	vgt.f32 v36, v32  }
0xdd: {  	vm3 =	vlt.f32 v51, v34;
	v53, v38, _ =	vpop (xrf1);
	v54 =	vsel vm2, v36, v32;
	v39 =	vsel vm2, v37, v33  }
0xde: {  	v32 =	vsel vm2, v32, v36;
	v33 =	vsel vm2, v33, v37;
	vm2 =	vgt.f32 v53, v48  }
0xdf: {  	(xrf1) =	vsort.dscd.msk.f32 $0xffff, v57, v58;
	v55 =	vsel vm2, v53, v48;
	v56 =	vsel vm2, v38, v49  }
0xe0: {  	v22 =	vsel vm2, v48, v53;
	v23 =	vsel vm2, v49, v38;
	vm2 =	vgt.f32 v18, v16  }
0xe1: {  	(xrf1) =	vsort.dscd.msk.f32 $0xffff, v14, v59;
	v60 =	vsel vm2, v18, v16;
	v61 =	vsel vm2, v19, v17  }
0xe2: {  	v16 =	vsel vm2, v16, v18;
	v17 =	vsel vm2, v17, v19;
	(xrf1) =	vsort.dscd.msk.f32 $0xffff, v60, v61  }
0xe3: {  	v62 =	vsel vm3, v51, v34;
	v63 =	vsel vm3, v52, v35;
	(xrf1) =	vsort.dscd.msk.f32 $0xffff, v16, v17  }
0xe4: {  	(xrf1) =	vsort.ascd.msk.f32 $0xffff, v62, v63  }
0xe5: {  	v0 =	vsel vm3, v34, v51;
	v25 =	vsel vm3, v35, v52;
	vm2 =	vlt.f32 v20, v15  }
0xe6: {  	v26 =	vsel vm2, v20, v15;
	v28 =	vsel vm2, v27, v50;
	(xrf1) =	vsort.ascd.msk.f32 $0xffff, v0, v25  }
0xe7: {  	(xrf1) =	vsort.ascd.msk.f32 $0xffff, v26, v28  }
0xe8: {  	v29 =	vsel vm2, v15, v20;
	v31 =	vsel vm2, v50, v27  }
0xe9: {  	(xrf1) =	vsort.ascd.msk.f32 $0xffff, v29, v31;
	_ =	sdelay $0x2  }
0xea: {  	vm3 =	vgt.f32 v55, v54  }
0xeb: {  	v34 =	vsel vm3, v55, v54;
	v35 =	vsel vm3, v56, v39;
	v36 =	vsel vm3, v54, v55;
	v15, v16, _ =	vpop (xrf1)  }
0xec: {  	v38 =	vsel vm3, v39, v56;
	vm2 =	vgt.f32 v22, v32;
	(xrf1) =	vsort.dscd.msk.f32 $0xffff, v34, v35;
	v43, v44, _ =	vpop (xrf1)  }
0xed: {  	v39 =	vsel vm2, v22, v32;
	v40 =	vsel vm2, v23, v33;
	(xrf1) =	vsort.dscd.msk.f32 $0xffff, v36, v38;
	v46, v45, _ =	vpop (xrf1)  }
0xee: {  	v41 =	vsel vm2, v32, v22;
	v42 =	vsel vm2, v33, v23;
	(xrf1) =	vsort.dscd.msk.f32 $0xffff, v39, v40;
	v48, v47, _ =	vpop (xrf1)  }
0xef: {  	(xrf1) =	vsort.dscd.msk.f32 $0xffff, v41, v42;
	v49, v50, _ =	vpop (xrf1)  }
0xf0: {  	(xrf1) =	vsort.ascd.msk.f32 $0xffff, v15, v16;
	v51, v52, _ =	vpop (xrf1)  }
0xf1: {  	vm2 =	vgt.f32 v51, v43  }
0xf2: {  	v54, v53, _ =	vpop (xrf1);
	v59 =	vsel vm2, v51, v43;
	v60 =	vsel vm2, v52, v44  }
0xf3: {  	v55, v56, _ =	vpop (xrf1);
	vm3 =	vgt.f32 v54, v46;
	v14 =	vsel vm2, v43, v51;
	v15 =	vsel vm2, v44, v52  }
0xf4: {  	v61 =	vsel vm3, v54, v46;
	v62 =	vsel vm3, v53, v45;
	vm2 =	vgt.f32 v55, v48  }
0xf5: {  	v58, v57, _ =	vpop (xrf1);
	v17 =	vsel vm3, v45, v53;
	v44 =	vsel vm2, v55, v48;
	v45 =	vsel vm2, v56, v47  }
0xf6: {  	v18 =	vsel vm2, v48, v55;
	v19 =	vsel vm2, v47, v56;
	vm2 =	vgt.f32 v58, v49  }
0xf7: {  	v16 =	vsel vm3, v46, v54;
	v46 =	vsel vm2, v58, v49;
	v47 =	vsel vm2, v57, v50  }
0xf8: {  	v20 =	vsel vm2, v49, v58;
	v21 =	vsel vm2, v50, v57;
	vm2 =	vgt.f32 v44, v59  }
0xf9: {  	v50 =	vsel vm2, v44, v59;
	v51 =	vsel vm2, v45, v60  }
0xfa: {  	v30, v31, _ =	vpop (xrf1);
	v25 =	vsel vm2, v59, v44;
	v52 =	vsel vm2, v60, v45;
	vm2 =	vgt.f32 v46, v61  }
0xfb: {  	v34, v35, _ =	vpop (xrf1);
	v53 =	vsel vm2, v46, v61;
	v54 =	vsel vm2, v47, v62  }
0xfc: {  	v23, v36, _ =	vpop (xrf1);
	v22 =	vsel vm2, v61, v46;
	v55 =	vsel vm2, v62, v47;
	vm2 =	vgt.f32 v20, v16  }
0xfd: {  	v0, v63, _ =	vpop (xrf1);
	v58 =	vsel vm2, v20, v16;
	v59 =	vsel vm2, v21, v17;
	v16 =	vsel vm2, v16, v20  }
0xfe: {  	v40, v41, _ =	vpop (xrf1);
	v17 =	vsel vm2, v17, v21;
	vm2 =	vlt.f32 v23, v30;
	vm4 =	vgt.f32 v53, v50  }
0xff: {  	vm15 =	vgt.f32 v22, v25;
	vm3 =	vlt.f32 v40, v0;
	v60 =	vsel vm2, v23, v30  }
0x100: {  	v61 =	vsel vm2, v36, v31;
	v42 =	vsel vm4, v53, v50;
	v43 =	vsel vm4, v54, v51  }
0x101: {  	v33 =	vsel vm4, v50, v53;
	v39 =	vsel vm4, v51, v54;
	v62 =	vsel vm15, v22, v25  }
0x102: {  	v22 =	vsel vm15, v25, v22;
	v48 =	vsel vm3, v40, v0;
	v49 =	vsel vm3, v41, v63  }
0x103: {  	v24 =	vsel vm3, v0, v40;
	v38 =	vsel vm3, v63, v41;
	vm3 =	vgt.f32 v18, v14  }
0x104: {  	v63 =	vsel vm15, v55, v52;
	(xrf1) =	vsort.dscd.msk.f32 $0xffff, v42, v43;
	v0 =	vsel vm15, v52, v55  }
0x105: {  	v56 =	vsel vm3, v18, v14;
	v57 =	vsel vm3, v19, v15;
	v14 =	vsel vm3, v14, v18  }
0x106: {  	v15 =	vsel vm3, v15, v19;
	vm3 =	vlt.f32 v24, v34;
	(xrf1) =	vsort.dscd.msk.f32 $0xffff, v33, v39  }
0x107: {  	vm5 =	vgt.f32 v58, v56;
	(xrf1) =	vsort.dscd.msk.f32 $0xffff, v62, v63;
	vm8 =	vgt.f32 v16, v14  }
0x108: {  	v39 =	vsel vm5, v58, v56;
	v40 =	vsel vm5, v59, v57;
	(xrf1) =	vsort.dscd.msk.f32 $0xffff, v22, v0  }
0x109: {  	v18 =	vsel vm5, v56, v58;
	v19 =	vsel vm5, v57, v59;
	(xrf1) =	vsort.dscd.msk.f32 $0xffff, v39, v40  }
0x10a: {  	v41 =	vsel vm8, v16, v14;
	v42 =	vsel vm8, v17, v15;
	(xrf1) =	vsort.dscd.msk.f32 $0xffff, v18, v19  }
0x10b: {  	v14 =	vsel vm8, v14, v16;
	v15 =	vsel vm8, v15, v17;
	(xrf1) =	vsort.dscd.msk.f32 $0xffff, v41, v42  }
0x10c: {  	v46 =	vsel vm2, v31, v36;
	v44 =	vsel vm3, v24, v34;
	(xrf1) =	vsort.dscd.msk.f32 $0xffff, v14, v15  }
0x10d: {  	v45 =	vsel vm3, v38, v35;
	vm9 =	vlt.f32 v44, v60;
	(xrf1) =	vsort.ascd.msk.f32 $0xffff, v48, v49  }
0x10e: {  	v43 =	vsel vm2, v30, v23;
	v47 =	vsel vm9, v44, v60;
	v48 =	vsel vm9, v45, v61  }
0x10f: {  	v17 =	vsel vm9, v60, v44;
	v49 =	vsel vm3, v34, v24;
	(xrf1) =	vsort.ascd.msk.f32 $0xffff, v47, v48  }
0x110: {  	v50 =	vsel vm3, v35, v38;
	v14 =	vsel vm9, v61, v45;
	vm2 =	vlt.f32 v49, v43  }
0x111: {  	v51 =	vsel vm2, v49, v43;
	v52 =	vsel vm2, v50, v46;
	(xrf1) =	vsort.ascd.msk.f32 $0xffff, v17, v14  }
0x112: {  	v15 =	vsel vm2, v46, v50;
	(xrf1) =	vsort.ascd.msk.f32 $0xffff, v51, v52  }
0x113: {  	v53 =	vsel vm2, v43, v49;
	v16, v17, _ =	vpop (xrf1)  }
0x114: {  	(xrf1) =	vsort.ascd.msk.f32 $0xffff, v53, v15;
	v18, v19, _ =	vpop (xrf1)  }
0x115: {  	v20, v21, _ =	vpop (xrf1)  }
0x116: {  	v14, v15, _ =	vpop (xrf1)  }
0x117: {  	v54, v55, _ =	vpop (xrf1)  }
0x118: {  	v57, v56, _ =	vpop (xrf1)  }
0x119: {  	v59, v58, _ =	vpop (xrf1)  }
0x11a: {  	v13 =	vsel vm0, $0x0, v13;
	v28, v29, _ =	vpop (xrf1)  }
0x11b: {  	v12 =	vadd.f32 v13, v12;
	v60, v61, _ =	vpop (xrf1)  }
0x11c: {  	vm2 =	vgt.f32 v60, v14  }
0x11d: {  	v11 =	vadd.f32 v12, v11;
	v63, v62, _ =	vpop (xrf1);
	v34 =	vsel vm2, v60, v14  }
0x11e: {  	v0 =	vsel vm2, v61, v15;
	v14 =	vsel vm2, v14, v60;
	vm3 =	vgt.f32 v63, v54  }
0x11f: {  	v45, v44, _ =	vpop (xrf1);
	v15 =	vsel vm2, v15, v61;
	v46 =	vsel vm3, v63, v54;
	v47 =	vsel vm3, v62, v55  }
0x120: {  	v49, v48, _ =	vpop (xrf1);
	v22 =	vsel vm3, v54, v63;
	v23 =	vsel vm3, v55, v62;
	vm2 =	vgt.f32 v45, v57  }
0x121: {  	v50 =	vsel vm2, v45, v57;
	v51 =	vsel vm2, v44, v56;
	vm3 =	vgt.f32 v49, v59  }
0x122: {  	v40, v41, _ =	vpop (xrf1);
	v24 =	vsel vm2, v57, v45;
	v25 =	vsel vm2, v56, v44;
	v52 =	vsel vm3, v49, v59  }
0x123: {  	v53 =	vsel vm3, v48, v58;
	v26 =	vsel vm3, v59, v49;
	vm2 =	vgt.f32 v40, v28  }
0x124: {  	v27 =	vsel vm3, v58, v48;
	vm3 =	vgt.f32 v50, v18;
	v54 =	vsel vm2, v40, v28  }
0x125: {  	v55 =	vsel vm2, v41, v29;
	v28 =	vsel vm2, v28, v40;
	v29 =	vsel vm2, v29, v41  }
0x126: {  	vm2 =	vgt.f32 v46, v16;
	v58 =	vsel vm3, v50, v18;
	v59 =	vsel vm3, v51, v19  }
0x127: {  	v18 =	vsel vm3, v18, v50;
	v56 =	vsel vm2, v46, v16;
	v57 =	vsel vm2, v47, v17  }
0x128: {  	v16 =	vsel vm2, v16, v46;
	v17 =	vsel vm2, v17, v47;
	vm2 =	vgt.f32 v52, v20  }
0x129: {  	v19 =	vsel vm3, v19, v51;
	v60 =	vsel vm2, v52, v20;
	v61 =	vsel vm2, v53, v21  }
0x12a: {  	v20 =	vsel vm2, v20, v52;
	v21 =	vsel vm2, v21, v53;
	vm2 =	vgt.f32 v54, v34  }
0x12b: {  	v62 =	vsel vm2, v54, v34;
	v63 =	vsel vm2, v55, v0;
	v34 =	vsel vm2, v34, v54  }
0x12c: {  	v35 =	vsel vm2, v0, v55;
	vm2 =	vgt.f32 v28, v14;
	vm3 =	vgt.f32 v60, v56  }
0x12d: {  	v0 =	vsel vm2, v28, v14;
	v45 =	vsel vm2, v29, v15;
	v46 =	vsel vm3, v60, v56  }
0x12e: {  	v47 =	vsel vm3, v61, v57;
	v32 =	vsel vm3, v56, v60;
	vm10 =	vgt.f32 v62, v58  }
0x12f: {  	v33 =	vsel vm3, v57, v61;
	vm3 =	vgt.f32 v20, v16;
	vm11 =	vgt.f32 v34, v18  }
0x130: {  	v48 =	vsel vm10, v62, v58;
	v49 =	vsel vm10, v63, v59;
	v30 =	vsel vm10, v58, v62  }
0x131: {  	v50 =	vsel vm10, v59, v63;
	v51 =	vsel vm3, v20, v16;
	v52 =	vsel vm3, v21, v17  }
0x132: {  	v16 =	vsel vm3, v16, v20;
	v17 =	vsel vm3, v17, v21;
	v53 =	vsel vm11, v34, v18  }
0x133: {  	v54 =	vsel vm11, v35, v19;
	v18 =	vsel vm11, v18, v34;
	vm3 =	vgt.f32 v26, v22  }
0x134: {  	v19 =	vsel vm11, v19, v35;
	v55 =	vsel vm3, v26, v22;
	v56 =	vsel vm3, v27, v23  }
0x135: {  	v22 =	vsel vm3, v22, v26;
	v23 =	vsel vm3, v23, v27;
	vm3 =	vgt.f32 v0, v24  }
0x136: {  	vm12 =	vgt.f32 v48, v46;
	vm13 =	vgt.f32 v53, v51;
	v57 =	vsel vm3, v0, v24  }
0x137: {  	v58 =	vsel vm3, v45, v25;
	v24 =	vsel vm3, v24, v0;
	v25 =	vsel vm3, v25, v45  }
0x138: {  	v59 =	vsel vm12, v48, v46;
	v60 =	vsel vm12, v49, v47;
	v40 =	vsel vm12, v46, v48  }
0x139: {  	v38 =	vld [tilespmem:s29+$0xA0];
	vm3 =	vgt.f32 v30, v32;
	v41 =	vsel vm12, v47, v49;
	v63 =	vsel vm13, v53, v51  }
0x13a: {  	v39 =	vld [tilespmem:s29+$0x20E0];
	v0 =	vsel vm13, v54, v52;
	v20 =	vsel vm13, v51, v53;
	(xrf1) =	vsort.dscd.msk.f32 $0xffff, v59, v60  }
0x13b: {  	v43 =	vld [tilespmem:s29+$0xB0];
	v61 =	vsel vm3, v30, v32;
	v62 =	vsel vm3, v50, v33;
	(xrf1) =	vsort.dscd.msk.f32 $0xffff, v40, v41  }
0x13c: {  	v44 =	vld [tilespmem:s29+$0x80];
	v30 =	vsel vm3, v32, v30;
	v31 =	vsel vm3, v33, v50;
	(xrf1) =	vsort.dscd.msk.f32 $0xffff, v61, v62  }
0x13d: {  	v21 =	vsel vm13, v52, v54;
	v45 =	vld [tilespmem:s29+$0xC0];
	vm3 =	vgt.f32 v18, v16;
	(xrf1) =	vsort.dscd.msk.f32 $0xffff, v30, v31  }
0x13e: {  	v48 =	vld [tilespmem:s29+$0xD0];
	vm14 =	vgt.f32 v57, v55;
	v46 =	vsel vm3, v18, v16;
	(xrf1) =	vsort.dscd.msk.f32 $0xffff, v63, v0  }
0x13f: {  	v49 =	vld [tilespmem:s29+$0xE0];
	v47 =	vsel vm3, v19, v17;
	v16 =	vsel vm3, v16, v18;
	(xrf1) =	vsort.dscd.msk.f32 $0xffff, v20, v21  }
0x140: {  	v53 =	vld [tilespmem:s29+$0x2080];
	v17 =	vsel vm3, v17, v19;
	v50 =	vsel vm14, v57, v55;
	(xrf1) =	vsort.dscd.msk.f32 $0xffff, v46, v47  }
0x141: {  	s30 =	sadd.s32 $0x80, s6;
	v32 =	vld [tilespmem:s29+$0x90];
	v52 =	vsel vm14, v58, v56;
	v26 =	vsel vm14, v55, v57;
	(xrf1) =	vsort.dscd.msk.f32 $0xffff, v16, v17  }
0x142: {  	s13 =	sor.u32 $0x438, s30;
	v54 =	vsel vm14, v56, v58;
	vm3 =	vgt.f32 v24, v22;
	v55 =	vld [tilespmem:s29+$0x2090];
	(xrf1) =	vsort.dscd.msk.f32 $0xffff, v50, v52  }
0x143: {  	v58 =	vld [tilespmem:s13+$0x2000];
	v56 =	vsel vm3, v24, v22;
	v57 =	vsel vm3, v25, v23;
	(xrf1) =	vsort.dscd.msk.f32 $0xffff, v26, v54  }
0x144: {  	v59 =	vld [tilespmem:s29+$0x20A0];
	v22 =	vsel vm3, v22, v24;
	v23 =	vsel vm3, v23, v25;
	(xrf1) =	vsort.dscd.msk.f32 $0xffff, v56, v57  }
0x145: {  	v14 =	vsel vm2, v14, v28;
	v15 =	vsel vm2, v15, v29;
	v60 =	vld [tilespmem:s29+$0x20B0];
	(xrf1) =	vsort.dscd.msk.f32 $0xffff, v22, v23  }
0x146: {  	v61 =	vld [tilespmem:s29+$0x20C0];
	(xrf1) =	vsort.dscd.msk.f32 $0xffff, v14, v15  }
0x147: {  	v10 =	vadd.f32 v11, v10;
	v62 =	vld [tilespmem:s29+$0x20D0];
	(xrf1) =	vsort.dscd.msk.f32 $0xffff, v44, v53  }
0x148: {  	v51 =	vld [tilespmem:s29+$0xF0];
	v35 =	vsel vm0, $0x0, v58;
	_, v63, _ =	vpop (xrf1);
	(xrf1) =	vsort.ascd.msk.f32 $0xffff, v32, v55  }
0x149: {  	s0 =	sor.u32 $0x410, s30;
	v9 =	vadd.f32 v10, v9;
	v41 =	vld [tilespmem:s29+$0x20F0];
	v16 =	vadd.f32 v35, v53;
	_, v37, _ =	vpop (xrf1);
	(xrf1) =	vsort.dscd.msk.f32 $0xffff, v38, v59  }
0x14a: {  	s31 =	sor.u32 $0x400, s30;
	v30 =	vld [tilespmem:s0+$0x2000];
	_, v40, _ =	vpop (xrf1);
	(xrf1) =	vsort.ascd.msk.f32 $0xffff, v43, v60  }
0x14b: {  	v8 =	vadd.f32 v9, v8;
	v0 =	vld [tilespmem:s31+$0x0];
	v16 =	vadd.f32 v16, v55;
	_, v42, _ =	vpop (xrf1);
	(xrf1) =	vsort.dscd.msk.f32 $0xffff, v45, v61  }
0x14c: {  	s2 =	sor.u32 $0x420, s30;
	v21 =	vld [tilespmem:s31+$0x2000];
	_, v44, _ =	vpop (xrf1);
	(xrf1) =	vsort.ascd.msk.f32 $0xffff, v48, v62  }
0x14d: {  	s12 =	sor.u32 $0x430, s30;
	v7 =	vadd.f32 v8, v7;
	v20 =	vld [tilespmem:s2+$0x2000];
	v16 =	vadd.f32 v16, v59;
	_, v28, _ =	vpop (xrf1)  }
0x14e: {  	v46 =	vld [tilespmem:s12+$0x0];
	(xrf1) =	vsort.dscd.msk.f32 $0xffff, v49, v39;
	_, v9, _ =	vpop (xrf1)  }
0x14f: {  	v6 =	vadd.f32 v7, v6;
	v47 =	vld [tilespmem:s13+$0x0];
	v16 =	vadd.f32 v16, v60;
	(xrf1) =	vsort.ascd.msk.f32 $0xffff, v51, v41;
	_, v18, _ =	vpop (xrf1)  }
0x150: {  	v43 =	vld [tilespmem:s0+$0x0];
	_, v8, _ =	vpop (xrf1)  }
0x151: {  	v13 =	vadd.f32 v16, v61;
	v45 =	vld [tilespmem:s2+$0x0];
	_, v22, _ =	vpop (xrf1)  }
0x152: {  	v16 =	vld [tilespmem:s12+$0x2000];
	_, v7, _ =	vpop (xrf1)  }
0x153: {  	v5 =	vadd.f32 v6, v5;
	v13 =	vadd.f32 v13, v62;
	_, v32, _ =	vpop (xrf1)  }
0x154: {  	v12 =	vmul.f32 $1.442695020e+00, v63;
	(xrf1) =	vsort.dscd.msk.f32 $0xffff, v0, v21;
	_, v6, _ =	vpop (xrf1)  }
0x155: {  	v4 =	vadd.f32 v5, v4;
	v49 =	vadd.f32 v13, v39;
	(xrf1) =	vsort.ascd.msk.f32 $0xffff, v43, v30;
	v51, v50, _ =	vpop (xrf1)  }
0x156: {  	v17 =	vsel vm0, $0xFF800000, v58;
	v52 =	vsel vm0, $0xFF800000, v47;
	(erf) = vpow2.f32 v12;
	v53, v24, _ =	vpop (xrf1);
	(xrf1) =	vsort.dscd.msk.f32 $0xffff, v45, v20  }
0x157: {  	v11 =	vmul.f32 $1.442695020e+00, v40;
	v12 =	vadd.f32 v49, v41;
	v54, v55, _ =	vpop (xrf1);
	(xrf1) =	vsort.ascd.msk.f32 $0xffff, v46, v16;
	vm2 =	vgt.f32 v53, v51  }
0x158: {  	v48 =	vmul.f32 $1.442695020e+00, v37;
	v56, v57, _ =	vpop (xrf1);
	(xrf1) =	vsort.dscd.msk.f32 $0xffff, v52, v17;
	v58 =	vsel vm2, v53, v51;
	v59 =	vsel vm2, v24, v50  }
0x159: {  	v13 =	vsel vm2, v51, v53;
	v62 =	vsel vm2, v50, v24;
	v61, v60, _ =	vpop (xrf1);
	vm2 =	vlt.f32 v56, v54  }
0x15a: {  	v38 =	vmul.f32 $1.442695020e+00, v42;
	(xrf1) =	vsort.dscd.msk.f32 $0xffff, v58, v59;
	v0, v63, _ =	vpop (xrf1);
	v36 =	vsel vm2, v56, v54;
	v37 =	vsel vm2, v57, v55  }
0x15b: {  	v10 =	vmul.f32 $1.442695020e+00, v44;
	v39 =	vsel vm2, v54, v56;
	(xrf1) =	vsort.dscd.msk.f32 $0xffff, v13, v62;
	vm3 =	vgt.f32 v0, v61  }
0x15c: {  	(erf) = vpow2.f32 v48;
	v40 =	vsel vm2, v55, v57;
	v13, v14, _ =	vpop (xrf1);
	(xrf1) =	vsort.ascd.msk.f32 $0xffff, v36, v37;
	v41 =	vsel vm3, v0, v61  }
0x15d: {  	(erf) = vpow2.f32 v11;
	v43, v42, _ =	vpop (xrf1);
	v44 =	vsel vm3, v63, v60;
	v11 =	vsel vm3, v61, v0;
	(xrf1) =	vsort.ascd.msk.f32 $0xffff, v39, v40  }
0x15e: {  	v45 =	vsel vm3, v60, v63;
	vm2 =	vlt.f32 v43, v13;
	(xrf1) =	vsort.dscd.msk.f32 $0xffff, v41, v44  }
0x15f: {  	v47 =	vsel vm2, v43, v13;
	v48 =	vsel vm2, v42, v14;
	(xrf1) =	vsort.dscd.msk.f32 $0xffff, v11, v45  }
0x160: {  	v3 =	vadd.f32 v4, v3;
	(xrf1) =	vsort.ascd.msk.f32 $0xffff, v47, v48  }
0x161: {  	v5 =	vsel vm2, v13, v43  }
0x162: {  	v2 =	vadd.f32 v3, v2;
	(erf) = vpow2.f32 v38;
	v54, v53, _ =	vpop (xrf1)  }
0x163: {  	v9 =	vmul.f32 $1.442695020e+00, v9;
	(erf) = vpow2.f32 v10;
	v49 =	vsel vm2, v14, v42;
	v57, v56, _ =	vpop (xrf1)  }
0x164: {  	v8 =	vmul.f32 $1.442695020e+00, v8;
	v46 =	vmul.f32 $1.442695020e+00, v28;
	(xrf1) =	vsort.ascd.msk.f32 $0xffff, v5, v49;
	v5 =	vpop (erf)  }
0x165: {  	v1 =	vadd.f32 v2, v1;
	v7 =	vmul.f32 $1.442695020e+00, v7;
	v26 =	vmul.f32 $1.442695020e+00, v32;
	v58, v59, _ =	vpop (xrf1)  }
0x166: {  	v50 =	vmul.f32 $1.442695020e+00, v18;
	v51 =	vadd.f32 v12, v21;
	(erf) = vpow2.f32 v46;
	v61, v60, _ =	vpop (xrf1)  }
0x167: {  	v52 =	vmul.f32 $1.442695020e+00, v22;
	(erf) = vpow2.f32 v9;
	vm2 =	vgt.f32 v57, v54;
	v63, v62, _ =	vpop (xrf1)  }
0x168: {  	v55 =	vadd.f32 v51, v30;
	v21 =	vsel vm2, v57, v54;
	v22 =	vsel vm2, v56, v53;
	v24, v25, _ =	vpop (xrf1)  }
0x169: {  	(xrf2) =	vadd.scan.msk.f32 $0xffff, v1;
	v4 =	vsel vm2, v54, v57;
	v23 =	vsel vm2, v53, v56;
	vm2 =	vlt.f32 v61, v58;
	v30, v29, _ =	vpop (xrf1)  }
0x16a: {  	v31 =	vmul.f32 $1.442695020e+00, v6;
	(erf) = vpow2.f32 v50;
	(xrf1) =	vsort.dscd.msk.f32 $0xffff, v21, v22;
	v27 =	vsel vm2, v61, v58;
	v33, v32, _ =	vpop (xrf1)  }
0x16b: {  	(erf) = vpow2.f32 v8;
	v28 =	vsel vm2, v60, v59;
	(xrf1) =	vsort.dscd.msk.f32 $0xffff, v4, v23;
	v2 =	vsel vm2, v58, v61;
	v35, v34, _ =	vpop (xrf1)  }
0x16c: {  	(erf) = vpow2.f32 v52;
	v3 =	vsel vm2, v59, v60;
	(xrf1) =	vsort.ascd.msk.f32 $0xffff, v27, v28;
	vm2 =	vgt.f32 v33, v24;
	v37, v38, _ =	vpop (xrf1)  }
0x16d: {  	v8 =	vadd.f32 v55, v20;
	(erf) = vpow2.f32 v7;
	(xrf1) =	vsort.ascd.msk.f32 $0xffff, v2, v3;
	v39 =	vsel vm2, v33, v24;
	v41, v40, _ =	vpop (xrf1)  }
0x16e: {  	v42 =	vsel vm2, v32, v25;
	v6 =	vsel vm2, v24, v33;
	vm3 =	vgt.f32 v35, v30;
	v44, v43, _ =	vpop (xrf1)  }
0x16f: {  	v7 =	vsel vm2, v25, v32;
	v45 =	vsel vm3, v35, v30;
	vm2 =	vlt.f32 v44, v37  }
0x170: {  	v46 =	vsel vm3, v34, v29;
	v50 =	vsel vm2, v44, v37;
	v51 =	vsel vm2, v43, v38  }
0x171: {  	v3 =	vsel vm2, v37, v44;
	v4 =	vsel vm2, v38, v43;
	vm2 =	vgt.f32 v45, v39  }
0x172: {  	(xrf1) =	vsort.dscd.msk.f32 $0xffff, v63, v62;
	v57 =	vsel vm2, v45, v39;
	v58 =	vsel vm2, v46, v42  }
0x173: {  	v49 =	vpop (erf);
	v1 =	vsel vm2, v39, v45;
	v60 =	vsel vm2, v42, v46;
	(xrf1) =	vsort.dscd.msk.f32 $0xffff, v57, v58  }
0x174: {  	v52, _, _ =	vpop (xrf2);
	(xrf1) =	vsort.dscd.msk.f32 $0xffff, v1, v60  }
0x175: {  	v36 =	vadd.f32 v8, v16;
	v48, v47, _ =	vpop (xrf1)  }
0x176: {  	v54 =	vpop (erf);
	v11 =	vsel vm3, v30, v35;
	v12 =	vsel vm3, v29, v34;
	vm3 =	vlt.f32 v48, v41  }
0x177: {  	v56 =	vpop (erf);
	v53 =	vsel vm3, v48, v41;
	v55 =	vsel vm3, v47, v40;
	vm2 =	vgt.f32 v11, v6  }
0x178: {  	v59 =	vpop (erf);
	v8 =	vsel vm3, v41, v48;
	v2 =	vsel vm3, v40, v47;
	v62 =	vsel vm2, v11, v6  }
0x179: {  	(xrf2) =	vadd.scan.msk.f32 $0xffff, v36;
	v61 =	vpop (erf);
	v63 =	vsel vm2, v12, v7;
	v6 =	vsel vm2, v6, v11;
	vm3 =	vlt.f32 v53, v50  }
0x17a: {  	v27 =	vpop (erf);
	v29 =	vsel vm2, v7, v12;
	vm2 =	vlt.f32 v8, v3;
	(xrf1) =	vsort.dscd.msk.f32 $0xffff, v62, v63  }
0x17b: {  	v28 =	vpop (erf);
	v30 =	vsel vm3, v53, v50;
	v32 =	vsel vm3, v55, v51;
	(xrf1) =	vsort.dscd.msk.f32 $0xffff, v6, v29  }
0x17c: {  	[tilespmem:s29+$0x4000] =	vst v5;
	v9 =	vsel vm3, v50, v53;
	v34 =	vsel vm3, v51, v55;
	v40, v41, _ =	vpop (xrf1);
	(xrf1) =	vsort.ascd.msk.f32 $0xffff, v30, v32  }
0x17d: {  	(erf) = vpow2.f32 v26;
	v36 =	vsel vm2, v8, v3;
	v37 =	vsel vm2, v2, v4;
	v42, v43, _ =	vpop (xrf1);
	(xrf1) =	vsort.ascd.msk.f32 $0xffff, v9, v34  }
0x17e: {  	[tilespmem:s29+$0x4010] =	vst v49;
	(erf) = vpow2.f32 v31;
	v45, v44, _ =	vpop (xrf1);
	(xrf1) =	vsort.ascd.msk.f32 $0xffff, v36, v37  }
0x17f: {  	[tilespmem:s29+$0x4020] =	vst v54;
	v47, v46, _ =	vpop (xrf1)  }
0x180: {  	[tilespmem:s29+$0x4030] =	vst v56;
	v49, v48, _ =	vpop (xrf1)  }
0x181: {  	[tilespmem:s29+$0x4040] =	vst v59;
	v50 =	vbroadcast v52, $0xF;
	v3 =	vsel vm2, v3, v8;
	v2 =	vsel vm2, v4, v2;
	v52, v51, _ =	vpop (xrf1)  }
0x182: {  	[tilespmem:s29+$0x4050] =	vst v61;
	vm3 =	vgt.f32 v45, v40;
	v54, v53, _ =	vpop (xrf1);
	(xrf1) =	vsort.ascd.msk.f32 $0xffff, v3, v2  }
0x183: {  	[tilespmem:s29+$0x4060] =	vst v27;
	v31 =	vpop (erf);
	v56 =	vsel vm3, v45, v40  }
0x184: {  	[tilespmem:s29+$0x4070] =	vst v28;
	v33 =	vpop (erf);
	v57 =	vsel vm3, v44, v41;
	v12 =	vsel vm3, v40, v45;
	vm15 =	vgt.f32 v47, v42  }
0x185: {  	[tilespmem:s11+$0x4000] =	vst v31;
	v35 =	vpop (erf);
	v58 =	vsel vm3, v41, v44;
	v59 =	vsel vm15, v47, v42;
	v60 =	vsel vm15, v46, v43  }
0x186: {  	[tilespmem:s7+$0x4000] =	vst v33;
	v38 =	vpop (erf);
	v63 =	vsel vm15, v42, v47;
	v30 =	vsel vm15, v43, v46;
	vm3 =	vgt.f32 v59, v56  }
0x187: {  	[tilespmem:s19+$0x4000] =	vst v35;
	v39 =	vpop (erf);
	vm2 =	vgt.f32 v63, v12;
	v33 =	vsel vm3, v59, v56;
	v36 =	vsel vm3, v60, v57  }
0x188: {  	s14 =	sor.u32 $0x440, s6;
	[tilespmem:s20+$0x4000] =	vst v38;
	v10 =	vsel vm3, v56, v59;
	v37 =	vsel vm3, v57, v60;
	v25, v26, _ =	vpop (xrf1);
	(xrf1) =	vsort.dscd.msk.f32 $0xffff, v33, v36  }
0x189: {  	[tilespmem:s14+$0x4000] =	vst v39;
	v38 =	vsel vm2, v63, v12;
	v39 =	vsel vm2, v30, v58;
	v18, v27, _ =	vpop (xrf1);
	(xrf1) =	vsort.dscd.msk.f32 $0xffff, v10, v37  }
0x18a: {  	v40 =	vsel vm2, v12, v63;
	v41 =	vsel vm2, v58, v30;
	v62, v61, _ =	vpop (xrf1);
	(xrf1) =	vsort.dscd.msk.f32 $0xffff, v38, v39  }
0x18b: {  	v31, v32, _ =	vpop (xrf1);
	(xrf1) =	vsort.dscd.msk.f32 $0xffff, v40, v41  }
0x18c: {  	v55 =	vnsel vm1, $0x0, v50;
	vm2 =	vgt.f32 v62, v52;
	v34, v35, _ =	vpop (xrf1);
	(xrf1) =	vsort.ascd.msk.f32 $0xffff, v49, v48  }
0x18d: {  	v44 =	vsel vm2, v62, v52;
	v45 =	vsel vm2, v61, v51;
	vm3 =	vgt.f32 v31, v54  }
0x18e: {  	v46 =	vsel vm2, v52, v62;
	v47 =	vsel vm2, v51, v61;
	v48 =	vsel vm3, v31, v54  }
0x18f: {  	v50 =	vsel vm3, v32, v53;
	v11 =	vsel vm3, v54, v31;
	vm2 =	vgt.f32 v34, v25  }
0x190: {  	v17 =	vsel vm3, v53, v32;
	v53 =	vsel vm2, v34, v25;
	v54 =	vsel vm2, v35, v26;
	v43, v42, _ =	vpop (xrf1)  }
0x191: {  	v6 =	vsel vm2, v25, v34;
	v8 =	vsel vm2, v26, v35;
	vm2 =	vgt.f32 v43, v18  }
0x192: {  	v57 =	vsel vm2, v43, v18;
	v58 =	vsel vm2, v42, v27  }
0x193: {  	v2 =	vsel vm2, v18, v43;
	v3 =	vsel vm2, v27, v42;
	vm2 =	vgt.f32 v53, v44  }
0x194: {  	v61 =	vsel vm2, v53, v44;
	v62 =	vsel vm2, v54, v45  }
0x195: {  	v7 =	vsel vm2, v44, v53;
	v9 =	vsel vm2, v45, v54;
	vm2 =	vgt.f32 v57, v48  }
0x196: {  	v4, v5, _ =	vpop (xrf1);
	v63 =	vsel vm2, v57, v48;
	v33 =	vsel vm2, v58, v50  }
0x197: {  	v10, v12, _ =	vpop (xrf1);
	v15 =	vsel vm2, v48, v57;
	v21 =	vsel vm2, v50, v58;
	vm2 =	vgt.f32 v2, v11  }
0x198: {  	v49, v20, _ =	vpop (xrf1);
	v36 =	vsel vm2, v2, v11  }
0x199: {  	s16 =	sor.u32 $0x450, s6;
	v52, v51, _ =	vpop (xrf1);
	v37 =	vsel vm2, v3, v17;
	v2 =	vsel vm2, v11, v2;
	v3 =	vsel vm2, v17, v3  }
0x19a: {  	[tilespmem:s16+$0x4000] =	vst v55;
	v55, v56, _ =	vpop (xrf1);
	vm2 =	vlt.f32 v49, v4;
	vm8 =	vgt.f32 v63, v61;
	vm9 =	vgt.f32 v15, v7  }
0x19b: {  	vm3 =	vlt.f32 v55, v52;
	v38 =	vsel vm2, v49, v4;
	v39 =	vsel vm2, v20, v5  }
0x19c: {  	v40 =	vsel vm8, v63, v61;
	v41 =	vsel vm8, v33, v62;
	v23 =	vsel vm8, v61, v63  }
0x19d: {  	v24 =	vsel vm8, v62, v33;
	v42 =	vsel vm9, v15, v7;
	v43 =	vsel vm9, v21, v9  }
0x19e: {  	v7 =	vsel vm9, v7, v15;
	v9 =	vsel vm9, v9, v21;
	v4 =	vsel vm2, v4, v49  }
0x19f: {  	v59 =	vsel vm3, v55, v52;
	v60 =	vsel vm3, v56, v51;
	v16 =	vsel vm3, v52, v55  }
0x1a0: {  	v22 =	vsel vm3, v51, v56;
	vm3 =	vgt.f32 v6, v46;
	(xrf1) =	vsort.dscd.msk.f32 $0xffff, v40, v41  }
0x1a1: {  	v34 =	vsel vm3, v6, v46;
	v35 =	vsel vm3, v8, v47;
	v6 =	vsel vm3, v46, v6  }
0x1a2: {  	v8 =	vsel vm3, v47, v8;
	vm3 =	vlt.f32 v16, v10;
	(xrf1) =	vsort.dscd.msk.f32 $0xffff, v23, v24  }
0x1a3: {  	vm10 =	vgt.f32 v36, v34;
	(xrf1) =	vsort.dscd.msk.f32 $0xffff, v42, v43;
	vm11 =	vgt.f32 v2, v6  }
0x1a4: {  	v44 =	vsel vm10, v36, v34;
	v45 =	vsel vm10, v37, v35;
	(xrf1) =	vsort.dscd.msk.f32 $0xffff, v7, v9  }
0x1a5: {  	v13 =	vsel vm10, v34, v36;
	v46 =	vsel vm10, v35, v37;
	(xrf1) =	vsort.dscd.msk.f32 $0xffff, v44, v45  }
0x1a6: {  	v47 =	vsel vm11, v2, v6;
	v48 =	vsel vm11, v3, v8;
	(xrf1) =	vsort.dscd.msk.f32 $0xffff, v13, v46  }
0x1a7: {  	v2 =	vsel vm11, v6, v2;
	v3 =	vsel vm11, v8, v3;
	(xrf1) =	vsort.dscd.msk.f32 $0xffff, v47, v48  }
0x1a8: {  	v51 =	vsel vm2, v5, v20;
	v49 =	vsel vm3, v16, v10;
	(xrf1) =	vsort.dscd.msk.f32 $0xffff, v2, v3  }
0x1a9: {  	v50 =	vsel vm3, v22, v12;
	vm12 =	vlt.f32 v49, v38;
	(xrf1) =	vsort.ascd.msk.f32 $0xffff, v59, v60  }
0x1aa: {  	v54 =	vsel vm3, v10, v16;
	v52 =	vsel vm12, v49, v38;
	v53 =	vsel vm12, v50, v39  }
0x1ab: {  	v56 =	vsel vm12, v38, v49;
	v2 =	vsel vm12, v39, v50;
	(xrf1) =	vsort.ascd.msk.f32 $0xffff, v52, v53  }
0x1ac: {  	v55 =	vsel vm3, v12, v22;
	vm2 =	vlt.f32 v54, v4;
	(xrf1) =	vsort.ascd.msk.f32 $0xffff, v56, v2  }
0x1ad: {  	v57 =	vsel vm2, v54, v4;
	v58 =	vsel vm2, v55, v51  }
0x1ae: {  	v3 =	vsel vm2, v51, v55;
	(xrf1) =	vsort.ascd.msk.f32 $0xffff, v57, v58  }
0x1af: {  	v59 =	vsel vm2, v4, v54;
	v61, v60, _ =	vpop (xrf1)  }
0x1b0: {  	(xrf1) =	vsort.ascd.msk.f32 $0xffff, v59, v3;
	v6, v7, _ =	vpop (xrf1)  }
0x1b1: {  	v62, v63, _ =	vpop (xrf1)  }
0x1b2: {  	v2, v3, _ =	vpop (xrf1)  }
0x1b3: {  	v32, v33, _ =	vpop (xrf1)  }
0x1b4: {  	v34, v13, _ =	vpop (xrf1)  }
0x1b5: {  	v14, v35, _ =	vpop (xrf1)  }
0x1b6: {  	v36, v37, _ =	vpop (xrf1)  }
0x1b7: {  	v18, v38, _ =	vpop (xrf1)  }
0x1b8: {  	vm2 =	vgt.f32 v18, v2  }
0x1b9: {  	v40, v39, _ =	vpop (xrf1);
	v41 =	vsel vm2, v18, v2;
	v42 =	vsel vm2, v38, v3  }
0x1ba: {  	v2 =	vsel vm2, v2, v18;
	vm3 =	vgt.f32 v40, v32;
	v44, v43, _ =	vpop (xrf1);
	v3 =	vsel vm2, v3, v38  }
0x1bb: {  	v45 =	vsel vm3, v40, v32;
	v46 =	vsel vm3, v39, v33;
	vm2 =	vgt.f32 v44, v34  }
0x1bc: {  	v47, v48, _ =	vpop (xrf1);
	v10 =	vsel vm3, v32, v40;
	v11 =	vsel vm3, v33, v39;
	v49 =	vsel vm2, v44, v34  }
0x1bd: {  	v50 =	vsel vm2, v43, v13;
	vm3 =	vgt.f32 v47, v14;
	v12 =	vsel vm2, v34, v44  }
0x1be: {  	v28, v29, _ =	vpop (xrf1);
	v13 =	vsel vm2, v13, v43;
	v51 =	vsel vm3, v47, v14;
	v52 =	vsel vm3, v48, v35  }
0x1bf: {  	v14 =	vsel vm3, v14, v47;
	vm2 =	vgt.f32 v28, v36;
	v15 =	vsel vm3, v35, v48  }
0x1c0: {  	vm3 =	vgt.f32 v49, v6;
	v53 =	vsel vm2, v28, v36;
	v54 =	vsel vm2, v29, v37  }
0x1c1: {  	v16 =	vsel vm2, v36, v28;
	v17 =	vsel vm2, v37, v29;
	vm2 =	vgt.f32 v45, v61  }
0x1c2: {  	v57 =	vsel vm3, v49, v6;
	v55 =	vsel vm2, v45, v61;
	v56 =	vsel vm2, v46, v60  }
0x1c3: {  	v4 =	vsel vm2, v61, v45;
	v5 =	vsel vm2, v60, v46;
	vm2 =	vgt.f32 v51, v62  }
0x1c4: {  	v58 =	vsel vm3, v50, v7;
	v59 =	vsel vm2, v51, v62;
	v60 =	vsel vm2, v52, v63  }
0x1c5: {  	v8 =	vsel vm2, v62, v51;
	v9 =	vsel vm2, v63, v52;
	vm2 =	vgt.f32 v53, v41  }
0x1c6: {  	v6 =	vsel vm3, v6, v49;
	v61 =	vsel vm2, v53, v41;
	v62 =	vsel vm2, v54, v42  }
0x1c7: {  	v22 =	vsel vm2, v41, v53;
	v23 =	vsel vm2, v42, v54;
	vm2 =	vgt.f32 v16, v2  }
0x1c8: {  	v0, _, _ =	vpop (xrf2);
	v7 =	vsel vm3, v7, v50;
	vm3 =	vgt.f32 v59, v55;
	v63 =	vsel vm2, v16, v2  }
0x1c9: {  	[tilespmem:$0x1FFB0] =	vst v0;
	v0 =	vsel vm2, v17, v3;
	v1 =	vsel vm3, v59, v55;
	v33 =	vsel vm3, v60, v56  }
0x1ca: {  	v20 =	vsel vm3, v55, v59;
	vm13 =	vgt.f32 v61, v57;
	v21 =	vsel vm3, v56, v60  }
0x1cb: {  	vm3 =	vgt.f32 v8, v4;
	vm14 =	vgt.f32 v22, v6;
	v34 =	vsel vm13, v61, v57  }
0x1cc: {  	v35 =	vsel vm13, v62, v58;
	v18 =	vsel vm13, v57, v61;
	v36 =	vsel vm13, v58, v62  }
0x1cd: {  	v37 =	vsel vm3, v8, v4;
	v38 =	vsel vm3, v9, v5;
	v4 =	vsel vm3, v4, v8  }
0x1ce: {  	v5 =	vsel vm3, v5, v9;
	v39 =	vsel vm14, v22, v6;
	v40 =	vsel vm14, v23, v7  }
0x1cf: {  	v6 =	vsel vm14, v6, v22;
	vm3 =	vgt.f32 v14, v10;
	v7 =	vsel vm14, v7, v23  }
0x1d0: {  	v41 =	vsel vm3, v14, v10;
	v42 =	vsel vm3, v15, v11;
	v10 =	vsel vm3, v10, v14  }
0x1d1: {  	v11 =	vsel vm3, v11, v15;
	vm3 =	vgt.f32 v63, v12;
	vm15 =	vgt.f32 v34, v1  }
0x1d2: {  	vm8 =	vgt.f32 v39, v37;
	v43 =	vsel vm3, v63, v12;
	v44 =	vsel vm3, v0, v13  }
0x1d3: {  	v12 =	vsel vm3, v12, v63;
	v13 =	vsel vm3, v13, v0;
	v45 =	vsel vm15, v34, v1  }
0x1d4: {  	v47 =	vld [tilespmem:s29+$0x100];
	v46 =	vsel vm15, v35, v33;
	v28 =	vsel vm15, v1, v34;
	vm3 =	vgt.f32 v18, v20  }
0x1d5: {  	v50 =	vld [tilespmem:s29+$0x110];
	v29 =	vsel vm15, v33, v35;
	v52 =	vsel vm8, v39, v37;
	(xrf1) =	vsort.dscd.msk.f32 $0xffff, v45, v46  }
0x1d6: {  	v51 =	vld [tilespmem:s29+$0x120];
	v48 =	vsel vm3, v18, v20;
	v49 =	vsel vm3, v36, v21;
	(xrf1) =	vsort.dscd.msk.f32 $0xffff, v28, v29  }
0x1d7: {  	v53 =	vld [tilespmem:s29+$0x130];
	v18 =	vsel vm3, v20, v18;
	v19 =	vsel vm3, v21, v36;
	(xrf1) =	vsort.dscd.msk.f32 $0xffff, v48, v49  }
0x1d8: {  	v55 =	vld [tilespmem:s29+$0x140];
	v54 =	vsel vm8, v40, v38;
	v8 =	vsel vm8, v37, v39;
	(xrf1) =	vsort.dscd.msk.f32 $0xffff, v18, v19  }
0x1d9: {  	v56 =	vld [tilespmem:s29+$0x150];
	v9 =	vsel vm8, v38, v40;
	vm3 =	vgt.f32 v6, v4;
	(xrf1) =	vsort.dscd.msk.f32 $0xffff, v52, v54  }
0x1da: {  	s7 =	sadd.s32 $0x100, s6;
	v59 =	vld [tilespmem:s29+$0x160];
	v57 =	vsel vm3, v6, v4;
	v58 =	vsel vm3, v7, v5;
	(xrf1) =	vsort.dscd.msk.f32 $0xffff, v8, v9  }
0x1db: {  	s19 =	sor.u32 $0x400, s7;
	v60 =	vld [tilespmem:s29+$0x170];
	vm9 =	vgt.f32 v43, v41;
	(xrf1) =	vsort.dscd.msk.f32 $0xffff, v57, v58  }
0x1dc: {  	s11 =	sor.u32 $0x410, s7;
	v4 =	vsel vm3, v4, v6;
	v5 =	vsel vm3, v5, v7;
	v61 =	vsel vm9, v43, v41;
	v8 =	vld [tilespmem:s19+$0x0]  }
0x1dd: {  	v62 =	vsel vm9, v44, v42;
	v14 =	vsel vm9, v41, v43;
	(xrf1) =	vsort.dscd.msk.f32 $0xffff, v4, v5;
	v63 =	vld [tilespmem:s11+$0x0]  }
0x1de: {  	v23 =	vsel vm9, v42, v44;
	vm3 =	vgt.f32 v12, v10;
	v26 =	vld [tilespmem:s29+$0x2100];
	(xrf1) =	vsort.dscd.msk.f32 $0xffff, v61, v62  }
0x1df: {  	v35 =	vsel vm3, v12, v10;
	v36 =	vsel vm3, v13, v11;
	v21 =	vld [tilespmem:s29+$0x2110];
	(xrf1) =	vsort.dscd.msk.f32 $0xffff, v14, v23  }
0x1e0: {  	v37 =	vsel vm3, v10, v12;
	v38 =	vsel vm3, v11, v13;
	v23 =	vld [tilespmem:s29+$0x2120];
	(xrf1) =	vsort.dscd.msk.f32 $0xffff, v35, v36  }
0x1e1: {  	v2 =	vsel vm2, v2, v16;
	v3 =	vsel vm2, v3, v17;
	v22 =	vld [tilespmem:s29+$0x2130];
	(xrf1) =	vsort.dscd.msk.f32 $0xffff, v37, v38  }
0x1e2: {  	v24 =	vld [tilespmem:s29+$0x2140];
	(xrf1) =	vsort.dscd.msk.f32 $0xffff, v2, v3  }
0x1e3: {  	s20 =	sor.u32 $0x420, s7;
	v39 =	vld [tilespmem:s29+$0x2150];
	(xrf1) =	vsort.dscd.msk.f32 $0xffff, v47, v26  }
0x1e4: {  	v40 =	vld [tilespmem:s20+$0x0];
	_, v20, _ =	vpop (xrf1);
	(xrf1) =	vsort.ascd.msk.f32 $0xffff, v50, v21  }
0x1e5: {  	v25 =	vld [tilespmem:s29+$0x2160];
	_, v41, _ =	vpop (xrf1);
	(xrf1) =	vsort.dscd.msk.f32 $0xffff, v51, v23  }
0x1e6: {  	v43 =	vld [tilespmem:s29+$0x2170];
	_, v42, _ =	vpop (xrf1);
	(xrf1) =	vsort.ascd.msk.f32 $0xffff, v53, v22  }
0x1e7: {  	s21 =	sor.u32 $0x430, s7;
	v45 =	vld [tilespmem:s19+$0x2000];
	_, v44, _ =	vpop (xrf1);
	(xrf1) =	vsort.dscd.msk.f32 $0xffff, v55, v24  }
0x1e8: {  	v49 =	vld [tilespmem:s21+$0x0];
	_, v46, _ =	vpop (xrf1);
	(xrf1) =	vsort.ascd.msk.f32 $0xffff, v56, v39  }
0x1e9: {  	v47 =	vld [tilespmem:s11+$0x2000];
	_, v48, _ =	vpop (xrf1)  }
0x1ea: {  	v51 =	vld [tilespmem:s20+$0x2000];
	_, v50, _ =	vpop (xrf1);
	(xrf1) =	vsort.dscd.msk.f32 $0xffff, v59, v25  }
0x1eb: {  	v53 =	vld [tilespmem:s21+$0x2000];
	_, v52, _ =	vpop (xrf1);
	(xrf1) =	vsort.ascd.msk.f32 $0xffff, v60, v43  }
0x1ec: {  	s18 =	sor.u32 $0x438, s7;
	_, v54, _ =	vpop (xrf1)  }
0x1ed: {  	v27 =	vld [tilespmem:s18+$0x2000];
	(xrf1) =	vsort.dscd.msk.f32 $0xffff, v8, v45;
	_, v55, _ =	vpop (xrf1)  }
0x1ee: {  	v56 =	vld [tilespmem:s18+$0x0];
	(xrf1) =	vsort.ascd.msk.f32 $0xffff, v63, v47;
	_, v57, _ =	vpop (xrf1)  }
0x1ef: {  	_, v58, _ =	vpop (xrf1);
	(xrf1) =	vsort.dscd.msk.f32 $0xffff, v40, v51  }
0x1f0: {  	_, v59, _ =	vpop (xrf1);
	(xrf1) =	vsort.ascd.msk.f32 $0xffff, v49, v53  }
0x1f1: {  	v60, v30, _ =	vpop (xrf1)  }
0x1f2: {  	v61, v62, _ =	vpop (xrf1)  }
0x1f3: {  	v29 =	vsel vm0, $0xFF800000, v56;
	v63 =	vsel vm0, $0xFF800000, v27;
	v1, v0, _ =	vpop (xrf1);
	vm2 =	vgt.f32 v61, v60  }
0x1f4: {  	(xrf1) =	vsort.dscd.msk.f32 $0xffff, v29, v63;
	v3, v2, _ =	vpop (xrf1);
	v4 =	vsel vm2, v61, v60;
	v7 =	vsel vm2, v62, v30  }
0x1f5: {  	v28 =	vsel vm2, v60, v61;
	v30 =	vsel vm2, v30, v62;
	v6, v5, _ =	vpop (xrf1);
	vm3 =	vlt.f32 v3, v1  }
0x1f6: {  	(xrf1) =	vsort.dscd.msk.f32 $0xffff, v4, v7;
	v9, v8, _ =	vpop (xrf1);
	v10 =	vsel vm3, v3, v1;
	v11 =	vsel vm3, v2, v0  }
0x1f7: {  	v34 =	vsel vm3, v1, v3;
	(xrf1) =	vsort.dscd.msk.f32 $0xffff, v28, v30;
	vm2 =	vgt.f32 v9, v6  }
0x1f8: {  	[tilespmem:$0x1FEA0] =	vst v43;
	v35 =	vsel vm3, v0, v2;
	(xrf1) =	vsort.ascd.msk.f32 $0xffff, v10, v11;
	v13, v12, _ =	vpop (xrf1);
	v14 =	vsel vm2, v9, v6  }
0x1f9: {  	[tilespmem:$0x1FEC0] =	vst v45;
	v15 =	vsel vm2, v8, v5;
	v31 =	vsel vm2, v6, v9;
	(xrf1) =	vsort.ascd.msk.f32 $0xffff, v34, v35;
	v28, v30, _ =	vpop (xrf1)  }
0x1fa: {  	[tilespmem:$0x1FE60] =	vst v42;
	v38 =	vsel vm2, v5, v8;
	(xrf1) =	vsort.dscd.msk.f32 $0xffff, v14, v15;
	vm2 =	vlt.f32 v28, v13  }
0x1fb: {  	[tilespmem:$0x1FE80] =	vst v44;
	v17, v16, _ =	vpop (xrf1);
	(xrf1) =	vsort.dscd.msk.f32 $0xffff, v31, v38;
	v18 =	vsel vm2, v28, v13;
	v19 =	vsel vm2, v30, v12  }
0x1fc: {  	[tilespmem:$0x1FF00] =	vst v47;
	v34, v35, _ =	vpop (xrf1);
	v28 =	vsel vm2, v13, v28;
	v30 =	vsel vm2, v12, v30;
	(xrf1) =	vsort.ascd.msk.f32 $0xffff, v18, v19  }
0x1fd: {  	[tilespmem:$0x1FE90] =	vst v46;
	vm3 =	vgt.f32 v34, v17;
	v42, v43, _ =	vpop (xrf1);
	(xrf1) =	vsort.ascd.msk.f32 $0xffff, v28, v30  }
0x1fe: {  	[tilespmem:$0x1FEB0] =	vst v48;
	v44 =	vsel vm3, v34, v17;
	v47 =	vsel vm3, v35, v16;
	v32 =	vsel vm3, v17, v34;
	v45, v46, _ =	vpop (xrf1)  }
0x1ff: {  	[tilespmem:$0x1FF30] =	vst v51;
	v48 =	vsel vm3, v16, v35;
	(xrf1) =	vsort.dscd.msk.f32 $0xffff, v44, v47;
	vm2 =	vlt.f32 v45, v42  }
0x200: {  	[tilespmem:$0x1FED0] =	vst v50;
	(xrf1) =	vsort.dscd.msk.f32 $0xffff, v32, v48;
	v49 =	vsel vm2, v45, v42;
	v50 =	vsel vm2, v46, v43  }
0x201: {  	[tilespmem:$0x1FF40] =	vst v53;
	(xrf1) =	vsort.ascd.msk.f32 $0xffff, v49, v50  }
0x202: {  	[tilespmem:$0x1FEE0] =	vst v52;
	v51 =	vsel vm2, v42, v45;
	v52 =	vsel vm2, v43, v46  }
0x203: {  	[tilespmem:$0x1FEF0] =	vst v54;
	v28, v29, _ =	vpop (xrf1);
	(xrf1) =	vsort.ascd.msk.f32 $0xffff, v51, v52  }
0x204: {  	[tilespmem:$0x1FF10] =	vst v55;
	v53, v54, _ =	vpop (xrf1)  }
0x205: {  	[tilespmem:$0x1FF20] =	vst v57;
	v55, v56, _ =	vpop (xrf1)  }
0x206: {  	[tilespmem:$0x1FF50] =	vst v58;
	v57, v58, _ =	vpop (xrf1)  }
0x207: {  	[tilespmem:$0x1FF60] =	vst v59;
	v59, v60, _ =	vpop (xrf1);
	vm2 =	vgt.f32 v57, v53  }
0x208: {  	(xrf1) =	vsort.dscd.msk.f32 $0xffff, v28, v29;
	v62, v61, _ =	vpop (xrf1);
	v63 =	vsel vm2, v57, v53  }
0x209: {  	[tilespmem:$0x1FE50] =	vst v41;
	v2 =	vsel vm2, v58, v54;
	v30 =	vsel vm2, v53, v57;
	vm3 =	vgt.f32 v59, v55;
	v40, v41, _ =	vpop (xrf1)  }
0x20a: {  	v31 =	vsel vm2, v54, v58;
	v5 =	vsel vm3, v59, v55;
	v45 =	vsel vm3, v60, v56;
	v1, v0, _ =	vpop (xrf1)  }
0x20b: {  	v32 =	vsel vm3, v55, v59;
	v33 =	vsel vm3, v56, v60;
	v4, v3, _ =	vpop (xrf1);
	vm2 =	vlt.f32 v1, v62  }
0x20c: {  	v48 =	vsel vm2, v1, v62;
	v49 =	vsel vm2, v0, v61;
	vm3 =	vlt.f32 v4, v40  }
0x20d: {  	v46, v47, _ =	vpop (xrf1);
	v29 =	vsel vm2, v62, v1;
	v9 =	vsel vm3, v4, v40;
	v10 =	vsel vm3, v3, v41  }
0x20e: {  	v6, v7, _ =	vpop (xrf1);
	v34 =	vsel vm3, v40, v4;
	v41 =	vsel vm3, v41, v3;
	vm3 =	vgt.f32 v5, v63  }
0x20f: {  	v8 =	vsel vm2, v61, v0;
	v15 =	vsel vm3, v5, v63;
	v16 =	vsel vm3, v45, v2;
	v50, v51, _ =	vpop (xrf1)  }
0x210: {  	v28 =	vsel vm3, v63, v5;
	v17 =	vsel vm3, v2, v45;
	vm2 =	vgt.f32 v50, v46  }
0x211: {  	vm3 =	vlt.f32 v9, v48;
	v11, v52, _ =	vpop (xrf1);
	v12 =	vsel vm2, v50, v46;
	v53 =	vsel vm2, v51, v47  }
0x212: {  	v46 =	vsel vm2, v46, v50;
	v47 =	vsel vm2, v47, v51;
	vm2 =	vgt.f32 v11, v6  }
0x213: {  	(xrf1) =	vsort.dscd.msk.f32 $0xffff, v15, v16;
	v13 =	vsel vm2, v11, v6;
	v14 =	vsel vm2, v52, v7  }
0x214: {  	v36 =	vsel vm2, v6, v11;
	v37 =	vsel vm2, v7, v52;
	vm2 =	vgt.f32 v32, v30  }
0x215: {  	(xrf1) =	vsort.dscd.msk.f32 $0xffff, v28, v17;
	v18 =	vsel vm2, v32, v30;
	v19 =	vsel vm2, v33, v31  }
0x216: {  	v30 =	vsel vm2, v30, v32;
	v31 =	vsel vm2, v31, v33;
	(xrf1) =	vsort.dscd.msk.f32 $0xffff, v18, v19  }
0x217: {  	v54 =	vsel vm3, v10, v49;
	v52 =	vsel vm3, v9, v48;
	(xrf1) =	vsort.dscd.msk.f32 $0xffff, v30, v31  }
0x218: {  	(xrf1) =	vsort.ascd.msk.f32 $0xffff, v52, v54  }
0x219: {  	v55 =	vsel vm3, v48, v9;
	v56 =	vsel vm3, v49, v10;
	vm2 =	vlt.f32 v34, v29  }
0x21a: {  	v57 =	vsel vm2, v34, v29;
	v58 =	vsel vm2, v41, v8;
	(xrf1) =	vsort.ascd.msk.f32 $0xffff, v55, v56  }
0x21b: {  	(xrf1) =	vsort.ascd.msk.f32 $0xffff, v57, v58  }
0x21c: {  	v59 =	vsel vm2, v29, v34;
	v60 =	vsel vm2, v8, v41  }
0x21d: {  	(xrf1) =	vsort.ascd.msk.f32 $0xffff, v59, v60;
	_ =	sdelay $0x3  }
0x21e: {  	vm3 =	vgt.f32 v13, v12;
	v29, v30, _ =	vpop (xrf1)  }
0x21f: {  	v61 =	vsel vm3, v13, v12;
	v62 =	vsel vm3, v14, v53;
	v63 =	vsel vm3, v12, v13;
	v5, v6, _ =	vpop (xrf1)  }
0x220: {  	v0 =	vsel vm3, v53, v14;
	vm2 =	vgt.f32 v36, v46;
	(xrf1) =	vsort.dscd.msk.f32 $0xffff, v61, v62;
	v8, v7, _ =	vpop (xrf1)  }
0x221: {  	v1 =	vsel vm2, v36, v46;
	v2 =	vsel vm2, v37, v47;
	(xrf1) =	vsort.dscd.msk.f32 $0xffff, v63, v0;
	v10, v9, _ =	vpop (xrf1)  }
0x222: {  	v3 =	vsel vm2, v46, v36;
	v4 =	vsel vm2, v47, v37;
	(xrf1) =	vsort.dscd.msk.f32 $0xffff, v1, v2;
	v11, v12, _ =	vpop (xrf1)  }
0x223: {  	(xrf1) =	vsort.dscd.msk.f32 $0xffff, v3, v4;
	v13, v14, _ =	vpop (xrf1)  }
0x224: {  	(xrf1) =	vsort.ascd.msk.f32 $0xffff, v29, v30;
	vm2 =	vgt.f32 v13, v5  }
0x225: {  	v16, v15, _ =	vpop (xrf1);
	v58 =	vsel vm2, v13, v5  }
0x226: {  	v17, v18, _ =	vpop (xrf1);
	v59 =	vsel vm2, v14, v6;
	vm3 =	vgt.f32 v16, v8;
	v28 =	vsel vm2, v5, v13  }
0x227: {  	v29 =	vsel vm2, v6, v14;
	v60 =	vsel vm3, v16, v8;
	vm2 =	vgt.f32 v17, v10  }
0x228: {  	v57, v19, _ =	vpop (xrf1);
	v61 =	vsel vm3, v15, v7;
	v0 =	vsel vm2, v17, v10;
	v1 =	vsel vm2, v18, v9  }
0x229: {  	v32 =	vsel vm2, v10, v17;
	v33 =	vsel vm2, v9, v18;
	vm2 =	vgt.f32 v57, v11  }
0x22a: {  	v30 =	vsel vm3, v8, v16;
	v2 =	vsel vm2, v57, v11;
	v3 =	vsel vm2, v19, v12  }
0x22b: {  	v34 =	vsel vm2, v11, v57;
	v35 =	vsel vm2, v12, v19;
	vm2 =	vgt.f32 v0, v58  }
0x22c: {  	v31 =	vsel vm3, v7, v15;
	v6 =	vsel vm2, v0, v58;
	v7 =	vsel vm2, v1, v59  }
0x22d: {  	[tilespmem:$0x1FE70] =	vst v39;
	v39 =	vsel vm2, v58, v0;
	v8 =	vsel vm2, v59, v1;
	vm2 =	vgt.f32 v2, v60  }
0x22e: {  	v44, v45, _ =	vpop (xrf1);
	v9 =	vsel vm2, v2, v60;
	v10 =	vsel vm2, v3, v61  }
0x22f: {  	v48, v49, _ =	vpop (xrf1);
	v36 =	vsel vm2, v60, v2;
	v11 =	vsel vm2, v61, v3;
	vm2 =	vgt.f32 v34, v30  }
0x230: {  	v37, v50, _ =	vpop (xrf1);
	v14 =	vsel vm2, v34, v30  }
0x231: {  	v63, v62, _ =	vpop (xrf1);
	v15 =	vsel vm2, v35, v31;
	v30 =	vsel vm2, v30, v34;
	v31 =	vsel vm2, v31, v35  }
0x232: {  	v54, v55, _ =	vpop (xrf1);
	vm2 =	vlt.f32 v37, v44;
	vm10 =	vgt.f32 v9, v6;
	vm11 =	vgt.f32 v36, v39  }
0x233: {  	vm3 =	vlt.f32 v54, v63;
	v16 =	vsel vm2, v37, v44;
	v17 =	vsel vm2, v50, v45  }
0x234: {  	v56 =	vsel vm10, v9, v6;
	v57 =	vsel vm10, v10, v7;
	v47 =	vsel vm10, v6, v9  }
0x235: {  	v53 =	vsel vm10, v7, v10;
	v18 =	vsel vm11, v36, v39;
	v19 =	vsel vm11, v11, v8  }
0x236: {  	v36 =	vsel vm11, v39, v36;
	v4 =	vsel vm3, v54, v63;
	v5 =	vsel vm3, v55, v62  }
0x237: {  	v38 =	vsel vm3, v63, v54;
	v52 =	vsel vm3, v62, v55;
	vm3 =	vgt.f32 v32, v28  }
0x238: {  	(xrf1) =	vsort.dscd.msk.f32 $0xffff, v56, v57;
	v56 =	vsel vm11, v8, v11;
	v12 =	vsel vm3, v32, v28  }
0x239: {  	v13 =	vsel vm3, v33, v29;
	v28 =	vsel vm3, v28, v32;
	v29 =	vsel vm3, v29, v33  }
0x23a: {  	vm3 =	vlt.f32 v38, v48;
	(xrf1) =	vsort.dscd.msk.f32 $0xffff, v47, v53;
	vm12 =	vgt.f32 v14, v12  }
0x23b: {  	(xrf1) =	vsort.dscd.msk.f32 $0xffff, v18, v19;
	vm13 =	vgt.f32 v30, v28;
	v62 =	vsel vm3, v38, v48  }
0x23c: {  	v57 =	vsel vm12, v14, v12;
	v58 =	vsel vm12, v15, v13;
	(xrf1) =	vsort.dscd.msk.f32 $0xffff, v36, v56  }
0x23d: {  	v32 =	vsel vm12, v12, v14;
	v33 =	vsel vm12, v13, v15;
	(xrf1) =	vsort.dscd.msk.f32 $0xffff, v57, v58  }
0x23e: {  	v59 =	vsel vm13, v30, v28;
	v60 =	vsel vm13, v31, v29;
	(xrf1) =	vsort.dscd.msk.f32 $0xffff, v32, v33  }
0x23f: {  	v28 =	vsel vm13, v28, v30;
	v29 =	vsel vm13, v29, v31;
	(xrf1) =	vsort.dscd.msk.f32 $0xffff, v59, v60  }
0x240: {  	v63 =	vsel vm3, v52, v49;
	vm14 =	vlt.f32 v62, v16;
	(xrf1) =	vsort.dscd.msk.f32 $0xffff, v28, v29  }
0x241: {  	v1 =	vsel vm14, v62, v16;
	v2 =	vsel vm14, v63, v17;
	(xrf1) =	vsort.ascd.msk.f32 $0xffff, v4, v5  }
0x242: {  	v61 =	vsel vm2, v44, v37;
	v0 =	vsel vm2, v45, v50;
	(xrf1) =	vsort.ascd.msk.f32 $0xffff, v1, v2  }
0x243: {  	v3 =	vsel vm3, v48, v38;
	v31 =	vsel vm14, v16, v62;
	v28 =	vsel vm14, v17, v63  }
0x244: {  	vm2 =	vlt.f32 v3, v61;
	v4 =	vsel vm3, v49, v52;
	(xrf1) =	vsort.ascd.msk.f32 $0xffff, v31, v28  }
0x245: {  	v5 =	vsel vm2, v3, v61;
	v6 =	vsel vm2, v4, v0  }
0x246: {  	v29 =	vsel vm2, v0, v4;
	(xrf1) =	vsort.ascd.msk.f32 $0xffff, v5, v6  }
0x247: {  	v7 =	vsel vm2, v61, v3;
	v8, v31, _ =	vpop (xrf1)  }
0x248: {  	(xrf1) =	vsort.ascd.msk.f32 $0xffff, v7, v29;
	v32, v33, _ =	vpop (xrf1)  }
0x249: {  	v34, v35, _ =	vpop (xrf1)  }
0x24a: {  	v28, v29, _ =	vpop (xrf1)  }
0x24b: {  	v9, v10, _ =	vpop (xrf1)  }
0x24c: {  	v12, v11, _ =	vpop (xrf1)  }
0x24d: {  	v14, v13, _ =	vpop (xrf1)  }
0x24e: {  	v42, v43, _ =	vpop (xrf1)  }
0x24f: {  	v15, v16, _ =	vpop (xrf1)  }
0x250: {  	vm2 =	vgt.f32 v15, v28;
	v18, v17, _ =	vpop (xrf1)  }
0x251: {  	v19 =	vsel vm2, v15, v28;
	v57 =	vsel vm2, v16, v29;
	vm3 =	vgt.f32 v18, v9  }
0x252: {  	v28 =	vsel vm2, v28, v15;
	v59, v58, _ =	vpop (xrf1);
	v29 =	vsel vm2, v29, v16;
	v60 =	vsel vm3, v18, v9  }
0x253: {  	v61 =	vsel vm3, v17, v10;
	v36 =	vsel vm3, v9, v18;
	vm2 =	vgt.f32 v59, v12  }
0x254: {  	v63, v62, _ =	vpop (xrf1);
	v37 =	vsel vm3, v10, v17;
	v0 =	vsel vm2, v59, v12;
	v1 =	vsel vm2, v58, v11  }
0x255: {  	vm3 =	vgt.f32 v63, v14;
	v38 =	vsel vm2, v12, v59;
	v39 =	vsel vm2, v11, v58  }
0x256: {  	v54, v55, _ =	vpop (xrf1);
	v2 =	vsel vm3, v63, v14;
	v3 =	vsel vm3, v62, v13;
	v40 =	vsel vm3, v14, v63  }
0x257: {  	vm2 =	vgt.f32 v54, v42;
	v41 =	vsel vm3, v13, v62;
	vm3 =	vgt.f32 v0, v32  }
0x258: {  	v4 =	vsel vm2, v54, v42;
	v5 =	vsel vm2, v55, v43;
	v42 =	vsel vm2, v42, v54  }
0x259: {  	v43 =	vsel vm2, v43, v55;
	vm2 =	vgt.f32 v60, v8;
	v9 =	vsel vm3, v1, v33  }
0x25a: {  	v33 =	vsel vm3, v33, v1;
	v6 =	vsel vm2, v60, v8;
	v7 =	vsel vm2, v61, v31  }
0x25b: {  	v30 =	vsel vm2, v8, v60;
	v31 =	vsel vm2, v31, v61;
	vm2 =	vgt.f32 v2, v34  }
0x25c: {  	v8 =	vsel vm3, v0, v32;
	v10 =	vsel vm2, v2, v34;
	v11 =	vsel vm2, v3, v35  }
0x25d: {  	v34 =	vsel vm2, v34, v2;
	v35 =	vsel vm2, v35, v3;
	vm2 =	vgt.f32 v4, v19  }
0x25e: {  	v32 =	vsel vm3, v32, v0;
	v12 =	vsel vm2, v4, v19;
	v13 =	vsel vm2, v5, v57  }
0x25f: {  	v48 =	vsel vm2, v19, v4;
	v49 =	vsel vm2, v57, v5;
	vm2 =	vgt.f32 v42, v28  }
0x260: {  	vm3 =	vgt.f32 v10, v6;
	v14 =	vsel vm2, v42, v28;
	v15 =	vsel vm2, v43, v29  }
0x261: {  	v16 =	vsel vm3, v10, v6;
	v17 =	vsel vm3, v11, v7;
	v46 =	vsel vm3, v6, v10  }
0x262: {  	vm15 =	vgt.f32 v12, v8;
	v47 =	vsel vm3, v7, v11;
	vm3 =	vgt.f32 v34, v30  }
0x263: {  	vm8 =	vgt.f32 v48, v32;
	v28 =	vsel vm2, v28, v42;
	v29 =	vsel vm2, v29, v43  }
0x264: {  	v18 =	vsel vm15, v12, v8;
	v19 =	vsel vm15, v13, v9;
	v44 =	vsel vm15, v8, v12  }
0x265: {  	v60 =	vsel vm15, v9, v13;
	v61 =	vsel vm3, v34, v30;
	v2 =	vsel vm3, v35, v31  }
0x266: {  	v30 =	vsel vm3, v30, v34;
	v31 =	vsel vm3, v31, v35;
	v3 =	vsel vm8, v48, v32  }
0x267: {  	v4 =	vsel vm8, v49, v33;
	v32 =	vsel vm8, v32, v48;
	vm3 =	vgt.f32 v40, v36  }
0x268: {  	v33 =	vsel vm8, v33, v49;
	v5 =	vsel vm3, v40, v36;
	v6 =	vsel vm3, v41, v37  }
0x269: {  	v36 =	vsel vm3, v36, v40;
	v37 =	vsel vm3, v37, v41;
	vm3 =	vgt.f32 v14, v38  }
0x26a: {  	vm9 =	vgt.f32 v18, v16;
	vm10 =	vgt.f32 v3, v61;
	v7 =	vsel vm3, v14, v38  }
0x26b: {  	s6 =	sadd.s32 $0x180, s6;
	v8 =	vsel vm3, v15, v39;
	v52 =	vsel vm3, v38, v14;
	v53 =	vsel vm3, v39, v15  }
0x26c: {  	s13 =	sor.u32 $0x400, s6;
	v62 =	vsel vm9, v18, v16;
	v63 =	vsel vm9, v19, v17;
	v54 =	vsel vm9, v16, v18  }
0x26d: {  	v45 =	vld [tilespmem:s13+$0x2000];
	vm3 =	vgt.f32 v44, v46;
	v55 =	vsel vm9, v17, v19;
	v10 =	vsel vm10, v3, v61  }
0x26e: {  	v56 =	vld [tilespmem:s29+$0x180];
	v12 =	vsel vm10, v4, v2;
	v34 =	vsel vm10, v61, v3;
	(xrf1) =	vsort.dscd.msk.f32 $0xffff, v62, v63  }
0x26f: {  	v59 =	vld [tilespmem:s29+$0x190];
	v0 =	vsel vm3, v44, v46;
	v58 =	vsel vm3, v60, v47;
	(xrf1) =	vsort.dscd.msk.f32 $0xffff, v54, v55  }
0x270: {  	v1 =	vld [tilespmem:s29+$0x1A0];
	v44 =	vsel vm3, v46, v44;
	v9 =	vsel vm3, v47, v60;
	(xrf1) =	vsort.dscd.msk.f32 $0xffff, v0, v58  }
0x271: {  	v11 =	vld [tilespmem:s29+$0x1B0];
	v35 =	vsel vm10, v2, v4;
	vm3 =	vgt.f32 v32, v30;
	(xrf1) =	vsort.dscd.msk.f32 $0xffff, v44, v9  }
0x272: {  	v43 =	vld [tilespmem:s29+$0x21E0];
	vm11 =	vgt.f32 v7, v5;
	v14 =	vsel vm3, v32, v30;
	(xrf1) =	vsort.dscd.msk.f32 $0xffff, v10, v12  }
0x273: {  	v42 =	vld [tilespmem:s29+$0x21F0];
	v15 =	vsel vm3, v33, v31;
	v30 =	vsel vm3, v30, v32;
	(xrf1) =	vsort.dscd.msk.f32 $0xffff, v34, v35  }
0x274: {  	v13 =	vld [tilespmem:s29+$0x1C0];
	v31 =	vsel vm3, v31, v33;
	v18 =	vsel vm11, v7, v5;
	(xrf1) =	vsort.dscd.msk.f32 $0xffff, v14, v15  }
0x275: {  	v40 =	vld [tilespmem:s29+$0x21C0];
	v2 =	vsel vm11, v8, v6;
	v3 =	vsel vm11, v5, v7;
	(xrf1) =	vsort.dscd.msk.f32 $0xffff, v30, v31  }
0x276: {  	v39 =	vld [tilespmem:s29+$0x2180];
	v4 =	vsel vm11, v6, v8;
	vm3 =	vgt.f32 v52, v36;
	(xrf1) =	vsort.dscd.msk.f32 $0xffff, v18, v2  }
0x277: {  	v38 =	vld [tilespmem:s29+$0x2190];
	v5 =	vsel vm3, v52, v36;
	v6 =	vsel vm3, v53, v37;
	(xrf1) =	vsort.dscd.msk.f32 $0xffff, v3, v4  }
0x278: {  	v41 =	vld [tilespmem:s29+$0x21D0];
	v7 =	vsel vm3, v36, v52;
	v8 =	vsel vm3, v37, v53;
	(xrf1) =	vsort.dscd.msk.f32 $0xffff, v5, v6  }
0x279: {  	v37 =	vld [tilespmem:s29+$0x21A0];
	(xrf1) =	vsort.dscd.msk.f32 $0xffff, v7, v8  }
0x27a: {  	v36 =	vld [tilespmem:s29+$0x21B0];
	(xrf1) =	vsort.dscd.msk.f32 $0xffff, v28, v29  }
0x27b: {  	v16 =	vld [tilespmem:s29+$0x1E0];
	(xrf1) =	vsort.dscd.msk.f32 $0xffff, v56, v39  }
0x27c: {  	v17 =	vld [tilespmem:s29+$0x1F0];
	_, v53, _ =	vpop (xrf1);
	(xrf1) =	vsort.ascd.msk.f32 $0xffff, v59, v38  }
0x27d: {  	v44 =	vld [tilespmem:s29+$0x1D0];
	_, v52, _ =	vpop (xrf1)  }
0x27e: {  	s16 =	sor.u32 $0x420, s6;
	v19 =	vld [tilespmem:s13+$0x0];
	(xrf1) =	vsort.dscd.msk.f32 $0xffff, v1, v37;
	_, v51, _ =	vpop (xrf1)  }
0x27f: {  	s14 =	sor.u32 $0x410, s6;
	v61 =	vld [tilespmem:s16+$0x0];
	(xrf1) =	vsort.ascd.msk.f32 $0xffff, v11, v36;
	_, v50, _ =	vpop (xrf1)  }
0x280: {  	s18 =	sor.u32 $0x438, s6;
	v60 =	vld [tilespmem:s14+$0x0];
	_, v49, _ =	vpop (xrf1)  }
0x281: {  	v47 =	vld [tilespmem:s18+$0x2000];
	(xrf1) =	vsort.dscd.msk.f32 $0xffff, v13, v40;
	_, v10, _ =	vpop (xrf1)  }
0x282: {  	v46 =	vld [tilespmem:s14+$0x2000];
	(xrf1) =	vsort.ascd.msk.f32 $0xffff, v44, v41;
	_, v12, _ =	vpop (xrf1)  }
0x283: {  	v9 =	vld [tilespmem:s18+$0x0];
	s18 =	sor.u32 $0x430, s6;
	_, v13, _ =	vpop (xrf1)  }
0x284: {  	v48 =	vld [tilespmem:s18+$0x2000];
	(xrf1) =	vsort.dscd.msk.f32 $0xffff, v16, v43;
	_, v14, _ =	vpop (xrf1)  }
0x285: {  	v44 =	vld [tilespmem:s16+$0x2000];
	(xrf1) =	vsort.ascd.msk.f32 $0xffff, v17, v42;
	_, v15, _ =	vpop (xrf1)  }
0x286: {  	v11 =	vld [tilespmem:s18+$0x0];
	_, v16, _ =	vpop (xrf1)  }
0x287: {  	_, v17, _ =	vpop (xrf1)  }
0x288: {  	(xrf1) =	vsort.dscd.msk.f32 $0xffff, v19, v45;
	_, v18, _ =	vpop (xrf1)  }
0x289: {  	(xrf1) =	vsort.ascd.msk.f32 $0xffff, v60, v46;
	v19, v28, _ =	vpop (xrf1)  }
0x28a: {  	v56 =	vsel vm0, $0xFF800000, v9;
	(xrf1) =	vsort.dscd.msk.f32 $0xffff, v61, v44;
	v30, v31, _ =	vpop (xrf1)  }
0x28b: {  	v29 =	vsel vm0, $0xFF800000, v47;
	(xrf1) =	vsort.ascd.msk.f32 $0xffff, v11, v48;
	vm2 =	vgt.f32 v30, v19  }
0x28c: {  	v33, v32, _ =	vpop (xrf1);
	(xrf1) =	vsort.dscd.msk.f32 $0xffff, v56, v29;
	v55 =	vsel vm2, v28, v31  }
0x28d: {  	v56, v57, _ =	vpop (xrf1);
	v62 =	vsel vm2, v30, v19;
	v63 =	vsel vm2, v31, v28;
	v54 =	vsel vm2, v19, v30  }
0x28e: {  	vm2 =	vlt.f32 v56, v33;
	(xrf1) =	vsort.dscd.msk.f32 $0xffff, v62, v63  }
0x28f: {  	v34 =	vsel vm2, v56, v33;
	v35 =	vsel vm2, v57, v32;
	(xrf1) =	vsort.dscd.msk.f32 $0xffff, v54, v55;
	v1, v2, _ =	vpop (xrf1)  }
0x290: {  	v63 =	vsel vm2, v33, v56;
	v0 =	vsel vm2, v32, v57;
	(xrf1) =	vsort.ascd.msk.f32 $0xffff, v34, v35;
	v54, v55, _ =	vpop (xrf1)  }
0x291: {  	(xrf1) =	vsort.ascd.msk.f32 $0xffff, v63, v0;
	vm2 =	vgt.f32 v54, v1  }
0x292: {  	v4, v3, _ =	vpop (xrf1);
	v8 =	vsel vm2, v55, v2;
	v55 =	vsel vm2, v2, v55  }
0x293: {  	v6, v5, _ =	vpop (xrf1);
	v7 =	vsel vm2, v54, v1;
	v54 =	vsel vm2, v1, v54  }
0x294: {  	vm2 =	vlt.f32 v6, v4  }
0x295: {  	(xrf1) =	vsort.dscd.msk.f32 $0xffff, v7, v8;
	v59 =	vsel vm2, v3, v5  }
0x296: {  	[tilespmem:$0x1FF70] =	vst v10;
	(xrf1) =	vsort.dscd.msk.f32 $0xffff, v54, v55;
	v58 =	vsel vm2, v4, v6;
	v54, v55, _ =	vpop (xrf1)  }
0x297: {  	[tilespmem:$0x1FF80] =	vst v12;
	v9 =	vsel vm2, v6, v4;
	v10 =	vsel vm2, v5, v3;
	v56, v57, _ =	vpop (xrf1)  }
0x298: {  	[tilespmem:$0x1FF90] =	vst v13;
	(xrf1) =	vsort.ascd.msk.f32 $0xffff, v9, v10;
	v11, v12, _ =	vpop (xrf1);
	vm2 =	vgt.f32 v56, v54  }
0x299: {  	[tilespmem:$0x1FFA0] =	vst v14;
	(xrf1) =	vsort.ascd.msk.f32 $0xffff, v58, v59;
	v58, v59, _ =	vpop (xrf1);
	v13 =	vsel vm2, v56, v54;
	v54 =	vsel vm2, v54, v56  }
0x29a: {  	[tilespmem:$0x1FFC0] =	vst v15;
	v14 =	vsel vm2, v57, v55;
	v55 =	vsel vm2, v55, v57;
	vm2 =	vlt.f32 v58, v11  }
0x29b: {  	[tilespmem:$0x1FFD0] =	vst v16;
	v62, v63, _ =	vpop (xrf1);
	v16 =	vsel vm2, v59, v12;
	v59 =	vsel vm2, v12, v59  }
0x29c: {  	[tilespmem:$0x1FFE0] =	vst v17;
	(xrf1) =	vsort.dscd.msk.f32 $0xffff, v13, v14;
	v0, v56, _ =	vpop (xrf1);
	v15 =	vsel vm2, v58, v11;
	v58 =	vsel vm2, v11, v58  }
0x29d: {  	[tilespmem:$0x1FFF0] =	vst v18;
	(xrf1) =	vsort.dscd.msk.f32 $0xffff, v54, v55;
	v18, v17, _ =	vpop (xrf1)  }
0x29e: {  	(xrf1) =	vsort.ascd.msk.f32 $0xffff, v15, v16;
	v54, v57, _ =	vpop (xrf1)  }
0x29f: {  	(xrf1) =	vsort.ascd.msk.f32 $0xffff, v58, v59;
	vm2 =	vgt.f32 v54, v0;
	v58, v59, _ =	vpop (xrf1)  }
0x2a0: {  	v19 =	vsel vm2, v54, v0;
	vm3 =	vgt.f32 v58, v18  }
0x2a1: {  	v28 =	vsel vm2, v57, v56;
	v0 =	vsel vm2, v0, v54;
	v29 =	vsel vm3, v58, v18  }
0x2a2: {  	v56 =	vsel vm2, v56, v57;
	v30 =	vsel vm3, v59, v17;
	vm2 =	vgt.f32 v29, v19  }
0x2a3: {  	v57 =	vsel vm2, v28, v30  }
0x2a4: {  	(xrf1) =	vsort.dscd.msk.f32 $0xffff, v62, v63;
	v55 =	vsel vm3, v18, v58;
	v54 =	vsel vm2, v19, v29  }
0x2a5: {  	v34, v33, _ =	vpop (xrf1);
	v31 =	vsel vm2, v29, v19;
	v32 =	vsel vm2, v30, v28;
	vm2 =	vgt.f32 v55, v0  }
0x2a6: {  	v2 =	vsel vm3, v17, v59;
	v4, v35, _ =	vpop (xrf1);
	(xrf1) =	vsort.dscd.msk.f32 $0xffff, v31, v32;
	v5 =	vsel vm2, v55, v0  }
0x2a7: {  	v6 =	vsel vm2, v2, v56;
	v0 =	vsel vm2, v0, v55;
	(xrf1) =	vsort.dscd.msk.f32 $0xffff, v54, v57;
	v54, v57, _ =	vpop (xrf1)  }
0x2a8: {  	v2 =	vsel vm2, v56, v2;
	(xrf1) =	vsort.dscd.msk.f32 $0xffff, v5, v6;
	vm3 =	vlt.f32 v54, v34;
	v9, v8, _ =	vpop (xrf1)  }
0x2a9: {  	(xrf1) =	vsort.dscd.msk.f32 $0xffff, v0, v2;
	v7 =	vsel vm3, v54, v34;
	vm12 =	vlt.f32 v9, v4  }
0x2aa: {  	v54 =	vsel vm3, v34, v54;
	v10 =	vsel vm3, v57, v33;
	v11 =	vsel vm12, v9, v4  }
0x2ab: {  	v1 =	vsel vm3, v33, v57;
	v12 =	vsel vm12, v8, v35;
	vm3 =	vlt.f32 v11, v7  }
0x2ac: {  	v58 =	vsel vm12, v4, v9;
	v13 =	vsel vm3, v11, v7;
	v15 =	vsel vm3, v12, v10  }
0x2ad: {  	v14 =	vsel vm3, v7, v11;
	v16 =	vsel vm3, v10, v12;
	(xrf1) =	vsort.ascd.msk.f32 $0xffff, v13, v15  }
0x2ae: {  	v60 =	vsel vm12, v35, v8;
	vm2 =	vlt.f32 v58, v54;
	(xrf1) =	vsort.ascd.msk.f32 $0xffff, v14, v16  }
0x2af: {  	v17 =	vsel vm2, v58, v54;
	v18 =	vsel vm2, v60, v1  }
0x2b0: {  	(xrf1) =	vsort.ascd.msk.f32 $0xffff, v17, v18  }
0x2b1: {  	v0, v5, _ =	vpop (xrf1);
	v19 =	vsel vm2, v54, v58;
	v1 =	vsel vm2, v1, v60  }
0x2b2: {  	v29, v28, _ =	vpop (xrf1);
	(xrf1) =	vsort.ascd.msk.f32 $0xffff, v19, v1  }
0x2b3: {  	v31, v30, _ =	vpop (xrf1)  }
0x2b4: {  	v32, v33, _ =	vpop (xrf1);
	vm2 =	vgt.f32 v31, v0  }
0x2b5: {  	vm3 =	vgt.f32 v32, v29;
	v34 =	vsel vm2, v31, v0  }
0x2b6: {  	v8 =	vsel vm2, v30, v5;
	v0 =	vsel vm2, v0, v31;
	v5 =	vsel vm2, v5, v30;
	v59, v60, _ =	vpop (xrf1)  }
0x2b7: {  	v35 =	vsel vm3, v32, v29;
	v9 =	vsel vm3, v33, v28;
	v2 =	vsel vm3, v29, v32;
	v15, v19, _ =	vpop (xrf1)  }
0x2b8: {  	v54 =	vsel vm3, v28, v33;
	vm13 =	vgt.f32 v35, v34;
	vm2 =	vgt.f32 v2, v0;
	v14, v18, _ =	vpop (xrf1)  }
0x2b9: {  	v10 =	vsel vm13, v35, v34;
	v11 =	vsel vm13, v9, v8;
	v16 =	vsel vm13, v34, v35;
	v13, v17, _ =	vpop (xrf1)  }
0x2ba: {  	v1 =	vsel vm13, v8, v9;
	v28 =	vsel vm2, v2, v0;
	(xrf1) =	vsort.dscd.msk.f32 $0xffff, v10, v11;
	v55, v56, _ =	vpop (xrf1)  }
0x2bb: {  	v29 =	vsel vm2, v54, v5;
	v30 =	vsel vm2, v0, v2;
	(xrf1) =	vsort.dscd.msk.f32 $0xffff, v16, v1;
	v58, v61, _ =	vpop (xrf1)  }
0x2bc: {  	v31 =	vsel vm2, v5, v54;
	(xrf1) =	vsort.dscd.msk.f32 $0xffff, v28, v29;
	v62, v63, _ =	vpop (xrf1);
	vm14 =	vgt.f32 v58, v15  }
0x2bd: {  	(xrf1) =	vsort.dscd.msk.f32 $0xffff, v30, v31;
	vm3 =	vgt.f32 v62, v14;
	v4 =	vsel vm14, v58, v15  }
0x2be: {  	v12, v16, _ =	vpop (xrf1);
	v10 =	vsel vm14, v61, v19;
	(xrf1) =	vsort.ascd.msk.f32 $0xffff, v59, v60;
	v60 =	vsel vm14, v15, v58  }
0x2bf: {  	v61 =	vsel vm14, v19, v61;
	vm15 =	vgt.f32 v12, v13;
	v5 =	vsel vm3, v62, v14  }
0x2c0: {  	v54, v57, _ =	vpop (xrf1);
	v11 =	vsel vm3, v63, v18;
	v62 =	vsel vm3, v14, v62;
	v18 =	vsel vm3, v18, v63  }
0x2c1: {  	vm2 =	vgt.f32 v54, v55;
	v2 =	vsel vm15, v12, v13;
	v32 =	vsel vm15, v16, v17  }
0x2c2: {  	v19 =	vsel vm15, v13, v12;
	v3 =	vsel vm2, v54, v55;
	vm6 =	vgt.f32 v2, v4  }
0x2c3: {  	v33 =	vsel vm2, v57, v56;
	vm7 =	vgt.f32 v3, v5;
	v34 =	vsel vm6, v2, v4  }
0x2c4: {  	v28 =	vsel vm6, v32, v10;
	v2 =	vsel vm6, v4, v2;
	v32 =	vsel vm6, v10, v32  }
0x2c5: {  	v35 =	vsel vm7, v3, v5;
	v29 =	vsel vm7, v33, v11;
	v3 =	vsel vm7, v5, v3  }
0x2c6: {  	v33 =	vsel vm7, v11, v33;
	vm8 =	vgt.f32 v35, v34;
	vm11 =	vgt.f32 v3, v2  }
0x2c7: {  	v30 =	vsel vm8, v35, v34;
	v31 =	vsel vm8, v29, v28;
	v0 =	vsel vm8, v34, v35  }
0x2c8: {  	v34 =	vsel vm8, v28, v29;
	v35 =	vsel vm11, v3, v2;
	v59 =	vsel vm11, v33, v32  }
0x2c9: {  	v28 =	vsel vm15, v17, v16;
	v29 =	vsel vm2, v55, v54;
	v2 =	vsel vm11, v2, v3  }
0x2ca: {  	(xrf1) =	vsort.dscd.msk.f32 $0xffff, v30, v31;
	v30 =	vsel vm2, v56, v57;
	vm2 =	vgt.f32 v19, v60  }
0x2cb: {  	vm3 =	vgt.f32 v29, v62;
	v31 =	vsel vm11, v32, v33;
	(xrf1) =	vsort.dscd.msk.f32 $0xffff, v0, v34  }
0x2cc: {  	v32 =	vsel vm2, v19, v60;
	v33 =	vsel vm3, v29, v62;
	v34 =	vsel vm2, v28, v61  }
0x2cd: {  	v0 =	vsel vm2, v60, v19;
	v1 =	vsel vm2, v61, v28;
	v6 =	vsel vm3, v62, v29  }
0x2ce: {  	v7 =	vsel vm3, v18, v30;
	(xrf1) =	vsort.dscd.msk.f32 $0xffff, v35, v59;
	vm12 =	vgt.f32 v33, v32  }
0x2cf: {  	v35 =	vsel vm3, v30, v18;
	vm2 =	vgt.f32 v6, v0;
	(xrf1) =	vsort.dscd.msk.f32 $0xffff, v2, v31  }
0x2d0: {  	v54 =	vsel vm12, v33, v32;
	v55 =	vsel vm12, v35, v34;
	v2, v3, _ =	vpop (xrf1);
	v4 =	vsel vm12, v32, v33  }
0x2d1: {  	v58 =	vsel vm12, v34, v35;
	v61 =	vsel vm2, v6, v0;
	(xrf1) =	vsort.dscd.msk.f32 $0xffff, v54, v55;
	v56, v57, _ =	vpop (xrf1)  }
0x2d2: {  	v62 =	vsel vm2, v7, v1;
	v0 =	vsel vm2, v0, v6;
	v59, v60, _ =	vpop (xrf1);
	(xrf1) =	vsort.dscd.msk.f32 $0xffff, v4, v58  }
0x2d3: {  	v1 =	vsel vm2, v1, v7;
	v12, v13, _ =	vpop (xrf1);
	(xrf1) =	vsort.dscd.msk.f32 $0xffff, v61, v62;
	vm3 =	vlt.f32 v59, v2  }
0x2d4: {  	v4, v5, _ =	vpop (xrf1);
	(xrf1) =	vsort.dscd.msk.f32 $0xffff, v0, v1;
	v18 =	vsel vm3, v59, v2  }
0x2d5: {  	v28 =	vsel vm3, v60, v3;
	v2 =	vsel vm3, v2, v59;
	vm2 =	vlt.f32 v4, v12  }
0x2d6: {  	v3 =	vsel vm3, v3, v60;
	v63 =	vsel vm2, v4, v12;
	v16 =	vsel vm2, v12, v4  }
0x2d7: {  	v17 =	vsel vm2, v5, v13;
	v5 =	vsel vm2, v13, v5;
	vm13 =	vlt.f32 v16, v56  }
0x2d8: {  	(xrf1) =	vsort.ascd.msk.f32 $0xffff, v63, v17;
	v19 =	vsel vm13, v16, v56;
	v13 =	vsel vm13, v5, v57  }
0x2d9: {  	v1 =	vsel vm13, v56, v16;
	v32 =	vsel vm13, v57, v5;
	vm2 =	vlt.f32 v19, v18  }
0x2da: {  	v30 =	vsel vm2, v19, v18;
	v31 =	vsel vm2, v13, v28;
	v33 =	vsel vm2, v18, v19  }
0x2db: {  	v34 =	vsel vm2, v28, v13;
	vm2 =	vlt.f32 v1, v2;
	(xrf1) =	vsort.ascd.msk.f32 $0xffff, v30, v31  }
0x2dc: {  	v29 =	vsel vm0, $0x0, v27;
	v35 =	vsel vm2, v1, v2;
	v54 =	vsel vm2, v32, v3;
	(xrf1) =	vsort.ascd.msk.f32 $0xffff, v33, v34  }
0x2dd: {  	v0 =	vadd.f32 v29, v26;
	(xrf1) =	vsort.ascd.msk.f32 $0xffff, v35, v54  }
0x2de: {  	v1 =	vsel vm2, v2, v1;
	v55 =	vsel vm2, v3, v32  }
0x2df: {  	v0 =	vadd.f32 v0, v21;
	v3, v4, _ =	vpop (xrf1);
	(xrf1) =	vsort.ascd.msk.f32 $0xffff, v1, v55  }
0x2e0: {  	v61 =	vld [tilespmem:$0x1FE70]  }
0x2e1: {  	v0 =	vadd.f32 v0, v23;
	v57 =	vld [tilespmem:$0x1FE50];
	v9, v19, _ =	vpop (xrf1)  }
0x2e2: {  	v59 =	vld [tilespmem:$0x1FE60];
	v11, v21, _ =	vpop (xrf1)  }
0x2e3: {  	v0 =	vadd.f32 v0, v22;
	v7, v8, _ =	vpop (xrf1)  }
0x2e4: {  	v10, v29, _ =	vpop (xrf1)  }
0x2e5: {  	v56 =	vmul.f32 $1.442695020e+00, v20;
	v0 =	vadd.f32 v0, v24;
	v17, v31, _ =	vpop (xrf1)  }
0x2e6: {  	v58 =	vmul.f32 $1.442695020e+00, v57;
	v26, v33, _ =	vpop (xrf1)  }
0x2e7: {  	v60 =	vmul.f32 $1.442695020e+00, v59;
	(erf) = vpow2.f32 v56;
	v0 =	vadd.f32 v0, v61;
	v20, v32, _ =	vpop (xrf1)  }
0x2e8: {  	(erf) = vpow2.f32 v58;
	v63, v62, _ =	vpop (xrf1)  }
0x2e9: {  	(erf) = vpow2.f32 v60;
	v28 =	vadd.f32 v0, v25;
	vm2 =	vgt.f32 v63, v7;
	v13, v23, _ =	vpop (xrf1)  }
0x2ea: {  	v22 =	vsel vm2, v63, v7;
	v34 =	vsel vm2, v7, v63;
	vm5 =	vgt.f32 v13, v10;
	v12, v18, _ =	vpop (xrf1)  }
0x2eb: {  	v15 =	vsel vm2, v62, v8;
	v35 =	vsel vm2, v8, v62;
	v1 =	vsel vm5, v13, v10;
	v25, v30, _ =	vpop (xrf1)  }
0x2ec: {  	vm4 =	vgt.f32 v12, v17;
	vm2 =	vgt.f32 v1, v3;
	vm3 =	vgt.f32 v25, v26  }
0x2ed: {  	v14, v54, _ =	vpop (xrf1);
	v2 =	vsel vm2, v1, v3;
	v8 =	vsel vm2, v3, v1;
	v3 =	vsel vm5, v23, v29  }
0x2ee: {  	v5 =	vsel vm2, v3, v4;
	v16 =	vsel vm2, v4, v3;
	vm2 =	vgt.f32 v14, v20  }
0x2ef: {  	v56 =	vsel vm4, v12, v17;
	v55 =	vsel vm3, v25, v26;
	v57 =	vsel vm2, v14, v20  }
0x2f0: {  	vm15 =	vgt.f32 v56, v9;
	vm14 =	vgt.f32 v55, v11;
	vm6 =	vgt.f32 v57, v22  }
0x2f1: {  	v60 =	vsel vm15, v56, v9;
	v6 =	vsel vm14, v55, v11;
	v62 =	vsel vm6, v57, v22  }
0x2f2: {  	vm9 =	vgt.f32 v6, v2;
	vm10 =	vgt.f32 v62, v60  }
0x2f3: {  	v63 =	vsel vm9, v6, v2;
	v0 =	vsel vm10, v62, v60  }
0x2f4: {  	v61 =	vld [tilespmem:$0x1FE80];
	vm12 =	vgt.f32 v0, v63  }
0x2f5: {  	v24 =	vsel vm9, v2, v6;
	v4 =	vsel vm12, v0, v63;
	v6 =	vsel vm12, v63, v0;
	v63 =	vld [tilespmem:$0x1FE90];
	_ =	sdelay $0x1  }
0x2f6: {  	v59 =	vsel vm3, v30, v33  }
0x2f7: {  	v7 =	vsel vm14, v59, v21  }
0x2f8: {  	v61 =	vmul.f32 $1.442695020e+00, v61;
	v58 =	vsel vm9, v7, v5;
	v27 =	vsel vm9, v5, v7  }
0x2f9: {  	v5 =	vsel vm4, v18, v31;
	v7 =	vsel vm2, v54, v32;
	v63 =	vmul.f32 $1.442695020e+00, v63  }
0x2fa: {  	(erf) = vpow2.f32 v61;
	v2 =	vsel vm15, v5, v19;
	v1 =	vsel vm6, v7, v15  }
0x2fb: {  	v0 =	vsel vm10, v1, v2;
	(erf) = vpow2.f32 v63;
	v63 =	vld [tilespmem:$0x1FEA0]  }
0x2fc: {  	v3 =	vsel vm12, v0, v58;
	v0 =	vsel vm12, v58, v0;
	v58 =	vld [tilespmem:$0x1FEB0]  }
0x2fd: {  	(xrf1) =	vsort.dscd.msk.f32 $0xffff, v4, v3;
	v4 =	vsel vm10, v60, v62  }
0x2fe: {  	vm13 =	vgt.f32 v4, v24  }
0x2ff: {  	v14 =	vsel vm2, v20, v14;
	v5 =	vsel vm15, v19, v5;
	v62 =	vld [tilespmem:$0x1FEC0];
	v60 =	vsel vm13, v4, v24  }
0x300: {  	v4 =	vsel vm13, v24, v4;
	v3 =	vadd.f32 v28, v63;
	v28 =	vsel vm10, v2, v1  }
0x301: {  	(xrf1) =	vsort.dscd.msk.f32 $0xffff, v6, v0;
	v1 =	vmul.f32 $1.442695020e+00, v58;
	v2 =	vsel vm15, v9, v56;
	v63 =	vsel vm14, v11, v55  }
0x302: {  	v24 =	vld [tilespmem:$0x1FED0];
	v9 =	vsel vm14, v21, v59;
	v21 =	vsel vm5, v29, v23;
	v11 =	vsel vm4, v17, v12  }
0x303: {  	v61 =	vsel vm13, v28, v27;
	v0 =	vsel vm13, v27, v28;
	vm14 =	vgt.f32 v63, v8  }
0x304: {  	v56 =	vld [tilespmem:$0x1FEE0];
	(xrf1) =	vsort.dscd.msk.f32 $0xffff, v60, v61;
	(erf) = vpow2.f32 v1;
	v1 =	vadd.f32 v3, v62;
	v3 =	vsel vm5, v10, v13  }
0x305: {  	v59 =	vld [tilespmem:$0x1FEF0];
	v10 =	vsel vm6, v22, v57;
	v27 =	vsel vm14, v63, v8;
	v55 =	vsel vm14, v9, v16  }
0x306: {  	v62 =	vsel vm14, v8, v63;
	v22 =	vsel vm14, v16, v9;
	vm14 =	vgt.f32 v14, v34  }
0x307: {  	v63 =	vld [tilespmem:$0x1FF20];
	(xrf1) =	vsort.dscd.msk.f32 $0xffff, v4, v0;
	v0 =	vmul.f32 $1.442695020e+00, v24;
	vm15 =	vgt.f32 v10, v2;
	v4 =	vsel vm6, v15, v7  }
0x308: {  	v61 =	vld [tilespmem:$0x1FF10];
	v28 =	vsel vm15, v10, v2;
	v15 =	vsel vm15, v4, v5;
	v2 =	vsel vm15, v2, v10  }
0x309: {  	v60 =	vld [tilespmem:$0x1FF00];
	v4 =	vsel vm15, v5, v4;
	vm12 =	vgt.f32 v28, v27;
	v19 =	vmul.f32 $1.442695020e+00, v56  }
0x30a: {  	(erf) = vpow2.f32 v0;
	v0 =	vmul.f32 $1.442695020e+00, v59;
	vm13 =	vgt.f32 v2, v62  }
0x30b: {  	v23 =	vld [tilespmem:$0x1FF30];
	v57 =	vsel vm12, v28, v27;
	v58 =	vsel vm12, v15, v55;
	v7 =	vsel vm12, v27, v28  }
0x30c: {  	v24 =	vsel vm12, v55, v15;
	v27 =	vld [tilespmem:$0x1FF40];
	v29 =	vsel vm13, v2, v62;
	v6 =	vmul.f32 $1.442695020e+00, v63  }
0x30d: {  	v28 =	vld [tilespmem:$0x1FF50];
	v55 =	vsel vm13, v22, v4;
	(erf) = vpow2.f32 v19;
	v19 =	vmul.f32 $1.442695020e+00, v61  }
0x30e: {  	(xrf1) =	vsort.dscd.msk.f32 $0xffff, v57, v58;
	v1 =	vadd.f32 v1, v60;
	v57 =	vsel vm3, v33, v30;
	(erf) = vpow2.f32 v0;
	_, v15, _ =	vpop (xrf1)  }
0x30f: {  	v58 =	vsel vm14, v14, v34;
	v63 =	vmul.f32 $1.442695020e+00, v53;
	(erf) = vpow2.f32 v19;
	_, v9, _ =	vpop (xrf1)  }
0x310: {  	v56 =	vld [tilespmem:$0x1FF60];
	(xrf1) =	vsort.dscd.msk.f32 $0xffff, v7, v24;
	v7 =	vsel vm4, v31, v18;
	v1 =	vadd.f32 v1, v23;
	(erf) = vpow2.f32 v6;
	v6 =	vpop (erf)  }
0x311: {  	v31 =	vsel vm13, v4, v22;
	v0 =	vsel vm13, v62, v2;
	v2 =	vsel vm2, v32, v54;
	v10 =	vpop (erf)  }
0x312: {  	(xrf1) =	vsort.dscd.msk.f32 $0xffff, v29, v31;
	v1 =	vadd.f32 v1, v27;
	v12 =	vmul.f32 $1.442695020e+00, v28;
	v27 =	vsel vm0, $0x0, v47;
	v5 =	vpop (erf)  }
0x313: {  	v54 =	vmul.f32 $1.442695020e+00, v52;
	v59 =	vsel vm14, v2, v35;
	v30 =	vadd.f32 v27, v39;
	v17 =	vpop (erf)  }
0x314: {  	(erf) = vpow2.f32 v12;
	v12 =	vsel vm3, v26, v25;
	vm3 =	vgt.f32 v58, v11;
	v22 =	vpop (erf)  }
0x315: {  	v4 =	vmul.f32 $1.442695020e+00, v56;
	vm2 =	vgt.f32 v12, v3;
	v61 =	vsel vm3, v58, v11;
	_, v16, _ =	vpop (xrf1)  }
0x316: {  	(xrf2) =	vadd.scan.msk.f32 $0xffff, v1;
	v62 =	vsel vm3, v59, v7;
	v7 =	vsel vm3, v7, v59;
	v39 =	vadd.f32 v30, v38;
	v53 =	vpop (erf)  }
0x317: {  	v24 =	vmul.f32 $1.442695020e+00, v50;
	v60 =	vsel vm2, v12, v3;
	v23 =	vsel vm2, v57, v21;
	(xrf1) =	vsort.dscd.msk.f32 $0xffff, v0, v55;
	_, v0, _ =	vpop (xrf1)  }
0x318: {  	(erf) = vpow2.f32 v4;
	v8 =	vsel vm2, v21, v57;
	vm15 =	vgt.f32 v61, v60;
	v56 =	vpop (erf)  }
0x319: {  	[tilespmem:s29+$0x4080] =	vst v6;
	(erf) = vpow2.f32 v63;
	v55 =	vsel vm3, v11, v58;
	v32 =	vsel vm15, v61, v60;
	v57 =	vpop (erf)  }
0x31a: {  	v29 =	vld [tilespmem:$0x1FF70];
	[tilespmem:s29+$0x4090] =	vst v10;
	v33 =	vsel vm15, v62, v23;
	v58 =	vsel vm15, v60, v61;
	v60 =	vmul.f32 $1.442695020e+00, v51;
	v59 =	vpop (erf)  }
0x31b: {  	v3 =	vsel vm2, v3, v12;
	(erf) = vpow2.f32 v54;
	v61 =	vsel vm15, v23, v62;
	(xrf1) =	vsort.dscd.msk.f32 $0xffff, v32, v33;
	v32 =	vld [tilespmem:$0x1FF80];
	v62 =	vpop (erf)  }
0x31c: {  	v26 =	vmul.f32 $1.442695020e+00, v49;
	[tilespmem:s29+$0x40A0] =	vst v5;
	vm2 =	vgt.f32 v55, v3;
	v33 =	vld [tilespmem:$0x1FF90];
	(erf) = vpow2.f32 v60;
	_, v28, _ =	vpop (xrf1)  }
0x31d: {  	[tilespmem:s29+$0x40B0] =	vst v17;
	v51 =	vadd.f32 v39, v37;
	v63 =	vsel vm2, v55, v3;
	(erf) = vpow2.f32 v24;
	v25 =	vpop (erf)  }
0x31e: {  	[tilespmem:s29+$0x40D0] =	vst v53;
	v1 =	vsel vm2, v3, v55;
	v23 =	vsel vm2, v7, v8;
	v7 =	vsel vm2, v8, v7;
	_, v10, _ =	vpop (xrf1)  }
0x31f: {  	v50 =	vld [tilespmem:$0x1FFA0];
	v8 =	vmul.f32 $1.442695020e+00, v29;
	[tilespmem:s29+$0x40E0] =	vst v56;
	(xrf1) =	vsort.dscd.msk.f32 $0xffff, v58, v61;
	(erf) = vpow2.f32 v26;
	v31 =	vpop (erf)  }
0x320: {  	[tilespmem:s29+$0x40F0] =	vst v57;
	v54 =	vadd.f32 v51, v36;
	v57 =	vld [tilespmem:$0x1FFB0];
	(xrf1) =	vsort.dscd.msk.f32 $0xffff, v63, v23;
	_, v19, _ =	vpop (xrf1);
	v4 =	vmul.f32 $1.442695020e+00, v32  }
0x321: {  	[tilespmem:s31+$0x4000] =	vst v59;
	v59 =	vld [tilespmem:$0x1FFC0];
	(xrf1) =	vsort.dscd.msk.f32 $0xffff, v1, v7;
	(erf) = vpow2.f32 v8;
	v8 =	vmul.f32 $1.442695020e+00, v33;
	v52, _, _ =	vpop (xrf2)  }
0x322: {  	v60 =	vld [tilespmem:$0x1FFD0];
	v49 =	vpop (erf);
	(erf) = vpow2.f32 v4  }
0x323: {  	v18 =	vld [tilespmem:$0x1FFE0];
	v6 =	vadd.f32 v54, v40;
	v53 =	vpop (erf);
	(erf) = vpow2.f32 v8  }
0x324: {  	v21 =	vld [tilespmem:$0x1FFF0];
	[tilespmem:s29+$0x40C0] =	vst v22;
	v56 =	vpop (erf)  }
0x325: {  	v2 =	vsel vm14, v35, v2;
	[tilespmem:s0+$0x4000] =	vst v62;
	v6 =	vadd.f32 v6, v41;
	v4 =	vmul.f32 $1.442695020e+00, v50;
	v58 =	vpop (erf)  }
0x326: {  	v55 =	vsel vm14, v34, v14;
	[tilespmem:s2+$0x4000] =	vst v25;
	v5 =	vbroadcast v57, $0xF;
	v14 =	vmul.f32 $1.442695020e+00, v59;
	v63 =	vpop (erf)  }
0x327: {  	s2 =	sor.u32 $0x440, s30;
	[tilespmem:s12+$0x4000] =	vst v31;
	v3 =	vmul.f32 $1.442695020e+00, v60;
	v24 =	vadd.f32 v6, v43;
	(erf) = vpow2.f32 v4;
	_, v47, _ =	vpop (xrf1)  }
0x328: {  	[tilespmem:s2+$0x4000] =	vst v49;
	v62 =	vnsel vm1, $0x0, v5;
	v5 =	vmul.f32 $1.442695020e+00, v18;
	(erf) = vpow2.f32 v14;
	v20 =	vpop (erf)  }
0x329: {  	s12 =	sor.u32 $0x450, s30;
	[tilespmem:s29+$0x4100] =	vst v53;
	(erf) = vpow2.f32 v3;
	v3 =	vmul.f32 $1.442695020e+00, v21;
	_, v61, _ =	vpop (xrf1);
	(xrf1) =	vsort.dscd.msk.f32 $0xffff, v55, v2  }
0x32a: {  	v25 =	vmul.f32 $1.442695020e+00, v15;
	[tilespmem:s12+$0x4000] =	vst v62;
	v22 =	vpop (erf);
	(erf) = vpow2.f32 v5  }
0x32b: {  	v9 =	vmul.f32 $1.442695020e+00, v9;
	[tilespmem:s29+$0x4110] =	vst v56;
	(erf) = vpow2.f32 v3;
	v3 =	vadd.f32 v24, v42;
	v23 =	vpop (erf)  }
0x32c: {  	[tilespmem:s29+$0x4120] =	vst v58;
	v26 =	vpop (erf);
	(erf) = vpow2.f32 v25  }
0x32d: {  	v29 =	vmul.f32 $1.442695020e+00, v16;
	[tilespmem:s29+$0x4130] =	vst v63;
	_, v30, _ =	vpop (xrf1);
	v32 =	vadd.f32 v3, v45;
	(erf) = vpow2.f32 v9  }
0x32e: {  	v0 =	vmul.f32 $1.442695020e+00, v0;
	[tilespmem:s29+$0x4140] =	vst v20;
	_, v31, _ =	vpop (xrf1)  }
0x32f: {  	v33 =	vmul.f32 $1.442695020e+00, v28;
	[tilespmem:s29+$0x4150] =	vst v22;
	_, v34, _ =	vpop (xrf1);
	v1 =	vadd.f32 v32, v46;
	(erf) = vpow2.f32 v29  }
0x330: {  	v35 =	vmul.f32 $1.442695020e+00, v10;
	[tilespmem:s29+$0x4160] =	vst v23;
	v27 =	vpop (erf);
	(erf) = vpow2.f32 v0  }
0x331: {  	v37 =	vmul.f32 $1.442695020e+00, v19;
	[tilespmem:s29+$0x4170] =	vst v26;
	v36 =	vpop (erf);
	v1 =	vadd.f32 v1, v44;
	(erf) = vpow2.f32 v33  }
0x332: {  	v39 =	vmul.f32 $1.442695020e+00, v47;
	[tilespmem:s19+$0x4000] =	vst v27;
	v38 =	vpop (erf);
	(erf) = vpow2.f32 v35  }
0x333: {  	v41 =	vmul.f32 $1.442695020e+00, v61;
	[tilespmem:s11+$0x4000] =	vst v36;
	v40 =	vpop (erf);
	v1 =	vadd.f32 v1, v48;
	(erf) = vpow2.f32 v37  }
0x334: {  	v8 =	vbroadcast v52, $0xF;
	[tilespmem:s20+$0x4000] =	vst v38;
	v42 =	vpop (erf);
	(erf) = vpow2.f32 v39  }
0x335: {  	v43 =	vmul.f32 $1.442695020e+00, v30;
	s20 =	sor.u32 $0x440, s7;
	[tilespmem:s21+$0x4000] =	vst v40;
	(xrf2) =	vadd.scan.msk.f32 $0xffff, v1;
	(erf) = vpow2.f32 v41;
	v47 =	vpop (erf)  }
0x336: {  	v45 =	vmul.f32 $1.442695020e+00, v31;
	v46 =	vnsel vm1, $0x0, v8;
	s21 =	sor.u32 $0x450, s7;
	[tilespmem:s20+$0x4000] =	vst v42;
	v48 =	vpop (erf)  }
0x337: {  	v49 =	vmul.f32 $1.442695020e+00, v34;
	[tilespmem:s21+$0x4000] =	vst v46;
	(erf) = vpow2.f32 v43;
	_, v44, _ =	vpop (xrf1)  }
0x338: {  	(erf) = vpow2.f32 v45;
	[tilespmem:s29+$0x4180] =	vst v47;
	v50 =	vpop (erf);
	v2 =	vmul.f32 $1.442695020e+00, v44  }
0x339: {  	[tilespmem:s29+$0x4190] =	vst v48;
	(erf) = vpow2.f32 v49;
	v51 =	vpop (erf)  }
0x33a: {  	[tilespmem:s29+$0x41A0] =	vst v50;
	v52 =	vpop (erf);
	(erf) = vpow2.f32 v2  }
0x33b: {  	[tilespmem:s29+$0x41B0] =	vst v51;
	v53 =	vpop (erf)  }
0x33c: {  	[tilespmem:s29+$0x41C0] =	vst v52;
	v54 =	vpop (erf)  }
0x33d: {  	[tilespmem:s29+$0x41D0] =	vst v53;
	v55 =	vpop (erf)  }
0x33e: {  	[tilespmem:s29+$0x41E0] =	vst v54;
	v56 =	vpop (erf)  }
0x33f: {  	s25 =	sadd.s32 $0x4, s25;
	[tilespmem:s29+$0x41F0] =	vst v55;
	v59, _, _ =	vpop (xrf2)  }
0x340: {  	p2 =	slt.u32 s25, $0x1C;
	v57 =	vpop (erf);
	[tilespmem:s13+$0x4000] =	vst v56  }
.Ltmp0:
0x341: {  	v58 =	vpop (erf);
	[tilespmem:s14+$0x4000] =	vst v57;
	(pc) =	sbr.rel @p2 .LBB2_3-.Ltmp0, $4  }
0x342: {  	v61 =	vbroadcast v59, $0xF;
	v60 =	vpop (erf);
	[tilespmem:s16+$0x4000] =	vst v58  }
0x343: {  	s30 =	sor.u32 $0x440, s6;
	[tilespmem:s18+$0x4000] =	vst v60;
	v62 =	vpop (erf)  }
0x344: {  	s31 =	sor.u32 $0x450, s6;
	v63 =	vnsel vm1, $0x0, v61;
	[tilespmem:s30+$0x4000] =	vst v62  }
0x345: {  	s28 =	sadd.s32 $0x200, s28;
	p1 =	por !p1, !p1;
	s26 =	sadd.s32 $0x400, s26;
	[tilespmem:s31+$0x4000] =	vst v63  }
0x346: {  	s0 =	sadd.s32 s24, s9;
	s2 =	simm.s32 $0x4000;
	p1 =	seq.s32 s22, $0x7  }
0x347: {  	[hbm4b:s0+s1] =	stream.linear.scatter [tilespmem:s2], [sflag:$0x3], $0x2000, $0x38;
	[tilespmem:$0xC000] =	vst v63  }
0x348: {  	s0 =	sadd.s32 @!p1 s24, s10  }
0x349: {  	s6 =	simm.s32 @!p1 $0x0;
	s2 =	sadd.s32 @!p1 s3, s0  }
0x34a: {  	[tilespmem:s6], [sflag:$0x1] =	stream.linear.gather @!p1 [hbm4b:s2+s6], $0x2000, $0x38;
	[tilespmem:$0xC000] =	vst v63  }
0x34b: {  	s0 =	sadd.s32 @!p1 s4, s0;
	s2 =	simm.s32 @!p1 $0x2000  }
0x34c: {  	[tilespmem:s2], [sflag:$0x1] =	stream.linear.gather @!p1 [hbm4b:s0+s6], $0x2000, $0x38;
	[tilespmem:$0xC000] =	vst v63  }
0x34d: {  	_ =	swait.ge [sflag:s17], $0x2000  }
0x34e: {  	[sflag:s17] =	ssyncset.done $0x0  }
0x34f: {  	[sflag:s17] =	ssyncadd.s32 $0xFFFFE000  }
0x350: {  	_ =	swait.ge [sflag:s17], $0x2000  }
0x351: {  	[sflag:s17] =	ssyncset.done $0x0  }
0x352: {  	s0 =	simm.s32 @!p0 $0x4;
	[sflag:s17] =	ssyncadd.s32 $0xFFFFE000  }
0x353: {  	_ =	swait.ge @!p0 [sflag:s0], $0x2000  }
0x354: {  	s25 =	simm.s32 $0x0;
	s26 =	simm.s32 $0x0;
	[sflag:s0] =	ssyncset.done @!p0 $0x0  }
0x355: {  	s24 =	simm.s32 $0xFFFFFFFC;
	[sflag:s0] =	ssyncadd.s32 @!p0 $0xFFFFE000;
	p0 =	por $0x0, $0x0  }
.LBB2_5:
0x356: {  	s0 =	sand.u32 $0x1800, s25;
	s2 =	sand.u32 $0x200, s26  }
0x357: {  	s28 =	sor.u32 s2, s0  }
0x358: {  	v0 =	vld [tilespmem:s28+$0x6000]  }
0x359: {  	v1 =	vld [tilespmem:s28+$0x6010]  }
0x35a: {  	v2 =	vld [tilespmem:s28+$0x6020]  }
0x35b: {  	v3 =	vld [tilespmem:s28+$0x6030]  }
0x35c: {  	v13 =	vld [tilespmem:s28+$0x6040]  }
0x35d: {  	v14 =	vld [tilespmem:s28+$0x6050]  }
0x35e: {  	v15 =	vld [tilespmem:s28+$0x6060]  }
0x35f: {  	v16 =	vld [tilespmem:s28+$0x6070]  }
0x360: {  	v12 =	vld [tilespmem:s28+$0x8000]  }
0x361: {  	v11 =	vld [tilespmem:s28+$0x8010]  }
0x362: {  	v10 =	vld [tilespmem:s28+$0x8020]  }
0x363: {  	s0 =	simm.s32 $0x1;
	v9 =	vld [tilespmem:s28+$0x8030]  }
0x364: {  	s0 =	simm.s32 @!p0 $0x0;
	v8 =	vld [tilespmem:s28+$0x8040]  }
0x365: {  	v7 =	vld [tilespmem:s28+$0x8050];
	s0 =	sshll.u32 s0, $0x9  }
0x366: {  	v6 =	vld [tilespmem:s28+$0x8060];
	s6 =	sadd.s32 s0, s25  }
0x367: {  	v5 =	vld [tilespmem:s28+$0x8070];
	s11 =	sor.u32 $0x400, s6;
	(xrf1) =	vsort.dscd.msk.f32 $0xffff, v0, v12  }
0x368: {  	s7 =	sor.u32 $0x410, s6;
	v17 =	vld [tilespmem:s11+$0x6000];
	(xrf1) =	vsort.ascd.msk.f32 $0xffff, v1, v11  }
0x369: {  	s19 =	sor.u32 $0x420, s6;
	v18 =	vld [tilespmem:s7+$0x6000];
	(xrf1) =	vsort.dscd.msk.f32 $0xffff, v2, v10  }
0x36a: {  	v44 =	vld [tilespmem:s19+$0x6000];
	(xrf1) =	vsort.ascd.msk.f32 $0xffff, v3, v9  }
0x36b: {  	s20 =	sor.u32 $0x430, s6;
	v4 =	vld [tilespmem:s11+$0x8000];
	(xrf1) =	vsort.dscd.msk.f32 $0xffff, v13, v8  }
0x36c: {  	v45 =	vld [tilespmem:s20+$0x6000];
	(xrf1) =	vsort.ascd.msk.f32 $0xffff, v14, v7  }
0x36d: {  	v3 =	vld [tilespmem:s7+$0x8000]  }
0x36e: {  	v2 =	vld [tilespmem:s19+$0x8000];
	(xrf1) =	vsort.dscd.msk.f32 $0xffff, v15, v6  }
0x36f: {  	v1 =	vld [tilespmem:s20+$0x8000];
	(xrf1) =	vsort.ascd.msk.f32 $0xffff, v16, v5  }
0x370: {  	s0 =	sor.u32 $0x438, s6  }
0x371: {  	v46 =	vld [tilespmem:s0+$0x6000];
	(xrf1) =	vsort.dscd.msk.f32 $0xffff, v17, v4  }
0x372: {  	v13 =	vld [tilespmem:s0+$0x8000];
	(xrf1) =	vsort.ascd.msk.f32 $0xffff, v18, v3  }
0x373: {  	(xrf1) =	vsort.dscd.msk.f32 $0xffff, v44, v2  }
0x374: {  	(xrf1) =	vsort.ascd.msk.f32 $0xffff, v45, v1  }
0x375: {  	v47, v48, _ =	vpop (xrf1)  }
0x376: {  	v49, v50, _ =	vpop (xrf1)  }
0x377: {  	v15 =	vsel vm0, $0xFF800000, v46;
	v51 =	vsel vm0, $0xFF800000, v13;
	v19, v20, _ =	vpop (xrf1);
	vm2 =	vgt.f32 v49, v47  }
0x378: {  	(xrf1) =	vsort.dscd.msk.f32 $0xffff, v15, v51;
	v21, v22, _ =	vpop (xrf1);
	v52 =	vsel vm2, v49, v47;
	v24 =	vsel vm2, v50, v48  }
0x379: {  	v0 =	vsel vm2, v47, v49;
	v14 =	vsel vm2, v48, v50;
	v53, v23, _ =	vpop (xrf1);
	vm3 =	vlt.f32 v21, v19  }
0x37a: {  	(xrf1) =	vsort.dscd.msk.f32 $0xffff, v52, v24;
	v54, v25, _ =	vpop (xrf1);
	v55 =	vsel vm3, v21, v19;
	v26 =	vsel vm3, v22, v20  }
0x37b: {  	v19 =	vsel vm3, v19, v21;
	(xrf1) =	vsort.dscd.msk.f32 $0xffff, v0, v14;
	vm2 =	vgt.f32 v54, v53  }
0x37c: {  	v20 =	vsel vm3, v20, v22;
	v57, v56, _ =	vpop (xrf1);
	(xrf1) =	vsort.ascd.msk.f32 $0xffff, v55, v26;
	v58 =	vsel vm2, v54, v53  }
0x37d: {  	v0, v14, _ =	vpop (xrf1);
	v59 =	vsel vm2, v25, v23;
	v16 =	vsel vm2, v53, v54;
	(xrf1) =	vsort.ascd.msk.f32 $0xffff, v19, v20  }
0x37e: {  	v23 =	vsel vm2, v23, v25;
	vm2 =	vlt.f32 v0, v57;
	(xrf1) =	vsort.dscd.msk.f32 $0xffff, v58, v59  }
0x37f: {  	v61, v60, _ =	vpop (xrf1);
	v62 =	vsel vm2, v0, v57;
	v63 =	vsel vm2, v14, v56;
	(xrf1) =	vsort.dscd.msk.f32 $0xffff, v16, v23  }
0x380: {  	v19, v20, _ =	vpop (xrf1);
	v0 =	vsel vm2, v57, v0;
	v14 =	vsel vm2, v56, v14;
	(xrf1) =	vsort.ascd.msk.f32 $0xffff, v62, v63  }
0x381: {  	vm3 =	vgt.f32 v19, v61;
	v28, v29, _ =	vpop (xrf1);
	(xrf1) =	vsort.ascd.msk.f32 $0xffff, v0, v14  }
0x382: {  	v30 =	vsel vm3, v19, v61;
	v31, v32, _ =	vpop (xrf1);
	v33 =	vsel vm3, v20, v60;
	v17 =	vsel vm3, v61, v19  }
0x383: {  	v34 =	vsel vm3, v60, v20;
	vm2 =	vlt.f32 v31, v28;
	(xrf1) =	vsort.dscd.msk.f32 $0xffff, v30, v33  }
0x384: {  	v35 =	vsel vm2, v31, v28;
	v36 =	vsel vm2, v32, v29;
	(xrf1) =	vsort.dscd.msk.f32 $0xffff, v17, v34  }
0x385: {  	(xrf1) =	vsort.ascd.msk.f32 $0xffff, v35, v36  }
0x386: {  	v37 =	vsel vm2, v28, v31;
	v38 =	vsel vm2, v29, v32  }
0x387: {  	(xrf1) =	vsort.ascd.msk.f32 $0xffff, v37, v38;
	v0, v14, _ =	vpop (xrf1)  }
0x388: {  	v39, v40, _ =	vpop (xrf1)  }
0x389: {  	v41, v42, _ =	vpop (xrf1)  }
0x38a: {  	v43, v44, _ =	vpop (xrf1)  }
0x38b: {  	v45, v46, _ =	vpop (xrf1);
	vm2 =	vgt.f32 v43, v39  }
0x38c: {  	(xrf1) =	vsort.dscd.msk.f32 $0xffff, v0, v14;
	v48, v47, _ =	vpop (xrf1);
	v49 =	vsel vm2, v43, v39  }
0x38d: {  	v28 =	vsel vm2, v44, v40;
	v15 =	vsel vm2, v39, v43;
	vm3 =	vgt.f32 v45, v41;
	v25, v26, _ =	vpop (xrf1)  }
0x38e: {  	v16 =	vsel vm2, v40, v44;
	v52 =	vsel vm3, v45, v41;
	v30 =	vsel vm3, v46, v42;
	v50, v27, _ =	vpop (xrf1)  }
0x38f: {  	v17 =	vsel vm3, v41, v45;
	v18 =	vsel vm3, v42, v46;
	v51, v29, _ =	vpop (xrf1);
	vm2 =	vlt.f32 v50, v48  }
0x390: {  	v33 =	vsel vm2, v50, v48;
	v34 =	vsel vm2, v27, v47;
	vm3 =	vlt.f32 v51, v25  }
0x391: {  	v31, v32, _ =	vpop (xrf1);
	v14 =	vsel vm2, v48, v50;
	v56 =	vsel vm3, v51, v25;
	v57 =	vsel vm3, v29, v26  }
0x392: {  	v53, v54, _ =	vpop (xrf1);
	v19 =	vsel vm3, v25, v51;
	v26 =	vsel vm3, v26, v29;
	vm3 =	vgt.f32 v52, v49  }
0x393: {  	v55 =	vsel vm2, v47, v27;
	v35, v36, _ =	vpop (xrf1);
	v62 =	vsel vm3, v52, v49;
	v63 =	vsel vm3, v30, v28  }
0x394: {  	v0 =	vsel vm3, v49, v52;
	v40 =	vsel vm3, v28, v30;
	vm2 =	vgt.f32 v35, v31  }
0x395: {  	vm3 =	vlt.f32 v56, v33;
	v58, v37, _ =	vpop (xrf1);
	v59 =	vsel vm2, v35, v31;
	v38 =	vsel vm2, v36, v32  }
0x396: {  	v31 =	vsel vm2, v31, v35;
	v32 =	vsel vm2, v32, v36;
	vm2 =	vgt.f32 v58, v53  }
0x397: {  	(xrf1) =	vsort.dscd.msk.f32 $0xffff, v62, v63;
	v60 =	vsel vm2, v58, v53;
	v61 =	vsel vm2, v37, v54  }
0x398: {  	v21 =	vsel vm2, v53, v58;
	v22 =	vsel vm2, v54, v37;
	vm2 =	vgt.f32 v17, v15  }
0x399: {  	(xrf1) =	vsort.dscd.msk.f32 $0xffff, v0, v40;
	v41 =	vsel vm2, v17, v15;
	v42 =	vsel vm2, v18, v16  }
0x39a: {  	v15 =	vsel vm2, v15, v17;
	v16 =	vsel vm2, v16, v18;
	(xrf1) =	vsort.dscd.msk.f32 $0xffff, v41, v42  }
0x39b: {  	v43 =	vsel vm3, v56, v33;
	v44 =	vsel vm3, v57, v34;
	(xrf1) =	vsort.dscd.msk.f32 $0xffff, v15, v16  }
0x39c: {  	v45 =	vsel vm3, v33, v56;
	v46 =	vsel vm3, v34, v57;
	(xrf1) =	vsort.ascd.msk.f32 $0xffff, v43, v44  }
0x39d: {  	vm2 =	vlt.f32 v19, v14;
	(xrf1) =	vsort.ascd.msk.f32 $0xffff, v45, v46  }
0x39e: {  	v47 =	vsel vm2, v19, v14;
	v48 =	vsel vm2, v26, v55  }
0x39f: {  	(xrf1) =	vsort.ascd.msk.f32 $0xffff, v47, v48  }
0x3a0: {  	v49 =	vsel vm2, v14, v19;
	v50 =	vsel vm2, v55, v26  }
0x3a1: {  	(xrf1) =	vsort.ascd.msk.f32 $0xffff, v49, v50;
	_ =	sdelay $0x2  }
0x3a2: {  	vm3 =	vgt.f32 v60, v59  }
0x3a3: {  	v51 =	vsel vm3, v60, v59;
	v52 =	vsel vm3, v61, v38;
	v53 =	vsel vm3, v59, v60;
	v14, v15, _ =	vpop (xrf1)  }
0x3a4: {  	v54 =	vsel vm3, v38, v61;
	vm2 =	vgt.f32 v21, v31;
	(xrf1) =	vsort.dscd.msk.f32 $0xffff, v51, v52;
	v59, v60, _ =	vpop (xrf1)  }
0x3a5: {  	v55 =	vsel vm2, v21, v31;
	v56 =	vsel vm2, v22, v32;
	(xrf1) =	vsort.dscd.msk.f32 $0xffff, v53, v54;
	v62, v61, _ =	vpop (xrf1)  }
0x3a6: {  	v57 =	vsel vm2, v31, v21;
	v58 =	vsel vm2, v32, v22;
	(xrf1) =	vsort.dscd.msk.f32 $0xffff, v55, v56;
	v44, v63, _ =	vpop (xrf1)  }
0x3a7: {  	(xrf1) =	vsort.dscd.msk.f32 $0xffff, v57, v58;
	v45, v46, _ =	vpop (xrf1)  }
0x3a8: {  	(xrf1) =	vsort.ascd.msk.f32 $0xffff, v14, v15;
	v47, v48, _ =	vpop (xrf1)  }
0x3a9: {  	v50, v49, _ =	vpop (xrf1);
	vm2 =	vgt.f32 v47, v59  }
0x3aa: {  	v55 =	vsel vm2, v47, v59;
	v56 =	vsel vm2, v48, v60;
	vm3 =	vgt.f32 v50, v62  }
0x3ab: {  	v51, v52, _ =	vpop (xrf1);
	v0 =	vsel vm2, v59, v47;
	v14 =	vsel vm2, v60, v48;
	v57 =	vsel vm3, v50, v62  }
0x3ac: {  	v58 =	vsel vm3, v49, v61;
	v15 =	vsel vm3, v62, v50;
	vm2 =	vgt.f32 v51, v44  }
0x3ad: {  	v54, v53, _ =	vpop (xrf1);
	v16 =	vsel vm3, v61, v49;
	v61 =	vsel vm2, v51, v44;
	v62 =	vsel vm2, v52, v63  }
0x3ae: {  	v17 =	vsel vm2, v44, v51;
	v18 =	vsel vm2, v63, v52;
	vm2 =	vgt.f32 v54, v45  }
0x3af: {  	v63 =	vsel vm2, v54, v45;
	v44 =	vsel vm2, v53, v46  }
0x3b0: {  	v19 =	vsel vm2, v45, v54;
	v20 =	vsel vm2, v46, v53;
	vm2 =	vgt.f32 v61, v55  }
0x3b1: {  	v46 =	vsel vm2, v61, v55;
	v47 =	vsel vm2, v62, v56  }
0x3b2: {  	v29, v30, _ =	vpop (xrf1);
	v24 =	vsel vm2, v55, v61;
	v48 =	vsel vm2, v56, v62;
	vm2 =	vgt.f32 v63, v57  }
0x3b3: {  	v33, v34, _ =	vpop (xrf1);
	v49 =	vsel vm2, v63, v57;
	v50 =	vsel vm2, v44, v58  }
0x3b4: {  	v22, v35, _ =	vpop (xrf1);
	v21 =	vsel vm2, v57, v63;
	v51 =	vsel vm2, v58, v44;
	vm2 =	vgt.f32 v19, v15  }
0x3b5: {  	v60, v59, _ =	vpop (xrf1);
	v54 =	vsel vm2, v19, v15;
	v55 =	vsel vm2, v20, v16;
	v15 =	vsel vm2, v15, v19  }
0x3b6: {  	v39, v40, _ =	vpop (xrf1);
	v16 =	vsel vm2, v16, v20;
	vm2 =	vlt.f32 v22, v29;
	vm4 =	vgt.f32 v49, v46  }
0x3b7: {  	vm15 =	vgt.f32 v21, v24;
	vm3 =	vlt.f32 v39, v60;
	v56 =	vsel vm2, v22, v29  }
0x3b8: {  	v57 =	vsel vm2, v35, v30;
	v41 =	vsel vm4, v49, v46;
	v42 =	vsel vm4, v50, v47  }
0x3b9: {  	v32 =	vsel vm4, v46, v49;
	v38 =	vsel vm4, v47, v50;
	v58 =	vsel vm15, v21, v24  }
0x3ba: {  	v21 =	vsel vm15, v24, v21;
	v27 =	vsel vm3, v39, v60;
	v45 =	vsel vm3, v40, v59  }
0x3bb: {  	v23 =	vsel vm3, v60, v39;
	v37 =	vsel vm3, v59, v40;
	vm3 =	vgt.f32 v17, v0  }
0x3bc: {  	v59 =	vsel vm15, v51, v48;
	(xrf1) =	vsort.dscd.msk.f32 $0xffff, v41, v42;
	v60 =	vsel vm15, v48, v51  }
0x3bd: {  	v52 =	vsel vm3, v17, v0;
	v53 =	vsel vm3, v18, v14;
	v0 =	vsel vm3, v0, v17  }
0x3be: {  	v14 =	vsel vm3, v14, v18;
	vm3 =	vlt.f32 v23, v33;
	(xrf1) =	vsort.dscd.msk.f32 $0xffff, v32, v38  }
0x3bf: {  	vm5 =	vgt.f32 v54, v52;
	(xrf1) =	vsort.dscd.msk.f32 $0xffff, v58, v59;
	vm8 =	vgt.f32 v15, v0  }
0x3c0: {  	v61 =	vsel vm5, v54, v52;
	v62 =	vsel vm5, v55, v53;
	(xrf1) =	vsort.dscd.msk.f32 $0xffff, v21, v60  }
0x3c1: {  	v17 =	vsel vm5, v52, v54;
	v18 =	vsel vm5, v53, v55;
	(xrf1) =	vsort.dscd.msk.f32 $0xffff, v61, v62  }
0x3c2: {  	v63 =	vsel vm8, v15, v0;
	v31 =	vsel vm8, v16, v14;
	(xrf1) =	vsort.dscd.msk.f32 $0xffff, v17, v18  }
0x3c3: {  	v0 =	vsel vm8, v0, v15;
	v14 =	vsel vm8, v14, v16;
	(xrf1) =	vsort.dscd.msk.f32 $0xffff, v63, v31  }
0x3c4: {  	v39 =	vsel vm2, v30, v35;
	v36 =	vsel vm3, v23, v33;
	(xrf1) =	vsort.dscd.msk.f32 $0xffff, v0, v14  }
0x3c5: {  	v38 =	vsel vm3, v37, v34;
	vm9 =	vlt.f32 v36, v56;
	(xrf1) =	vsort.ascd.msk.f32 $0xffff, v27, v45  }
0x3c6: {  	v32 =	vsel vm2, v29, v22;
	v40 =	vsel vm9, v36, v56;
	v41 =	vsel vm9, v38, v57  }
0x3c7: {  	v42 =	vsel vm3, v33, v23;
	v43 =	vsel vm3, v34, v37;
	(xrf1) =	vsort.ascd.msk.f32 $0xffff, v40, v41  }
0x3c8: {  	vm2 =	vlt.f32 v42, v32;
	v16 =	vsel vm9, v56, v36;
	v0 =	vsel vm9, v57, v38  }
0x3c9: {  	v44 =	vsel vm2, v42, v32;
	v45 =	vsel vm2, v43, v39;
	(xrf1) =	vsort.ascd.msk.f32 $0xffff, v16, v0  }
0x3ca: {  	(xrf1) =	vsort.ascd.msk.f32 $0xffff, v44, v45  }
0x3cb: {  	v46 =	vsel vm2, v32, v42;
	v14 =	vsel vm2, v39, v43;
	v16, v17, _ =	vpop (xrf1)  }
0x3cc: {  	(xrf1) =	vsort.ascd.msk.f32 $0xffff, v46, v14;
	v18, v19, _ =	vpop (xrf1)  }
0x3cd: {  	v0, v20, _ =	vpop (xrf1)  }
0x3ce: {  	v48, v47, _ =	vpop (xrf1)  }
0x3cf: {  	v49, v50, _ =	vpop (xrf1)  }
0x3d0: {  	v52, v51, _ =	vpop (xrf1)  }
0x3d1: {  	v54, v53, _ =	vpop (xrf1)  }
0x3d2: {  	v13 =	vsel vm0, $0x0, v13;
	v27, v28, _ =	vpop (xrf1)  }
0x3d3: {  	v12 =	vadd.f32 v13, v12;
	v55, v56, _ =	vpop (xrf1)  }
0x3d4: {  	vm2 =	vgt.f32 v55, v48  }
0x3d5: {  	v11 =	vadd.f32 v12, v11;
	v58, v57, _ =	vpop (xrf1);
	v33 =	vsel vm2, v55, v48  }
0x3d6: {  	v34 =	vsel vm2, v56, v47;
	v14 =	vsel vm2, v48, v55;
	vm3 =	vgt.f32 v58, v49  }
0x3d7: {  	v60, v59, _ =	vpop (xrf1);
	v15 =	vsel vm2, v47, v56;
	v61 =	vsel vm3, v58, v49;
	v62 =	vsel vm3, v57, v50  }
0x3d8: {  	v44, v63, _ =	vpop (xrf1);
	v21 =	vsel vm3, v49, v58;
	v22 =	vsel vm3, v50, v57;
	vm2 =	vgt.f32 v60, v52  }
0x3d9: {  	v45 =	vsel vm2, v60, v52;
	v46 =	vsel vm2, v59, v51;
	vm3 =	vgt.f32 v44, v54  }
0x3da: {  	v39, v40, _ =	vpop (xrf1);
	v23 =	vsel vm2, v52, v60;
	v24 =	vsel vm2, v51, v59;
	v47 =	vsel vm3, v44, v54  }
0x3db: {  	v48 =	vsel vm3, v63, v53;
	v25 =	vsel vm3, v54, v44;
	vm2 =	vgt.f32 v39, v27  }
0x3dc: {  	v26 =	vsel vm3, v53, v63;
	vm3 =	vgt.f32 v45, v18;
	v49 =	vsel vm2, v39, v27  }
0x3dd: {  	v50 =	vsel vm2, v40, v28;
	v27 =	vsel vm2, v27, v39;
	v28 =	vsel vm2, v28, v40  }
0x3de: {  	vm2 =	vgt.f32 v61, v16;
	v53 =	vsel vm3, v45, v18;
	v54 =	vsel vm3, v46, v19  }
0x3df: {  	v18 =	vsel vm3, v18, v45;
	v51 =	vsel vm2, v61, v16;
	v52 =	vsel vm2, v62, v17  }
0x3e0: {  	v16 =	vsel vm2, v16, v61;
	v17 =	vsel vm2, v17, v62;
	vm2 =	vgt.f32 v47, v0  }
0x3e1: {  	v19 =	vsel vm3, v19, v46;
	v55 =	vsel vm2, v47, v0;
	v56 =	vsel vm2, v48, v20  }
0x3e2: {  	v0 =	vsel vm2, v0, v47;
	v20 =	vsel vm2, v20, v48;
	vm2 =	vgt.f32 v49, v33  }
0x3e3: {  	v57 =	vsel vm2, v49, v33;
	v58 =	vsel vm2, v50, v34;
	v33 =	vsel vm2, v33, v49  }
0x3e4: {  	v34 =	vsel vm2, v34, v50;
	vm2 =	vgt.f32 v27, v14;
	vm3 =	vgt.f32 v55, v51  }
0x3e5: {  	v59 =	vsel vm2, v27, v14;
	v60 =	vsel vm2, v28, v15;
	v61 =	vsel vm3, v55, v51  }
0x3e6: {  	v62 =	vsel vm3, v56, v52;
	v31 =	vsel vm3, v51, v55;
	vm10 =	vgt.f32 v57, v53  }
0x3e7: {  	v32 =	vsel vm3, v52, v56;
	vm3 =	vgt.f32 v0, v16;
	vm11 =	vgt.f32 v33, v18  }
0x3e8: {  	v63 =	vsel vm10, v57, v53;
	v44 =	vsel vm10, v58, v54;
	v29 =	vsel vm10, v53, v57  }
0x3e9: {  	v45 =	vsel vm10, v54, v58;
	v46 =	vsel vm3, v0, v16;
	v47 =	vsel vm3, v20, v17  }
0x3ea: {  	v0 =	vsel vm3, v16, v0;
	v48 =	vsel vm3, v17, v20;
	v49 =	vsel vm11, v33, v18  }
0x3eb: {  	v50 =	vsel vm11, v34, v19;
	v18 =	vsel vm11, v18, v33;
	vm3 =	vgt.f32 v25, v21  }
0x3ec: {  	v19 =	vsel vm11, v19, v34;
	v51 =	vsel vm3, v25, v21;
	v52 =	vsel vm3, v26, v22  }
0x3ed: {  	v21 =	vsel vm3, v21, v25;
	v22 =	vsel vm3, v22, v26;
	vm3 =	vgt.f32 v59, v23  }
0x3ee: {  	vm12 =	vgt.f32 v63, v61;
	vm13 =	vgt.f32 v49, v46;
	v53 =	vsel vm3, v59, v23  }
0x3ef: {  	s29 =	sadd.s32 $0x80, s6;
	v54 =	vsel vm3, v60, v24;
	v23 =	vsel vm3, v23, v59;
	v24 =	vsel vm3, v24, v60  }
0x3f0: {  	s12 =	sor.u32 $0x430, s29;
	v55 =	vsel vm12, v63, v61;
	v56 =	vsel vm12, v44, v62;
	v39 =	vsel vm12, v61, v63  }
0x3f1: {  	v13 =	vld [tilespmem:s12+$0x8000];
	vm3 =	vgt.f32 v29, v31;
	v40 =	vsel vm12, v62, v44;
	v60 =	vsel vm13, v49, v46  }
0x3f2: {  	v35 =	vld [tilespmem:s28+$0x60B0];
	v62 =	vsel vm13, v50, v47;
	v17 =	vsel vm13, v46, v49;
	(xrf1) =	vsort.dscd.msk.f32 $0xffff, v55, v56  }
0x3f3: {  	v43 =	vld [tilespmem:s28+$0x6080];
	v57 =	vsel vm3, v29, v31;
	v58 =	vsel vm3, v45, v32;
	(xrf1) =	vsort.dscd.msk.f32 $0xffff, v39, v40  }
0x3f4: {  	v41 =	vld [tilespmem:s28+$0x60D0];
	v29 =	vsel vm3, v31, v29;
	v30 =	vsel vm3, v32, v45;
	(xrf1) =	vsort.dscd.msk.f32 $0xffff, v57, v58  }
0x3f5: {  	v59 =	vld [tilespmem:s28+$0x6090];
	v20 =	vsel vm13, v47, v50;
	vm3 =	vgt.f32 v18, v0;
	(xrf1) =	vsort.dscd.msk.f32 $0xffff, v29, v30  }
0x3f6: {  	v61 =	vld [tilespmem:s28+$0x60A0];
	vm14 =	vgt.f32 v53, v51;
	v63 =	vsel vm3, v18, v0;
	(xrf1) =	vsort.dscd.msk.f32 $0xffff, v60, v62  }
0x3f7: {  	v44 =	vld [tilespmem:s28+$0x60F0];
	v40 =	vsel vm3, v19, v48;
	v0 =	vsel vm3, v0, v18;
	(xrf1) =	vsort.dscd.msk.f32 $0xffff, v17, v20  }
0x3f8: {  	v46 =	vld [tilespmem:s28+$0x8080];
	v16 =	vsel vm3, v48, v19;
	v42 =	vsel vm14, v53, v51;
	(xrf1) =	vsort.dscd.msk.f32 $0xffff, v63, v40  }
0x3f9: {  	s13 =	sor.u32 $0x438, s29;
	v45 =	vsel vm14, v54, v52;
	v25 =	vsel vm14, v51, v53;
	v48 =	vld [tilespmem:s28+$0x8090];
	(xrf1) =	vsort.dscd.msk.f32 $0xffff, v0, v16  }
0x3fa: {  	v47 =	vsel vm14, v52, v54;
	vm3 =	vgt.f32 v23, v21;
	v51 =	vld [tilespmem:s13+$0x8000];
	(xrf1) =	vsort.dscd.msk.f32 $0xffff, v42, v45  }
0x3fb: {  	v52 =	vld [tilespmem:s28+$0x80A0];
	v49 =	vsel vm3, v23, v21;
	v50 =	vsel vm3, v24, v22;
	(xrf1) =	vsort.dscd.msk.f32 $0xffff, v25, v47  }
0x3fc: {  	v53 =	vld [tilespmem:s28+$0x80B0];
	v21 =	vsel vm3, v21, v23;
	v22 =	vsel vm3, v22, v24;
	(xrf1) =	vsort.dscd.msk.f32 $0xffff, v49, v50  }
0x3fd: {  	v14 =	vsel vm2, v14, v27;
	v15 =	vsel vm2, v15, v28;
	v54 =	vld [tilespmem:s28+$0x80C0];
	(xrf1) =	vsort.dscd.msk.f32 $0xffff, v21, v22  }
0x3fe: {  	v29 =	vld [tilespmem:s28+$0x60C0];
	(xrf1) =	vsort.dscd.msk.f32 $0xffff, v14, v15  }
0x3ff: {  	v10 =	vadd.f32 v11, v10;
	v55 =	vld [tilespmem:s28+$0x80D0];
	(xrf1) =	vsort.dscd.msk.f32 $0xffff, v43, v46  }
0x400: {  	v60 =	vld [tilespmem:s28+$0x80E0];
	v58 =	vsel vm0, $0x0, v51;
	_, v56, _ =	vpop (xrf1);
	(xrf1) =	vsort.ascd.msk.f32 $0xffff, v59, v48  }
0x401: {  	v9 =	vadd.f32 v10, v9;
	v17 =	vld [tilespmem:s28+$0x60E0];
	v0 =	vadd.f32 v58, v46;
	_, v59, _ =	vpop (xrf1);
	(xrf1) =	vsort.dscd.msk.f32 $0xffff, v61, v52  }
0x402: {  	s0 =	sor.u32 $0x410, s29;
	v62 =	vld [tilespmem:s28+$0x80F0];
	_, v61, _ =	vpop (xrf1);
	(xrf1) =	vsort.ascd.msk.f32 $0xffff, v35, v53  }
0x403: {  	s2 =	sor.u32 $0x420, s29;
	v8 =	vadd.f32 v9, v8;
	v36 =	vld [tilespmem:s0+$0x6000];
	v0 =	vadd.f32 v0, v48;
	_, v63, _ =	vpop (xrf1);
	(xrf1) =	vsort.dscd.msk.f32 $0xffff, v29, v54  }
0x404: {  	v38 =	vld [tilespmem:s2+$0x6000];
	_, v37, _ =	vpop (xrf1);
	(xrf1) =	vsort.ascd.msk.f32 $0xffff, v41, v55  }
0x405: {  	s30 =	sor.u32 $0x400, s29;
	v7 =	vadd.f32 v8, v7;
	v19 =	vld [tilespmem:s2+$0x8000];
	v0 =	vadd.f32 v0, v52;
	_, v39, _ =	vpop (xrf1)  }
0x406: {  	v57 =	vld [tilespmem:s30+$0x6000];
	(xrf1) =	vsort.dscd.msk.f32 $0xffff, v17, v60;
	_, v41, _ =	vpop (xrf1)  }
0x407: {  	v6 =	vadd.f32 v7, v6;
	v20 =	vld [tilespmem:s30+$0x8000];
	v0 =	vadd.f32 v0, v53;
	(xrf1) =	vsort.ascd.msk.f32 $0xffff, v44, v62;
	_, v17, _ =	vpop (xrf1)  }
0x408: {  	v29 =	vld [tilespmem:s0+$0x8000];
	_, v8, _ =	vpop (xrf1)  }
0x409: {  	v42 =	vld [tilespmem:s13+$0x6000];
	v0 =	vadd.f32 v0, v54;
	_, v21, _ =	vpop (xrf1)  }
0x40a: {  	v40 =	vld [tilespmem:s12+$0x6000];
	_, v7, _ =	vpop (xrf1)  }
0x40b: {  	v5 =	vadd.f32 v6, v5;
	v0 =	vadd.f32 v0, v55;
	_, v31, _ =	vpop (xrf1)  }
0x40c: {  	(xrf1) =	vsort.dscd.msk.f32 $0xffff, v57, v20;
	_, v6, _ =	vpop (xrf1)  }
0x40d: {  	v4 =	vadd.f32 v5, v4;
	v0 =	vadd.f32 v0, v60;
	(xrf1) =	vsort.ascd.msk.f32 $0xffff, v36, v29;
	v45, v44, _ =	vpop (xrf1)  }
0x40e: {  	v16 =	vsel vm0, $0xFF800000, v51;
	v46 =	vsel vm0, $0xFF800000, v42;
	v12 =	vmul.f32 $1.442695020e+00, v56;
	v47, v23, _ =	vpop (xrf1);
	(xrf1) =	vsort.dscd.msk.f32 $0xffff, v38, v19  }
0x40f: {  	v43 =	vmul.f32 $1.442695020e+00, v59;
	v0 =	vadd.f32 v0, v62;
	v48, v49, _ =	vpop (xrf1);
	(xrf1) =	vsort.ascd.msk.f32 $0xffff, v40, v13;
	vm2 =	vgt.f32 v47, v45  }
0x410: {  	(erf) = vpow2.f32 v12;
	v50, v51, _ =	vpop (xrf1);
	(xrf1) =	vsort.dscd.msk.f32 $0xffff, v46, v16;
	v52 =	vsel vm2, v47, v45;
	v53 =	vsel vm2, v23, v44  }
0x411: {  	v12 =	vsel vm2, v45, v47;
	v56 =	vsel vm2, v44, v23;
	v55, v54, _ =	vpop (xrf1);
	vm2 =	vlt.f32 v50, v48  }
0x412: {  	v11 =	vmul.f32 $1.442695020e+00, v61;
	(xrf1) =	vsort.dscd.msk.f32 $0xffff, v52, v53;
	v58, v57, _ =	vpop (xrf1);
	v59 =	vsel vm2, v50, v48;
	v60 =	vsel vm2, v51, v49  }
0x413: {  	(erf) = vpow2.f32 v43;
	v62 =	vsel vm2, v48, v50;
	(xrf1) =	vsort.dscd.msk.f32 $0xffff, v12, v56;
	vm3 =	vgt.f32 v58, v55  }
0x414: {  	v61 =	vmul.f32 $1.442695020e+00, v63;
	v63 =	vsel vm2, v49, v51;
	v12, v14, _ =	vpop (xrf1);
	(xrf1) =	vsort.ascd.msk.f32 $0xffff, v59, v60;
	v33 =	vsel vm3, v58, v55  }
0x415: {  	(erf) = vpow2.f32 v11;
	v35, v34, _ =	vpop (xrf1);
	v36 =	vsel vm3, v57, v54;
	v11 =	vsel vm3, v55, v58;
	(xrf1) =	vsort.ascd.msk.f32 $0xffff, v62, v63  }
0x416: {  	v10 =	vmul.f32 $1.442695020e+00, v37;
	v37 =	vsel vm3, v54, v57;
	vm2 =	vlt.f32 v35, v12;
	(xrf1) =	vsort.dscd.msk.f32 $0xffff, v33, v36  }
0x417: {  	v38 =	vmul.f32 $1.442695020e+00, v39;
	v39 =	vsel vm2, v35, v12;
	v40 =	vsel vm2, v34, v14;
	(xrf1) =	vsort.dscd.msk.f32 $0xffff, v11, v37  }
0x418: {  	v3 =	vadd.f32 v4, v3;
	(xrf1) =	vsort.ascd.msk.f32 $0xffff, v39, v40  }
0x419: {  	v5 =	vsel vm2, v12, v35  }
0x41a: {  	v2 =	vadd.f32 v3, v2;
	v45, v44, _ =	vpop (xrf1)  }
0x41b: {  	(erf) = vpow2.f32 v61;
	v9 =	vmul.f32 $1.442695020e+00, v41;
	v41 =	vsel vm2, v14, v34;
	v47, v46, _ =	vpop (xrf1)  }
0x41c: {  	v1 =	vadd.f32 v2, v1;
	(erf) = vpow2.f32 v10;
	(xrf1) =	vsort.ascd.msk.f32 $0xffff, v5, v41;
	v5 =	vpop (erf)  }
0x41d: {  	v42 =	vmul.f32 $1.442695020e+00, v17;
	v8 =	vmul.f32 $1.442695020e+00, v8;
	vm2 =	vgt.f32 v47, v45;
	v48, v49, _ =	vpop (xrf1)  }
0x41e: {  	v0 =	vadd.f32 v0, v20;
	v54 =	vsel vm2, v47, v45;
	v55 =	vsel vm2, v46, v44;
	v50, v51, _ =	vpop (xrf1)  }
0x41f: {  	(xrf2) =	vadd.scan.msk.f32 $0xffff, v1;
	v4 =	vsel vm2, v45, v47;
	v56 =	vsel vm2, v44, v46;
	v53, v52, _ =	vpop (xrf1);
	vm2 =	vlt.f32 v50, v48  }
0x420: {  	v43 =	vmul.f32 $1.442695020e+00, v21;
	(erf) = vpow2.f32 v38;
	v57, v58, _ =	vpop (xrf1);
	v3 =	vsel vm2, v49, v51  }
0x421: {  	v0 =	vadd.f32 v0, v29;
	(erf) = vpow2.f32 v9;
	(xrf1) =	vsort.dscd.msk.f32 $0xffff, v54, v55;
	v2 =	vsel vm2, v48, v50;
	v63, v62, _ =	vpop (xrf1)  }
0x422: {  	(erf) = vpow2.f32 v42;
	v60 =	vsel vm2, v50, v48;
	v61 =	vsel vm2, v51, v49;
	(xrf1) =	vsort.dscd.msk.f32 $0xffff, v4, v56;
	v23, v22, _ =	vpop (xrf1)  }
0x423: {  	v7 =	vmul.f32 $1.442695020e+00, v7;
	v0 =	vadd.f32 v0, v19;
	(erf) = vpow2.f32 v8;
	(xrf1) =	vsort.ascd.msk.f32 $0xffff, v60, v61;
	v25, v24, _ =	vpop (xrf1)  }
0x424: {  	v21 =	vmul.f32 $1.442695020e+00, v6;
	(erf) = vpow2.f32 v43;
	(xrf1) =	vsort.ascd.msk.f32 $0xffff, v2, v3;
	vm2 =	vgt.f32 v23, v57;
	v2, v3, _ =	vpop (xrf1)  }
0x425: {  	v59 =	vmul.f32 $1.442695020e+00, v31;
	(erf) = vpow2.f32 v7;
	v26 =	vsel vm2, v23, v57;
	v31, v27, _ =	vpop (xrf1)  }
0x426: {  	v32 =	vsel vm2, v22, v58;
	v6 =	vsel vm2, v57, v23;
	vm3 =	vgt.f32 v25, v63;
	v34, v33, _ =	vpop (xrf1)  }
0x427: {  	v7 =	vsel vm2, v58, v22;
	v35 =	vsel vm3, v25, v63;
	vm2 =	vlt.f32 v34, v2  }
0x428: {  	v36 =	vsel vm3, v24, v62;
	v28 =	vsel vm2, v34, v2;
	v29 =	vsel vm2, v33, v3  }
0x429: {  	v30, _, _ =	vpop (xrf2);
	v2 =	vsel vm2, v2, v34;
	v3 =	vsel vm2, v3, v33;
	vm2 =	vgt.f32 v35, v26  }
0x42a: {  	v39 =	vpop (erf);
	(xrf1) =	vsort.dscd.msk.f32 $0xffff, v53, v52;
	v44 =	vsel vm2, v35, v26;
	v45 =	vsel vm2, v36, v32  }
0x42b: {  	v41 =	vpop (erf);
	v1 =	vsel vm2, v26, v35;
	v47 =	vsel vm2, v32, v36;
	(xrf1) =	vsort.dscd.msk.f32 $0xffff, v44, v45  }
0x42c: {  	v0 =	vadd.f32 v0, v13;
	v38, v37, _ =	vpop (xrf1);
	(xrf1) =	vsort.dscd.msk.f32 $0xffff, v1, v47  }
0x42d: {  	v43 =	vpop (erf);
	v10 =	vsel vm3, v63, v25;
	v11 =	vsel vm3, v62, v24;
	vm3 =	vlt.f32 v38, v31  }
0x42e: {  	v46 =	vpop (erf);
	v40 =	vsel vm3, v38, v31;
	v42 =	vsel vm3, v37, v27;
	vm2 =	vgt.f32 v10, v6  }
0x42f: {  	(xrf2) =	vadd.scan.msk.f32 $0xffff, v0;
	v48 =	vpop (erf);
	v4 =	vsel vm3, v31, v38;
	v0 =	vsel vm3, v27, v37;
	v49 =	vsel vm2, v10, v6  }
0x430: {  	[tilespmem:s28+$0xA000] =	vst v5;
	v51 =	vpop (erf);
	v50 =	vsel vm2, v11, v7;
	v6 =	vsel vm2, v6, v10;
	vm3 =	vlt.f32 v40, v28  }
0x431: {  	[tilespmem:s28+$0xA010] =	vst v39;
	v52 =	vpop (erf);
	v53 =	vsel vm2, v7, v11;
	vm2 =	vlt.f32 v4, v2;
	(xrf1) =	vsort.dscd.msk.f32 $0xffff, v49, v50  }
0x432: {  	(erf) = vpow2.f32 v59;
	v55 =	vpop (erf);
	v54 =	vsel vm3, v40, v28;
	v56 =	vsel vm3, v42, v29;
	(xrf1) =	vsort.dscd.msk.f32 $0xffff, v6, v53  }
0x433: {  	[tilespmem:s28+$0xA020] =	vst v41;
	v57 =	vpop (erf);
	v8 =	vsel vm3, v28, v40;
	v58 =	vsel vm3, v29, v42;
	(xrf1) =	vsort.ascd.msk.f32 $0xffff, v54, v56  }
0x434: {  	(erf) = vpow2.f32 v21;
	v60 =	vsel vm2, v4, v2;
	v61 =	vsel vm2, v0, v3;
	v32, v33, _ =	vpop (xrf1);
	(xrf1) =	vsort.ascd.msk.f32 $0xffff, v8, v58  }
0x435: {  	[tilespmem:s28+$0xA030] =	vst v43;
	v34, v35, _ =	vpop (xrf1);
	(xrf1) =	vsort.ascd.msk.f32 $0xffff, v60, v61  }
0x436: {  	[tilespmem:s28+$0xA040] =	vst v46;
	v37, v36, _ =	vpop (xrf1)  }
0x437: {  	[tilespmem:s28+$0xA050] =	vst v48;
	v39, v38, _ =	vpop (xrf1)  }
0x438: {  	[tilespmem:s28+$0xA060] =	vst v51;
	v41, v40, _ =	vpop (xrf1)  }
0x439: {  	[tilespmem:s28+$0xA070] =	vst v52;
	v2 =	vsel vm2, v2, v4;
	v0 =	vsel vm2, v3, v0;
	vm3 =	vgt.f32 v37, v32;
	v44, v43, _ =	vpop (xrf1)  }
0x43a: {  	[tilespmem:s11+$0xA000] =	vst v55;
	v48 =	vsel vm3, v37, v32;
	v46, v45, _ =	vpop (xrf1);
	(xrf1) =	vsort.ascd.msk.f32 $0xffff, v2, v0  }
0x43b: {  	v59 =	vpop (erf);
	[tilespmem:s7+$0xA000] =	vst v57;
	v50 =	vsel vm3, v36, v33;
	v11 =	vsel vm3, v32, v37;
	vm15 =	vgt.f32 v39, v34  }
0x43c: {  	v62 =	vpop (erf);
	[tilespmem:s19+$0xA000] =	vst v59;
	v51 =	vsel vm3, v33, v36;
	v52 =	vsel vm15, v39, v34;
	v53 =	vsel vm15, v38, v35  }
0x43d: {  	s14 =	sor.u32 $0x440, s6;
	v63 =	vpop (erf);
	[tilespmem:s20+$0xA000] =	vst v62;
	v56 =	vsel vm15, v34, v39;
	v57 =	vsel vm15, v35, v38;
	vm3 =	vgt.f32 v52, v48  }
0x43e: {  	v31, _, _ =	vpop (xrf2);
	[tilespmem:s14+$0xA000] =	vst v63;
	vm2 =	vgt.f32 v56, v11;
	v60 =	vsel vm3, v52, v48;
	v63 =	vsel vm3, v53, v50  }
0x43f: {  	[tilespmem:$0x1FE00] =	vst v31;
	v9 =	vsel vm3, v48, v52;
	v29 =	vsel vm3, v50, v53;
	v24, v49, _ =	vpop (xrf1);
	(xrf1) =	vsort.dscd.msk.f32 $0xffff, v60, v63  }
0x440: {  	v42 =	vbroadcast v30, $0xF;
	v30 =	vsel vm2, v56, v11;
	v31 =	vsel vm2, v57, v51;
	v17, v26, _ =	vpop (xrf1);
	(xrf1) =	vsort.dscd.msk.f32 $0xffff, v9, v29  }
0x441: {  	v32 =	vsel vm2, v11, v56;
	v33 =	vsel vm2, v51, v57;
	v55, v54, _ =	vpop (xrf1);
	(xrf1) =	vsort.dscd.msk.f32 $0xffff, v30, v31  }
0x442: {  	v58, v59, _ =	vpop (xrf1);
	(xrf1) =	vsort.dscd.msk.f32 $0xffff, v32, v33  }
0x443: {  	v62, v61, _ =	vpop (xrf1);
	(xrf1) =	vsort.ascd.msk.f32 $0xffff, v41, v40  }
0x444: {  	v47 =	vnsel vm1, $0x0, v42;
	vm2 =	vgt.f32 v55, v44  }
0x445: {  	v36 =	vsel vm2, v55, v44;
	v37 =	vsel vm2, v54, v43;
	vm3 =	vgt.f32 v58, v46  }
0x446: {  	v38 =	vsel vm2, v44, v55;
	v39 =	vsel vm2, v43, v54;
	v40 =	vsel vm3, v58, v46  }
0x447: {  	v42 =	vsel vm3, v59, v45;
	v10 =	vsel vm3, v46, v58;
	vm2 =	vgt.f32 v62, v24  }
0x448: {  	v16 =	vsel vm3, v45, v59;
	v45 =	vsel vm2, v62, v24;
	v46 =	vsel vm2, v61, v49;
	v35, v34, _ =	vpop (xrf1)  }
0x449: {  	v4 =	vsel vm2, v24, v62;
	v6 =	vsel vm2, v49, v61;
	vm2 =	vgt.f32 v35, v17  }
0x44a: {  	v49 =	vsel vm2, v35, v17;
	v50 =	vsel vm2, v34, v26  }
0x44b: {  	v0 =	vsel vm2, v17, v35;
	v2 =	vsel vm2, v26, v34;
	vm2 =	vgt.f32 v45, v36  }
0x44c: {  	v53 =	vsel vm2, v45, v36;
	v54 =	vsel vm2, v46, v37  }
0x44d: {  	v3, v5, _ =	vpop (xrf1);
	v7 =	vsel vm2, v36, v45;
	v8 =	vsel vm2, v37, v46;
	vm2 =	vgt.f32 v49, v40  }
0x44e: {  	v9, v11, _ =	vpop (xrf1);
	v55 =	vsel vm2, v49, v40;
	v56 =	vsel vm2, v50, v42  }
0x44f: {  	v41, v19, _ =	vpop (xrf1);
	v14 =	vsel vm2, v40, v49;
	v20 =	vsel vm2, v42, v50;
	vm2 =	vgt.f32 v0, v10  }
0x450: {  	s16 =	sor.u32 $0x450, s6;
	v44, v43, _ =	vpop (xrf1);
	v59 =	vsel vm2, v0, v10;
	v60 =	vsel vm2, v2, v16;
	v0 =	vsel vm2, v10, v0  }
0x451: {  	[tilespmem:s16+$0xA000] =	vst v47;
	v47, v48, _ =	vpop (xrf1);
	v2 =	vsel vm2, v16, v2;
	vm2 =	vlt.f32 v41, v3;
	vm8 =	vgt.f32 v55, v53  }
0x452: {  	vm9 =	vgt.f32 v14, v7;
	vm3 =	vlt.f32 v47, v44;
	v61 =	vsel vm2, v41, v3  }
0x453: {  	v62 =	vsel vm2, v19, v5;
	v63 =	vsel vm8, v55, v53;
	v1 =	vsel vm8, v56, v54  }
0x454: {  	v22 =	vsel vm8, v53, v55;
	v23 =	vsel vm8, v54, v56;
	v33 =	vsel vm9, v14, v7  }
0x455: {  	v34 =	vsel vm9, v20, v8;
	v7 =	vsel vm9, v7, v14;
	v8 =	vsel vm9, v8, v20  }
0x456: {  	v51 =	vsel vm3, v47, v44;
	v52 =	vsel vm3, v48, v43;
	v15 =	vsel vm3, v44, v47  }
0x457: {  	v21 =	vsel vm3, v43, v48;
	vm3 =	vgt.f32 v4, v38;
	(xrf1) =	vsort.dscd.msk.f32 $0xffff, v63, v1  }
0x458: {  	v57 =	vsel vm3, v4, v38;
	v58 =	vsel vm3, v6, v39;
	v4 =	vsel vm3, v38, v4  }
0x459: {  	v6 =	vsel vm3, v39, v6;
	vm3 =	vlt.f32 v15, v9;
	(xrf1) =	vsort.dscd.msk.f32 $0xffff, v22, v23  }
0x45a: {  	vm10 =	vgt.f32 v59, v57;
	(xrf1) =	vsort.dscd.msk.f32 $0xffff, v33, v34;
	vm11 =	vgt.f32 v0, v4  }
0x45b: {  	v35 =	vsel vm10, v59, v57;
	v36 =	vsel vm10, v60, v58;
	(xrf1) =	vsort.dscd.msk.f32 $0xffff, v7, v8  }
0x45c: {  	v12 =	vsel vm10, v57, v59;
	v37 =	vsel vm10, v58, v60;
	(xrf1) =	vsort.dscd.msk.f32 $0xffff, v35, v36  }
0x45d: {  	v38 =	vsel vm11, v0, v4;
	v39 =	vsel vm11, v2, v6;
	(xrf1) =	vsort.dscd.msk.f32 $0xffff, v12, v37  }
0x45e: {  	v0 =	vsel vm11, v4, v0;
	v2 =	vsel vm11, v6, v2;
	(xrf1) =	vsort.dscd.msk.f32 $0xffff, v38, v39  }
0x45f: {  	v3 =	vsel vm2, v3, v41;
	v40 =	vsel vm3, v15, v9;
	(xrf1) =	vsort.dscd.msk.f32 $0xffff, v0, v2  }
0x460: {  	v41 =	vsel vm3, v21, v11;
	vm12 =	vlt.f32 v40, v61;
	(xrf1) =	vsort.ascd.msk.f32 $0xffff, v51, v52  }
0x461: {  	v42 =	vsel vm2, v5, v19;
	v43 =	vsel vm12, v40, v61;
	v44 =	vsel vm12, v41, v62  }
0x462: {  	v45 =	vsel vm3, v9, v15;
	v46 =	vsel vm3, v11, v21;
	(xrf1) =	vsort.ascd.msk.f32 $0xffff, v43, v44  }
0x463: {  	vm2 =	vlt.f32 v45, v3;
	v4 =	vsel vm12, v61, v40;
	v0 =	vsel vm12, v62, v41  }
0x464: {  	v47 =	vsel vm2, v45, v3;
	v48 =	vsel vm2, v46, v42;
	(xrf1) =	vsort.ascd.msk.f32 $0xffff, v4, v0  }
0x465: {  	(xrf1) =	vsort.ascd.msk.f32 $0xffff, v47, v48  }
0x466: {  	v49 =	vsel vm2, v3, v45;
	v2 =	vsel vm2, v42, v46;
	v50, v51, _ =	vpop (xrf1)  }
0x467: {  	(xrf1) =	vsort.ascd.msk.f32 $0xffff, v49, v2;
	v52, v53, _ =	vpop (xrf1)  }
0x468: {  	v55, v54, _ =	vpop (xrf1)  }
0x469: {  	v57, v56, _ =	vpop (xrf1)  }
0x46a: {  	v58, v59, _ =	vpop (xrf1)  }
0x46b: {  	v60, v12, _ =	vpop (xrf1)  }
0x46c: {  	v13, v61, _ =	vpop (xrf1)  }
0x46d: {  	v62, v63, _ =	vpop (xrf1)  }
0x46e: {  	v17, v31, _ =	vpop (xrf1)  }
0x46f: {  	vm2 =	vgt.f32 v17, v57  }
0x470: {  	v33, v32, _ =	vpop (xrf1);
	v34 =	vsel vm2, v17, v57  }
0x471: {  	v35 =	vsel vm2, v31, v56;
	v2 =	vsel vm2, v57, v17;
	vm3 =	vgt.f32 v33, v58  }
0x472: {  	v37, v36, _ =	vpop (xrf1);
	v3 =	vsel vm2, v56, v31;
	v38 =	vsel vm3, v33, v58;
	v39 =	vsel vm3, v32, v59  }
0x473: {  	v40, v41, _ =	vpop (xrf1);
	v9 =	vsel vm3, v58, v33;
	v10 =	vsel vm3, v59, v32;
	vm2 =	vgt.f32 v37, v60  }
0x474: {  	v42 =	vsel vm2, v37, v60;
	v43 =	vsel vm2, v36, v12;
	vm3 =	vgt.f32 v40, v13  }
0x475: {  	v27, v28, _ =	vpop (xrf1);
	v11 =	vsel vm2, v60, v37;
	v12 =	vsel vm2, v12, v36;
	v44 =	vsel vm3, v40, v13  }
0x476: {  	v45 =	vsel vm3, v41, v61;
	v13 =	vsel vm3, v13, v40;
	vm2 =	vgt.f32 v27, v62  }
0x477: {  	v14 =	vsel vm3, v61, v41;
	vm3 =	vgt.f32 v42, v52;
	v46 =	vsel vm2, v27, v62  }
0x478: {  	v47 =	vsel vm2, v28, v63;
	v15 =	vsel vm2, v62, v27;
	v16 =	vsel vm2, v63, v28  }
0x479: {  	vm2 =	vgt.f32 v38, v50;
	v6 =	vsel vm3, v52, v42;
	v7 =	vsel vm3, v53, v43  }
0x47a: {  	v48 =	vsel vm2, v38, v50;
	v49 =	vsel vm2, v39, v51;
	v4 =	vsel vm2, v50, v38  }
0x47b: {  	v5 =	vsel vm2, v51, v39;
	v50 =	vsel vm3, v42, v52;
	vm2 =	vgt.f32 v44, v55  }
0x47c: {  	v51 =	vsel vm3, v43, v53;
	v52 =	vsel vm2, v44, v55;
	v53 =	vsel vm2, v45, v54  }
0x47d: {  	v0 =	vsel vm2, v55, v44;
	v8 =	vsel vm2, v54, v45;
	vm2 =	vgt.f32 v46, v34  }
0x47e: {  	v54 =	vsel vm2, v46, v34;
	v55 =	vsel vm2, v47, v35  }
0x47f: {  	v21 =	vsel vm2, v34, v46;
	v22 =	vsel vm2, v35, v47;
	vm2 =	vgt.f32 v15, v2  }
0x480: {  	vm3 =	vgt.f32 v52, v48;
	v56 =	vsel vm2, v15, v2;
	v57 =	vsel vm2, v16, v3  }
0x481: {  	v58 =	vsel vm3, v52, v48;
	v59 =	vsel vm3, v53, v49;
	v19 =	vsel vm3, v48, v52  }
0x482: {  	vm13 =	vgt.f32 v54, v50;
	v20 =	vsel vm3, v49, v53;
	vm3 =	vgt.f32 v0, v4  }
0x483: {  	vm14 =	vgt.f32 v21, v6;
	v60 =	vsel vm13, v54, v50;
	v61 =	vsel vm13, v55, v51  }
0x484: {  	v17 =	vsel vm13, v50, v54;
	v62 =	vsel vm13, v51, v55;
	v63 =	vsel vm3, v0, v4  }
0x485: {  	v36 =	vsel vm3, v8, v5;
	v0 =	vsel vm3, v4, v0;
	v37 =	vsel vm3, v5, v8  }
0x486: {  	v38 =	vsel vm14, v21, v6;
	v39 =	vsel vm14, v22, v7;
	vm3 =	vgt.f32 v13, v9  }
0x487: {  	v6 =	vsel vm14, v6, v21;
	v7 =	vsel vm14, v7, v22;
	v40 =	vsel vm3, v13, v9  }
0x488: {  	v41 =	vsel vm3, v14, v10;
	v9 =	vsel vm3, v9, v13;
	v10 =	vsel vm3, v10, v14  }
0x489: {  	vm3 =	vgt.f32 v56, v11;
	vm15 =	vgt.f32 v60, v58;
	vm8 =	vgt.f32 v38, v63  }
0x48a: {  	v42 =	vsel vm3, v56, v11;
	v43 =	vsel vm3, v57, v12;
	v11 =	vsel vm3, v11, v56  }
0x48b: {  	v12 =	vsel vm3, v12, v57;
	v44 =	vsel vm15, v60, v58;
	v45 =	vsel vm15, v61, v59  }
0x48c: {  	v46 =	vld [tilespmem:s28+$0x6100];
	v27 =	vsel vm15, v58, v60;
	vm3 =	vgt.f32 v17, v19;
	v28 =	vsel vm15, v59, v61  }
0x48d: {  	v49 =	vld [tilespmem:s28+$0x6110];
	v51 =	vsel vm8, v38, v63;
	v53 =	vsel vm8, v39, v36;
	(xrf1) =	vsort.dscd.msk.f32 $0xffff, v44, v45  }
0x48e: {  	v52 =	vld [tilespmem:s28+$0x6130];
	v47 =	vsel vm3, v17, v19;
	v48 =	vsel vm3, v62, v20;
	(xrf1) =	vsort.dscd.msk.f32 $0xffff, v27, v28  }
0x48f: {  	v50 =	vld [tilespmem:s28+$0x6120];
	v17 =	vsel vm3, v19, v17;
	v18 =	vsel vm3, v20, v62;
	(xrf1) =	vsort.dscd.msk.f32 $0xffff, v47, v48  }
0x490: {  	v54 =	vld [tilespmem:s28+$0x6140];
	v5 =	vsel vm8, v63, v38;
	v8 =	vsel vm8, v36, v39;
	(xrf1) =	vsort.dscd.msk.f32 $0xffff, v17, v18  }
0x491: {  	v55 =	vld [tilespmem:s28+$0x6150];
	vm3 =	vgt.f32 v6, v0;
	vm9 =	vgt.f32 v42, v40;
	(xrf1) =	vsort.dscd.msk.f32 $0xffff, v51, v53  }
0x492: {  	s7 =	sadd.s32 $0x100, s6;
	v58 =	vld [tilespmem:s28+$0x6160];
	v56 =	vsel vm3, v6, v0;
	v57 =	vsel vm3, v7, v37;
	(xrf1) =	vsort.dscd.msk.f32 $0xffff, v5, v8  }
0x493: {  	s19 =	sor.u32 $0x400, s7;
	v59 =	vld [tilespmem:s28+$0x6170];
	v0 =	vsel vm3, v0, v6;
	v4 =	vsel vm3, v37, v7;
	(xrf1) =	vsort.dscd.msk.f32 $0xffff, v56, v57  }
0x494: {  	s11 =	sor.u32 $0x410, s7;
	v61 =	vld [tilespmem:s19+$0x6000];
	v60 =	vsel vm9, v42, v40;
	v62 =	vsel vm9, v43, v41;
	(xrf1) =	vsort.dscd.msk.f32 $0xffff, v0, v4  }
0x495: {  	v63 =	vld [tilespmem:s11+$0x6000];
	(xrf1) =	vsort.dscd.msk.f32 $0xffff, v60, v62  }
0x496: {  	v13 =	vsel vm9, v40, v42;
	v1 =	vsel vm9, v41, v43;
	vm3 =	vgt.f32 v11, v9;
	v26 =	vld [tilespmem:s28+$0x8100]  }
0x497: {  	v14 =	vsel vm3, v11, v9;
	v17 =	vsel vm3, v12, v10;
	(xrf1) =	vsort.dscd.msk.f32 $0xffff, v13, v1;
	v21 =	vld [tilespmem:s28+$0x8110]  }
0x498: {  	v19 =	vsel vm3, v10, v12;
	v18 =	vsel vm3, v9, v11;
	v24 =	vld [tilespmem:s28+$0x8120];
	(xrf1) =	vsort.dscd.msk.f32 $0xffff, v14, v17  }
0x499: {  	v2 =	vsel vm2, v2, v15;
	v3 =	vsel vm2, v3, v16;
	v22 =	vld [tilespmem:s28+$0x8130];
	(xrf1) =	vsort.dscd.msk.f32 $0xffff, v18, v19  }
0x49a: {  	v20 =	vld [tilespmem:s28+$0x8140];
	(xrf1) =	vsort.dscd.msk.f32 $0xffff, v2, v3  }
0x49b: {  	v23 =	vld [tilespmem:s28+$0x8150];
	(xrf1) =	vsort.dscd.msk.f32 $0xffff, v46, v26  }
0x49c: {  	_, v33, _ =	vpop (xrf1);
	(xrf1) =	vsort.ascd.msk.f32 $0xffff, v49, v21  }
0x49d: {  	v36 =	vld [tilespmem:s28+$0x8160];
	_, v35, _ =	vpop (xrf1);
	(xrf1) =	vsort.dscd.msk.f32 $0xffff, v50, v24  }
0x49e: {  	s20 =	sor.u32 $0x420, s7;
	v38 =	vld [tilespmem:s28+$0x8170];
	_, v37, _ =	vpop (xrf1);
	(xrf1) =	vsort.ascd.msk.f32 $0xffff, v52, v22  }
0x49f: {  	v34 =	vld [tilespmem:s20+$0x6000];
	_, v39, _ =	vpop (xrf1);
	(xrf1) =	vsort.dscd.msk.f32 $0xffff, v54, v20  }
0x4a0: {  	v40 =	vld [tilespmem:s19+$0x8000];
	_, v41, _ =	vpop (xrf1);
	(xrf1) =	vsort.ascd.msk.f32 $0xffff, v55, v23  }
0x4a1: {  	s21 =	sor.u32 $0x430, s7;
	v42 =	vld [tilespmem:s11+$0x8000];
	_, v43, _ =	vpop (xrf1)  }
0x4a2: {  	v44 =	vld [tilespmem:s21+$0x6000];
	_, v45, _ =	vpop (xrf1);
	(xrf1) =	vsort.dscd.msk.f32 $0xffff, v58, v36  }
0x4a3: {  	v46 =	vld [tilespmem:s20+$0x8000];
	_, v47, _ =	vpop (xrf1);
	(xrf1) =	vsort.ascd.msk.f32 $0xffff, v59, v38  }
0x4a4: {  	s18 =	sor.u32 $0x438, s7;
	v48 =	vld [tilespmem:s21+$0x8000];
	_, v49, _ =	vpop (xrf1)  }
0x4a5: {  	v51 =	vld [tilespmem:s18+$0x6000];
	_, v50, _ =	vpop (xrf1)  }
0x4a6: {  	v27 =	vld [tilespmem:s18+$0x8000];
	(xrf1) =	vsort.dscd.msk.f32 $0xffff, v61, v40;
	_, v52, _ =	vpop (xrf1)  }
0x4a7: {  	(xrf1) =	vsort.ascd.msk.f32 $0xffff, v63, v42;
	_, v53, _ =	vpop (xrf1)  }
0x4a8: {  	(xrf1) =	vsort.dscd.msk.f32 $0xffff, v34, v46;
	_, v54, _ =	vpop (xrf1)  }
0x4a9: {  	(xrf1) =	vsort.ascd.msk.f32 $0xffff, v44, v48;
	v55, v56, _ =	vpop (xrf1)  }
0x4aa: {  	v57, v58, _ =	vpop (xrf1)  }
0x4ab: {  	v29 =	vsel vm0, $0xFF800000, v51;
	v59 =	vsel vm0, $0xFF800000, v27;
	v60, v61, _ =	vpop (xrf1);
	vm2 =	vgt.f32 v57, v55  }
0x4ac: {  	(xrf1) =	vsort.dscd.msk.f32 $0xffff, v29, v59;
	v63, v62, _ =	vpop (xrf1);
	v4 =	vsel vm2, v57, v55;
	v7 =	vsel vm2, v58, v56  }
0x4ad: {  	v0 =	vsel vm2, v55, v57;
	v28 =	vsel vm2, v56, v58;
	v6, v5, _ =	vpop (xrf1);
	vm3 =	vlt.f32 v63, v60  }
0x4ae: {  	(xrf1) =	vsort.dscd.msk.f32 $0xffff, v4, v7;
	v9, v8, _ =	vpop (xrf1);
	v10 =	vsel vm3, v63, v60;
	v11 =	vsel vm3, v62, v61  }
0x4af: {  	[tilespmem:$0x1FC80] =	vst v33;
	v33 =	vsel vm3, v60, v63;
	(xrf1) =	vsort.dscd.msk.f32 $0xffff, v0, v28;
	vm2 =	vgt.f32 v9, v6  }
0x4b0: {  	v34 =	vsel vm3, v61, v62;
	v13, v12, _ =	vpop (xrf1);
	(xrf1) =	vsort.ascd.msk.f32 $0xffff, v10, v11;
	v14 =	vsel vm2, v9, v6  }
0x4b1: {  	[tilespmem:$0x1FCB0] =	vst v23;
	v0, v28, _ =	vpop (xrf1);
	v15 =	vsel vm2, v8, v5;
	v30 =	vsel vm2, v6, v9;
	(xrf1) =	vsort.ascd.msk.f32 $0xffff, v33, v34  }
0x4b2: {  	[tilespmem:$0x1FCA0] =	vst v37;
	v37 =	vsel vm2, v5, v8;
	vm2 =	vlt.f32 v0, v13;
	(xrf1) =	vsort.dscd.msk.f32 $0xffff, v14, v15  }
0x4b3: {  	[tilespmem:$0x1FD50] =	vst v42;
	v18 =	vsel vm2, v0, v13;
	v19 =	vsel vm2, v28, v12;
	(xrf1) =	vsort.dscd.msk.f32 $0xffff, v30, v37  }
0x4b4: {  	[tilespmem:$0x1FD90] =	vst v48;
	v17, v16, _ =	vpop (xrf1);
	(xrf1) =	vsort.ascd.msk.f32 $0xffff, v18, v19  }
0x4b5: {  	[tilespmem:$0x1FCE0] =	vst v41;
	v33, v34, _ =	vpop (xrf1);
	v0 =	vsel vm2, v13, v0;
	v28 =	vsel vm2, v12, v28  }
0x4b6: {  	v25 =	vmov v20;
	[tilespmem:$0x1FD80] =	vst v46;
	vm3 =	vgt.f32 v33, v17;
	v20, v23, _ =	vpop (xrf1);
	(xrf1) =	vsort.ascd.msk.f32 $0xffff, v0, v28  }
0x4b7: {  	[tilespmem:$0x1FD00] =	vst v43;
	v41 =	vsel vm3, v33, v17;
	v44 =	vsel vm3, v34, v16;
	v31 =	vsel vm3, v17, v33;
	v42, v43, _ =	vpop (xrf1)  }
0x4b8: {  	[tilespmem:$0x1FD20] =	vst v45;
	v45 =	vsel vm3, v16, v34;
	(xrf1) =	vsort.dscd.msk.f32 $0xffff, v41, v44;
	vm2 =	vlt.f32 v42, v20  }
0x4b9: {  	[tilespmem:$0x1FD30] =	vst v47;
	(xrf1) =	vsort.dscd.msk.f32 $0xffff, v31, v45;
	v46 =	vsel vm2, v42, v20;
	v47 =	vsel vm2, v43, v23  }
0x4ba: {  	[tilespmem:$0x1FD40] =	vst v49;
	(xrf1) =	vsort.ascd.msk.f32 $0xffff, v46, v47  }
0x4bb: {  	[tilespmem:$0x1FD60] =	vst v50;
	v48 =	vsel vm2, v20, v42;
	v49 =	vsel vm2, v23, v43;
	v0, v28, _ =	vpop (xrf1)  }
0x4bc: {  	[tilespmem:$0x1FD70] =	vst v52;
	(xrf1) =	vsort.ascd.msk.f32 $0xffff, v48, v49;
	v50, v51, _ =	vpop (xrf1)  }
0x4bd: {  	[tilespmem:$0x1FDA0] =	vst v53;
	v52, v53, _ =	vpop (xrf1)  }
0x4be: {  	[tilespmem:$0x1FDB0] =	vst v54;
	v54, v55, _ =	vpop (xrf1)  }
0x4bf: {  	v56, v57, _ =	vpop (xrf1)  }
0x4c0: {  	[tilespmem:$0x1FD10] =	vst v40;
	vm2 =	vgt.f32 v54, v50;
	v59, v58, _ =	vpop (xrf1)  }
0x4c1: {  	[tilespmem:$0x1FCD0] =	vst v39;
	(xrf1) =	vsort.dscd.msk.f32 $0xffff, v0, v28;
	v60 =	vsel vm2, v54, v50;
	v63 =	vsel vm2, v55, v51;
	v39, v40, _ =	vpop (xrf1)  }
0x4c2: {  	v29 =	vsel vm2, v50, v54;
	vm3 =	vgt.f32 v56, v52;
	v30 =	vsel vm2, v51, v55;
	v62, v61, _ =	vpop (xrf1)  }
0x4c3: {  	v5 =	vsel vm3, v56, v52;
	v44 =	vsel vm3, v57, v53;
	vm2 =	vlt.f32 v62, v59  }
0x4c4: {  	v31 =	vsel vm3, v52, v56;
	v32 =	vsel vm3, v53, v57;
	v4, v3, _ =	vpop (xrf1);
	v47 =	vsel vm2, v62, v59  }
0x4c5: {  	v48 =	vsel vm2, v61, v58;
	vm3 =	vlt.f32 v4, v39;
	v28 =	vsel vm2, v59, v62  }
0x4c6: {  	v45, v46, _ =	vpop (xrf1);
	v8 =	vsel vm2, v58, v61;
	v9 =	vsel vm3, v4, v39;
	v10 =	vsel vm3, v3, v40  }
0x4c7: {  	v6, v7, _ =	vpop (xrf1);
	v33 =	vsel vm3, v39, v4;
	v40 =	vsel vm3, v40, v3;
	vm3 =	vgt.f32 v5, v60  }
0x4c8: {  	v15 =	vsel vm3, v5, v60;
	v16 =	vsel vm3, v44, v63;
	v0 =	vsel vm3, v60, v5;
	v49, v50, _ =	vpop (xrf1)  }
0x4c9: {  	v17 =	vsel vm3, v63, v44;
	vm3 =	vlt.f32 v9, v47;
	vm2 =	vgt.f32 v49, v45  }
0x4ca: {  	(xrf1) =	vsort.dscd.msk.f32 $0xffff, v15, v16;
	v11, v51, _ =	vpop (xrf1);
	v12 =	vsel vm2, v49, v45;
	v52 =	vsel vm2, v50, v46  }
0x4cb: {  	v45 =	vsel vm2, v45, v49;
	v46 =	vsel vm2, v46, v50;
	vm2 =	vgt.f32 v11, v6  }
0x4cc: {  	[tilespmem:$0x1FCC0] =	vst v36;
	v20 =	vsel vm3, v9, v47;
	v13 =	vsel vm2, v11, v6;
	v14 =	vsel vm2, v51, v7  }
0x4cd: {  	[tilespmem:$0x1FC90] =	vst v35;
	v35 =	vsel vm2, v6, v11;
	v36 =	vsel vm2, v7, v51;
	vm2 =	vgt.f32 v31, v29  }
0x4ce: {  	(xrf1) =	vsort.dscd.msk.f32 $0xffff, v0, v17;
	v18 =	vsel vm2, v31, v29;
	v19 =	vsel vm2, v32, v30  }
0x4cf: {  	v29 =	vsel vm2, v29, v31;
	v30 =	vsel vm2, v30, v32;
	(xrf1) =	vsort.dscd.msk.f32 $0xffff, v18, v19  }
0x4d0: {  	v23 =	vsel vm3, v10, v48;
	v39 =	vsel vm3, v47, v9;
	(xrf1) =	vsort.dscd.msk.f32 $0xffff, v29, v30  }
0x4d1: {  	v44 =	vsel vm3, v48, v10;
	vm2 =	vlt.f32 v33, v28;
	(xrf1) =	vsort.ascd.msk.f32 $0xffff, v20, v23  }
0x4d2: {  	v47 =	vsel vm2, v33, v28;
	v48 =	vsel vm2, v40, v8;
	(xrf1) =	vsort.ascd.msk.f32 $0xffff, v39, v44  }
0x4d3: {  	(xrf1) =	vsort.ascd.msk.f32 $0xffff, v47, v48  }
0x4d4: {  	v51 =	vsel vm2, v28, v33;
	v53 =	vsel vm2, v8, v40  }
0x4d5: {  	(xrf1) =	vsort.ascd.msk.f32 $0xffff, v51, v53;
	_ =	sdelay $0x3  }
0x4d6: {  	vm3 =	vgt.f32 v13, v12  }
0x4d7: {  	v54 =	vsel vm3, v13, v12;
	v55 =	vsel vm3, v14, v52;
	v56 =	vsel vm3, v12, v13;
	v28, v29, _ =	vpop (xrf1)  }
0x4d8: {  	v57 =	vsel vm3, v52, v14;
	vm2 =	vgt.f32 v35, v45;
	(xrf1) =	vsort.dscd.msk.f32 $0xffff, v54, v55;
	v62, v63, _ =	vpop (xrf1)  }
0x4d9: {  	v58 =	vsel vm2, v35, v45;
	v59 =	vsel vm2, v36, v46;
	(xrf1) =	vsort.dscd.msk.f32 $0xffff, v56, v57;
	v5, v4, _ =	vpop (xrf1)  }
0x4da: {  	v60 =	vsel vm2, v45, v35;
	v61 =	vsel vm2, v46, v36;
	(xrf1) =	vsort.dscd.msk.f32 $0xffff, v58, v59;
	v7, v6, _ =	vpop (xrf1)  }
0x4db: {  	(xrf1) =	vsort.dscd.msk.f32 $0xffff, v60, v61;
	v8, v9, _ =	vpop (xrf1)  }
0x4dc: {  	(xrf1) =	vsort.ascd.msk.f32 $0xffff, v28, v29;
	v10, v11, _ =	vpop (xrf1)  }
0x4dd: {  	v13, v12, _ =	vpop (xrf1);
	vm2 =	vgt.f32 v10, v62  }
0x4de: {  	v14, v15, _ =	vpop (xrf1);
	v18 =	vsel vm2, v10, v62;
	v19 =	vsel vm2, v11, v63;
	vm3 =	vgt.f32 v13, v5  }
0x4df: {  	v0 =	vsel vm2, v62, v10;
	v28 =	vsel vm2, v63, v11;
	vm2 =	vgt.f32 v14, v7  }
0x4e0: {  	v17, v16, _ =	vpop (xrf1);
	v20 =	vsel vm3, v13, v5;
	v59 =	vsel vm2, v14, v7;
	v60 =	vsel vm2, v15, v6  }
0x4e1: {  	v31 =	vsel vm2, v7, v14;
	v32 =	vsel vm2, v6, v15;
	vm2 =	vgt.f32 v17, v8  }
0x4e2: {  	v23 =	vsel vm3, v12, v4;
	v61 =	vsel vm2, v17, v8;
	v62 =	vsel vm2, v16, v9  }
0x4e3: {  	v33 =	vsel vm2, v8, v17;
	v34 =	vsel vm2, v9, v16;
	vm2 =	vgt.f32 v59, v18  }
0x4e4: {  	v29 =	vsel vm3, v5, v13;
	v5 =	vsel vm2, v59, v18;
	v6 =	vsel vm2, v60, v19  }
0x4e5: {  	[tilespmem:$0x1FCF0] =	vst v38;
	v38 =	vsel vm2, v18, v59;
	v7 =	vsel vm2, v19, v60;
	vm2 =	vgt.f32 v61, v20  }
0x4e6: {  	v43, v44, _ =	vpop (xrf1);
	v8 =	vsel vm2, v61, v20;
	v9 =	vsel vm2, v62, v23  }
0x4e7: {  	v47, v48, _ =	vpop (xrf1);
	v35 =	vsel vm2, v20, v61;
	v10 =	vsel vm2, v23, v62;
	vm2 =	vgt.f32 v33, v29  }
0x4e8: {  	v30 =	vsel vm3, v4, v12;
	v36, v49, _ =	vpop (xrf1);
	v13 =	vsel vm2, v33, v29  }
0x4e9: {  	v58, v57, _ =	vpop (xrf1);
	v14 =	vsel vm2, v34, v30;
	v29 =	vsel vm2, v29, v33;
	v30 =	vsel vm2, v30, v34  }
0x4ea: {  	v53, v54, _ =	vpop (xrf1);
	vm2 =	vlt.f32 v36, v43;
	vm10 =	vgt.f32 v8, v5;
	vm11 =	vgt.f32 v35, v38  }
0x4eb: {  	vm3 =	vlt.f32 v53, v58;
	v15 =	vsel vm2, v36, v43;
	v16 =	vsel vm2, v49, v44  }
0x4ec: {  	v55 =	vsel vm10, v8, v5;
	v56 =	vsel vm10, v9, v6;
	v46 =	vsel vm10, v5, v8  }
0x4ed: {  	v52 =	vsel vm10, v6, v9;
	v17 =	vsel vm11, v35, v38;
	v18 =	vsel vm11, v10, v7  }
0x4ee: {  	v35 =	vsel vm11, v38, v35;
	v63 =	vsel vm3, v53, v58;
	v4 =	vsel vm3, v54, v57  }
0x4ef: {  	v37 =	vsel vm3, v58, v53;
	v51 =	vsel vm3, v57, v54;
	vm3 =	vgt.f32 v31, v0  }
0x4f0: {  	v19 =	vsel vm11, v7, v10;
	(xrf1) =	vsort.dscd.msk.f32 $0xffff, v55, v56;
	v11 =	vsel vm3, v31, v0  }
0x4f1: {  	v12 =	vsel vm3, v32, v28;
	v0 =	vsel vm3, v0, v31;
	v28 =	vsel vm3, v28, v32  }
0x4f2: {  	vm3 =	vlt.f32 v37, v47;
	(xrf1) =	vsort.dscd.msk.f32 $0xffff, v46, v52;
	vm12 =	vgt.f32 v13, v11  }
0x4f3: {  	(xrf1) =	vsort.dscd.msk.f32 $0xffff, v17, v18;
	vm13 =	vgt.f32 v29, v0;
	v53 =	vsel vm3, v37, v47  }
0x4f4: {  	v20 =	vsel vm12, v13, v11;
	v23 =	vsel vm12, v14, v12;
	(xrf1) =	vsort.dscd.msk.f32 $0xffff, v35, v19  }
0x4f5: {  	v31 =	vsel vm12, v11, v13;
	v32 =	vsel vm12, v12, v14;
	(xrf1) =	vsort.dscd.msk.f32 $0xffff, v20, v23  }
0x4f6: {  	v46 =	vsel vm13, v29, v0;
	v50 =	vsel vm13, v30, v28;
	(xrf1) =	vsort.dscd.msk.f32 $0xffff, v31, v32  }
0x4f7: {  	v0 =	vsel vm13, v0, v29;
	v28 =	vsel vm13, v28, v30;
	(xrf1) =	vsort.dscd.msk.f32 $0xffff, v46, v50  }
0x4f8: {  	v54 =	vsel vm3, v51, v48;
	vm14 =	vlt.f32 v53, v15;
	(xrf1) =	vsort.dscd.msk.f32 $0xffff, v0, v28  }
0x4f9: {  	v56 =	vsel vm14, v53, v15;
	v57 =	vsel vm14, v54, v16;
	(xrf1) =	vsort.ascd.msk.f32 $0xffff, v63, v4  }
0x4fa: {  	v55 =	vsel vm2, v44, v49;
	v52 =	vsel vm2, v43, v36;
	(xrf1) =	vsort.ascd.msk.f32 $0xffff, v56, v57  }
0x4fb: {  	v58 =	vsel vm3, v47, v37;
	v30 =	vsel vm14, v15, v53;
	v0 =	vsel vm14, v16, v54  }
0x4fc: {  	v59 =	vsel vm3, v48, v51;
	vm2 =	vlt.f32 v58, v52;
	(xrf1) =	vsort.ascd.msk.f32 $0xffff, v30, v0  }
0x4fd: {  	v60 =	vsel vm2, v58, v52;
	v61 =	vsel vm2, v59, v55  }
0x4fe: {  	(xrf1) =	vsort.ascd.msk.f32 $0xffff, v60, v61  }
0x4ff: {  	v62 =	vsel vm2, v52, v58;
	v28 =	vsel vm2, v55, v59;
	v30, v31, _ =	vpop (xrf1)  }
0x500: {  	(xrf1) =	vsort.ascd.msk.f32 $0xffff, v62, v28;
	v32, v33, _ =	vpop (xrf1)  }
0x501: {  	v0, v34, _ =	vpop (xrf1)  }
0x502: {  	v1, v63, _ =	vpop (xrf1)  }
0x503: {  	v2, v3, _ =	vpop (xrf1)  }
0x504: {  	v5, v4, _ =	vpop (xrf1)  }
0x505: {  	v7, v6, _ =	vpop (xrf1)  }
0x506: {  	v41, v42, _ =	vpop (xrf1)  }
0x507: {  	v8, v9, _ =	vpop (xrf1)  }
0x508: {  	vm2 =	vgt.f32 v8, v1;
	v11, v10, _ =	vpop (xrf1)  }
0x509: {  	v12 =	vsel vm2, v8, v1;
	v13 =	vsel vm2, v9, v63;
	vm3 =	vgt.f32 v11, v2  }
0x50a: {  	v28 =	vsel vm2, v1, v8;
	v15, v14, _ =	vpop (xrf1);
	v29 =	vsel vm2, v63, v9;
	v16 =	vsel vm3, v11, v2  }
0x50b: {  	v17 =	vsel vm3, v10, v3;
	v35 =	vsel vm3, v2, v11;
	vm2 =	vgt.f32 v15, v5  }
0x50c: {  	v19, v18, _ =	vpop (xrf1);
	v36 =	vsel vm3, v3, v10;
	v20 =	vsel vm2, v15, v5;
	v23 =	vsel vm2, v14, v4  }
0x50d: {  	vm3 =	vgt.f32 v19, v7;
	v37 =	vsel vm2, v5, v15;
	v38 =	vsel vm2, v4, v14  }
0x50e: {  	v53, v54, _ =	vpop (xrf1);
	v57 =	vsel vm3, v19, v7;
	v58 =	vsel vm3, v18, v6;
	v39 =	vsel vm3, v7, v19  }
0x50f: {  	vm2 =	vgt.f32 v53, v41;
	v40 =	vsel vm3, v6, v18;
	vm3 =	vgt.f32 v20, v32  }
0x510: {  	v59 =	vsel vm2, v53, v41;
	v60 =	vsel vm2, v54, v42;
	v41 =	vsel vm2, v41, v53  }
0x511: {  	v42 =	vsel vm2, v42, v54;
	vm2 =	vgt.f32 v16, v30;
	v63 =	vsel vm3, v20, v32  }
0x512: {  	v4 =	vsel vm3, v23, v33;
	v61 =	vsel vm2, v16, v30;
	v62 =	vsel vm2, v17, v31  }
0x513: {  	v30 =	vsel vm2, v30, v16;
	v31 =	vsel vm2, v31, v17;
	vm2 =	vgt.f32 v57, v0  }
0x514: {  	v32 =	vsel vm3, v32, v20;
	v5 =	vsel vm2, v57, v0;
	v6 =	vsel vm2, v58, v34  }
0x515: {  	v0 =	vsel vm2, v0, v57;
	v34 =	vsel vm2, v34, v58;
	vm2 =	vgt.f32 v59, v12  }
0x516: {  	v33 =	vsel vm3, v33, v23;
	v7 =	vsel vm2, v59, v12;
	v8 =	vsel vm2, v60, v13  }
0x517: {  	v47 =	vsel vm2, v12, v59;
	v48 =	vsel vm2, v13, v60;
	vm2 =	vgt.f32 v41, v28  }
0x518: {  	vm3 =	vgt.f32 v5, v61;
	v9 =	vsel vm2, v41, v28;
	v10 =	vsel vm2, v42, v29  }
0x519: {  	v11 =	vsel vm3, v5, v61;
	v12 =	vsel vm3, v6, v62;
	v45 =	vsel vm3, v61, v5  }
0x51a: {  	vm15 =	vgt.f32 v7, v63;
	v46 =	vsel vm3, v62, v6;
	vm3 =	vgt.f32 v0, v30  }
0x51b: {  	vm8 =	vgt.f32 v47, v32;
	v28 =	vsel vm2, v28, v41;
	v29 =	vsel vm2, v29, v42  }
0x51c: {  	v13 =	vsel vm15, v7, v63;
	v14 =	vsel vm15, v8, v4;
	v43 =	vsel vm15, v63, v7  }
0x51d: {  	v15 =	vsel vm15, v4, v8;
	v16 =	vsel vm3, v0, v30;
	v17 =	vsel vm3, v34, v31  }
0x51e: {  	v0 =	vsel vm3, v30, v0;
	v18 =	vsel vm3, v31, v34;
	v19 =	vsel vm8, v47, v32  }
0x51f: {  	v20 =	vsel vm8, v48, v33;
	v32 =	vsel vm8, v32, v47;
	vm3 =	vgt.f32 v39, v35  }
0x520: {  	v33 =	vsel vm8, v33, v48;
	v23 =	vsel vm3, v39, v35;
	v60 =	vsel vm3, v40, v36  }
0x521: {  	v35 =	vsel vm3, v35, v39;
	v36 =	vsel vm3, v36, v40;
	vm3 =	vgt.f32 v9, v37  }
0x522: {  	vm9 =	vgt.f32 v13, v11;
	vm10 =	vgt.f32 v19, v16;
	v61 =	vsel vm3, v9, v37  }
0x523: {  	v62 =	vsel vm3, v10, v38;
	v37 =	vsel vm3, v37, v9;
	v63 =	vsel vm3, v38, v10  }
0x524: {  	v4 =	vsel vm9, v13, v11;
	v5 =	vsel vm9, v14, v12;
	v53 =	vsel vm9, v11, v13  }
0x525: {  	v44 =	vld [tilespmem:s28+$0x81E0];
	vm3 =	vgt.f32 v43, v45;
	v54 =	vsel vm9, v12, v14;
	v9 =	vsel vm10, v19, v16  }
0x526: {  	s6 =	sadd.s32 $0x180, s6;
	v55 =	vld [tilespmem:s28+$0x6180];
	v11 =	vsel vm10, v20, v17;
	v31 =	vsel vm10, v16, v19;
	(xrf1) =	vsort.dscd.msk.f32 $0xffff, v4, v5  }
0x527: {  	s13 =	sor.u32 $0x400, s6;
	v58 =	vld [tilespmem:s28+$0x6190];
	v6 =	vsel vm3, v43, v45;
	v57 =	vsel vm3, v15, v46;
	(xrf1) =	vsort.dscd.msk.f32 $0xffff, v53, v54  }
0x528: {  	v59 =	vld [tilespmem:s13+$0x6000];
	v43 =	vsel vm3, v45, v43;
	v8 =	vsel vm3, v46, v15;
	(xrf1) =	vsort.dscd.msk.f32 $0xffff, v6, v57  }
0x529: {  	v41 =	vld [tilespmem:s28+$0x81D0];
	v34 =	vsel vm10, v17, v20;
	vm3 =	vgt.f32 v32, v0;
	(xrf1) =	vsort.dscd.msk.f32 $0xffff, v43, v8  }
0x52a: {  	v42 =	vld [tilespmem:s28+$0x81F0];
	vm11 =	vgt.f32 v61, v23;
	v14 =	vsel vm3, v32, v0;
	(xrf1) =	vsort.dscd.msk.f32 $0xffff, v9, v11  }
0x52b: {  	s18 =	sor.u32 $0x438, s6;
	v7 =	vld [tilespmem:s28+$0x61A0];
	v15 =	vsel vm3, v33, v18;
	v0 =	vsel vm3, v0, v32;
	(xrf1) =	vsort.dscd.msk.f32 $0xffff, v31, v34  }
0x52c: {  	s31 =	sor.u32 $0x430, s6;
	v47 =	vld [tilespmem:s18+$0x8000];
	v30 =	vsel vm3, v18, v33;
	v18 =	vsel vm11, v61, v23;
	(xrf1) =	vsort.dscd.msk.f32 $0xffff, v14, v15  }
0x52d: {  	v48 =	vld [tilespmem:s31+$0x8000];
	v19 =	vsel vm11, v62, v60;
	v20 =	vsel vm11, v23, v61;
	(xrf1) =	vsort.dscd.msk.f32 $0xffff, v0, v30  }
0x52e: {  	v39 =	vld [tilespmem:s28+$0x8180];
	v2 =	vsel vm11, v60, v62;
	vm3 =	vgt.f32 v37, v35;
	(xrf1) =	vsort.dscd.msk.f32 $0xffff, v18, v19  }
0x52f: {  	v38 =	vld [tilespmem:s28+$0x8190];
	v3 =	vsel vm3, v37, v35;
	v4 =	vsel vm3, v63, v36;
	(xrf1) =	vsort.dscd.msk.f32 $0xffff, v20, v2  }
0x530: {  	v10 =	vld [tilespmem:s28+$0x61B0];
	v5 =	vsel vm3, v35, v37;
	v6 =	vsel vm3, v36, v63;
	(xrf1) =	vsort.dscd.msk.f32 $0xffff, v3, v4  }
0x531: {  	v37 =	vld [tilespmem:s28+$0x81A0];
	(xrf1) =	vsort.dscd.msk.f32 $0xffff, v5, v6  }
0x532: {  	v36 =	vld [tilespmem:s28+$0x81B0];
	(xrf1) =	vsort.dscd.msk.f32 $0xffff, v28, v29  }
0x533: {  	v40 =	vld [tilespmem:s28+$0x81C0];
	(xrf1) =	vsort.dscd.msk.f32 $0xffff, v55, v39  }
0x534: {  	v12 =	vld [tilespmem:s28+$0x61C0];
	_, v53, _ =	vpop (xrf1);
	(xrf1) =	vsort.ascd.msk.f32 $0xffff, v58, v38  }
0x535: {  	v13 =	vld [tilespmem:s28+$0x61D0];
	_, v52, _ =	vpop (xrf1)  }
0x536: {  	v16 =	vld [tilespmem:s28+$0x61E0];
	(xrf1) =	vsort.dscd.msk.f32 $0xffff, v7, v37;
	_, v51, _ =	vpop (xrf1)  }
0x537: {  	v17 =	vld [tilespmem:s28+$0x61F0];
	(xrf1) =	vsort.ascd.msk.f32 $0xffff, v10, v36;
	_, v50, _ =	vpop (xrf1)  }
0x538: {  	s14 =	sor.u32 $0x410, s6;
	v45 =	vld [tilespmem:s13+$0x8000];
	_, v49, _ =	vpop (xrf1)  }
0x539: {  	v46 =	vld [tilespmem:s14+$0x8000];
	(xrf1) =	vsort.dscd.msk.f32 $0xffff, v12, v40;
	_, v8, _ =	vpop (xrf1)  }
0x53a: {  	s16 =	sor.u32 $0x420, s6;
	v23 =	vld [tilespmem:s14+$0x6000];
	(xrf1) =	vsort.ascd.msk.f32 $0xffff, v13, v41;
	_, v10, _ =	vpop (xrf1)  }
0x53b: {  	v60 =	vld [tilespmem:s16+$0x6000];
	_, v11, _ =	vpop (xrf1)  }
0x53c: {  	v43 =	vld [tilespmem:s16+$0x8000];
	(xrf1) =	vsort.dscd.msk.f32 $0xffff, v16, v44;
	_, v12, _ =	vpop (xrf1)  }
0x53d: {  	v7 =	vld [tilespmem:s18+$0x6000];
	(xrf1) =	vsort.ascd.msk.f32 $0xffff, v17, v42;
	_, v13, _ =	vpop (xrf1)  }
0x53e: {  	v9 =	vld [tilespmem:s31+$0x6000];
	_, v14, _ =	vpop (xrf1)  }
0x53f: {  	_, v15, _ =	vpop (xrf1)  }
0x540: {  	(xrf1) =	vsort.dscd.msk.f32 $0xffff, v59, v45;
	_, v16, _ =	vpop (xrf1)  }
0x541: {  	(xrf1) =	vsort.ascd.msk.f32 $0xffff, v23, v46;
	v18, v17, _ =	vpop (xrf1)  }
0x542: {  	v55 =	vsel vm0, $0xFF800000, v7;
	(xrf1) =	vsort.dscd.msk.f32 $0xffff, v60, v43;
	v20, v23, _ =	vpop (xrf1)  }
0x543: {  	v19 =	vsel vm0, $0xFF800000, v47;
	(xrf1) =	vsort.ascd.msk.f32 $0xffff, v9, v48;
	vm2 =	vgt.f32 v20, v18  }
0x544: {  	v29, v28, _ =	vpop (xrf1);
	(xrf1) =	vsort.dscd.msk.f32 $0xffff, v55, v19;
	v54 =	vsel vm2, v17, v23  }
0x545: {  	v55, v56, _ =	vpop (xrf1);
	v61 =	vsel vm2, v20, v18;
	v62 =	vsel vm2, v23, v17;
	v0 =	vsel vm2, v18, v20  }
0x546: {  	vm2 =	vlt.f32 v55, v29;
	(xrf1) =	vsort.dscd.msk.f32 $0xffff, v61, v62  }
0x547: {  	v30 =	vsel vm2, v55, v29;
	v31 =	vsel vm2, v56, v28;
	(xrf1) =	vsort.dscd.msk.f32 $0xffff, v0, v54;
	v34, v35, _ =	vpop (xrf1)  }
0x548: {  	v32 =	vsel vm2, v29, v55;
	v33 =	vsel vm2, v28, v56;
	(xrf1) =	vsort.ascd.msk.f32 $0xffff, v30, v31;
	v0, v54, _ =	vpop (xrf1)  }
0x549: {  	(xrf1) =	vsort.ascd.msk.f32 $0xffff, v32, v33;
	vm2 =	vgt.f32 v0, v34  }
0x54a: {  	v5, v4, _ =	vpop (xrf1);
	v9 =	vsel vm2, v54, v35;
	v54 =	vsel vm2, v35, v54  }
0x54b: {  	[tilespmem:$0x1FDC0] =	vst v8;
	v7, v6, _ =	vpop (xrf1);
	v8 =	vsel vm2, v0, v34;
	v0 =	vsel vm2, v34, v0  }
0x54c: {  	vm2 =	vlt.f32 v7, v5  }
0x54d: {  	[tilespmem:$0x1FDD0] =	vst v10;
	(xrf1) =	vsort.dscd.msk.f32 $0xffff, v8, v9;
	v58 =	vsel vm2, v4, v6  }
0x54e: {  	[tilespmem:$0x1FDE0] =	vst v11;
	(xrf1) =	vsort.dscd.msk.f32 $0xffff, v0, v54;
	v57 =	vsel vm2, v5, v7;
	v0, v54, _ =	vpop (xrf1)  }
0x54f: {  	[tilespmem:$0x1FDF0] =	vst v12;
	v10 =	vsel vm2, v7, v5;
	v11 =	vsel vm2, v6, v4;
	v55, v56, _ =	vpop (xrf1)  }
0x550: {  	[tilespmem:$0x1FE10] =	vst v13;
	(xrf1) =	vsort.ascd.msk.f32 $0xffff, v10, v11;
	v12, v13, _ =	vpop (xrf1);
	vm2 =	vgt.f32 v55, v0  }
0x551: {  	(xrf1) =	vsort.ascd.msk.f32 $0xffff, v57, v58;
	v57, v58, _ =	vpop (xrf1);
	v63 =	vsel vm2, v55, v0;
	v0 =	vsel vm2, v0, v55  }
0x552: {  	[tilespmem:$0x1FE20] =	vst v14;
	v14 =	vsel vm2, v56, v54;
	v54 =	vsel vm2, v54, v56;
	vm2 =	vlt.f32 v57, v12  }
0x553: {  	[tilespmem:$0x1FE30] =	vst v15;
	v61, v62, _ =	vpop (xrf1);
	v18 =	vsel vm2, v58, v13;
	v58 =	vsel vm2, v13, v58  }
0x554: {  	[tilespmem:$0x1FE40] =	vst v16;
	(xrf1) =	vsort.dscd.msk.f32 $0xffff, v63, v14;
	v16, v15, _ =	vpop (xrf1);
	v17 =	vsel vm2, v57, v12;
	v57 =	vsel vm2, v12, v57  }
0x555: {  	(xrf1) =	vsort.dscd.msk.f32 $0xffff, v0, v54;
	v20, v19, _ =	vpop (xrf1)  }
0x556: {  	(xrf1) =	vsort.ascd.msk.f32 $0xffff, v17, v18;
	v28, v23, _ =	vpop (xrf1)  }
0x557: {  	(xrf1) =	vsort.ascd.msk.f32 $0xffff, v57, v58;
	vm2 =	vgt.f32 v28, v16;
	v57, v58, _ =	vpop (xrf1)  }
0x558: {  	v29 =	vsel vm2, v28, v16;
	vm3 =	vgt.f32 v57, v20  }
0x559: {  	v30 =	vsel vm2, v23, v15;
	v0 =	vsel vm2, v16, v28;
	v31 =	vsel vm3, v57, v20  }
0x55a: {  	v56 =	vsel vm2, v15, v23;
	v32 =	vsel vm3, v58, v19;
	vm2 =	vgt.f32 v31, v29  }
0x55b: {  	v59 =	vsel vm2, v30, v32  }
0x55c: {  	(xrf1) =	vsort.dscd.msk.f32 $0xffff, v61, v62;
	v54 =	vsel vm3, v20, v57;
	v55 =	vsel vm2, v29, v31  }
0x55d: {  	v4, v35, _ =	vpop (xrf1);
	v33 =	vsel vm2, v31, v29;
	v34 =	vsel vm2, v32, v30;
	vm2 =	vgt.f32 v54, v0  }
0x55e: {  	v2 =	vsel vm3, v19, v58;
	v6, v5, _ =	vpop (xrf1);
	(xrf1) =	vsort.dscd.msk.f32 $0xffff, v33, v34;
	v7 =	vsel vm2, v54, v0  }
0x55f: {  	v8 =	vsel vm2, v2, v56;
	v0 =	vsel vm2, v0, v54;
	(xrf1) =	vsort.dscd.msk.f32 $0xffff, v55, v59;
	v55, v59, _ =	vpop (xrf1)  }
0x560: {  	v2 =	vsel vm2, v56, v2;
	(xrf1) =	vsort.dscd.msk.f32 $0xffff, v7, v8;
	vm3 =	vlt.f32 v55, v4;
	v11, v10, _ =	vpop (xrf1)  }
0x561: {  	(xrf1) =	vsort.dscd.msk.f32 $0xffff, v0, v2;
	v9 =	vsel vm3, v55, v4;
	vm12 =	vlt.f32 v11, v6  }
0x562: {  	v55 =	vsel vm3, v4, v55;
	v12 =	vsel vm3, v59, v35;
	v13 =	vsel vm12, v11, v6  }
0x563: {  	v1 =	vsel vm3, v35, v59;
	v14 =	vsel vm12, v10, v5;
	vm3 =	vlt.f32 v13, v9  }
0x564: {  	v57 =	vsel vm12, v6, v11;
	v15 =	vsel vm3, v13, v9;
	v17 =	vsel vm3, v14, v12  }
0x565: {  	v16 =	vsel vm3, v9, v13;
	v18 =	vsel vm3, v12, v14;
	(xrf1) =	vsort.ascd.msk.f32 $0xffff, v15, v17  }
0x566: {  	v60 =	vsel vm12, v5, v10;
	vm2 =	vlt.f32 v57, v55;
	(xrf1) =	vsort.ascd.msk.f32 $0xffff, v16, v18  }
0x567: {  	v19 =	vsel vm2, v57, v55;
	v20 =	vsel vm2, v60, v1  }
0x568: {  	v23 =	vsel vm2, v55, v57;
	v1 =	vsel vm2, v1, v60;
	(xrf1) =	vsort.ascd.msk.f32 $0xffff, v19, v20  }
0x569: {  	v29, v28, _ =	vpop (xrf1);
	(xrf1) =	vsort.ascd.msk.f32 $0xffff, v23, v1  }
0x56a: {  	v2, v54, _ =	vpop (xrf1)  }
0x56b: {  	v31, v30, _ =	vpop (xrf1)  }
0x56c: {  	v33, v32, _ =	vpop (xrf1)  }
0x56d: {  	vm2 =	vgt.f32 v31, v29;
	vm3 =	vgt.f32 v33, v2  }
0x56e: {  	v34 =	vsel vm2, v31, v29;
	v8 =	vsel vm2, v30, v28;
	v0 =	vsel vm2, v29, v31;
	v59, v60, _ =	vpop (xrf1)  }
0x56f: {  	v5 =	vsel vm2, v28, v30;
	v35 =	vsel vm3, v33, v2;
	v9 =	vsel vm3, v32, v54;
	v15, v19, _ =	vpop (xrf1)  }
0x570: {  	v2 =	vsel vm3, v2, v33;
	v54 =	vsel vm3, v54, v32;
	vm13 =	vgt.f32 v35, v34;
	v14, v18, _ =	vpop (xrf1)  }
0x571: {  	vm2 =	vgt.f32 v2, v0;
	v10 =	vsel vm13, v35, v34;
	v11 =	vsel vm13, v9, v8;
	v13, v17, _ =	vpop (xrf1)  }
0x572: {  	v23 =	vsel vm13, v34, v35;
	v1 =	vsel vm13, v8, v9;
	(xrf1) =	vsort.dscd.msk.f32 $0xffff, v10, v11;
	v55, v56, _ =	vpop (xrf1)  }
0x573: {  	v28 =	vsel vm2, v2, v0;
	v29 =	vsel vm2, v54, v5;
	(xrf1) =	vsort.dscd.msk.f32 $0xffff, v23, v1;
	v58, v61, _ =	vpop (xrf1)  }
0x574: {  	v30 =	vsel vm2, v0, v2;
	v31 =	vsel vm2, v5, v54;
	(xrf1) =	vsort.dscd.msk.f32 $0xffff, v28, v29;
	v62, v63, _ =	vpop (xrf1)  }
0x575: {  	vm14 =	vgt.f32 v58, v15;
	(xrf1) =	vsort.dscd.msk.f32 $0xffff, v30, v31;
	vm3 =	vgt.f32 v62, v14  }
0x576: {  	v12, v16, _ =	vpop (xrf1);
	v4 =	vsel vm14, v58, v15;
	v32 =	vsel vm14, v61, v19;
	(xrf1) =	vsort.ascd.msk.f32 $0xffff, v59, v60  }
0x577: {  	v60 =	vsel vm14, v15, v58;
	v19 =	vsel vm14, v19, v61;
	v54, v57, _ =	vpop (xrf1);
	vm15 =	vgt.f32 v12, v13  }
0x578: {  	v5 =	vsel vm3, v62, v14;
	v33 =	vsel vm3, v63, v18;
	vm2 =	vgt.f32 v54, v55  }
0x579: {  	v2 =	vsel vm15, v12, v13;
	v34 =	vsel vm15, v16, v17;
	v3 =	vsel vm2, v54, v55  }
0x57a: {  	vm6 =	vgt.f32 v2, v4;
	v35 =	vsel vm2, v57, v56;
	vm7 =	vgt.f32 v3, v5  }
0x57b: {  	v20 =	vsel vm6, v2, v4;
	v28 =	vsel vm6, v34, v32;
	v2 =	vsel vm6, v4, v2  }
0x57c: {  	v32 =	vsel vm6, v32, v34;
	v23 =	vsel vm7, v3, v5;
	v29 =	vsel vm7, v35, v33  }
0x57d: {  	v3 =	vsel vm7, v5, v3;
	v33 =	vsel vm7, v33, v35;
	vm8 =	vgt.f32 v23, v20  }
0x57e: {  	vm11 =	vgt.f32 v3, v2;
	v30 =	vsel vm8, v23, v20;
	v31 =	vsel vm8, v29, v28  }
0x57f: {  	v0 =	vsel vm8, v20, v23;
	v34 =	vsel vm8, v28, v29;
	v35 =	vsel vm11, v3, v2  }
0x580: {  	v59 =	vsel vm11, v33, v32;
	v20 =	vsel vm3, v14, v62;
	v23 =	vsel vm3, v18, v63  }
0x581: {  	v28 =	vsel vm15, v13, v12;
	v29 =	vsel vm15, v17, v16;
	v2 =	vsel vm11, v2, v3  }
0x582: {  	v32 =	vsel vm11, v32, v33;
	(xrf1) =	vsort.dscd.msk.f32 $0xffff, v30, v31;
	v30 =	vsel vm2, v55, v54  }
0x583: {  	v31 =	vsel vm2, v56, v57;
	vm2 =	vgt.f32 v28, v60;
	(xrf1) =	vsort.dscd.msk.f32 $0xffff, v0, v34  }
0x584: {  	vm3 =	vgt.f32 v30, v20;
	v33 =	vsel vm2, v28, v60;
	v0 =	vsel vm2, v60, v28  }
0x585: {  	v1 =	vsel vm2, v19, v29;
	(xrf1) =	vsort.dscd.msk.f32 $0xffff, v35, v59;
	v34 =	vsel vm3, v30, v20  }
0x586: {  	v35 =	vsel vm2, v29, v19;
	v54 =	vsel vm3, v31, v23;
	v6 =	vsel vm3, v20, v30  }
0x587: {  	v7 =	vsel vm3, v23, v31;
	vm12 =	vgt.f32 v34, v33;
	(xrf1) =	vsort.dscd.msk.f32 $0xffff, v2, v32  }
0x588: {  	v2, v3, _ =	vpop (xrf1);
	vm2 =	vgt.f32 v6, v0;
	v55 =	vsel vm12, v34, v33;
	v56 =	vsel vm12, v54, v35  }
0x589: {  	v57, v58, _ =	vpop (xrf1);
	v4 =	vsel vm12, v33, v34;
	v59 =	vsel vm12, v35, v54;
	v62 =	vsel vm2, v6, v0  }
0x58a: {  	v63 =	vsel vm2, v7, v1;
	v0 =	vsel vm2, v0, v6;
	(xrf1) =	vsort.dscd.msk.f32 $0xffff, v55, v56;
	v60, v61, _ =	vpop (xrf1)  }
0x58b: {  	v1 =	vsel vm2, v1, v7;
	(xrf1) =	vsort.dscd.msk.f32 $0xffff, v4, v59;
	v12, v13, _ =	vpop (xrf1);
	vm3 =	vlt.f32 v60, v2  }
0x58c: {  	(xrf1) =	vsort.dscd.msk.f32 $0xffff, v62, v63;
	v4, v5, _ =	vpop (xrf1);
	v19 =	vsel vm3, v60, v2;
	v23 =	vsel vm3, v61, v3  }
0x58d: {  	v2 =	vsel vm3, v2, v60;
	v3 =	vsel vm3, v3, v61;
	vm2 =	vlt.f32 v4, v12  }
0x58e: {  	(xrf1) =	vsort.dscd.msk.f32 $0xffff, v0, v1;
	v16 =	vsel vm2, v4, v12;
	v17 =	vsel vm2, v12, v4  }
0x58f: {  	v18 =	vsel vm2, v5, v13;
	v5 =	vsel vm2, v13, v5;
	vm13 =	vlt.f32 v17, v57  }
0x590: {  	(xrf1) =	vsort.ascd.msk.f32 $0xffff, v16, v18;
	v20 =	vsel vm13, v17, v57;
	v13 =	vsel vm13, v5, v58  }
0x591: {  	v1 =	vsel vm13, v57, v17;
	v30 =	vsel vm13, v58, v5;
	vm2 =	vlt.f32 v20, v19  }
0x592: {  	v28 =	vsel vm2, v20, v19;
	v29 =	vsel vm2, v13, v23;
	v31 =	vsel vm2, v19, v20  }
0x593: {  	v32 =	vsel vm2, v23, v13;
	vm2 =	vlt.f32 v1, v2;
	(xrf1) =	vsort.ascd.msk.f32 $0xffff, v28, v29  }
0x594: {  	v33 =	vsel vm2, v1, v2;
	v34 =	vsel vm2, v30, v3;
	(xrf1) =	vsort.ascd.msk.f32 $0xffff, v31, v32  }
0x595: {  	v27 =	vsel vm0, $0x0, v27;
	(xrf1) =	vsort.ascd.msk.f32 $0xffff, v33, v34  }
0x596: {  	v0 =	vadd.f32 v27, v26;
	v35 =	vsel vm2, v3, v30;
	v3, v4, _ =	vpop (xrf1)  }
0x597: {  	v54 =	vld [tilespmem:$0x1FC80];
	v9, v20, _ =	vpop (xrf1)  }
0x598: {  	v56 =	vld [tilespmem:$0x1FC90];
	v0 =	vadd.f32 v0, v21;
	v1 =	vsel vm2, v2, v1;
	v12, v23, _ =	vpop (xrf1)  }
0x599: {  	(xrf1) =	vsort.ascd.msk.f32 $0xffff, v1, v35;
	v7, v8, _ =	vpop (xrf1)  }
0x59a: {  	v58 =	vld [tilespmem:$0x1FCA0];
	v0 =	vadd.f32 v0, v24;
	v10, v29, _ =	vpop (xrf1)  }
0x59b: {  	v60 =	vld [tilespmem:$0x1FCB0];
	v19, v31, _ =	vpop (xrf1)  }
0x59c: {  	v55 =	vmul.f32 $1.442695020e+00, v54;
	v0 =	vadd.f32 v0, v22;
	v27, v32, _ =	vpop (xrf1)  }
0x59d: {  	v63 =	vld [tilespmem:$0x1FCC0];
	v57 =	vmul.f32 $1.442695020e+00, v56;
	v21, v33, _ =	vpop (xrf1)  }
0x59e: {  	(erf) = vpow2.f32 v55;
	v0 =	vadd.f32 v0, v25;
	v62, v61, _ =	vpop (xrf1)  }
0x59f: {  	(erf) = vpow2.f32 v57;
	v59 =	vmul.f32 $1.442695020e+00, v58;
	vm2 =	vgt.f32 v62, v7  }
0x5a0: {  	v0 =	vadd.f32 v0, v60;
	v22 =	vsel vm2, v62, v7;
	v34 =	vsel vm2, v7, v62;
	v62 =	vld [tilespmem:$0x1FCD0]  }
0x5a1: {  	(erf) = vpow2.f32 v59;
	v13, v25, _ =	vpop (xrf1)  }
0x5a2: {  	v28 =	vadd.f32 v0, v63;
	v16 =	vsel vm2, v61, v8;
	vm5 =	vgt.f32 v13, v10;
	v14, v18, _ =	vpop (xrf1)  }
0x5a3: {  	v35 =	vsel vm2, v8, v61;
	v2 =	vsel vm5, v13, v10;
	v26, v30, _ =	vpop (xrf1);
	vm4 =	vgt.f32 v14, v19  }
0x5a4: {  	vm2 =	vgt.f32 v2, v3;
	vm3 =	vgt.f32 v26, v27;
	v57 =	vsel vm4, v14, v19  }
0x5a5: {  	v62 =	vmul.f32 $1.442695020e+00, v62;
	v24 =	vsel vm2, v2, v3;
	v11 =	vsel vm2, v3, v2  }
0x5a6: {  	v3 =	vsel vm5, v25, v29;
	v56 =	vsel vm3, v26, v27;
	vm15 =	vgt.f32 v57, v9  }
0x5a7: {  	v15, v55, _ =	vpop (xrf1);
	v60 =	vsel vm3, v30, v32;
	v6 =	vsel vm2, v3, v4;
	v17 =	vsel vm2, v4, v3  }
0x5a8: {  	vm2 =	vgt.f32 v15, v21;
	vm14 =	vgt.f32 v56, v12;
	v61 =	vsel vm15, v57, v9  }
0x5a9: {  	v4 =	vld [tilespmem:$0x1FCE0];
	(erf) = vpow2.f32 v62;
	v58 =	vsel vm2, v15, v21;
	v7 =	vsel vm14, v56, v12  }
0x5aa: {  	v8 =	vsel vm14, v60, v23;
	vm6 =	vgt.f32 v58, v22;
	vm9 =	vgt.f32 v7, v24  }
0x5ab: {  	v63 =	vsel vm6, v58, v22;
	v1 =	vsel vm9, v7, v24;
	v24 =	vsel vm9, v24, v7  }
0x5ac: {  	v59 =	vsel vm9, v8, v6;
	v54 =	vsel vm9, v6, v8;
	vm10 =	vgt.f32 v63, v61  }
0x5ad: {  	v6 =	vsel vm4, v18, v31;
	v8 =	vsel vm2, v55, v33;
	v0 =	vsel vm10, v63, v61  }
0x5ae: {  	v3 =	vsel vm15, v6, v20;
	v4 =	vmul.f32 $1.442695020e+00, v4;
	vm12 =	vgt.f32 v0, v1  }
0x5af: {  	v2 =	vsel vm6, v8, v16;
	v5 =	vsel vm12, v0, v1;
	v7 =	vsel vm12, v1, v0  }
0x5b0: {  	v0 =	vsel vm10, v2, v3;
	(erf) = vpow2.f32 v4;
	v4 =	vsel vm10, v61, v63  }
0x5b1: {  	v63 =	vsel vm14, v12, v56;
	v1 =	vsel vm12, v0, v59;
	vm13 =	vgt.f32 v4, v24  }
0x5b2: {  	v62 =	vld [tilespmem:$0x1FD10];
	v0 =	vsel vm12, v59, v0;
	(xrf1) =	vsort.dscd.msk.f32 $0xffff, v5, v1;
	v59 =	vsel vm13, v4, v24  }
0x5b3: {  	v5 =	vld [tilespmem:$0x1FCF0];
	v4 =	vsel vm13, v24, v4;
	(xrf1) =	vsort.dscd.msk.f32 $0xffff, v7, v0;
	v0 =	vsel vm10, v3, v2  }
0x5b4: {  	v3 =	vsel vm15, v9, v57;
	v7 =	vsel vm14, v23, v60;
	v9 =	vsel vm6, v22, v58;
	v23 =	vld [tilespmem:$0x1FD20]  }
0x5b5: {  	vm14 =	vgt.f32 v63, v11;
	v57 =	vld [tilespmem:$0x1FD30];
	v61 =	vsel vm13, v0, v54;
	v0 =	vsel vm13, v54, v0  }
0x5b6: {  	v24 =	vsel vm14, v63, v11;
	v63 =	vsel vm14, v11, v63;
	v11 =	vld [tilespmem:$0x1FD70];
	(xrf1) =	vsort.dscd.msk.f32 $0xffff, v59, v61  }
0x5b7: {  	v54 =	vsel vm14, v7, v17;
	v7 =	vsel vm14, v17, v7;
	v61 =	vld [tilespmem:$0x1FD50];
	(xrf1) =	vsort.dscd.msk.f32 $0xffff, v4, v0  }
0x5b8: {  	v4 =	vsel vm6, v16, v8;
	v1 =	vadd.f32 v28, v5;
	v28 =	vld [tilespmem:$0x1FD00];
	v5 =	vsel vm15, v20, v6  }
0x5b9: {  	vm15 =	vgt.f32 v9, v3;
	v20 =	vsel vm5, v29, v25;
	v25 =	vld [tilespmem:$0x1FDA0];
	v0 =	vmul.f32 $1.442695020e+00, v23  }
0x5ba: {  	v22 =	vld [tilespmem:$0x1FD80];
	v56 =	vsel vm15, v4, v5;
	v16 =	vmul.f32 $1.442695020e+00, v57;
	v1 =	vadd.f32 v1, v62  }
0x5bb: {  	v60 =	vld [tilespmem:$0x1FD40];
	v6 =	vmul.f32 $1.442695020e+00, v11;
	v11 =	vsel vm4, v19, v14;
	v14 =	vsel vm2, v21, v15  }
0x5bc: {  	v4 =	vsel vm15, v5, v4;
	v62 =	vld [tilespmem:$0x1FD60];
	vm14 =	vgt.f32 v14, v34;
	v1 =	vadd.f32 v1, v61  }
0x5bd: {  	v57 =	vsel vm14, v14, v34;
	v2 =	vmul.f32 $1.442695020e+00, v28;
	v28 =	vsel vm15, v9, v3  }
0x5be: {  	v3 =	vsel vm15, v3, v9;
	v12 =	vmul.f32 $1.442695020e+00, v25;
	vm12 =	vgt.f32 v28, v24  }
0x5bf: {  	v1 =	vadd.f32 v1, v22;
	(erf) = vpow2.f32 v2;
	v58 =	vsel vm12, v28, v24  }
0x5c0: {  	v59 =	vsel vm12, v56, v54;
	(erf) = vpow2.f32 v0;
	v0 =	vmul.f32 $1.442695020e+00, v60  }
0x5c1: {  	v8 =	vsel vm12, v24, v28;
	v24 =	vld [tilespmem:$0x1FD90];
	(erf) = vpow2.f32 v16;
	v16 =	vmul.f32 $1.442695020e+00, v62  }
0x5c2: {  	vm13 =	vgt.f32 v3, v63;
	v23 =	vsel vm12, v54, v56;
	v54 =	vld [tilespmem:$0x1FDB0];
	(xrf1) =	vsort.dscd.msk.f32 $0xffff, v58, v59;
	_, v15, _ =	vpop (xrf1);
	(erf) = vpow2.f32 v0  }
0x5c3: {  	v2 =	vsel vm5, v10, v13;
	v28 =	vsel vm13, v3, v63;
	_, v10, _ =	vpop (xrf1);
	(erf) = vpow2.f32 v16  }
0x5c4: {  	v29 =	vsel vm13, v4, v7;
	(xrf1) =	vsort.dscd.msk.f32 $0xffff, v8, v23;
	v0 =	vsel vm13, v63, v3;
	(erf) = vpow2.f32 v6;
	v6 =	vpop (erf)  }
0x5c5: {  	v56 =	vsel vm3, v32, v30;
	v8 =	vsel vm4, v31, v18;
	v3 =	vsel vm2, v33, v55;
	v9 =	vpop (erf)  }
0x5c6: {  	v31 =	vsel vm13, v7, v4;
	(xrf1) =	vsort.dscd.msk.f32 $0xffff, v28, v29;
	v63 =	vmul.f32 $1.442695020e+00, v53;
	v58 =	vsel vm14, v3, v35;
	v5 =	vpop (erf)  }
0x5c7: {  	v1 =	vadd.f32 v1, v24;
	v4 =	vmul.f32 $1.442695020e+00, v54;
	v54 =	vmul.f32 $1.442695020e+00, v52;
	_, v16, _ =	vpop (xrf1)  }
0x5c8: {  	v24 =	vmul.f32 $1.442695020e+00, v50;
	(erf) = vpow2.f32 v12;
	v12 =	vsel vm3, v27, v26;
	(xrf1) =	vsort.dscd.msk.f32 $0xffff, v0, v31;
	_, v0, _ =	vpop (xrf1)  }
0x5c9: {  	vm3 =	vgt.f32 v57, v11;
	v27 =	vsel vm0, $0x0, v47;
	vm2 =	vgt.f32 v12, v2;
	v17 =	vpop (erf)  }
0x5ca: {  	v60 =	vsel vm3, v57, v11;
	v62 =	vsel vm3, v58, v8;
	v55 =	vsel vm3, v11, v57;
	v22 =	vpop (erf)  }
0x5cb: {  	(xrf2) =	vadd.scan.msk.f32 $0xffff, v1;
	v8 =	vsel vm3, v8, v58;
	v30 =	vadd.f32 v27, v39;
	v59 =	vsel vm2, v12, v2;
	v53 =	vpop (erf)  }
0x5cc: {  	v61 =	vsel vm2, v56, v20;
	(erf) = vpow2.f32 v4;
	v7 =	vsel vm2, v20, v56;
	v56 =	vpop (erf)  }
0x5cd: {  	[tilespmem:s28+$0xA080] =	vst v6;
	v2 =	vsel vm2, v2, v12;
	vm15 =	vgt.f32 v60, v59;
	(erf) = vpow2.f32 v63;
	v57 =	vpop (erf)  }
0x5ce: {  	v29 =	vld [tilespmem:$0x1FDC0];
	[tilespmem:s28+$0xA090] =	vst v9;
	v32 =	vsel vm15, v60, v59;
	v33 =	vsel vm15, v62, v61;
	v58 =	vsel vm15, v59, v60;
	v59 =	vpop (erf)  }
0x5cf: {  	(erf) = vpow2.f32 v54;
	v60 =	vmul.f32 $1.442695020e+00, v51;
	v61 =	vsel vm15, v61, v62;
	(xrf1) =	vsort.dscd.msk.f32 $0xffff, v32, v33;
	v32 =	vld [tilespmem:$0x1FDD0];
	v62 =	vpop (erf)  }
0x5d0: {  	v26 =	vmul.f32 $1.442695020e+00, v49;
	[tilespmem:s28+$0xA0A0] =	vst v5;
	vm2 =	vgt.f32 v55, v2;
	v39 =	vadd.f32 v30, v38;
	v33 =	vld [tilespmem:$0x1FDE0];
	_, v28, _ =	vpop (xrf1)  }
0x5d1: {  	[tilespmem:s28+$0xA0B0] =	vst v17;
	v63 =	vsel vm2, v55, v2;
	v1 =	vsel vm2, v2, v55;
	(erf) = vpow2.f32 v60;
	v25 =	vpop (erf)  }
0x5d2: {  	v23 =	vsel vm2, v8, v7;
	v7 =	vsel vm2, v7, v8;
	[tilespmem:s28+$0xA0D0] =	vst v53;
	(erf) = vpow2.f32 v24;
	_, v9, _ =	vpop (xrf1)  }
0x5d3: {  	v50 =	vld [tilespmem:$0x1FDF0];
	v8 =	vmul.f32 $1.442695020e+00, v29;
	[tilespmem:s28+$0xA0E0] =	vst v56;
	(xrf1) =	vsort.dscd.msk.f32 $0xffff, v58, v61;
	(erf) = vpow2.f32 v26;
	v31 =	vpop (erf)  }
0x5d4: {  	v51 =	vadd.f32 v39, v37;
	[tilespmem:s28+$0xA0F0] =	vst v57;
	v57 =	vld [tilespmem:$0x1FE00];
	(xrf1) =	vsort.dscd.msk.f32 $0xffff, v63, v23;
	_, v19, _ =	vpop (xrf1);
	v4 =	vmul.f32 $1.442695020e+00, v32  }
0x5d5: {  	[tilespmem:s30+$0xA000] =	vst v59;
	v59 =	vld [tilespmem:$0x1FE10];
	(xrf1) =	vsort.dscd.msk.f32 $0xffff, v1, v7;
	(erf) = vpow2.f32 v8;
	v8 =	vmul.f32 $1.442695020e+00, v33;
	v52, _, _ =	vpop (xrf2)  }
0x5d6: {  	v60 =	vld [tilespmem:$0x1FE20];
	v49 =	vpop (erf);
	(erf) = vpow2.f32 v4  }
0x5d7: {  	v18 =	vld [tilespmem:$0x1FE30];
	[tilespmem:s28+$0xA0C0] =	vst v22;
	v54 =	vadd.f32 v51, v36;
	v53 =	vpop (erf);
	(erf) = vpow2.f32 v8  }
0x5d8: {  	v21 =	vld [tilespmem:$0x1FE40];
	[tilespmem:s0+$0xA000] =	vst v62;
	v56 =	vpop (erf)  }
0x5d9: {  	v3 =	vsel vm14, v35, v3;
	[tilespmem:s2+$0xA000] =	vst v25;
	v6 =	vadd.f32 v54, v40;
	v4 =	vmul.f32 $1.442695020e+00, v50;
	_, v47, _ =	vpop (xrf1)  }
0x5da: {  	v55 =	vsel vm14, v34, v14;
	s2 =	sor.u32 $0x440, s29;
	[tilespmem:s12+$0xA000] =	vst v31;
	v5 =	vbroadcast v57, $0xF;
	v14 =	vmul.f32 $1.442695020e+00, v59;
	v58 =	vpop (erf)  }
0x5db: {  	v2 =	vmul.f32 $1.442695020e+00, v60;
	v6 =	vadd.f32 v6, v41;
	[tilespmem:s2+$0xA000] =	vst v49;
	(erf) = vpow2.f32 v4;
	v63 =	vpop (erf)  }
0x5dc: {  	v62 =	vnsel vm1, $0x0, v5;
	v5 =	vmul.f32 $1.442695020e+00, v18;
	[tilespmem:s28+$0xA100] =	vst v53;
	(erf) = vpow2.f32 v14;
	v20 =	vpop (erf)  }
0x5dd: {  	s12 =	sor.u32 $0x450, s29;
	v24 =	vadd.f32 v6, v44;
	(erf) = vpow2.f32 v2;
	v2 =	vmul.f32 $1.442695020e+00, v21;
	_, v61, _ =	vpop (xrf1);
	(xrf1) =	vsort.dscd.msk.f32 $0xffff, v55, v3  }
0x5de: {  	v25 =	vmul.f32 $1.442695020e+00, v15;
	[tilespmem:s12+$0xA000] =	vst v62;
	v22 =	vpop (erf);
	(erf) = vpow2.f32 v5  }
0x5df: {  	v10 =	vmul.f32 $1.442695020e+00, v10;
	[tilespmem:s28+$0xA110] =	vst v56;
	(erf) = vpow2.f32 v2;
	v2 =	vadd.f32 v24, v42;
	v23 =	vpop (erf)  }
0x5e0: {  	[tilespmem:s28+$0xA120] =	vst v58;
	v26 =	vpop (erf);
	(erf) = vpow2.f32 v25  }
0x5e1: {  	v29 =	vmul.f32 $1.442695020e+00, v16;
	[tilespmem:s28+$0xA130] =	vst v63;
	_, v30, _ =	vpop (xrf1);
	v32 =	vadd.f32 v2, v45;
	(erf) = vpow2.f32 v10  }
0x5e2: {  	v0 =	vmul.f32 $1.442695020e+00, v0;
	[tilespmem:s28+$0xA140] =	vst v20;
	_, v31, _ =	vpop (xrf1)  }
0x5e3: {  	v33 =	vmul.f32 $1.442695020e+00, v28;
	[tilespmem:s28+$0xA150] =	vst v22;
	_, v34, _ =	vpop (xrf1);
	v1 =	vadd.f32 v32, v46;
	(erf) = vpow2.f32 v29  }
0x5e4: {  	v35 =	vmul.f32 $1.442695020e+00, v9;
	[tilespmem:s28+$0xA160] =	vst v23;
	v27 =	vpop (erf);
	(erf) = vpow2.f32 v0  }
0x5e5: {  	v37 =	vmul.f32 $1.442695020e+00, v19;
	[tilespmem:s28+$0xA170] =	vst v26;
	v36 =	vpop (erf);
	v1 =	vadd.f32 v1, v43;
	(erf) = vpow2.f32 v33  }
0x5e6: {  	v39 =	vmul.f32 $1.442695020e+00, v47;
	[tilespmem:s19+$0xA000] =	vst v27;
	v38 =	vpop (erf);
	(erf) = vpow2.f32 v35  }
0x5e7: {  	v41 =	vmul.f32 $1.442695020e+00, v61;
	[tilespmem:s11+$0xA000] =	vst v36;
	v40 =	vpop (erf);
	v1 =	vadd.f32 v1, v48;
	(erf) = vpow2.f32 v37  }
0x5e8: {  	v8 =	vbroadcast v52, $0xF;
	[tilespmem:s20+$0xA000] =	vst v38;
	v42 =	vpop (erf);
	(erf) = vpow2.f32 v39  }
0x5e9: {  	v43 =	vmul.f32 $1.442695020e+00, v30;
	[tilespmem:s21+$0xA000] =	vst v40;
	s21 =	sor.u32 $0x440, s7;
	(xrf2) =	vadd.scan.msk.f32 $0xffff, v1;
	(erf) = vpow2.f32 v41;
	v47 =	vpop (erf)  }
0x5ea: {  	s29 =	sor.u32 $0x450, s7;
	v45 =	vmul.f32 $1.442695020e+00, v31;
	v46 =	vnsel vm1, $0x0, v8;
	[tilespmem:s21+$0xA000] =	vst v42;
	v48 =	vpop (erf)  }
0x5eb: {  	v49 =	vmul.f32 $1.442695020e+00, v34;
	[tilespmem:s29+$0xA000] =	vst v46;
	(erf) = vpow2.f32 v43;
	_, v44, _ =	vpop (xrf1)  }
0x5ec: {  	(erf) = vpow2.f32 v45;
	[tilespmem:s28+$0xA180] =	vst v47;
	v50 =	vpop (erf);
	v3 =	vmul.f32 $1.442695020e+00, v44  }
0x5ed: {  	[tilespmem:s28+$0xA190] =	vst v48;
	(erf) = vpow2.f32 v49;
	v51 =	vpop (erf)  }
0x5ee: {  	[tilespmem:s28+$0xA1A0] =	vst v50;
	v52 =	vpop (erf);
	(erf) = vpow2.f32 v3  }
0x5ef: {  	[tilespmem:s28+$0xA1B0] =	vst v51;
	v53 =	vpop (erf)  }
0x5f0: {  	[tilespmem:s28+$0xA1C0] =	vst v52;
	v54 =	vpop (erf)  }
0x5f1: {  	[tilespmem:s28+$0xA1D0] =	vst v53;
	v55 =	vpop (erf)  }
0x5f2: {  	[tilespmem:s28+$0xA1E0] =	vst v54;
	v56 =	vpop (erf)  }
0x5f3: {  	s24 =	sadd.s32 $0x4, s24;
	[tilespmem:s28+$0xA1F0] =	vst v55;
	v59, _, _ =	vpop (xrf2)  }
0x5f4: {  	p1 =	slt.u32 s24, $0x1C;
	v57 =	vpop (erf);
	[tilespmem:s13+$0xA000] =	vst v56  }
.Ltmp1:
0x5f5: {  	v58 =	vpop (erf);
	[tilespmem:s14+$0xA000] =	vst v57;
	(pc) =	sbr.rel @p1 .LBB2_5-.Ltmp1, $4  }
0x5f6: {  	v61 =	vbroadcast v59, $0xF;
	v60 =	vpop (erf);
	[tilespmem:s16+$0xA000] =	vst v58  }
0x5f7: {  	s30 =	sor.u32 $0x440, s6;
	[tilespmem:s31+$0xA000] =	vst v60;
	v62 =	vpop (erf)  }
0x5f8: {  	v63 =	vnsel vm1, $0x0, v61;
	s31 =	sor.u32 $0x450, s6;
	[tilespmem:s30+$0xA000] =	vst v62  }
0x5f9: {  	s26 =	sadd.s32 $0x200, s26;
	p0 =	por !p0, !p0;
	s25 =	sadd.s32 $0x400, s25;
	[tilespmem:s31+$0xA000] =	vst v63  }
0x5fa: {  	s22 =	sadd.s32 $0x1, s22  }
0x5fb: {  	p0 =	sne.s32 s22, $0x8  }
.Ltmp2:
0x5fc: {  	_ = 	snop;
	(pc) =	sbr.rel @p0 .LBB2_2-.Ltmp2, $3  }
0x5fd: {  	_ =	sdelay $0x1  }
0x5fe: {  	s0 =	sadd.s32 s5, s23;
	s2 =	simm.s32 $0xA000  }
0x5ff: {  	[hbm4b:s0+s1] =	stream.linear.scatter [tilespmem:s2], [sflag:$0x4], $0x2000, $0x38;
	[tilespmem:$0xC000] =	vst v63  }
0x600: {  	s0 =	simm.s32 $0x3  }
0x601: {  	_ =	swait.ge [sflag:s0], $0x2000  }
0x602: {  	[sflag:s0] =	ssyncset.done $0x0  }
0x603: {  	s2 =	simm.s32 $0x4;
	[sflag:s0] =	ssyncadd.s32 $0xFFFFE000  }
0x604: {  	_ =	swait.ge [sflag:s2], $0x2000  }
0x605: {  	s6 =	rddreg [dreg:$0x5]  }
0x606: {  	s31 =	rddreg [dreg:$0x4];
	s6 =	sadd.s32 $0x1, s6  }
0x607: {  	p0 =	sne.s32 s6, s31  }
.Ltmp3:
0x608: {  	_ = 	snop;
	(pc) =	sbr.rel @p0 .LBB2_1-.Ltmp3, $3  }
0x609: {  	_ =	sdelay $0x1  }
0x60a: {  	[sflag:s2] =	ssyncset.done $0x0  }
0x60b: {  	[sflag:s2] =	ssyncadd.s32 $0xFFFFE000  }
0x60c: {  	_ =	sfence.sel $0x180000  }
0x60d: {  	[bflag:$0x0] =	sbarrier.arrive $0xFFFF  }
0x60e: {  	_ =	strace $0x90000047  }
0x60f: {  	s0 =	stileid.u32;
	[bflag:$0x2] =	sbarrier.arrive $0xFFFF  }
0x610: {  	p0 =	sne.s32 s0, $0x0;
	s0 =	rddreg [dreg:$0x1]  }
0x611: {  	s0 =	sadd.s32 @!p0 $0x100000, s0  }
0x612: {  	[sflag:s0] =	ssyncadd.tile.s32 @!p0 $0x1;
	_ =	shalt  }
.Lfunc_end2:
_tile_overlayer_lowered:
.L_overlay_start_2:
0x613: {  	(tag) =	ssettag $0x2  }
0x614: {  	s0 =	rddreg [dreg:$0x0];
	s2 =	stileid.u32  }
0x615: {  	s1 =	rddreg [dreg:$0x1];
	p0 =	sne.s32 s2, $0x0  }
0x616: {  	s3 =	rddreg [dreg:$0x2];
	[bflag:$0x3] =	sbarrier.arrive $0xFFFF;
	s2 =	simm.s32 @!p0 $0x1C05  }
0x617: {  	[timem:s3], [sflag:s2] =	dma.local @!p0 [hbm:s0], s1  }
0x618: {  	s0 =	simm.s32 @!p0 $0x5  }
0x619: {  	_ =	swait.ge @!p0 [sflag:s0], s1  }
0x61a: {  	s1 =	ssub.s32 @!p0 $0x0, s1;
	[sflag:s0] =	ssyncset.done @!p0 $0x0  }
0x61b: {  	[sflag:s0] =	ssyncadd.s32 @!p0 s1  }
0x61c: {  	[bflag:$0x3] =	sbarrier.arrive $0xFFFF  }
0x61d: {  	_ =	shalt  }

</sc_bundles>
